<compile_context>
chip_gen: v7x
topology: tpu7x:2x2x1
jax: 0.10.2.dev20260603
libtpu: 0.0.44.dev20260713+nightly
codegen_flags: <defaults>
</compile_context>

<pallas_src>
import functools

import jax
import jax.numpy as jnp
from jax import lax
from jax.experimental import pallas as pl
from jax.experimental.pallas import tpu as pltpu
from jax.experimental.pallas import tpu_sc as plsc

N_NODES = 10000
N_EDGES = 320000
D = 128

NC = 2
NS = 16
NW = NC * NS

B = 128
NCH = 80
B2 = 64
NCH2 = 160
N0 = 288
N1 = 2 * NCH2 - N0
E_PAD = NW * NCH * B
NP = 10240
NODES_PER_TILE = NP // NS
DEG_R = NP // 128


def _rc(i):
    return lax.shift_right_logical(i, 7), jnp.bitwise_and(i, jnp.int32(127))



def _sc_deg_body(src3, ea3, pdeg_out, src_a, ea_a, degv):
    c = lax.axis_index("c")
    s = lax.axis_index("s")
    wid = c * NS + s
    z16 = jnp.zeros((16,), jnp.float32)

    @pl.loop(0, DEG_R)
    def _(r):
        for v in range(8):
            degv[r, pl.ds(v * 16, 16)] = z16

    pltpu.sync_copy(src3.at[wid], src_a)
    pltpu.sync_copy(ea3.at[wid], ea_a)

    @pl.loop(0, NCH)
    def _(b):
        for v in range(8):
            sl = pl.ds(v * 16, 16)
            r, cc = _rc(src_a[b, sl])
            plsc.addupdate_scatter(degv, [r, cc], ea_a[b, sl])

    pltpu.sync_copy(degv, pdeg_out.at[c, s])


_sc_deg = functools.partial(
    pl.kernel,
    out_type=jax.ShapeDtypeStruct((NC, NS, DEG_R, 128), jnp.float32),
    mesh=plsc.VectorSubcoreMesh(core_axis_name="c", subcore_axis_name="s"),
    compiler_params=pltpu.CompilerParams(needs_layout_passes=False),
    scratch_types=[
        pltpu.VMEM((NCH, B), jnp.int32),
        pltpu.VMEM((NCH, B), jnp.float32),
        pltpu.VMEM((DEG_R, 128), jnp.float32),
    ],
)(_sc_deg_body)



def _sc_msg_body(edges, dis, y1, p_out,
                 degv, eb0, eb1, eb2, eb3, cf, r0, r1, r2, r3,
                 acc_sh, gs0, gs1, gs2, gs3, es0, es1, es2, es3,
                 ss0, ss1, ss2, ss3):
    c = lax.axis_index("c")
    s = lax.axis_index("s")
    z16 = jnp.zeros((16,), jnp.float32)
    my_n = jnp.where(c == 0, N0, N1)
    my_off = jnp.where(c == 0, s * N0, NS * N0 + s * N1)

    pltpu.sync_copy(dis, degv)

    @pl.loop(0, B2)
    def _(r):
        for v in range(8):
            r0[r, pl.ds(v * 16, 16)] = z16

    base = s * NODES_PER_TILE
    for k in range(10):
        pltpu.sync_copy(r0, acc_sh.at[pl.ds(base + k * B2, B2)])
    plsc.subcore_barrier()

    ebs = (eb0, eb1, eb2, eb3)
    rows = (r0, r1, r2, r3)
    gsems = (gs0, gs1, gs2, gs3)
    esems = (es0, es1, es2, es3)
    ssems = (ss0, ss1, ss2, ss3)

    node_off = c * jnp.int32(N_NODES)

    def stage_idx(j, p):
        pltpu.async_copy(edges.at[my_off + j], ebs[p], esems[p])

    def wait_idx(p):
        pltpu.make_async_copy(edges.at[my_off], ebs[p], esems[p]).wait()
        eb = ebs[p]
        for v in range(B2 // 16):
            sl = pl.ds(v * 16, 16)
            eb[0, sl] = eb[0, sl] + node_off

    def start_gather(p):
        pltpu.async_copy(y1.at[ebs[p].at[0]], rows[p], gsems[p])

    def wait_gather(p):
        pltpu.make_async_copy(y1.at[ebs[p].at[0]], rows[p], gsems[p]).wait()

    def start_scatter(p):
        pltpu.async_copy(rows[p], acc_sh.at[ebs[p].at[1]], ssems[p], add=True)

    def wait_scatter(p):
        pltpu.make_async_copy(rows[p], acc_sh.at[ebs[p].at[1]],
                              ssems[p]).wait()

    def process(p):
        eb = ebs[p]
        for v in range(B2 // 16):
            sl = pl.ds(v * 16, 16)
            e = plsc.bitcast(eb[2, sl], jnp.float32)
            sr, sc_ = _rc(eb[0, sl] - node_off)
            dr, dc_ = _rc(eb[1, sl])
            dsrc = plsc.load_gather(degv, [sr, sc_])
            ddst = plsc.load_gather(degv, [dr, dc_])
            cf[sl] = -(e * dsrc * ddst)

        buf = rows[p]

        @pl.loop(0, B2)
        def _(r):
            cvec = plsc.load_gather(cf, [jnp.full((16,), r, jnp.int32)])
            for v in range(8):
                sl = pl.ds(v * 16, 16)
                buf[r, sl] = buf[r, sl] * cvec

    stage_idx(0, 0)
    stage_idx(1, 1)
    wait_idx(0)
    start_gather(0)

    @pl.loop(0, my_n, step=4)
    def _(j):
        for h in range(4):
            q = j + h
            p = h

            @pl.when(q >= 2)
            def _():
                wait_scatter((h + 2) % 4)

            @pl.when(q + 2 < my_n)
            def _():
                stage_idx(q + 2, (h + 2) % 4)

            @pl.when(q + 1 < my_n)
            def _():
                wait_idx((h + 1) % 4)
                start_gather((h + 1) % 4)

            wait_gather(p)
            process(p)
            start_scatter(p)

    wait_scatter(2)
    wait_scatter(3)
    plsc.subcore_barrier()
    pltpu.sync_copy(acc_sh.at[pl.ds(base, NODES_PER_TILE)],
                    p_out.at[c, pl.ds(base, NODES_PER_TILE)])


_sc_msg = functools.partial(
    pl.kernel,
    out_type=jax.ShapeDtypeStruct((NC, NP, D), jnp.float32),
    mesh=plsc.VectorSubcoreMesh(core_axis_name="c", subcore_axis_name="s"),
    compiler_params=pltpu.CompilerParams(needs_layout_passes=False),
    scratch_types=(
        [pltpu.VMEM((DEG_R, 128), jnp.float32)]
        + [pltpu.VMEM((3, B2), jnp.int32)] * 4
        + [pltpu.VMEM((B2,), jnp.float32)]
        + [pltpu.VMEM((B2, D), jnp.float32)] * 4
        + [pltpu.VMEM_SHARED((NP, D), jnp.float32)]
        + [pltpu.SemaphoreType.DMA] * 12
    ),
)(_sc_msg_body)



def _tc_mm_body(x_ref, w0_ref, w1_ref, b_ref, y0_ref, y1_ref):
    xb = x_ref[...]
    y0_ref[...] = (jnp.dot(xb, w0_ref[...], preferred_element_type=jnp.float32)
                   + b_ref[...])
    y1_ref[...] = jnp.dot(xb, w1_ref[...], preferred_element_type=jnp.float32)


def _tc_dis_body(pdeg_ref, dis_ref):
    deg = jnp.sum(pdeg_ref[...], axis=(0, 1))
    safe = lax.rsqrt(jnp.maximum(deg, jnp.float32(1e-38)))
    dis_ref[...] = jnp.where(deg > 0, safe, jnp.float32(0.0))


def _tc_add_body(y0_ref, p_ref, o_ref):
    o_ref[...] = y0_ref[...] + p_ref[0] + p_ref[1]


_RB = 1000

_tc_mm = pl.pallas_call(
    _tc_mm_body,
    grid=(N_NODES // _RB,),
    in_specs=[
        pl.BlockSpec((_RB, D), lambda i: (i, 0)),
        pl.BlockSpec((D, D), lambda i: (0, 0)),
        pl.BlockSpec((D, D), lambda i: (0, 0)),
        pl.BlockSpec((1, D), lambda i: (0, 0)),
    ],
    out_specs=[
        pl.BlockSpec((_RB, D), lambda i: (i, 0)),
        pl.BlockSpec((_RB, D), lambda i: (i, 0)),
    ],
    out_shape=[
        jax.ShapeDtypeStruct((N_NODES, D), jnp.float32),
        jax.ShapeDtypeStruct((N_NODES, D), jnp.float32),
    ],
)

_tc_dis = pl.pallas_call(
    _tc_dis_body,
    out_shape=jax.ShapeDtypeStruct((DEG_R, 128), jnp.float32),
)

_tc_add = pl.pallas_call(
    _tc_add_body,
    grid=(N_NODES // _RB,),
    in_specs=[
        pl.BlockSpec((_RB, D), lambda i: (i, 0)),
        pl.BlockSpec((NC, _RB, D), lambda i: (0, i, 0)),
    ],
    out_specs=pl.BlockSpec((_RB, D), lambda i: (i, 0)),
    out_shape=jax.ShapeDtypeStruct((N_NODES, D), jnp.float32),
)


@jax.jit
def kernel(x, edge_index, edge_attr, W0, W1, bias):
    src = edge_index[0].astype(jnp.int32)
    dst = edge_index[1].astype(jnp.int32)
    ea = edge_attr.astype(jnp.float32)

    pad = E_PAD - N_EDGES
    src3 = jnp.concatenate([src, jnp.zeros((pad,), jnp.int32)])
    src3 = src3.reshape(NW, NCH, B)
    dst3 = jnp.concatenate([dst, jnp.zeros((pad,), jnp.int32)])
    dst3 = dst3.reshape(NW, NCH, B)
    ea3 = jnp.concatenate([ea, jnp.zeros((pad,), jnp.float32)])
    ea3 = ea3.reshape(NW, NCH, B)

    edges = jnp.stack(
        [src3.reshape(NW * NCH2, B2), dst3.reshape(NW * NCH2, B2),
         lax.bitcast_convert_type(ea3, jnp.int32).reshape(NW * NCH2, B2)],
        axis=1)

    y0, y1 = _tc_mm(x, W0, W1, bias.reshape(1, D))
    y1 = jnp.concatenate([y1, y1], axis=0)
    pdeg = _sc_deg(src3, ea3)
    dis = _tc_dis(pdeg)
    p = _sc_msg(edges, dis, y1)
    return _tc_add(y0, p)

# --- scband reference (transcript-rebuilt; emitter-appended) ---
"""Pipeline reference for scband-gnn-block-17978733101639 (READ-ONLY COPY).

The authoritative reference and input builder live on the scoring server;
editing this copy changes nothing except your own understanding.
"""

import jax, jax.numpy as jnp
import numpy as np

N_NODES = 10000
N_EDGES = 320000
D_IN = 128
D_OUT = 128


def setup_inputs(seed: int = 0) -> dict:
    key = jax.random.key(seed)
    k1, k2, k3, k4, k5, k6 = jax.random.split(key, 6)
    x = jax.random.normal(k1, (N_NODES, D_IN), dtype=jnp.float32)
    edge_index = jax.random.randint(k2, (2, N_EDGES), 0, N_NODES, dtype=jnp.int64)
    edge_attr = jax.random.uniform(k3, (N_EDGES,), dtype=jnp.float32)
    # ChebConv(K=2) parameters: two bias-free linear layers + a shared bias.
    s0 = 1.0 / np.sqrt(D_IN)
    W0 = jax.random.uniform(k4, (D_IN, D_OUT), dtype=jnp.float32, minval=-s0, maxval=s0)
    W1 = jax.random.uniform(k5, (D_IN, D_OUT), dtype=jnp.float32, minval=-s0, maxval=s0)
    bias = jax.random.uniform(k6, (D_OUT,), dtype=jnp.float32, minval=-s0, maxval=s0)
    return {"x": x, "edge_index": edge_index, "edge_attr": edge_attr,
            "W0": W0, "W1": W1, "bias": bias}


def reference(x, edge_index, edge_attr, W0, W1, bias):
    # ChebConv with K=2, normalization='sym', lambda_max=2.0 (default).
    # L_hat = (2/lambda_max) * (I - D^{-1/2} A D^{-1/2}) - I
    #       = -D^{-1/2} A D^{-1/2}  (off-diagonal), diagonal nets to 0.
    n = x.shape[0]
    src = edge_index[0]
    dst = edge_index[1]
    deg = jnp.zeros((n,), dtype=x.dtype).at[src].add(edge_attr)
    deg_inv_sqrt = jnp.where(deg > 0, jax.lax.rsqrt(jnp.maximum(deg, 1e-38)), 0.0)
    norm = -deg_inv_sqrt[src] * edge_attr * deg_inv_sqrt[dst]
    # Tx_0 = x ; Tx_1 = L_hat @ x via scatter-add message passing
    Tx0 = x
    msgs = norm[:, None] * jnp.take(x, src, axis=0)
    Tx1 = jnp.zeros_like(x).at[dst].add(msgs)
    out = Tx0 @ W0 + Tx1 @ W1 + bias
    return out

if __name__ == "__main__":
    import jax
    _d = setup_inputs()
    print(jax.jit(kernel)(*tuple(_d.values())))

</pallas_src>

<mosaic_0001>
#map = affine_map<(d0, d1) -> (0, 0, 0)>
#map1 = affine_map<(d0, d1) -> (0, 0)>
module attributes {stable_mosaic.version = 14 : i64} {
  func.func @_sc_msg_body(%arg0: i32, %arg1: i32, %arg2: memref<5120x3x64xi32, #tpu.memory_space<hbm>>, %arg3: memref<80x128xf32, #tpu.memory_space<hbm>>, %arg4: memref<20000x128xf32, #tpu.memory_space<hbm>>, %arg5: memref<2x10240x128xf32, #tpu.memory_space<hbm>>, %arg6: memref<80x128xf32, #tpu.memory_space<vmem>>, %arg7: memref<3x64xi32, #tpu.memory_space<vmem>>, %arg8: memref<3x64xi32, #tpu.memory_space<vmem>>, %arg9: memref<3x64xi32, #tpu.memory_space<vmem>>, %arg10: memref<3x64xi32, #tpu.memory_space<vmem>>, %arg11: memref<64xf32, #tpu.memory_space<vmem>>, %arg12: memref<64x128xf32, #tpu.memory_space<vmem>>, %arg13: memref<64x128xf32, #tpu.memory_space<vmem>>, %arg14: memref<64x128xf32, #tpu.memory_space<vmem>>, %arg15: memref<64x128xf32, #tpu.memory_space<vmem>>, %arg16: memref<10240x128xf32, #tpu.memory_space<vmem_shared>>, %arg17: memref<!tpu.dma_semaphore, #tpu.memory_space<semaphore_mem>>, %arg18: memref<!tpu.dma_semaphore, #tpu.memory_space<semaphore_mem>>, %arg19: memref<!tpu.dma_semaphore, #tpu.memory_space<semaphore_mem>>, %arg20: memref<!tpu.dma_semaphore, #tpu.memory_space<semaphore_mem>>, %arg21: memref<!tpu.dma_semaphore, #tpu.memory_space<semaphore_mem>>, %arg22: memref<!tpu.dma_semaphore, #tpu.memory_space<semaphore_mem>>, %arg23: memref<!tpu.dma_semaphore, #tpu.memory_space<semaphore_mem>>, %arg24: memref<!tpu.dma_semaphore, #tpu.memory_space<semaphore_mem>>, %arg25: memref<!tpu.dma_semaphore, #tpu.memory_space<semaphore_mem>>, %arg26: memref<!tpu.dma_semaphore, #tpu.memory_space<semaphore_mem>>, %arg27: memref<!tpu.dma_semaphore, #tpu.memory_space<semaphore_mem>>, %arg28: memref<!tpu.dma_semaphore, #tpu.memory_space<semaphore_mem>>) attributes {dimension_semantics = [#tpu.dimension_semantics<core_parallel>, #tpu.dimension_semantics<subcore_parallel>], iteration_bounds = array<i64: 2, 16>, scalar_prefetch = 0 : i64, scratch_operands = 23 : i64, tpu.core_type = #tpu.core_type<sc_vector_subcore>, window_params = [{transform_indices = #map}, {transform_indices = #map1}, {transform_indices = #map1}, {transform_indices = #map}]} {
    %broadcast_in_dim3A = arith.constant 0.000000e+00 : f32
    %broadcast_in_dim3A_0 = vector.broadcast %broadcast_in_dim3A : f32 to vector<16xf32>
    %eq3A = arith.constant 0 : i32
    %eq3A_1 = arith.cmpi eq, %arg0, %eq3A : i32
    %jit3A = arith.constant 288 : i32
    %jit3A_2 = arith.constant 32 : i32
    %select_n3A = arith.select %eq3A_1, %jit3A, %jit3A_2 : i32
    %eq3A_3 = arith.constant 0 : i32
    %eq3A_4 = arith.cmpi eq, %arg0, %eq3A_3 : i32
    %mul3A = arith.constant 288 : i32
    %mul3A_5 = arith.muli %arg1, %mul3A : i32
    %mul3A_6 = arith.constant 32 : i32
    %mul3A_7 = arith.muli %arg1, %mul3A_6 : i32
    %add3A = arith.constant 4608 : i32
    %add3A_8 = arith.addi %add3A, %mul3A_7 : i32
    %select_n3A_9 = arith.select %eq3A_4, %mul3A_5, %add3A_8 : i32
    "tpu.region"() ({
      %run_scoped3A = tpu.sem_alloc : memref<!tpu.dma_semaphore, #tpu.memory_space<semaphore_mem>>
      tpu.enqueue_dma source(%arg3 : memref<80x128xf32, #tpu.memory_space<hbm>>) target(%arg6 : memref<80x128xf32, #tpu.memory_space<vmem>>) target_semaphore(%run_scoped3A : memref<!tpu.dma_semaphore, #tpu.memory_space<semaphore_mem>>)
      tpu.wait_dma2 semaphore(%run_scoped3A : memref<!tpu.dma_semaphore, #tpu.memory_space<semaphore_mem>>) src(%arg3 : memref<80x128xf32, #tpu.memory_space<hbm>>) dst(%arg6 : memref<80x128xf32, #tpu.memory_space<vmem>>)
      tpu.yield
    }) : () -> ()
    %scan3A = arith.constant 0 : i32
    %scan3A_10 = arith.constant 64 : i32
    %scan3A_11 = arith.addi %scan3A, %scan3A_10 : i32
    %scan3A_12 = arith.constant 1 : i32
    scf.for %scan3A_140 = %scan3A to %scan3A_11 step %scan3A_12  : i32 {
      %mul3A_141 = arith.constant 1 : i32
      %mul3A_142 = arith.muli %scan3A_140, %mul3A_141 : i32
      %add3A_143 = arith.constant 0 : i32
      %add3A_144 = arith.addi %add3A_143, %mul3A_142 : i32
      %swap3A_145 = arith.index_cast %add3A_144 : i32 to index
      %swap3A_146 = arith.constant 0 : index
      %swap3A_147 = tpu.vector_load %arg12[%swap3A_145, %swap3A_146] {strides = array<i32>} : memref<64x128xf32, #tpu.memory_space<vmem>>, vector<16xf32>,
      tpu.vector_store %arg12[%swap3A_145, %swap3A_146], %broadcast_in_dim3A_0 {strides = array<i32>} : memref<64x128xf32, #tpu.memory_space<vmem>>, vector<16xf32>,
      %swap3A_148 = arith.index_cast %add3A_144 : i32 to index
      %swap3A_149 = arith.constant 16 : index
      %swap3A_150 = tpu.vector_load %arg12[%swap3A_148, %swap3A_149] {strides = array<i32>} : memref<64x128xf32, #tpu.memory_space<vmem>>, vector<16xf32>,
      tpu.vector_store %arg12[%swap3A_148, %swap3A_149], %broadcast_in_dim3A_0 {strides = array<i32>} : memref<64x128xf32, #tpu.memory_space<vmem>>, vector<16xf32>,
      %swap3A_151 = arith.index_cast %add3A_144 : i32 to index
      %swap3A_152 = arith.constant 32 : index
      %swap3A_153 = tpu.vector_load %arg12[%swap3A_151, %swap3A_152] {strides = array<i32>} : memref<64x128xf32, #tpu.memory_space<vmem>>, vector<16xf32>,
      tpu.vector_store %arg12[%swap3A_151, %swap3A_152], %broadcast_in_dim3A_0 {strides = array<i32>} : memref<64x128xf32, #tpu.memory_space<vmem>>, vector<16xf32>,
      %swap3A_154 = arith.index_cast %add3A_144 : i32 to index
      %swap3A_155 = arith.constant 48 : index
      %swap3A_156 = tpu.vector_load %arg12[%swap3A_154, %swap3A_155] {strides = array<i32>} : memref<64x128xf32, #tpu.memory_space<vmem>>, vector<16xf32>,
      tpu.vector_store %arg12[%swap3A_154, %swap3A_155], %broadcast_in_dim3A_0 {strides = array<i32>} : memref<64x128xf32, #tpu.memory_space<vmem>>, vector<16xf32>,
      %swap3A_157 = arith.index_cast %add3A_144 : i32 to index
      %swap3A_158 = arith.constant 64 : index
      %swap3A_159 = tpu.vector_load %arg12[%swap3A_157, %swap3A_158] {strides = array<i32>} : memref<64x128xf32, #tpu.memory_space<vmem>>, vector<16xf32>,
      tpu.vector_store %arg12[%swap3A_157, %swap3A_158], %broadcast_in_dim3A_0 {strides = array<i32>} : memref<64x128xf32, #tpu.memory_space<vmem>>, vector<16xf32>,
      %swap3A_160 = arith.index_cast %add3A_144 : i32 to index
      %swap3A_161 = arith.constant 80 : index
      %swap3A_162 = tpu.vector_load %arg12[%swap3A_160, %swap3A_161] {strides = array<i32>} : memref<64x128xf32, #tpu.memory_space<vmem>>, vector<16xf32>,
      tpu.vector_store %arg12[%swap3A_160, %swap3A_161], %broadcast_in_dim3A_0 {strides = array<i32>} : memref<64x128xf32, #tpu.memory_space<vmem>>, vector<16xf32>,
      %swap3A_163 = arith.index_cast %add3A_144 : i32 to index
      %swap3A_164 = arith.constant 96 : index
      %swap3A_165 = tpu.vector_load %arg12[%swap3A_163, %swap3A_164] {strides = array<i32>} : memref<64x128xf32, #tpu.memory_space<vmem>>, vector<16xf32>,
      tpu.vector_store %arg12[%swap3A_163, %swap3A_164], %broadcast_in_dim3A_0 {strides = array<i32>} : memref<64x128xf32, #tpu.memory_space<vmem>>, vector<16xf32>,
      %swap3A_166 = arith.index_cast %add3A_144 : i32 to index
      %swap3A_167 = arith.constant 112 : index
      %swap3A_168 = tpu.vector_load %arg12[%swap3A_166, %swap3A_167] {strides = array<i32>} : memref<64x128xf32, #tpu.memory_space<vmem>>, vector<16xf32>,
      tpu.vector_store %arg12[%swap3A_166, %swap3A_167], %broadcast_in_dim3A_0 {strides = array<i32>} : memref<64x128xf32, #tpu.memory_space<vmem>>, vector<16xf32>,
    }
    %scan3A_13 = arith.constant 64 : i32
    %mul3A_14 = arith.constant 640 : i32
    %mul3A_15 = arith.muli %arg1, %mul3A_14 : i32
    %add3A_16 = arith.constant 0 : i32
    %add3A_17 = arith.addi %mul3A_15, %add3A_16 : i32
    "tpu.region"() ({
      %run_scoped3A = tpu.sem_alloc : memref<!tpu.dma_semaphore, #tpu.memory_space<semaphore_mem>>
      %dma_start3A_140 = arith.constant 0 : i32
      %dma_start3A_141 = tpu.memref_slice %arg16[%add3A_17, %dma_start3A_140] : memref<10240x128xf32, #tpu.memory_space<vmem_shared>> -> memref<64x128xf32, #tpu.memory_space<vmem_shared>>
      %dma_start3A_142 = arith.constant 0 : i32
      %dma_start3A_143 = tpu.memref_slice %arg16[%add3A_17, %dma_start3A_142] : memref<10240x128xf32, #tpu.memory_space<vmem_shared>> -> memref<64x128xf32, #tpu.memory_space<vmem_shared>>
      tpu.enqueue_dma source(%arg12 : memref<64x128xf32, #tpu.memory_space<vmem>>) target(%dma_start3A_143 : memref<64x128xf32, #tpu.memory_space<vmem_shared>>) target_semaphore(%run_scoped3A : memref<!tpu.dma_semaphore, #tpu.memory_space<semaphore_mem>>)
      %dma_wait3A_144 = arith.constant 0 : i32
      %dma_wait3A_145 = tpu.memref_slice %arg16[%add3A_17, %dma_wait3A_144] : memref<10240x128xf32, #tpu.memory_space<vmem_shared>> -> memref<64x128xf32, #tpu.memory_space<vmem_shared>>
      %dma_wait3A_146 = arith.constant 0 : i32
      %dma_wait3A_147 = tpu.memref_slice %arg16[%add3A_17, %dma_wait3A_146] : memref<10240x128xf32, #tpu.memory_space<vmem_shared>> -> memref<64x128xf32, #tpu.memory_space<vmem_shared>>
      tpu.wait_dma2 semaphore(%run_scoped3A : memref<!tpu.dma_semaphore, #tpu.memory_space<semaphore_mem>>) src(%arg12 : memref<64x128xf32, #tpu.memory_space<vmem>>) dst(%dma_wait3A_147 : memref<64x128xf32, #tpu.memory_space<vmem_shared>>)
      tpu.yield
    }) : () -> ()
    %add3A_18 = arith.constant 64 : i32
    %add3A_19 = arith.addi %mul3A_15, %add3A_18 : i32
    "tpu.region"() ({
      %run_scoped3A = tpu.sem_alloc : memref<!tpu.dma_semaphore, #tpu.memory_space<semaphore_mem>>
      %dma_start3A_140 = arith.constant 0 : i32
      %dma_start3A_141 = tpu.memref_slice %arg16[%add3A_19, %dma_start3A_140] : memref<10240x128xf32, #tpu.memory_space<vmem_shared>> -> memref<64x128xf32, #tpu.memory_space<vmem_shared>>
      %dma_start3A_142 = arith.constant 0 : i32
      %dma_start3A_143 = tpu.memref_slice %arg16[%add3A_19, %dma_start3A_142] : memref<10240x128xf32, #tpu.memory_space<vmem_shared>> -> memref<64x128xf32, #tpu.memory_space<vmem_shared>>
      tpu.enqueue_dma source(%arg12 : memref<64x128xf32, #tpu.memory_space<vmem>>) target(%dma_start3A_143 : memref<64x128xf32, #tpu.memory_space<vmem_shared>>) target_semaphore(%run_scoped3A : memref<!tpu.dma_semaphore, #tpu.memory_space<semaphore_mem>>)
      %dma_wait3A_144 = arith.constant 0 : i32
      %dma_wait3A_145 = tpu.memref_slice %arg16[%add3A_19, %dma_wait3A_144] : memref<10240x128xf32, #tpu.memory_space<vmem_shared>> -> memref<64x128xf32, #tpu.memory_space<vmem_shared>>
      %dma_wait3A_146 = arith.constant 0 : i32
      %dma_wait3A_147 = tpu.memref_slice %arg16[%add3A_19, %dma_wait3A_146] : memref<10240x128xf32, #tpu.memory_space<vmem_shared>> -> memref<64x128xf32, #tpu.memory_space<vmem_shared>>
      tpu.wait_dma2 semaphore(%run_scoped3A : memref<!tpu.dma_semaphore, #tpu.memory_space<semaphore_mem>>) src(%arg12 : memref<64x128xf32, #tpu.memory_space<vmem>>) dst(%dma_wait3A_147 : memref<64x128xf32, #tpu.memory_space<vmem_shared>>)
      tpu.yield
    }) : () -> ()
    %add3A_20 = arith.constant 128 : i32
    %add3A_21 = arith.addi %mul3A_15, %add3A_20 : i32
    "tpu.region"() ({
      %run_scoped3A = tpu.sem_alloc : memref<!tpu.dma_semaphore, #tpu.memory_space<semaphore_mem>>
      %dma_start3A_140 = arith.constant 0 : i32
      %dma_start3A_141 = tpu.memref_slice %arg16[%add3A_21, %dma_start3A_140] : memref<10240x128xf32, #tpu.memory_space<vmem_shared>> -> memref<64x128xf32, #tpu.memory_space<vmem_shared>>
      %dma_start3A_142 = arith.constant 0 : i32
      %dma_start3A_143 = tpu.memref_slice %arg16[%add3A_21, %dma_start3A_142] : memref<10240x128xf32, #tpu.memory_space<vmem_shared>> -> memref<64x128xf32, #tpu.memory_space<vmem_shared>>
      tpu.enqueue_dma source(%arg12 : memref<64x128xf32, #tpu.memory_space<vmem>>) target(%dma_start3A_143 : memref<64x128xf32, #tpu.memory_space<vmem_shared>>) target_semaphore(%run_scoped3A : memref<!tpu.dma_semaphore, #tpu.memory_space<semaphore_mem>>)
      %dma_wait3A_144 = arith.constant 0 : i32
      %dma_wait3A_145 = tpu.memref_slice %arg16[%add3A_21, %dma_wait3A_144] : memref<10240x128xf32, #tpu.memory_space<vmem_shared>> -> memref<64x128xf32, #tpu.memory_space<vmem_shared>>
      %dma_wait3A_146 = arith.constant 0 : i32
      %dma_wait3A_147 = tpu.memref_slice %arg16[%add3A_21, %dma_wait3A_146] : memref<10240x128xf32, #tpu.memory_space<vmem_shared>> -> memref<64x128xf32, #tpu.memory_space<vmem_shared>>
      tpu.wait_dma2 semaphore(%run_scoped3A : memref<!tpu.dma_semaphore, #tpu.memory_space<semaphore_mem>>) src(%arg12 : memref<64x128xf32, #tpu.memory_space<vmem>>) dst(%dma_wait3A_147 : memref<64x128xf32, #tpu.memory_space<vmem_shared>>)
      tpu.yield
    }) : () -> ()
    %add3A_22 = arith.constant 192 : i32
    %add3A_23 = arith.addi %mul3A_15, %add3A_22 : i32
    "tpu.region"() ({
      %run_scoped3A = tpu.sem_alloc : memref<!tpu.dma_semaphore, #tpu.memory_space<semaphore_mem>>
      %dma_start3A_140 = arith.constant 0 : i32
      %dma_start3A_141 = tpu.memref_slice %arg16[%add3A_23, %dma_start3A_140] : memref<10240x128xf32, #tpu.memory_space<vmem_shared>> -> memref<64x128xf32, #tpu.memory_space<vmem_shared>>
      %dma_start3A_142 = arith.constant 0 : i32
      %dma_start3A_143 = tpu.memref_slice %arg16[%add3A_23, %dma_start3A_142] : memref<10240x128xf32, #tpu.memory_space<vmem_shared>> -> memref<64x128xf32, #tpu.memory_space<vmem_shared>>
      tpu.enqueue_dma source(%arg12 : memref<64x128xf32, #tpu.memory_space<vmem>>) target(%dma_start3A_143 : memref<64x128xf32, #tpu.memory_space<vmem_shared>>) target_semaphore(%run_scoped3A : memref<!tpu.dma_semaphore, #tpu.memory_space<semaphore_mem>>)
      %dma_wait3A_144 = arith.constant 0 : i32
      %dma_wait3A_145 = tpu.memref_slice %arg16[%add3A_23, %dma_wait3A_144] : memref<10240x128xf32, #tpu.memory_space<vmem_shared>> -> memref<64x128xf32, #tpu.memory_space<vmem_shared>>
      %dma_wait3A_146 = arith.constant 0 : i32
      %dma_wait3A_147 = tpu.memref_slice %arg16[%add3A_23, %dma_wait3A_146] : memref<10240x128xf32, #tpu.memory_space<vmem_shared>> -> memref<64x128xf32, #tpu.memory_space<vmem_shared>>
      tpu.wait_dma2 semaphore(%run_scoped3A : memref<!tpu.dma_semaphore, #tpu.memory_space<semaphore_mem>>) src(%arg12 : memref<64x128xf32, #tpu.memory_space<vmem>>) dst(%dma_wait3A_147 : memref<64x128xf32, #tpu.memory_space<vmem_shared>>)
      tpu.yield
    }) : () -> ()
    %add3A_24 = arith.constant 256 : i32
    %add3A_25 = arith.addi %mul3A_15, %add3A_24 : i32
    "tpu.region"() ({
      %run_scoped3A = tpu.sem_alloc : memref<!tpu.dma_semaphore, #tpu.memory_space<semaphore_mem>>
      %dma_start3A_140 = arith.constant 0 : i32
      %dma_start3A_141 = tpu.memref_slice %arg16[%add3A_25, %dma_start3A_140] : memref<10240x128xf32, #tpu.memory_space<vmem_shared>> -> memref<64x128xf32, #tpu.memory_space<vmem_shared>>
      %dma_start3A_142 = arith.constant 0 : i32
      %dma_start3A_143 = tpu.memref_slice %arg16[%add3A_25, %dma_start3A_142] : memref<10240x128xf32, #tpu.memory_space<vmem_shared>> -> memref<64x128xf32, #tpu.memory_space<vmem_shared>>
      tpu.enqueue_dma source(%arg12 : memref<64x128xf32, #tpu.memory_space<vmem>>) target(%dma_start3A_143 : memref<64x128xf32, #tpu.memory_space<vmem_shared>>) target_semaphore(%run_scoped3A : memref<!tpu.dma_semaphore, #tpu.memory_space<semaphore_mem>>)
      %dma_wait3A_144 = arith.constant 0 : i32
      %dma_wait3A_145 = tpu.memref_slice %arg16[%add3A_25, %dma_wait3A_144] : memref<10240x128xf32, #tpu.memory_space<vmem_shared>> -> memref<64x128xf32, #tpu.memory_space<vmem_shared>>
      %dma_wait3A_146 = arith.constant 0 : i32
      %dma_wait3A_147 = tpu.memref_slice %arg16[%add3A_25, %dma_wait3A_146] : memref<10240x128xf32, #tpu.memory_space<vmem_shared>> -> memref<64x128xf32, #tpu.memory_space<vmem_shared>>
      tpu.wait_dma2 semaphore(%run_scoped3A : memref<!tpu.dma_semaphore, #tpu.memory_space<semaphore_mem>>) src(%arg12 : memref<64x128xf32, #tpu.memory_space<vmem>>) dst(%dma_wait3A_147 : memref<64x128xf32, #tpu.memory_space<vmem_shared>>)
      tpu.yield
    }) : () -> ()
    %add3A_26 = arith.constant 320 : i32
    %add3A_27 = arith.addi %mul3A_15, %add3A_26 : i32
    "tpu.region"() ({
      %run_scoped3A = tpu.sem_alloc : memref<!tpu.dma_semaphore, #tpu.memory_space<semaphore_mem>>
      %dma_start3A_140 = arith.constant 0 : i32
      %dma_start3A_141 = tpu.memref_slice %arg16[%add3A_27, %dma_start3A_140] : memref<10240x128xf32, #tpu.memory_space<vmem_shared>> -> memref<64x128xf32, #tpu.memory_space<vmem_shared>>
      %dma_start3A_142 = arith.constant 0 : i32
      %dma_start3A_143 = tpu.memref_slice %arg16[%add3A_27, %dma_start3A_142] : memref<10240x128xf32, #tpu.memory_space<vmem_shared>> -> memref<64x128xf32, #tpu.memory_space<vmem_shared>>
      tpu.enqueue_dma source(%arg12 : memref<64x128xf32, #tpu.memory_space<vmem>>) target(%dma_start3A_143 : memref<64x128xf32, #tpu.memory_space<vmem_shared>>) target_semaphore(%run_scoped3A : memref<!tpu.dma_semaphore, #tpu.memory_space<semaphore_mem>>)
      %dma_wait3A_144 = arith.constant 0 : i32
      %dma_wait3A_145 = tpu.memref_slice %arg16[%add3A_27, %dma_wait3A_144] : memref<10240x128xf32, #tpu.memory_space<vmem_shared>> -> memref<64x128xf32, #tpu.memory_space<vmem_shared>>
      %dma_wait3A_146 = arith.constant 0 : i32
      %dma_wait3A_147 = tpu.memref_slice %arg16[%add3A_27, %dma_wait3A_146] : memref<10240x128xf32, #tpu.memory_space<vmem_shared>> -> memref<64x128xf32, #tpu.memory_space<vmem_shared>>
      tpu.wait_dma2 semaphore(%run_scoped3A : memref<!tpu.dma_semaphore, #tpu.memory_space<semaphore_mem>>) src(%arg12 : memref<64x128xf32, #tpu.memory_space<vmem>>) dst(%dma_wait3A_147 : memref<64x128xf32, #tpu.memory_space<vmem_shared>>)
      tpu.yield
    }) : () -> ()
    %add3A_28 = arith.constant 384 : i32
    %add3A_29 = arith.addi %mul3A_15, %add3A_28 : i32
    "tpu.region"() ({
      %run_scoped3A = tpu.sem_alloc : memref<!tpu.dma_semaphore, #tpu.memory_space<semaphore_mem>>
      %dma_start3A_140 = arith.constant 0 : i32
      %dma_start3A_141 = tpu.memref_slice %arg16[%add3A_29, %dma_start3A_140] : memref<10240x128xf32, #tpu.memory_space<vmem_shared>> -> memref<64x128xf32, #tpu.memory_space<vmem_shared>>
      %dma_start3A_142 = arith.constant 0 : i32
      %dma_start3A_143 = tpu.memref_slice %arg16[%add3A_29, %dma_start3A_142] : memref<10240x128xf32, #tpu.memory_space<vmem_shared>> -> memref<64x128xf32, #tpu.memory_space<vmem_shared>>
      tpu.enqueue_dma source(%arg12 : memref<64x128xf32, #tpu.memory_space<vmem>>) target(%dma_start3A_143 : memref<64x128xf32, #tpu.memory_space<vmem_shared>>) target_semaphore(%run_scoped3A : memref<!tpu.dma_semaphore, #tpu.memory_space<semaphore_mem>>)
      %dma_wait3A_144 = arith.constant 0 : i32
      %dma_wait3A_145 = tpu.memref_slice %arg16[%add3A_29, %dma_wait3A_144] : memref<10240x128xf32, #tpu.memory_space<vmem_shared>> -> memref<64x128xf32, #tpu.memory_space<vmem_shared>>
      %dma_wait3A_146 = arith.constant 0 : i32
      %dma_wait3A_147 = tpu.memref_slice %arg16[%add3A_29, %dma_wait3A_146] : memref<10240x128xf32, #tpu.memory_space<vmem_shared>> -> memref<64x128xf32, #tpu.memory_space<vmem_shared>>
      tpu.wait_dma2 semaphore(%run_scoped3A : memref<!tpu.dma_semaphore, #tpu.memory_space<semaphore_mem>>) src(%arg12 : memref<64x128xf32, #tpu.memory_space<vmem>>) dst(%dma_wait3A_147 : memref<64x128xf32, #tpu.memory_space<vmem_shared>>)
      tpu.yield
    }) : () -> ()
    %add3A_30 = arith.constant 448 : i32
    %add3A_31 = arith.addi %mul3A_15, %add3A_30 : i32
    "tpu.region"() ({
      %run_scoped3A = tpu.sem_alloc : memref<!tpu.dma_semaphore, #tpu.memory_space<semaphore_mem>>
      %dma_start3A_140 = arith.constant 0 : i32
      %dma_start3A_141 = tpu.memref_slice %arg16[%add3A_31, %dma_start3A_140] : memref<10240x128xf32, #tpu.memory_space<vmem_shared>> -> memref<64x128xf32, #tpu.memory_space<vmem_shared>>
      %dma_start3A_142 = arith.constant 0 : i32
      %dma_start3A_143 = tpu.memref_slice %arg16[%add3A_31, %dma_start3A_142] : memref<10240x128xf32, #tpu.memory_space<vmem_shared>> -> memref<64x128xf32, #tpu.memory_space<vmem_shared>>
      tpu.enqueue_dma source(%arg12 : memref<64x128xf32, #tpu.memory_space<vmem>>) target(%dma_start3A_143 : memref<64x128xf32, #tpu.memory_space<vmem_shared>>) target_semaphore(%run_scoped3A : memref<!tpu.dma_semaphore, #tpu.memory_space<semaphore_mem>>)
      %dma_wait3A_144 = arith.constant 0 : i32
      %dma_wait3A_145 = tpu.memref_slice %arg16[%add3A_31, %dma_wait3A_144] : memref<10240x128xf32, #tpu.memory_space<vmem_shared>> -> memref<64x128xf32, #tpu.memory_space<vmem_shared>>
      %dma_wait3A_146 = arith.constant 0 : i32
      %dma_wait3A_147 = tpu.memref_slice %arg16[%add3A_31, %dma_wait3A_146] : memref<10240x128xf32, #tpu.memory_space<vmem_shared>> -> memref<64x128xf32, #tpu.memory_space<vmem_shared>>
      tpu.wait_dma2 semaphore(%run_scoped3A : memref<!tpu.dma_semaphore, #tpu.memory_space<semaphore_mem>>) src(%arg12 : memref<64x128xf32, #tpu.memory_space<vmem>>) dst(%dma_wait3A_147 : memref<64x128xf32, #tpu.memory_space<vmem_shared>>)
      tpu.yield
    }) : () -> ()
    %add3A_32 = arith.constant 512 : i32
    %add3A_33 = arith.addi %mul3A_15, %add3A_32 : i32
    "tpu.region"() ({
      %run_scoped3A = tpu.sem_alloc : memref<!tpu.dma_semaphore, #tpu.memory_space<semaphore_mem>>
      %dma_start3A_140 = arith.constant 0 : i32
      %dma_start3A_141 = tpu.memref_slice %arg16[%add3A_33, %dma_start3A_140] : memref<10240x128xf32, #tpu.memory_space<vmem_shared>> -> memref<64x128xf32, #tpu.memory_space<vmem_shared>>
      %dma_start3A_142 = arith.constant 0 : i32
      %dma_start3A_143 = tpu.memref_slice %arg16[%add3A_33, %dma_start3A_142] : memref<10240x128xf32, #tpu.memory_space<vmem_shared>> -> memref<64x128xf32, #tpu.memory_space<vmem_shared>>
      tpu.enqueue_dma source(%arg12 : memref<64x128xf32, #tpu.memory_space<vmem>>) target(%dma_start3A_143 : memref<64x128xf32, #tpu.memory_space<vmem_shared>>) target_semaphore(%run_scoped3A : memref<!tpu.dma_semaphore, #tpu.memory_space<semaphore_mem>>)
      %dma_wait3A_144 = arith.constant 0 : i32
      %dma_wait3A_145 = tpu.memref_slice %arg16[%add3A_33, %dma_wait3A_144] : memref<10240x128xf32, #tpu.memory_space<vmem_shared>> -> memref<64x128xf32, #tpu.memory_space<vmem_shared>>
      %dma_wait3A_146 = arith.constant 0 : i32
      %dma_wait3A_147 = tpu.memref_slice %arg16[%add3A_33, %dma_wait3A_146] : memref<10240x128xf32, #tpu.memory_space<vmem_shared>> -> memref<64x128xf32, #tpu.memory_space<vmem_shared>>
      tpu.wait_dma2 semaphore(%run_scoped3A : memref<!tpu.dma_semaphore, #tpu.memory_space<semaphore_mem>>) src(%arg12 : memref<64x128xf32, #tpu.memory_space<vmem>>) dst(%dma_wait3A_147 : memref<64x128xf32, #tpu.memory_space<vmem_shared>>)
      tpu.yield
    }) : () -> ()
    %add3A_34 = arith.constant 576 : i32
    %add3A_35 = arith.addi %mul3A_15, %add3A_34 : i32
    "tpu.region"() ({
      %run_scoped3A = tpu.sem_alloc : memref<!tpu.dma_semaphore, #tpu.memory_space<semaphore_mem>>
      %dma_start3A_140 = arith.constant 0 : i32
      %dma_start3A_141 = tpu.memref_slice %arg16[%add3A_35, %dma_start3A_140] : memref<10240x128xf32, #tpu.memory_space<vmem_shared>> -> memref<64x128xf32, #tpu.memory_space<vmem_shared>>
      %dma_start3A_142 = arith.constant 0 : i32
      %dma_start3A_143 = tpu.memref_slice %arg16[%add3A_35, %dma_start3A_142] : memref<10240x128xf32, #tpu.memory_space<vmem_shared>> -> memref<64x128xf32, #tpu.memory_space<vmem_shared>>
      tpu.enqueue_dma source(%arg12 : memref<64x128xf32, #tpu.memory_space<vmem>>) target(%dma_start3A_143 : memref<64x128xf32, #tpu.memory_space<vmem_shared>>) target_semaphore(%run_scoped3A : memref<!tpu.dma_semaphore, #tpu.memory_space<semaphore_mem>>)
      %dma_wait3A_144 = arith.constant 0 : i32
      %dma_wait3A_145 = tpu.memref_slice %arg16[%add3A_35, %dma_wait3A_144] : memref<10240x128xf32, #tpu.memory_space<vmem_shared>> -> memref<64x128xf32, #tpu.memory_space<vmem_shared>>
      %dma_wait3A_146 = arith.constant 0 : i32
      %dma_wait3A_147 = tpu.memref_slice %arg16[%add3A_35, %dma_wait3A_146] : memref<10240x128xf32, #tpu.memory_space<vmem_shared>> -> memref<64x128xf32, #tpu.memory_space<vmem_shared>>
      tpu.wait_dma2 semaphore(%run_scoped3A : memref<!tpu.dma_semaphore, #tpu.memory_space<semaphore_mem>>) src(%arg12 : memref<64x128xf32, #tpu.memory_space<vmem>>) dst(%dma_wait3A_147 : memref<64x128xf32, #tpu.memory_space<vmem_shared>>)
      tpu.yield
    }) : () -> ()
    %barrier3A = arith.constant 0 : index
    tpu.barrier barrier_id(%barrier3A)
    %mul3A_36 = arith.constant 10000 : i32
    %mul3A_37 = arith.muli %arg0, %mul3A_36 : i32
    %add3A_38 = arith.constant 0 : i32
    %add3A_39 = arith.addi %select_n3A_9, %add3A_38 : i32
    %dma_start3A = arith.constant 0 : i32
    %dma_start3A_40 = arith.constant 0 : i32
    %dma_start3A_41 = tpu.memref_slice %arg2[%add3A_39, %dma_start3A, %dma_start3A_40] : memref<5120x3x64xi32, #tpu.memory_space<hbm>> -> memref<1x3x64xi32, #tpu.memory_space<hbm>>
    %dma_start3A_42 = tpu.memref_squeeze %dma_start3A_41 : memref<1x3x64xi32, #tpu.memory_space<hbm>> -> memref<3x64xi32, #tpu.memory_space<hbm>>
    %dma_start3A_43 = arith.constant 0 : i32
    %dma_start3A_44 = arith.constant 0 : i32
    %dma_start3A_45 = tpu.memref_slice %arg2[%add3A_39, %dma_start3A_43, %dma_start3A_44] : memref<5120x3x64xi32, #tpu.memory_space<hbm>> -> memref<1x3x64xi32, #tpu.memory_space<hbm>>
    %dma_start3A_46 = tpu.memref_squeeze %dma_start3A_45 : memref<1x3x64xi32, #tpu.memory_space<hbm>> -> memref<3x64xi32, #tpu.memory_space<hbm>>
    tpu.enqueue_dma source(%dma_start3A_46 : memref<3x64xi32, #tpu.memory_space<hbm>>) target(%arg7 : memref<3x64xi32, #tpu.memory_space<vmem>>) target_semaphore(%arg21 : memref<!tpu.dma_semaphore, #tpu.memory_space<semaphore_mem>>)
    %add3A_47 = arith.constant 1 : i32
    %add3A_48 = arith.addi %select_n3A_9, %add3A_47 : i32
    %dma_start3A_49 = arith.constant 0 : i32
    %dma_start3A_50 = arith.constant 0 : i32
    %dma_start3A_51 = tpu.memref_slice %arg2[%add3A_48, %dma_start3A_49, %dma_start3A_50] : memref<5120x3x64xi32, #tpu.memory_space<hbm>> -> memref<1x3x64xi32, #tpu.memory_space<hbm>>
    %dma_start3A_52 = tpu.memref_squeeze %dma_start3A_51 : memref<1x3x64xi32, #tpu.memory_space<hbm>> -> memref<3x64xi32, #tpu.memory_space<hbm>>
    %dma_start3A_53 = arith.constant 0 : i32
    %dma_start3A_54 = arith.constant 0 : i32
    %dma_start3A_55 = tpu.memref_slice %arg2[%add3A_48, %dma_start3A_53, %dma_start3A_54] : memref<5120x3x64xi32, #tpu.memory_space<hbm>> -> memref<1x3x64xi32, #tpu.memory_space<hbm>>
    %dma_start3A_56 = tpu.memref_squeeze %dma_start3A_55 : memref<1x3x64xi32, #tpu.memory_space<hbm>> -> memref<3x64xi32, #tpu.memory_space<hbm>>
    tpu.enqueue_dma source(%dma_start3A_56 : memref<3x64xi32, #tpu.memory_space<hbm>>) target(%arg8 : memref<3x64xi32, #tpu.memory_space<vmem>>) target_semaphore(%arg22 : memref<!tpu.dma_semaphore, #tpu.memory_space<semaphore_mem>>)
    %dma_wait3A = arith.constant 0 : i32
    %dma_wait3A_57 = arith.constant 0 : i32
    %dma_wait3A_58 = tpu.memref_slice %arg2[%select_n3A_9, %dma_wait3A, %dma_wait3A_57] : memref<5120x3x64xi32, #tpu.memory_space<hbm>> -> memref<1x3x64xi32, #tpu.memory_space<hbm>>
    %dma_wait3A_59 = tpu.memref_squeeze %dma_wait3A_58 : memref<1x3x64xi32, #tpu.memory_space<hbm>> -> memref<3x64xi32, #tpu.memory_space<hbm>>
    %dma_wait3A_60 = arith.constant 0 : i32
    %dma_wait3A_61 = arith.constant 0 : i32
    %dma_wait3A_62 = tpu.memref_slice %arg2[%select_n3A_9, %dma_wait3A_60, %dma_wait3A_61] : memref<5120x3x64xi32, #tpu.memory_space<hbm>> -> memref<1x3x64xi32, #tpu.memory_space<hbm>>
    %dma_wait3A_63 = tpu.memref_squeeze %dma_wait3A_62 : memref<1x3x64xi32, #tpu.memory_space<hbm>> -> memref<3x64xi32, #tpu.memory_space<hbm>>
    tpu.wait_dma2 semaphore(%arg21 : memref<!tpu.dma_semaphore, #tpu.memory_space<semaphore_mem>>) src(%dma_wait3A_63 : memref<3x64xi32, #tpu.memory_space<hbm>>) dst(%arg7 : memref<3x64xi32, #tpu.memory_space<vmem>>)
    %get3A = arith.constant 0 : i32
    %get3A_64 = arith.index_cast %get3A : i32 to index
    %get3A_65 = arith.constant 0 : index
    %get3A_66 = tpu.vector_load %arg7[%get3A_64, %get3A_65] {strides = array<i32>} : memref<3x64xi32, #tpu.memory_space<vmem>>, vector<16xi32>,
    %add3A_67 = vector.broadcast %mul3A_37 : i32 to vector<16xi32>
    %add3A_68 = arith.addi %get3A_66, %add3A_67 : vector<16xi32>
    %swap3A = arith.constant 0 : i32
    %swap3A_69 = arith.index_cast %swap3A : i32 to index
    %swap3A_70 = arith.constant 0 : index
    %swap3A_71 = tpu.vector_load %arg7[%swap3A_69, %swap3A_70] {strides = array<i32>} : memref<3x64xi32, #tpu.memory_space<vmem>>, vector<16xi32>,
    tpu.vector_store %arg7[%swap3A_69, %swap3A_70], %add3A_68 {strides = array<i32>} : memref<3x64xi32, #tpu.memory_space<vmem>>, vector<16xi32>,
    %get3A_72 = arith.constant 0 : i32
    %get3A_73 = arith.index_cast %get3A_72 : i32 to index
    %get3A_74 = arith.constant 16 : index
    %get3A_75 = tpu.vector_load %arg7[%get3A_73, %get3A_74] {strides = array<i32>} : memref<3x64xi32, #tpu.memory_space<vmem>>, vector<16xi32>,
    %add3A_76 = vector.broadcast %mul3A_37 : i32 to vector<16xi32>
    %add3A_77 = arith.addi %get3A_75, %add3A_76 : vector<16xi32>
    %swap3A_78 = arith.constant 0 : i32
    %swap3A_79 = arith.index_cast %swap3A_78 : i32 to index
    %swap3A_80 = arith.constant 16 : index
    %swap3A_81 = tpu.vector_load %arg7[%swap3A_79, %swap3A_80] {strides = array<i32>} : memref<3x64xi32, #tpu.memory_space<vmem>>, vector<16xi32>,
    tpu.vector_store %arg7[%swap3A_79, %swap3A_80], %add3A_77 {strides = array<i32>} : memref<3x64xi32, #tpu.memory_space<vmem>>, vector<16xi32>,
    %get3A_82 = arith.constant 0 : i32
    %get3A_83 = arith.index_cast %get3A_82 : i32 to index
    %get3A_84 = arith.constant 32 : index
    %get3A_85 = tpu.vector_load %arg7[%get3A_83, %get3A_84] {strides = array<i32>} : memref<3x64xi32, #tpu.memory_space<vmem>>, vector<16xi32>,
    %add3A_86 = vector.broadcast %mul3A_37 : i32 to vector<16xi32>
    %add3A_87 = arith.addi %get3A_85, %add3A_86 : vector<16xi32>
    %swap3A_88 = arith.constant 0 : i32
    %swap3A_89 = arith.index_cast %swap3A_88 : i32 to index
    %swap3A_90 = arith.constant 32 : index
    %swap3A_91 = tpu.vector_load %arg7[%swap3A_89, %swap3A_90] {strides = array<i32>} : memref<3x64xi32, #tpu.memory_space<vmem>>, vector<16xi32>,
    tpu.vector_store %arg7[%swap3A_89, %swap3A_90], %add3A_87 {strides = array<i32>} : memref<3x64xi32, #tpu.memory_space<vmem>>, vector<16xi32>,
    %get3A_92 = arith.constant 0 : i32
    %get3A_93 = arith.index_cast %get3A_92 : i32 to index
    %get3A_94 = arith.constant 48 : index
    %get3A_95 = tpu.vector_load %arg7[%get3A_93, %get3A_94] {strides = array<i32>} : memref<3x64xi32, #tpu.memory_space<vmem>>, vector<16xi32>,
    %add3A_96 = vector.broadcast %mul3A_37 : i32 to vector<16xi32>
    %add3A_97 = arith.addi %get3A_95, %add3A_96 : vector<16xi32>
    %swap3A_98 = arith.constant 0 : i32
    %swap3A_99 = arith.index_cast %swap3A_98 : i32 to index
    %swap3A_100 = arith.constant 48 : index
    %swap3A_101 = tpu.vector_load %arg7[%swap3A_99, %swap3A_100] {strides = array<i32>} : memref<3x64xi32, #tpu.memory_space<vmem>>, vector<16xi32>,
    tpu.vector_store %arg7[%swap3A_99, %swap3A_100], %add3A_97 {strides = array<i32>} : memref<3x64xi32, #tpu.memory_space<vmem>>, vector<16xi32>,
    %dma_start3A_102 = arith.constant 0 : i32
    %dma_start3A_103 = arith.constant 0 : i32
    %dma_start3A_104 = tpu.memref_slice %arg7[%dma_start3A_102, %dma_start3A_103] : memref<3x64xi32, #tpu.memory_space<vmem>> -> memref<1x64xi32, #tpu.memory_space<vmem>>
    %dma_start3A_105 = tpu.memref_squeeze %dma_start3A_104 : memref<1x64xi32, #tpu.memory_space<vmem>> -> memref<64xi32, #tpu.memory_space<vmem>>
    %dma_start3A_106 = arith.constant 0 : i32
    %dma_start3A_107 = arith.constant 0 : i32
    %dma_start3A_108 = tpu.memref_slice %arg4[%dma_start3A_106, %dma_start3A_107] : memref<20000x128xf32, #tpu.memory_space<hbm>> -> memref<20000x128xf32, #tpu.memory_space<hbm>>
    tpu.enqueue_indirect_dma source(%dma_start3A_108 : memref<20000x128xf32, #tpu.memory_space<hbm>>) target(%arg12 : memref<64x128xf32, #tpu.memory_space<vmem>>) offsets(%dma_start3A_105 : memref<64xi32, #tpu.memory_space<vmem>>) semaphore(%arg17 : memref<!tpu.dma_semaphore, #tpu.memory_space<semaphore_mem>>)
    %sub3A = arith.constant 0 : i32
    %sub3A_109 = arith.subi %select_n3A, %sub3A : i32
    %sub3A_110 = arith.constant 4 : i32
    %sub3A_111 = arith.constant 1 : i32
    %sub3A_112 = arith.subi %sub3A_110, %sub3A_111 : i32
    %add3A_113 = arith.addi %sub3A_109, %sub3A_112 : i32
    %div3A = arith.constant 4 : i32
    %div3A_114 = arith.divsi %add3A_113, %div3A : i32
    %while3A = arith.constant 4 : i32
    %while3A_115 = arith.constant 0 : i32
    %while3A_116 = arith.constant 0 : i32
    %while3A_117 = arith.subi %div3A_114, %while3A_116 : i32
    %while3A_118 = arith.addi %while3A_116, %while3A_117 : i32
    %while3A_119 = arith.constant 1 : i32
    %while3A_120 = arith.divsi %while3A_117, %while3A_119 : i32
    %while3A_121 = arith.muli %while3A_120, %while3A_119 : i32
    %while3A_122 = arith.addi %while3A_116, %while3A_121 : i32
    %while3A_123 = arith.constant 1 : i32
    scf.for %while3A_140 = %while3A_116 to %while3A_122 step %while3A_123  : i32 {
      %mul3A_141 = arith.muli %while3A_140, %while3A : i32
      %add3A_142 = arith.addi %while3A_115, %mul3A_141 : i32
      %add3A_143 = arith.constant 0 : i32
      %add3A_144 = arith.addi %add3A_142, %add3A_143 : i32
      %ge3A = arith.constant 2 : i32
      %ge3A_145 = arith.cmpi sge, %add3A_144, %ge3A : i32
      %convert_element_type3A = arith.extui %ge3A_145 : i1 to i32
      %cond3A = arith.constant 0 : i32
      %cond3A_146 = arith.cmpi ne, %convert_element_type3A, %cond3A : i32
      scf.if %cond3A_146 {
        %dma_wait3A_862 = arith.constant 1 : i32
        %dma_wait3A_863 = arith.constant 0 : i32
        %dma_wait3A_864 = tpu.memref_slice %arg9[%dma_wait3A_862, %dma_wait3A_863] : memref<3x64xi32, #tpu.memory_space<vmem>> -> memref<1x64xi32, #tpu.memory_space<vmem>>
        %dma_wait3A_865 = tpu.memref_squeeze %dma_wait3A_864 : memref<1x64xi32, #tpu.memory_space<vmem>> -> memref<64xi32, #tpu.memory_space<vmem>>
        %dma_wait3A_866 = arith.constant 0 : i32
        %dma_wait3A_867 = arith.constant 0 : i32
        %dma_wait3A_868 = tpu.memref_slice %arg16[%dma_wait3A_866, %dma_wait3A_867] : memref<10240x128xf32, #tpu.memory_space<vmem_shared>> -> memref<10240x128xf32, #tpu.memory_space<vmem_shared>>
        tpu.wait_indirect_dma semaphore(%arg27 : memref<!tpu.dma_semaphore, #tpu.memory_space<semaphore_mem>>) src(%arg14 : memref<64x128xf32, #tpu.memory_space<vmem>>) dst(%dma_wait3A_868 : memref<10240x128xf32, #tpu.memory_space<vmem_shared>>)
      } else {
      }
      %add3A_147 = arith.constant 2 : i32
      %add3A_148 = arith.addi %add3A_144, %add3A_147 : i32
      %lt3A = arith.cmpi slt, %add3A_148, %select_n3A : i32
      %convert_element_type3A_149 = arith.extui %lt3A : i1 to i32
      %cond3A_150 = arith.constant 0 : i32
      %cond3A_151 = arith.cmpi ne, %convert_element_type3A_149, %cond3A_150 : i32
      scf.if %cond3A_151 {
        %add3A_862 = arith.constant 2 : i32
        %add3A_863 = arith.addi %add3A_144, %add3A_862 : i32
        %add3A_864 = arith.addi %select_n3A_9, %add3A_863 : i32
        %dma_start3A_865 = arith.constant 0 : i32
        %dma_start3A_866 = arith.constant 0 : i32
        %dma_start3A_867 = tpu.memref_slice %arg2[%add3A_864, %dma_start3A_865, %dma_start3A_866] : memref<5120x3x64xi32, #tpu.memory_space<hbm>> -> memref<1x3x64xi32, #tpu.memory_space<hbm>>
        %dma_start3A_868 = tpu.memref_squeeze %dma_start3A_867 : memref<1x3x64xi32, #tpu.memory_space<hbm>> -> memref<3x64xi32, #tpu.memory_space<hbm>>
        %dma_start3A_869 = arith.constant 0 : i32
        %dma_start3A_870 = arith.constant 0 : i32
        %dma_start3A_871 = tpu.memref_slice %arg2[%add3A_864, %dma_start3A_869, %dma_start3A_870] : memref<5120x3x64xi32, #tpu.memory_space<hbm>> -> memref<1x3x64xi32, #tpu.memory_space<hbm>>
        %dma_start3A_872 = tpu.memref_squeeze %dma_start3A_871 : memref<1x3x64xi32, #tpu.memory_space<hbm>> -> memref<3x64xi32, #tpu.memory_space<hbm>>
        tpu.enqueue_dma source(%dma_start3A_872 : memref<3x64xi32, #tpu.memory_space<hbm>>) target(%arg9 : memref<3x64xi32, #tpu.memory_space<vmem>>) target_semaphore(%arg23 : memref<!tpu.dma_semaphore, #tpu.memory_space<semaphore_mem>>)
      } else {
      }
      %add3A_152 = arith.constant 1 : i32
      %add3A_153 = arith.addi %add3A_144, %add3A_152 : i32
      %lt3A_154 = arith.cmpi slt, %add3A_153, %select_n3A : i32
      %convert_element_type3A_155 = arith.extui %lt3A_154 : i1 to i32
      %cond3A_156 = arith.constant 0 : i32
      %cond3A_157 = arith.cmpi ne, %convert_element_type3A_155, %cond3A_156 : i32
      scf.if %cond3A_157 {
        %dma_wait3A_862 = arith.constant 0 : i32
        %dma_wait3A_863 = arith.constant 0 : i32
        %dma_wait3A_864 = tpu.memref_slice %arg2[%select_n3A_9, %dma_wait3A_862, %dma_wait3A_863] : memref<5120x3x64xi32, #tpu.memory_space<hbm>> -> memref<1x3x64xi32, #tpu.memory_space<hbm>>
        %dma_wait3A_865 = tpu.memref_squeeze %dma_wait3A_864 : memref<1x3x64xi32, #tpu.memory_space<hbm>> -> memref<3x64xi32, #tpu.memory_space<hbm>>
        %dma_wait3A_866 = arith.constant 0 : i32
        %dma_wait3A_867 = arith.constant 0 : i32
        %dma_wait3A_868 = tpu.memref_slice %arg2[%select_n3A_9, %dma_wait3A_866, %dma_wait3A_867] : memref<5120x3x64xi32, #tpu.memory_space<hbm>> -> memref<1x3x64xi32, #tpu.memory_space<hbm>>
        %dma_wait3A_869 = tpu.memref_squeeze %dma_wait3A_868 : memref<1x3x64xi32, #tpu.memory_space<hbm>> -> memref<3x64xi32, #tpu.memory_space<hbm>>
        tpu.wait_dma2 semaphore(%arg22 : memref<!tpu.dma_semaphore, #tpu.memory_space<semaphore_mem>>) src(%dma_wait3A_869 : memref<3x64xi32, #tpu.memory_space<hbm>>) dst(%arg8 : memref<3x64xi32, #tpu.memory_space<vmem>>)
        %get3A_870 = arith.constant 0 : i32
        %get3A_871 = arith.index_cast %get3A_870 : i32 to index
        %get3A_872 = arith.constant 0 : index
        %get3A_873 = tpu.vector_load %arg8[%get3A_871, %get3A_872] {strides = array<i32>} : memref<3x64xi32, #tpu.memory_space<vmem>>, vector<16xi32>,
        %add3A_874 = vector.broadcast %mul3A_37 : i32 to vector<16xi32>
        %add3A_875 = arith.addi %get3A_873, %add3A_874 : vector<16xi32>
        %swap3A_876 = arith.constant 0 : i32
        %swap3A_877 = arith.index_cast %swap3A_876 : i32 to index
        %swap3A_878 = arith.constant 0 : index
        %swap3A_879 = tpu.vector_load %arg8[%swap3A_877, %swap3A_878] {strides = array<i32>} : memref<3x64xi32, #tpu.memory_space<vmem>>, vector<16xi32>,
        tpu.vector_store %arg8[%swap3A_877, %swap3A_878], %add3A_875 {strides = array<i32>} : memref<3x64xi32, #tpu.memory_space<vmem>>, vector<16xi32>,
        %get3A_880 = arith.constant 0 : i32
        %get3A_881 = arith.index_cast %get3A_880 : i32 to index
        %get3A_882 = arith.constant 16 : index
        %get3A_883 = tpu.vector_load %arg8[%get3A_881, %get3A_882] {strides = array<i32>} : memref<3x64xi32, #tpu.memory_space<vmem>>, vector<16xi32>,
        %add3A_884 = vector.broadcast %mul3A_37 : i32 to vector<16xi32>
        %add3A_885 = arith.addi %get3A_883, %add3A_884 : vector<16xi32>
        %swap3A_886 = arith.constant 0 : i32
        %swap3A_887 = arith.index_cast %swap3A_886 : i32 to index
        %swap3A_888 = arith.constant 16 : index
        %swap3A_889 = tpu.vector_load %arg8[%swap3A_887, %swap3A_888] {strides = array<i32>} : memref<3x64xi32, #tpu.memory_space<vmem>>, vector<16xi32>,
        tpu.vector_store %arg8[%swap3A_887, %swap3A_888], %add3A_885 {strides = array<i32>} : memref<3x64xi32, #tpu.memory_space<vmem>>, vector<16xi32>,
        %get3A_890 = arith.constant 0 : i32
        %get3A_891 = arith.index_cast %get3A_890 : i32 to index
        %get3A_892 = arith.constant 32 : index
        %get3A_893 = tpu.vector_load %arg8[%get3A_891, %get3A_892] {strides = array<i32>} : memref<3x64xi32, #tpu.memory_space<vmem>>, vector<16xi32>,
        %add3A_894 = vector.broadcast %mul3A_37 : i32 to vector<16xi32>
        %add3A_895 = arith.addi %get3A_893, %add3A_894 : vector<16xi32>
        %swap3A_896 = arith.constant 0 : i32
        %swap3A_897 = arith.index_cast %swap3A_896 : i32 to index
        %swap3A_898 = arith.constant 32 : index
        %swap3A_899 = tpu.vector_load %arg8[%swap3A_897, %swap3A_898] {strides = array<i32>} : memref<3x64xi32, #tpu.memory_space<vmem>>, vector<16xi32>,
        tpu.vector_store %arg8[%swap3A_897, %swap3A_898], %add3A_895 {strides = array<i32>} : memref<3x64xi32, #tpu.memory_space<vmem>>, vector<16xi32>,
        %get3A_900 = arith.constant 0 : i32
        %get3A_901 = arith.index_cast %get3A_900 : i32 to index
        %get3A_902 = arith.constant 48 : index
        %get3A_903 = tpu.vector_load %arg8[%get3A_901, %get3A_902] {strides = array<i32>} : memref<3x64xi32, #tpu.memory_space<vmem>>, vector<16xi32>,
        %add3A_904 = vector.broadcast %mul3A_37 : i32 to vector<16xi32>
        %add3A_905 = arith.addi %get3A_903, %add3A_904 : vector<16xi32>
        %swap3A_906 = arith.constant 0 : i32
        %swap3A_907 = arith.index_cast %swap3A_906 : i32 to index
        %swap3A_908 = arith.constant 48 : index
        %swap3A_909 = tpu.vector_load %arg8[%swap3A_907, %swap3A_908] {strides = array<i32>} : memref<3x64xi32, #tpu.memory_space<vmem>>, vector<16xi32>,
        tpu.vector_store %arg8[%swap3A_907, %swap3A_908], %add3A_905 {strides = array<i32>} : memref<3x64xi32, #tpu.memory_space<vmem>>, vector<16xi32>,
        %dma_start3A_910 = arith.constant 0 : i32
        %dma_start3A_911 = arith.constant 0 : i32
        %dma_start3A_912 = tpu.memref_slice %arg8[%dma_start3A_910, %dma_start3A_911] : memref<3x64xi32, #tpu.memory_space<vmem>> -> memref<1x64xi32, #tpu.memory_space<vmem>>
        %dma_start3A_913 = tpu.memref_squeeze %dma_start3A_912 : memref<1x64xi32, #tpu.memory_space<vmem>> -> memref<64xi32, #tpu.memory_space<vmem>>
        %dma_start3A_914 = arith.constant 0 : i32
        %dma_start3A_915 = arith.constant 0 : i32
        %dma_start3A_916 = tpu.memref_slice %arg4[%dma_start3A_914, %dma_start3A_915] : memref<20000x128xf32, #tpu.memory_space<hbm>> -> memref<20000x128xf32, #tpu.memory_space<hbm>>
        tpu.enqueue_indirect_dma source(%dma_start3A_916 : memref<20000x128xf32, #tpu.memory_space<hbm>>) target(%arg13 : memref<64x128xf32, #tpu.memory_space<vmem>>) offsets(%dma_start3A_913 : memref<64xi32, #tpu.memory_space<vmem>>) semaphore(%arg18 : memref<!tpu.dma_semaphore, #tpu.memory_space<semaphore_mem>>)
      } else {
      }
      %dma_wait3A_158 = arith.constant 0 : i32
      %dma_wait3A_159 = arith.constant 0 : i32
      %dma_wait3A_160 = tpu.memref_slice %arg7[%dma_wait3A_158, %dma_wait3A_159] : memref<3x64xi32, #tpu.memory_space<vmem>> -> memref<1x64xi32, #tpu.memory_space<vmem>>
      %dma_wait3A_161 = tpu.memref_squeeze %dma_wait3A_160 : memref<1x64xi32, #tpu.memory_space<vmem>> -> memref<64xi32, #tpu.memory_space<vmem>>
      %dma_wait3A_162 = arith.constant 0 : i32
      %dma_wait3A_163 = arith.constant 0 : i32
      %dma_wait3A_164 = tpu.memref_slice %arg4[%dma_wait3A_162, %dma_wait3A_163] : memref<20000x128xf32, #tpu.memory_space<hbm>> -> memref<20000x128xf32, #tpu.memory_space<hbm>>
      tpu.wait_indirect_dma semaphore(%arg17 : memref<!tpu.dma_semaphore, #tpu.memory_space<semaphore_mem>>) src(%dma_wait3A_164 : memref<20000x128xf32, #tpu.memory_space<hbm>>) dst(%arg12 : memref<64x128xf32, #tpu.memory_space<vmem>>)
      %get3A_165 = arith.constant 2 : i32
      %get3A_166 = arith.index_cast %get3A_165 : i32 to index
      %get3A_167 = arith.constant 0 : index
      %get3A_168 = tpu.vector_load %arg7[%get3A_166, %get3A_167] {strides = array<i32>} : memref<3x64xi32, #tpu.memory_space<vmem>>, vector<16xi32>,
      %bitcast3A = vector.bitcast %get3A_168 : vector<16xi32> to vector<16xf32>
      %get3A_169 = arith.constant 0 : i32
      %get3A_170 = arith.index_cast %get3A_169 : i32 to index
      %get3A_171 = arith.constant 0 : index
      %get3A_172 = tpu.vector_load %arg7[%get3A_170, %get3A_171] {strides = array<i32>} : memref<3x64xi32, #tpu.memory_space<vmem>>, vector<16xi32>,
      %sub3A_173 = vector.broadcast %mul3A_37 : i32 to vector<16xi32>
      %sub3A_174 = arith.subi %get3A_172, %sub3A_173 : vector<16xi32>
      %shift_right_logical3A = arith.constant 7 : i32
      %shift_right_logical3A_175 = vector.broadcast %shift_right_logical3A : i32 to vector<16xi32>
      %shift_right_logical3A_176 = arith.shrui %sub3A_174, %shift_right_logical3A_175 : vector<16xi32>
      %and3A = arith.constant 127 : i32
      %and3A_177 = vector.broadcast %and3A : i32 to vector<16xi32>
      %and3A_178 = arith.andi %sub3A_174, %and3A_177 : vector<16xi32>
      %get3A_179 = arith.constant 1 : i32
      %get3A_180 = arith.index_cast %get3A_179 : i32 to index
      %get3A_181 = arith.constant 0 : index
      %get3A_182 = tpu.vector_load %arg7[%get3A_180, %get3A_181] {strides = array<i32>} : memref<3x64xi32, #tpu.memory_space<vmem>>, vector<16xi32>,
      %shift_right_logical3A_183 = arith.constant 7 : i32
      %shift_right_logical3A_184 = vector.broadcast %shift_right_logical3A_183 : i32 to vector<16xi32>
      %shift_right_logical3A_185 = arith.shrui %get3A_182, %shift_right_logical3A_184 : vector<16xi32>
      %and3A_186 = arith.constant 127 : i32
      %and3A_187 = vector.broadcast %and3A_186 : i32 to vector<16xi32>
      %and3A_188 = arith.andi %get3A_182, %and3A_187 : vector<16xi32>
      %gather3A = tpu.vector_load_idx %arg6[%shift_right_logical3A_176, %and3A_178] : memref<80x128xf32, #tpu.memory_space<vmem>>[vector<16xi32>, vector<16xi32>], vector<16xf32>,
      %gather3A_189 = tpu.vector_load_idx %arg6[%shift_right_logical3A_185, %and3A_188] : memref<80x128xf32, #tpu.memory_space<vmem>>[vector<16xi32>, vector<16xi32>], vector<16xf32>,
      %mul3A_190 = arith.mulf %bitcast3A, %gather3A : vector<16xf32>
      %mul3A_191 = arith.mulf %mul3A_190, %gather3A_189 : vector<16xf32>
      %neg3A = arith.constant 0.000000e+00 : f32
      %neg3A_192 = vector.broadcast %neg3A : f32 to vector<16xf32>
      %neg3A_193 = arith.subf %neg3A_192, %mul3A_191 : vector<16xf32>
      %swap3A_194 = arith.constant 0 : index
      %swap3A_195 = tpu.vector_load %arg11[%swap3A_194] {strides = array<i32>} : memref<64xf32, #tpu.memory_space<vmem>>, vector<16xf32>,
      tpu.vector_store %arg11[%swap3A_194], %neg3A_193 {strides = array<i32>} : memref<64xf32, #tpu.memory_space<vmem>>, vector<16xf32>,
      %get3A_196 = arith.constant 2 : i32
      %get3A_197 = arith.index_cast %get3A_196 : i32 to index
      %get3A_198 = arith.constant 16 : index
      %get3A_199 = tpu.vector_load %arg7[%get3A_197, %get3A_198] {strides = array<i32>} : memref<3x64xi32, #tpu.memory_space<vmem>>, vector<16xi32>,
      %bitcast3A_200 = vector.bitcast %get3A_199 : vector<16xi32> to vector<16xf32>
      %get3A_201 = arith.constant 0 : i32
      %get3A_202 = arith.index_cast %get3A_201 : i32 to index
      %get3A_203 = arith.constant 16 : index
      %get3A_204 = tpu.vector_load %arg7[%get3A_202, %get3A_203] {strides = array<i32>} : memref<3x64xi32, #tpu.memory_space<vmem>>, vector<16xi32>,
      %sub3A_205 = vector.broadcast %mul3A_37 : i32 to vector<16xi32>
      %sub3A_206 = arith.subi %get3A_204, %sub3A_205 : vector<16xi32>
      %shift_right_logical3A_207 = arith.constant 7 : i32
      %shift_right_logical3A_208 = vector.broadcast %shift_right_logical3A_207 : i32 to vector<16xi32>
      %shift_right_logical3A_209 = arith.shrui %sub3A_206, %shift_right_logical3A_208 : vector<16xi32>
      %and3A_210 = arith.constant 127 : i32
      %and3A_211 = vector.broadcast %and3A_210 : i32 to vector<16xi32>
      %and3A_212 = arith.andi %sub3A_206, %and3A_211 : vector<16xi32>
      %get3A_213 = arith.constant 1 : i32
      %get3A_214 = arith.index_cast %get3A_213 : i32 to index
      %get3A_215 = arith.constant 16 : index
      %get3A_216 = tpu.vector_load %arg7[%get3A_214, %get3A_215] {strides = array<i32>} : memref<3x64xi32, #tpu.memory_space<vmem>>, vector<16xi32>,
      %shift_right_logical3A_217 = arith.constant 7 : i32
      %shift_right_logical3A_218 = vector.broadcast %shift_right_logical3A_217 : i32 to vector<16xi32>
      %shift_right_logical3A_219 = arith.shrui %get3A_216, %shift_right_logical3A_218 : vector<16xi32>
      %and3A_220 = arith.constant 127 : i32
      %and3A_221 = vector.broadcast %and3A_220 : i32 to vector<16xi32>
      %and3A_222 = arith.andi %get3A_216, %and3A_221 : vector<16xi32>
      %gather3A_223 = tpu.vector_load_idx %arg6[%shift_right_logical3A_209, %and3A_212] : memref<80x128xf32, #tpu.memory_space<vmem>>[vector<16xi32>, vector<16xi32>], vector<16xf32>,
      %gather3A_224 = tpu.vector_load_idx %arg6[%shift_right_logical3A_219, %and3A_222] : memref<80x128xf32, #tpu.memory_space<vmem>>[vector<16xi32>, vector<16xi32>], vector<16xf32>,
      %mul3A_225 = arith.mulf %bitcast3A_200, %gather3A_223 : vector<16xf32>
      %mul3A_226 = arith.mulf %mul3A_225, %gather3A_224 : vector<16xf32>
      %neg3A_227 = arith.constant 0.000000e+00 : f32
      %neg3A_228 = vector.broadcast %neg3A_227 : f32 to vector<16xf32>
      %neg3A_229 = arith.subf %neg3A_228, %mul3A_226 : vector<16xf32>
      %swap3A_230 = arith.constant 16 : index
      %swap3A_231 = tpu.vector_load %arg11[%swap3A_230] {strides = array<i32>} : memref<64xf32, #tpu.memory_space<vmem>>, vector<16xf32>,
      tpu.vector_store %arg11[%swap3A_230], %neg3A_229 {strides = array<i32>} : memref<64xf32, #tpu.memory_space<vmem>>, vector<16xf32>,
      %get3A_232 = arith.constant 2 : i32
      %get3A_233 = arith.index_cast %get3A_232 : i32 to index
      %get3A_234 = arith.constant 32 : index
      %get3A_235 = tpu.vector_load %arg7[%get3A_233, %get3A_234] {strides = array<i32>} : memref<3x64xi32, #tpu.memory_space<vmem>>, vector<16xi32>,
      %bitcast3A_236 = vector.bitcast %get3A_235 : vector<16xi32> to vector<16xf32>
      %get3A_237 = arith.constant 0 : i32
      %get3A_238 = arith.index_cast %get3A_237 : i32 to index
      %get3A_239 = arith.constant 32 : index
      %get3A_240 = tpu.vector_load %arg7[%get3A_238, %get3A_239] {strides = array<i32>} : memref<3x64xi32, #tpu.memory_space<vmem>>, vector<16xi32>,
      %sub3A_241 = vector.broadcast %mul3A_37 : i32 to vector<16xi32>
      %sub3A_242 = arith.subi %get3A_240, %sub3A_241 : vector<16xi32>
      %shift_right_logical3A_243 = arith.constant 7 : i32
      %shift_right_logical3A_244 = vector.broadcast %shift_right_logical3A_243 : i32 to vector<16xi32>
      %shift_right_logical3A_245 = arith.shrui %sub3A_242, %shift_right_logical3A_244 : vector<16xi32>
      %and3A_246 = arith.constant 127 : i32
      %and3A_247 = vector.broadcast %and3A_246 : i32 to vector<16xi32>
      %and3A_248 = arith.andi %sub3A_242, %and3A_247 : vector<16xi32>
      %get3A_249 = arith.constant 1 : i32
      %get3A_250 = arith.index_cast %get3A_249 : i32 to index
      %get3A_251 = arith.constant 32 : index
      %get3A_252 = tpu.vector_load %arg7[%get3A_250, %get3A_251] {strides = array<i32>} : memref<3x64xi32, #tpu.memory_space<vmem>>, vector<16xi32>,
      %shift_right_logical3A_253 = arith.constant 7 : i32
      %shift_right_logical3A_254 = vector.broadcast %shift_right_logical3A_253 : i32 to vector<16xi32>
      %shift_right_logical3A_255 = arith.shrui %get3A_252, %shift_right_logical3A_254 : vector<16xi32>
      %and3A_256 = arith.constant 127 : i32
      %and3A_257 = vector.broadcast %and3A_256 : i32 to vector<16xi32>
      %and3A_258 = arith.andi %get3A_252, %and3A_257 : vector<16xi32>
      %gather3A_259 = tpu.vector_load_idx %arg6[%shift_right_logical3A_245, %and3A_248] : memref<80x128xf32, #tpu.memory_space<vmem>>[vector<16xi32>, vector<16xi32>], vector<16xf32>,
      %gather3A_260 = tpu.vector_load_idx %arg6[%shift_right_logical3A_255, %and3A_258] : memref<80x128xf32, #tpu.memory_space<vmem>>[vector<16xi32>, vector<16xi32>], vector<16xf32>,
      %mul3A_261 = arith.mulf %bitcast3A_236, %gather3A_259 : vector<16xf32>
      %mul3A_262 = arith.mulf %mul3A_261, %gather3A_260 : vector<16xf32>
      %neg3A_263 = arith.constant 0.000000e+00 : f32
      %neg3A_264 = vector.broadcast %neg3A_263 : f32 to vector<16xf32>
      %neg3A_265 = arith.subf %neg3A_264, %mul3A_262 : vector<16xf32>
      %swap3A_266 = arith.constant 32 : index
      %swap3A_267 = tpu.vector_load %arg11[%swap3A_266] {strides = array<i32>} : memref<64xf32, #tpu.memory_space<vmem>>, vector<16xf32>,
      tpu.vector_store %arg11[%swap3A_266], %neg3A_265 {strides = array<i32>} : memref<64xf32, #tpu.memory_space<vmem>>, vector<16xf32>,
      %get3A_268 = arith.constant 2 : i32
      %get3A_269 = arith.index_cast %get3A_268 : i32 to index
      %get3A_270 = arith.constant 48 : index
      %get3A_271 = tpu.vector_load %arg7[%get3A_269, %get3A_270] {strides = array<i32>} : memref<3x64xi32, #tpu.memory_space<vmem>>, vector<16xi32>,
      %bitcast3A_272 = vector.bitcast %get3A_271 : vector<16xi32> to vector<16xf32>
      %get3A_273 = arith.constant 0 : i32
      %get3A_274 = arith.index_cast %get3A_273 : i32 to index
      %get3A_275 = arith.constant 48 : index
      %get3A_276 = tpu.vector_load %arg7[%get3A_274, %get3A_275] {strides = array<i32>} : memref<3x64xi32, #tpu.memory_space<vmem>>, vector<16xi32>,
      %sub3A_277 = vector.broadcast %mul3A_37 : i32 to vector<16xi32>
      %sub3A_278 = arith.subi %get3A_276, %sub3A_277 : vector<16xi32>
      %shift_right_logical3A_279 = arith.constant 7 : i32
      %shift_right_logical3A_280 = vector.broadcast %shift_right_logical3A_279 : i32 to vector<16xi32>
      %shift_right_logical3A_281 = arith.shrui %sub3A_278, %shift_right_logical3A_280 : vector<16xi32>
      %and3A_282 = arith.constant 127 : i32
      %and3A_283 = vector.broadcast %and3A_282 : i32 to vector<16xi32>
      %and3A_284 = arith.andi %sub3A_278, %and3A_283 : vector<16xi32>
      %get3A_285 = arith.constant 1 : i32
      %get3A_286 = arith.index_cast %get3A_285 : i32 to index
      %get3A_287 = arith.constant 48 : index
      %get3A_288 = tpu.vector_load %arg7[%get3A_286, %get3A_287] {strides = array<i32>} : memref<3x64xi32, #tpu.memory_space<vmem>>, vector<16xi32>,
      %shift_right_logical3A_289 = arith.constant 7 : i32
      %shift_right_logical3A_290 = vector.broadcast %shift_right_logical3A_289 : i32 to vector<16xi32>
      %shift_right_logical3A_291 = arith.shrui %get3A_288, %shift_right_logical3A_290 : vector<16xi32>
      %and3A_292 = arith.constant 127 : i32
      %and3A_293 = vector.broadcast %and3A_292 : i32 to vector<16xi32>
      %and3A_294 = arith.andi %get3A_288, %and3A_293 : vector<16xi32>
      %gather3A_295 = tpu.vector_load_idx %arg6[%shift_right_logical3A_281, %and3A_284] : memref<80x128xf32, #tpu.memory_space<vmem>>[vector<16xi32>, vector<16xi32>], vector<16xf32>,
      %gather3A_296 = tpu.vector_load_idx %arg6[%shift_right_logical3A_291, %and3A_294] : memref<80x128xf32, #tpu.memory_space<vmem>>[vector<16xi32>, vector<16xi32>], vector<16xf32>,
      %mul3A_297 = arith.mulf %bitcast3A_272, %gather3A_295 : vector<16xf32>
      %mul3A_298 = arith.mulf %mul3A_297, %gather3A_296 : vector<16xf32>
      %neg3A_299 = arith.constant 0.000000e+00 : f32
      %neg3A_300 = vector.broadcast %neg3A_299 : f32 to vector<16xf32>
      %neg3A_301 = arith.subf %neg3A_300, %mul3A_298 : vector<16xf32>
      %swap3A_302 = arith.constant 48 : index
      %swap3A_303 = tpu.vector_load %arg11[%swap3A_302] {strides = array<i32>} : memref<64xf32, #tpu.memory_space<vmem>>, vector<16xf32>,
      tpu.vector_store %arg11[%swap3A_302], %neg3A_301 {strides = array<i32>} : memref<64xf32, #tpu.memory_space<vmem>>, vector<16xf32>,
      %scan3A_304 = arith.constant 0 : i32
      %scan3A_305 = arith.constant 64 : i32
      %scan3A_306 = arith.addi %scan3A_304, %scan3A_305 : i32
      %scan3A_307 = arith.constant 1 : i32
      scf.for %scan3A_862 = %scan3A_304 to %scan3A_306 step %scan3A_307  : i32 {
        %mul3A_863 = arith.constant 1 : i32
        %mul3A_864 = arith.muli %scan3A_862, %mul3A_863 : i32
        %add3A_865 = arith.constant 0 : i32
        %add3A_866 = arith.addi %add3A_865, %mul3A_864 : i32
        %broadcast_in_dim3A_867 = vector.broadcast %add3A_866 : i32 to vector<16xi32>
        %gather3A_868 = tpu.vector_load_idx %arg11[%broadcast_in_dim3A_867] : memref<64xf32, #tpu.memory_space<vmem>>[vector<16xi32>], vector<16xf32>,
        %get3A_869 = arith.index_cast %add3A_866 : i32 to index
        %get3A_870 = arith.constant 0 : index
        %get3A_871 = tpu.vector_load %arg12[%get3A_869, %get3A_870] {strides = array<i32>} : memref<64x128xf32, #tpu.memory_space<vmem>>, vector<16xf32>,
        %mul3A_872 = arith.mulf %get3A_871, %gather3A_868 : vector<16xf32>
        %swap3A_873 = arith.index_cast %add3A_866 : i32 to index
        %swap3A_874 = arith.constant 0 : index
        %swap3A_875 = tpu.vector_load %arg12[%swap3A_873, %swap3A_874] {strides = array<i32>} : memref<64x128xf32, #tpu.memory_space<vmem>>, vector<16xf32>,
        tpu.vector_store %arg12[%swap3A_873, %swap3A_874], %mul3A_872 {strides = array<i32>} : memref<64x128xf32, #tpu.memory_space<vmem>>, vector<16xf32>,
        %get3A_876 = arith.index_cast %add3A_866 : i32 to index
        %get3A_877 = arith.constant 16 : index
        %get3A_878 = tpu.vector_load %arg12[%get3A_876, %get3A_877] {strides = array<i32>} : memref<64x128xf32, #tpu.memory_space<vmem>>, vector<16xf32>,
        %mul3A_879 = arith.mulf %get3A_878, %gather3A_868 : vector<16xf32>
        %swap3A_880 = arith.index_cast %add3A_866 : i32 to index
        %swap3A_881 = arith.constant 16 : index
        %swap3A_882 = tpu.vector_load %arg12[%swap3A_880, %swap3A_881] {strides = array<i32>} : memref<64x128xf32, #tpu.memory_space<vmem>>, vector<16xf32>,
        tpu.vector_store %arg12[%swap3A_880, %swap3A_881], %mul3A_879 {strides = array<i32>} : memref<64x128xf32, #tpu.memory_space<vmem>>, vector<16xf32>,
        %get3A_883 = arith.index_cast %add3A_866 : i32 to index
        %get3A_884 = arith.constant 32 : index
        %get3A_885 = tpu.vector_load %arg12[%get3A_883, %get3A_884] {strides = array<i32>} : memref<64x128xf32, #tpu.memory_space<vmem>>, vector<16xf32>,
        %mul3A_886 = arith.mulf %get3A_885, %gather3A_868 : vector<16xf32>
        %swap3A_887 = arith.index_cast %add3A_866 : i32 to index
        %swap3A_888 = arith.constant 32 : index
        %swap3A_889 = tpu.vector_load %arg12[%swap3A_887, %swap3A_888] {strides = array<i32>} : memref<64x128xf32, #tpu.memory_space<vmem>>, vector<16xf32>,
        tpu.vector_store %arg12[%swap3A_887, %swap3A_888], %mul3A_886 {strides = array<i32>} : memref<64x128xf32, #tpu.memory_space<vmem>>, vector<16xf32>,
        %get3A_890 = arith.index_cast %add3A_866 : i32 to index
        %get3A_891 = arith.constant 48 : index
        %get3A_892 = tpu.vector_load %arg12[%get3A_890, %get3A_891] {strides = array<i32>} : memref<64x128xf32, #tpu.memory_space<vmem>>, vector<16xf32>,
        %mul3A_893 = arith.mulf %get3A_892, %gather3A_868 : vector<16xf32>
        %swap3A_894 = arith.index_cast %add3A_866 : i32 to index
        %swap3A_895 = arith.constant 48 : index
        %swap3A_896 = tpu.vector_load %arg12[%swap3A_894, %swap3A_895] {strides = array<i32>} : memref<64x128xf32, #tpu.memory_space<vmem>>, vector<16xf32>,
        tpu.vector_store %arg12[%swap3A_894, %swap3A_895], %mul3A_893 {strides = array<i32>} : memref<64x128xf32, #tpu.memory_space<vmem>>, vector<16xf32>,
        %get3A_897 = arith.index_cast %add3A_866 : i32 to index
        %get3A_898 = arith.constant 64 : index
        %get3A_899 = tpu.vector_load %arg12[%get3A_897, %get3A_898] {strides = array<i32>} : memref<64x128xf32, #tpu.memory_space<vmem>>, vector<16xf32>,
        %mul3A_900 = arith.mulf %get3A_899, %gather3A_868 : vector<16xf32>
        %swap3A_901 = arith.index_cast %add3A_866 : i32 to index
        %swap3A_902 = arith.constant 64 : index
        %swap3A_903 = tpu.vector_load %arg12[%swap3A_901, %swap3A_902] {strides = array<i32>} : memref<64x128xf32, #tpu.memory_space<vmem>>, vector<16xf32>,
        tpu.vector_store %arg12[%swap3A_901, %swap3A_902], %mul3A_900 {strides = array<i32>} : memref<64x128xf32, #tpu.memory_space<vmem>>, vector<16xf32>,
        %get3A_904 = arith.index_cast %add3A_866 : i32 to index
        %get3A_905 = arith.constant 80 : index
        %get3A_906 = tpu.vector_load %arg12[%get3A_904, %get3A_905] {strides = array<i32>} : memref<64x128xf32, #tpu.memory_space<vmem>>, vector<16xf32>,
        %mul3A_907 = arith.mulf %get3A_906, %gather3A_868 : vector<16xf32>
        %swap3A_908 = arith.index_cast %add3A_866 : i32 to index
        %swap3A_909 = arith.constant 80 : index
        %swap3A_910 = tpu.vector_load %arg12[%swap3A_908, %swap3A_909] {strides = array<i32>} : memref<64x128xf32, #tpu.memory_space<vmem>>, vector<16xf32>,
        tpu.vector_store %arg12[%swap3A_908, %swap3A_909], %mul3A_907 {strides = array<i32>} : memref<64x128xf32, #tpu.memory_space<vmem>>, vector<16xf32>,
        %get3A_911 = arith.index_cast %add3A_866 : i32 to index
        %get3A_912 = arith.constant 96 : index
        %get3A_913 = tpu.vector_load %arg12[%get3A_911, %get3A_912] {strides = array<i32>} : memref<64x128xf32, #tpu.memory_space<vmem>>, vector<16xf32>,
        %mul3A_914 = arith.mulf %get3A_913, %gather3A_868 : vector<16xf32>
        %swap3A_915 = arith.index_cast %add3A_866 : i32 to index
        %swap3A_916 = arith.constant 96 : index
        %swap3A_917 = tpu.vector_load %arg12[%swap3A_915, %swap3A_916] {strides = array<i32>} : memref<64x128xf32, #tpu.memory_space<vmem>>, vector<16xf32>,
        tpu.vector_store %arg12[%swap3A_915, %swap3A_916], %mul3A_914 {strides = array<i32>} : memref<64x128xf32, #tpu.memory_space<vmem>>, vector<16xf32>,
        %get3A_918 = arith.index_cast %add3A_866 : i32 to index
        %get3A_919 = arith.constant 112 : index
        %get3A_920 = tpu.vector_load %arg12[%get3A_918, %get3A_919] {strides = array<i32>} : memref<64x128xf32, #tpu.memory_space<vmem>>, vector<16xf32>,
        %mul3A_921 = arith.mulf %get3A_920, %gather3A_868 : vector<16xf32>
        %swap3A_922 = arith.index_cast %add3A_866 : i32 to index
        %swap3A_923 = arith.constant 112 : index
        %swap3A_924 = tpu.vector_load %arg12[%swap3A_922, %swap3A_923] {strides = array<i32>} : memref<64x128xf32, #tpu.memory_space<vmem>>, vector<16xf32>,
        tpu.vector_store %arg12[%swap3A_922, %swap3A_923], %mul3A_921 {strides = array<i32>} : memref<64x128xf32, #tpu.memory_space<vmem>>, vector<16xf32>,
      }
      %scan3A_308 = arith.constant 64 : i32
      %dma_start3A_309 = arith.constant 1 : i32
      %dma_start3A_310 = arith.constant 0 : i32
      %dma_start3A_311 = tpu.memref_slice %arg7[%dma_start3A_309, %dma_start3A_310] : memref<3x64xi32, #tpu.memory_space<vmem>> -> memref<1x64xi32, #tpu.memory_space<vmem>>
      %dma_start3A_312 = tpu.memref_squeeze %dma_start3A_311 : memref<1x64xi32, #tpu.memory_space<vmem>> -> memref<64xi32, #tpu.memory_space<vmem>>
      %dma_start3A_313 = arith.constant 0 : i32
      %dma_start3A_314 = arith.constant 0 : i32
      %dma_start3A_315 = tpu.memref_slice %arg16[%dma_start3A_313, %dma_start3A_314] : memref<10240x128xf32, #tpu.memory_space<vmem_shared>> -> memref<10240x128xf32, #tpu.memory_space<vmem_shared>>
      tpu.enqueue_indirect_dma source(%arg12 : memref<64x128xf32, #tpu.memory_space<vmem>>) target(%dma_start3A_315 : memref<10240x128xf32, #tpu.memory_space<vmem_shared>>) offsets(%dma_start3A_312 : memref<64xi32, #tpu.memory_space<vmem>>) semaphore(%arg25 : memref<!tpu.dma_semaphore, #tpu.memory_space<semaphore_mem>>) {add = true}
      %add3A_316 = arith.constant 1 : i32
      %add3A_317 = arith.addi %add3A_142, %add3A_316 : i32
      %ge3A_318 = arith.constant 2 : i32
      %ge3A_319 = arith.cmpi sge, %add3A_317, %ge3A_318 : i32
      %convert_element_type3A_320 = arith.extui %ge3A_319 : i1 to i32
      %cond3A_321 = arith.constant 0 : i32
      %cond3A_322 = arith.cmpi ne, %convert_element_type3A_320, %cond3A_321 : i32
      scf.if %cond3A_322 {
        %dma_wait3A_862 = arith.constant 1 : i32
        %dma_wait3A_863 = arith.constant 0 : i32
        %dma_wait3A_864 = tpu.memref_slice %arg10[%dma_wait3A_862, %dma_wait3A_863] : memref<3x64xi32, #tpu.memory_space<vmem>> -> memref<1x64xi32, #tpu.memory_space<vmem>>
        %dma_wait3A_865 = tpu.memref_squeeze %dma_wait3A_864 : memref<1x64xi32, #tpu.memory_space<vmem>> -> memref<64xi32, #tpu.memory_space<vmem>>
        %dma_wait3A_866 = arith.constant 0 : i32
        %dma_wait3A_867 = arith.constant 0 : i32
        %dma_wait3A_868 = tpu.memref_slice %arg16[%dma_wait3A_866, %dma_wait3A_867] : memref<10240x128xf32, #tpu.memory_space<vmem_shared>> -> memref<10240x128xf32, #tpu.memory_space<vmem_shared>>
        tpu.wait_indirect_dma semaphore(%arg28 : memref<!tpu.dma_semaphore, #tpu.memory_space<semaphore_mem>>) src(%arg15 : memref<64x128xf32, #tpu.memory_space<vmem>>) dst(%dma_wait3A_868 : memref<10240x128xf32, #tpu.memory_space<vmem_shared>>)
      } else {
      }
      %add3A_323 = arith.constant 2 : i32
      %add3A_324 = arith.addi %add3A_317, %add3A_323 : i32
      %lt3A_325 = arith.cmpi slt, %add3A_324, %select_n3A : i32
      %convert_element_type3A_326 = arith.extui %lt3A_325 : i1 to i32
      %cond3A_327 = arith.constant 0 : i32
      %cond3A_328 = arith.cmpi ne, %convert_element_type3A_326, %cond3A_327 : i32
      scf.if %cond3A_328 {
        %add3A_862 = arith.constant 2 : i32
        %add3A_863 = arith.addi %add3A_317, %add3A_862 : i32
        %add3A_864 = arith.addi %select_n3A_9, %add3A_863 : i32
        %dma_start3A_865 = arith.constant 0 : i32
        %dma_start3A_866 = arith.constant 0 : i32
        %dma_start3A_867 = tpu.memref_slice %arg2[%add3A_864, %dma_start3A_865, %dma_start3A_866] : memref<5120x3x64xi32, #tpu.memory_space<hbm>> -> memref<1x3x64xi32, #tpu.memory_space<hbm>>
        %dma_start3A_868 = tpu.memref_squeeze %dma_start3A_867 : memref<1x3x64xi32, #tpu.memory_space<hbm>> -> memref<3x64xi32, #tpu.memory_space<hbm>>
        %dma_start3A_869 = arith.constant 0 : i32
        %dma_start3A_870 = arith.constant 0 : i32
        %dma_start3A_871 = tpu.memref_slice %arg2[%add3A_864, %dma_start3A_869, %dma_start3A_870] : memref<5120x3x64xi32, #tpu.memory_space<hbm>> -> memref<1x3x64xi32, #tpu.memory_space<hbm>>
        %dma_start3A_872 = tpu.memref_squeeze %dma_start3A_871 : memref<1x3x64xi32, #tpu.memory_space<hbm>> -> memref<3x64xi32, #tpu.memory_space<hbm>>
        tpu.enqueue_dma source(%dma_start3A_872 : memref<3x64xi32, #tpu.memory_space<hbm>>) target(%arg10 : memref<3x64xi32, #tpu.memory_space<vmem>>) target_semaphore(%arg24 : memref<!tpu.dma_semaphore, #tpu.memory_space<semaphore_mem>>)
      } else {
      }
      %add3A_329 = arith.constant 1 : i32
      %add3A_330 = arith.addi %add3A_317, %add3A_329 : i32
      %lt3A_331 = arith.cmpi slt, %add3A_330, %select_n3A : i32
      %convert_element_type3A_332 = arith.extui %lt3A_331 : i1 to i32
      %cond3A_333 = arith.constant 0 : i32
      %cond3A_334 = arith.cmpi ne, %convert_element_type3A_332, %cond3A_333 : i32
      scf.if %cond3A_334 {
        %dma_wait3A_862 = arith.constant 0 : i32
        %dma_wait3A_863 = arith.constant 0 : i32
        %dma_wait3A_864 = tpu.memref_slice %arg2[%select_n3A_9, %dma_wait3A_862, %dma_wait3A_863] : memref<5120x3x64xi32, #tpu.memory_space<hbm>> -> memref<1x3x64xi32, #tpu.memory_space<hbm>>
        %dma_wait3A_865 = tpu.memref_squeeze %dma_wait3A_864 : memref<1x3x64xi32, #tpu.memory_space<hbm>> -> memref<3x64xi32, #tpu.memory_space<hbm>>
        %dma_wait3A_866 = arith.constant 0 : i32
        %dma_wait3A_867 = arith.constant 0 : i32
        %dma_wait3A_868 = tpu.memref_slice %arg2[%select_n3A_9, %dma_wait3A_866, %dma_wait3A_867] : memref<5120x3x64xi32, #tpu.memory_space<hbm>> -> memref<1x3x64xi32, #tpu.memory_space<hbm>>
        %dma_wait3A_869 = tpu.memref_squeeze %dma_wait3A_868 : memref<1x3x64xi32, #tpu.memory_space<hbm>> -> memref<3x64xi32, #tpu.memory_space<hbm>>
        tpu.wait_dma2 semaphore(%arg23 : memref<!tpu.dma_semaphore, #tpu.memory_space<semaphore_mem>>) src(%dma_wait3A_869 : memref<3x64xi32, #tpu.memory_space<hbm>>) dst(%arg9 : memref<3x64xi32, #tpu.memory_space<vmem>>)
        %get3A_870 = arith.constant 0 : i32
        %get3A_871 = arith.index_cast %get3A_870 : i32 to index
        %get3A_872 = arith.constant 0 : index
        %get3A_873 = tpu.vector_load %arg9[%get3A_871, %get3A_872] {strides = array<i32>} : memref<3x64xi32, #tpu.memory_space<vmem>>, vector<16xi32>,
        %add3A_874 = vector.broadcast %mul3A_37 : i32 to vector<16xi32>
        %add3A_875 = arith.addi %get3A_873, %add3A_874 : vector<16xi32>
        %swap3A_876 = arith.constant 0 : i32
        %swap3A_877 = arith.index_cast %swap3A_876 : i32 to index
        %swap3A_878 = arith.constant 0 : index
        %swap3A_879 = tpu.vector_load %arg9[%swap3A_877, %swap3A_878] {strides = array<i32>} : memref<3x64xi32, #tpu.memory_space<vmem>>, vector<16xi32>,
        tpu.vector_store %arg9[%swap3A_877, %swap3A_878], %add3A_875 {strides = array<i32>} : memref<3x64xi32, #tpu.memory_space<vmem>>, vector<16xi32>,
        %get3A_880 = arith.constant 0 : i32
        %get3A_881 = arith.index_cast %get3A_880 : i32 to index
        %get3A_882 = arith.constant 16 : index
        %get3A_883 = tpu.vector_load %arg9[%get3A_881, %get3A_882] {strides = array<i32>} : memref<3x64xi32, #tpu.memory_space<vmem>>, vector<16xi32>,
        %add3A_884 = vector.broadcast %mul3A_37 : i32 to vector<16xi32>
        %add3A_885 = arith.addi %get3A_883, %add3A_884 : vector<16xi32>
        %swap3A_886 = arith.constant 0 : i32
        %swap3A_887 = arith.index_cast %swap3A_886 : i32 to index
        %swap3A_888 = arith.constant 16 : index
        %swap3A_889 = tpu.vector_load %arg9[%swap3A_887, %swap3A_888] {strides = array<i32>} : memref<3x64xi32, #tpu.memory_space<vmem>>, vector<16xi32>,
        tpu.vector_store %arg9[%swap3A_887, %swap3A_888], %add3A_885 {strides = array<i32>} : memref<3x64xi32, #tpu.memory_space<vmem>>, vector<16xi32>,
        %get3A_890 = arith.constant 0 : i32
        %get3A_891 = arith.index_cast %get3A_890 : i32 to index
        %get3A_892 = arith.constant 32 : index
        %get3A_893 = tpu.vector_load %arg9[%get3A_891, %get3A_892] {strides = array<i32>} : memref<3x64xi32, #tpu.memory_space<vmem>>, vector<16xi32>,
        %add3A_894 = vector.broadcast %mul3A_37 : i32 to vector<16xi32>
        %add3A_895 = arith.addi %get3A_893, %add3A_894 : vector<16xi32>
        %swap3A_896 = arith.constant 0 : i32
        %swap3A_897 = arith.index_cast %swap3A_896 : i32 to index
        %swap3A_898 = arith.constant 32 : index
        %swap3A_899 = tpu.vector_load %arg9[%swap3A_897, %swap3A_898] {strides = array<i32>} : memref<3x64xi32, #tpu.memory_space<vmem>>, vector<16xi32>,
        tpu.vector_store %arg9[%swap3A_897, %swap3A_898], %add3A_895 {strides = array<i32>} : memref<3x64xi32, #tpu.memory_space<vmem>>, vector<16xi32>,
        %get3A_900 = arith.constant 0 : i32
        %get3A_901 = arith.index_cast %get3A_900 : i32 to index
        %get3A_902 = arith.constant 48 : index
        %get3A_903 = tpu.vector_load %arg9[%get3A_901, %get3A_902] {strides = array<i32>} : memref<3x64xi32, #tpu.memory_space<vmem>>, vector<16xi32>,
        %add3A_904 = vector.broadcast %mul3A_37 : i32 to vector<16xi32>
        %add3A_905 = arith.addi %get3A_903, %add3A_904 : vector<16xi32>
        %swap3A_906 = arith.constant 0 : i32
        %swap3A_907 = arith.index_cast %swap3A_906 : i32 to index
        %swap3A_908 = arith.constant 48 : index
        %swap3A_909 = tpu.vector_load %arg9[%swap3A_907, %swap3A_908] {strides = array<i32>} : memref<3x64xi32, #tpu.memory_space<vmem>>, vector<16xi32>,
        tpu.vector_store %arg9[%swap3A_907, %swap3A_908], %add3A_905 {strides = array<i32>} : memref<3x64xi32, #tpu.memory_space<vmem>>, vector<16xi32>,
        %dma_start3A_910 = arith.constant 0 : i32
        %dma_start3A_911 = arith.constant 0 : i32
        %dma_start3A_912 = tpu.memref_slice %arg9[%dma_start3A_910, %dma_start3A_911] : memref<3x64xi32, #tpu.memory_space<vmem>> -> memref<1x64xi32, #tpu.memory_space<vmem>>
        %dma_start3A_913 = tpu.memref_squeeze %dma_start3A_912 : memref<1x64xi32, #tpu.memory_space<vmem>> -> memref<64xi32, #tpu.memory_space<vmem>>
        %dma_start3A_914 = arith.constant 0 : i32
        %dma_start3A_915 = arith.constant 0 : i32
        %dma_start3A_916 = tpu.memref_slice %arg4[%dma_start3A_914, %dma_start3A_915] : memref<20000x128xf32, #tpu.memory_space<hbm>> -> memref<20000x128xf32, #tpu.memory_space<hbm>>
        tpu.enqueue_indirect_dma source(%dma_start3A_916 : memref<20000x128xf32, #tpu.memory_space<hbm>>) target(%arg14 : memref<64x128xf32, #tpu.memory_space<vmem>>) offsets(%dma_start3A_913 : memref<64xi32, #tpu.memory_space<vmem>>) semaphore(%arg19 : memref<!tpu.dma_semaphore, #tpu.memory_space<semaphore_mem>>)
      } else {
      }
      %dma_wait3A_335 = arith.constant 0 : i32
      %dma_wait3A_336 = arith.constant 0 : i32
      %dma_wait3A_337 = tpu.memref_slice %arg8[%dma_wait3A_335, %dma_wait3A_336] : memref<3x64xi32, #tpu.memory_space<vmem>> -> memref<1x64xi32, #tpu.memory_space<vmem>>
      %dma_wait3A_338 = tpu.memref_squeeze %dma_wait3A_337 : memref<1x64xi32, #tpu.memory_space<vmem>> -> memref<64xi32, #tpu.memory_space<vmem>>
      %dma_wait3A_339 = arith.constant 0 : i32
      %dma_wait3A_340 = arith.constant 0 : i32
      %dma_wait3A_341 = tpu.memref_slice %arg4[%dma_wait3A_339, %dma_wait3A_340] : memref<20000x128xf32, #tpu.memory_space<hbm>> -> memref<20000x128xf32, #tpu.memory_space<hbm>>
      tpu.wait_indirect_dma semaphore(%arg18 : memref<!tpu.dma_semaphore, #tpu.memory_space<semaphore_mem>>) src(%dma_wait3A_341 : memref<20000x128xf32, #tpu.memory_space<hbm>>) dst(%arg13 : memref<64x128xf32, #tpu.memory_space<vmem>>)
      %get3A_342 = arith.constant 2 : i32
      %get3A_343 = arith.index_cast %get3A_342 : i32 to index
      %get3A_344 = arith.constant 0 : index
      %get3A_345 = tpu.vector_load %arg8[%get3A_343, %get3A_344] {strides = array<i32>} : memref<3x64xi32, #tpu.memory_space<vmem>>, vector<16xi32>,
      %bitcast3A_346 = vector.bitcast %get3A_345 : vector<16xi32> to vector<16xf32>
      %get3A_347 = arith.constant 0 : i32
      %get3A_348 = arith.index_cast %get3A_347 : i32 to index
      %get3A_349 = arith.constant 0 : index
      %get3A_350 = tpu.vector_load %arg8[%get3A_348, %get3A_349] {strides = array<i32>} : memref<3x64xi32, #tpu.memory_space<vmem>>, vector<16xi32>,
      %sub3A_351 = vector.broadcast %mul3A_37 : i32 to vector<16xi32>
      %sub3A_352 = arith.subi %get3A_350, %sub3A_351 : vector<16xi32>
      %shift_right_logical3A_353 = arith.constant 7 : i32
      %shift_right_logical3A_354 = vector.broadcast %shift_right_logical3A_353 : i32 to vector<16xi32>
      %shift_right_logical3A_355 = arith.shrui %sub3A_352, %shift_right_logical3A_354 : vector<16xi32>
      %and3A_356 = arith.constant 127 : i32
      %and3A_357 = vector.broadcast %and3A_356 : i32 to vector<16xi32>
      %and3A_358 = arith.andi %sub3A_352, %and3A_357 : vector<16xi32>
      %get3A_359 = arith.constant 1 : i32
      %get3A_360 = arith.index_cast %get3A_359 : i32 to index
      %get3A_361 = arith.constant 0 : index
      %get3A_362 = tpu.vector_load %arg8[%get3A_360, %get3A_361] {strides = array<i32>} : memref<3x64xi32, #tpu.memory_space<vmem>>, vector<16xi32>,
      %shift_right_logical3A_363 = arith.constant 7 : i32
      %shift_right_logical3A_364 = vector.broadcast %shift_right_logical3A_363 : i32 to vector<16xi32>
      %shift_right_logical3A_365 = arith.shrui %get3A_362, %shift_right_logical3A_364 : vector<16xi32>
      %and3A_366 = arith.constant 127 : i32
      %and3A_367 = vector.broadcast %and3A_366 : i32 to vector<16xi32>
      %and3A_368 = arith.andi %get3A_362, %and3A_367 : vector<16xi32>
      %gather3A_369 = tpu.vector_load_idx %arg6[%shift_right_logical3A_355, %and3A_358] : memref<80x128xf32, #tpu.memory_space<vmem>>[vector<16xi32>, vector<16xi32>], vector<16xf32>,
      %gather3A_370 = tpu.vector_load_idx %arg6[%shift_right_logical3A_365, %and3A_368] : memref<80x128xf32, #tpu.memory_space<vmem>>[vector<16xi32>, vector<16xi32>], vector<16xf32>,
      %mul3A_371 = arith.mulf %bitcast3A_346, %gather3A_369 : vector<16xf32>
      %mul3A_372 = arith.mulf %mul3A_371, %gather3A_370 : vector<16xf32>
      %neg3A_373 = arith.constant 0.000000e+00 : f32
      %neg3A_374 = vector.broadcast %neg3A_373 : f32 to vector<16xf32>
      %neg3A_375 = arith.subf %neg3A_374, %mul3A_372 : vector<16xf32>
      %swap3A_376 = arith.constant 0 : index
      %swap3A_377 = tpu.vector_load %arg11[%swap3A_376] {strides = array<i32>} : memref<64xf32, #tpu.memory_space<vmem>>, vector<16xf32>,
      tpu.vector_store %arg11[%swap3A_376], %neg3A_375 {strides = array<i32>} : memref<64xf32, #tpu.memory_space<vmem>>, vector<16xf32>,
      %get3A_378 = arith.constant 2 : i32
      %get3A_379 = arith.index_cast %get3A_378 : i32 to index
      %get3A_380 = arith.constant 16 : index
      %get3A_381 = tpu.vector_load %arg8[%get3A_379, %get3A_380] {strides = array<i32>} : memref<3x64xi32, #tpu.memory_space<vmem>>, vector<16xi32>,
      %bitcast3A_382 = vector.bitcast %get3A_381 : vector<16xi32> to vector<16xf32>
      %get3A_383 = arith.constant 0 : i32
      %get3A_384 = arith.index_cast %get3A_383 : i32 to index
      %get3A_385 = arith.constant 16 : index
      %get3A_386 = tpu.vector_load %arg8[%get3A_384, %get3A_385] {strides = array<i32>} : memref<3x64xi32, #tpu.memory_space<vmem>>, vector<16xi32>,
      %sub3A_387 = vector.broadcast %mul3A_37 : i32 to vector<16xi32>
      %sub3A_388 = arith.subi %get3A_386, %sub3A_387 : vector<16xi32>
      %shift_right_logical3A_389 = arith.constant 7 : i32
      %shift_right_logical3A_390 = vector.broadcast %shift_right_logical3A_389 : i32 to vector<16xi32>
      %shift_right_logical3A_391 = arith.shrui %sub3A_388, %shift_right_logical3A_390 : vector<16xi32>
      %and3A_392 = arith.constant 127 : i32
      %and3A_393 = vector.broadcast %and3A_392 : i32 to vector<16xi32>
      %and3A_394 = arith.andi %sub3A_388, %and3A_393 : vector<16xi32>
      %get3A_395 = arith.constant 1 : i32
      %get3A_396 = arith.index_cast %get3A_395 : i32 to index
      %get3A_397 = arith.constant 16 : index
      %get3A_398 = tpu.vector_load %arg8[%get3A_396, %get3A_397] {strides = array<i32>} : memref<3x64xi32, #tpu.memory_space<vmem>>, vector<16xi32>,
      %shift_right_logical3A_399 = arith.constant 7 : i32
      %shift_right_logical3A_400 = vector.broadcast %shift_right_logical3A_399 : i32 to vector<16xi32>
      %shift_right_logical3A_401 = arith.shrui %get3A_398, %shift_right_logical3A_400 : vector<16xi32>
      %and3A_402 = arith.constant 127 : i32
      %and3A_403 = vector.broadcast %and3A_402 : i32 to vector<16xi32>
      %and3A_404 = arith.andi %get3A_398, %and3A_403 : vector<16xi32>
      %gather3A_405 = tpu.vector_load_idx %arg6[%shift_right_logical3A_391, %and3A_394] : memref<80x128xf32, #tpu.memory_space<vmem>>[vector<16xi32>, vector<16xi32>], vector<16xf32>,
      %gather3A_406 = tpu.vector_load_idx %arg6[%shift_right_logical3A_401, %and3A_404] : memref<80x128xf32, #tpu.memory_space<vmem>>[vector<16xi32>, vector<16xi32>], vector<16xf32>,
      %mul3A_407 = arith.mulf %bitcast3A_382, %gather3A_405 : vector<16xf32>
      %mul3A_408 = arith.mulf %mul3A_407, %gather3A_406 : vector<16xf32>
      %neg3A_409 = arith.constant 0.000000e+00 : f32
      %neg3A_410 = vector.broadcast %neg3A_409 : f32 to vector<16xf32>
      %neg3A_411 = arith.subf %neg3A_410, %mul3A_408 : vector<16xf32>
      %swap3A_412 = arith.constant 16 : index
      %swap3A_413 = tpu.vector_load %arg11[%swap3A_412] {strides = array<i32>} : memref<64xf32, #tpu.memory_space<vmem>>, vector<16xf32>,
      tpu.vector_store %arg11[%swap3A_412], %neg3A_411 {strides = array<i32>} : memref<64xf32, #tpu.memory_space<vmem>>, vector<16xf32>,
      %get3A_414 = arith.constant 2 : i32
      %get3A_415 = arith.index_cast %get3A_414 : i32 to index
      %get3A_416 = arith.constant 32 : index
      %get3A_417 = tpu.vector_load %arg8[%get3A_415, %get3A_416] {strides = array<i32>} : memref<3x64xi32, #tpu.memory_space<vmem>>, vector<16xi32>,
      %bitcast3A_418 = vector.bitcast %get3A_417 : vector<16xi32> to vector<16xf32>
      %get3A_419 = arith.constant 0 : i32
      %get3A_420 = arith.index_cast %get3A_419 : i32 to index
      %get3A_421 = arith.constant 32 : index
      %get3A_422 = tpu.vector_load %arg8[%get3A_420, %get3A_421] {strides = array<i32>} : memref<3x64xi32, #tpu.memory_space<vmem>>, vector<16xi32>,
      %sub3A_423 = vector.broadcast %mul3A_37 : i32 to vector<16xi32>
      %sub3A_424 = arith.subi %get3A_422, %sub3A_423 : vector<16xi32>
      %shift_right_logical3A_425 = arith.constant 7 : i32
      %shift_right_logical3A_426 = vector.broadcast %shift_right_logical3A_425 : i32 to vector<16xi32>
      %shift_right_logical3A_427 = arith.shrui %sub3A_424, %shift_right_logical3A_426 : vector<16xi32>
      %and3A_428 = arith.constant 127 : i32
      %and3A_429 = vector.broadcast %and3A_428 : i32 to vector<16xi32>
      %and3A_430 = arith.andi %sub3A_424, %and3A_429 : vector<16xi32>
      %get3A_431 = arith.constant 1 : i32
      %get3A_432 = arith.index_cast %get3A_431 : i32 to index
      %get3A_433 = arith.constant 32 : index
      %get3A_434 = tpu.vector_load %arg8[%get3A_432, %get3A_433] {strides = array<i32>} : memref<3x64xi32, #tpu.memory_space<vmem>>, vector<16xi32>,
      %shift_right_logical3A_435 = arith.constant 7 : i32
      %shift_right_logical3A_436 = vector.broadcast %shift_right_logical3A_435 : i32 to vector<16xi32>
      %shift_right_logical3A_437 = arith.shrui %get3A_434, %shift_right_logical3A_436 : vector<16xi32>
      %and3A_438 = arith.constant 127 : i32
      %and3A_439 = vector.broadcast %and3A_438 : i32 to vector<16xi32>
      %and3A_440 = arith.andi %get3A_434, %and3A_439 : vector<16xi32>
      %gather3A_441 = tpu.vector_load_idx %arg6[%shift_right_logical3A_427, %and3A_430] : memref<80x128xf32, #tpu.memory_space<vmem>>[vector<16xi32>, vector<16xi32>], vector<16xf32>,
      %gather3A_442 = tpu.vector_load_idx %arg6[%shift_right_logical3A_437, %and3A_440] : memref<80x128xf32, #tpu.memory_space<vmem>>[vector<16xi32>, vector<16xi32>], vector<16xf32>,
      %mul3A_443 = arith.mulf %bitcast3A_418, %gather3A_441 : vector<16xf32>
      %mul3A_444 = arith.mulf %mul3A_443, %gather3A_442 : vector<16xf32>
      %neg3A_445 = arith.constant 0.000000e+00 : f32
      %neg3A_446 = vector.broadcast %neg3A_445 : f32 to vector<16xf32>
      %neg3A_447 = arith.subf %neg3A_446, %mul3A_444 : vector<16xf32>
      %swap3A_448 = arith.constant 32 : index
      %swap3A_449 = tpu.vector_load %arg11[%swap3A_448] {strides = array<i32>} : memref<64xf32, #tpu.memory_space<vmem>>, vector<16xf32>,
      tpu.vector_store %arg11[%swap3A_448], %neg3A_447 {strides = array<i32>} : memref<64xf32, #tpu.memory_space<vmem>>, vector<16xf32>,
      %get3A_450 = arith.constant 2 : i32
      %get3A_451 = arith.index_cast %get3A_450 : i32 to index
      %get3A_452 = arith.constant 48 : index
      %get3A_453 = tpu.vector_load %arg8[%get3A_451, %get3A_452] {strides = array<i32>} : memref<3x64xi32, #tpu.memory_space<vmem>>, vector<16xi32>,
      %bitcast3A_454 = vector.bitcast %get3A_453 : vector<16xi32> to vector<16xf32>
      %get3A_455 = arith.constant 0 : i32
      %get3A_456 = arith.index_cast %get3A_455 : i32 to index
      %get3A_457 = arith.constant 48 : index
      %get3A_458 = tpu.vector_load %arg8[%get3A_456, %get3A_457] {strides = array<i32>} : memref<3x64xi32, #tpu.memory_space<vmem>>, vector<16xi32>,
      %sub3A_459 = vector.broadcast %mul3A_37 : i32 to vector<16xi32>
      %sub3A_460 = arith.subi %get3A_458, %sub3A_459 : vector<16xi32>
      %shift_right_logical3A_461 = arith.constant 7 : i32
      %shift_right_logical3A_462 = vector.broadcast %shift_right_logical3A_461 : i32 to vector<16xi32>
      %shift_right_logical3A_463 = arith.shrui %sub3A_460, %shift_right_logical3A_462 : vector<16xi32>
      %and3A_464 = arith.constant 127 : i32
      %and3A_465 = vector.broadcast %and3A_464 : i32 to vector<16xi32>
      %and3A_466 = arith.andi %sub3A_460, %and3A_465 : vector<16xi32>
      %get3A_467 = arith.constant 1 : i32
      %get3A_468 = arith.index_cast %get3A_467 : i32 to index
      %get3A_469 = arith.constant 48 : index
      %get3A_470 = tpu.vector_load %arg8[%get3A_468, %get3A_469] {strides = array<i32>} : memref<3x64xi32, #tpu.memory_space<vmem>>, vector<16xi32>,
      %shift_right_logical3A_471 = arith.constant 7 : i32
      %shift_right_logical3A_472 = vector.broadcast %shift_right_logical3A_471 : i32 to vector<16xi32>
      %shift_right_logical3A_473 = arith.shrui %get3A_470, %shift_right_logical3A_472 : vector<16xi32>
      %and3A_474 = arith.constant 127 : i32
      %and3A_475 = vector.broadcast %and3A_474 : i32 to vector<16xi32>
      %and3A_476 = arith.andi %get3A_470, %and3A_475 : vector<16xi32>
      %gather3A_477 = tpu.vector_load_idx %arg6[%shift_right_logical3A_463, %and3A_466] : memref<80x128xf32, #tpu.memory_space<vmem>>[vector<16xi32>, vector<16xi32>], vector<16xf32>,
      %gather3A_478 = tpu.vector_load_idx %arg6[%shift_right_logical3A_473, %and3A_476] : memref<80x128xf32, #tpu.memory_space<vmem>>[vector<16xi32>, vector<16xi32>], vector<16xf32>,
      %mul3A_479 = arith.mulf %bitcast3A_454, %gather3A_477 : vector<16xf32>
      %mul3A_480 = arith.mulf %mul3A_479, %gather3A_478 : vector<16xf32>
      %neg3A_481 = arith.constant 0.000000e+00 : f32
      %neg3A_482 = vector.broadcast %neg3A_481 : f32 to vector<16xf32>
      %neg3A_483 = arith.subf %neg3A_482, %mul3A_480 : vector<16xf32>
      %swap3A_484 = arith.constant 48 : index
      %swap3A_485 = tpu.vector_load %arg11[%swap3A_484] {strides = array<i32>} : memref<64xf32, #tpu.memory_space<vmem>>, vector<16xf32>,
      tpu.vector_store %arg11[%swap3A_484], %neg3A_483 {strides = array<i32>} : memref<64xf32, #tpu.memory_space<vmem>>, vector<16xf32>,
      %scan3A_486 = arith.constant 0 : i32
      %scan3A_487 = arith.constant 64 : i32
      %scan3A_488 = arith.addi %scan3A_486, %scan3A_487 : i32
      %scan3A_489 = arith.constant 1 : i32
      scf.for %scan3A_862 = %scan3A_486 to %scan3A_488 step %scan3A_489  : i32 {
        %mul3A_863 = arith.constant 1 : i32
        %mul3A_864 = arith.muli %scan3A_862, %mul3A_863 : i32
        %add3A_865 = arith.constant 0 : i32
        %add3A_866 = arith.addi %add3A_865, %mul3A_864 : i32
        %broadcast_in_dim3A_867 = vector.broadcast %add3A_866 : i32 to vector<16xi32>
        %gather3A_868 = tpu.vector_load_idx %arg11[%broadcast_in_dim3A_867] : memref<64xf32, #tpu.memory_space<vmem>>[vector<16xi32>], vector<16xf32>,
        %get3A_869 = arith.index_cast %add3A_866 : i32 to index
        %get3A_870 = arith.constant 0 : index
        %get3A_871 = tpu.vector_load %arg13[%get3A_869, %get3A_870] {strides = array<i32>} : memref<64x128xf32, #tpu.memory_space<vmem>>, vector<16xf32>,
        %mul3A_872 = arith.mulf %get3A_871, %gather3A_868 : vector<16xf32>
        %swap3A_873 = arith.index_cast %add3A_866 : i32 to index
        %swap3A_874 = arith.constant 0 : index
        %swap3A_875 = tpu.vector_load %arg13[%swap3A_873, %swap3A_874] {strides = array<i32>} : memref<64x128xf32, #tpu.memory_space<vmem>>, vector<16xf32>,
        tpu.vector_store %arg13[%swap3A_873, %swap3A_874], %mul3A_872 {strides = array<i32>} : memref<64x128xf32, #tpu.memory_space<vmem>>, vector<16xf32>,
        %get3A_876 = arith.index_cast %add3A_866 : i32 to index
        %get3A_877 = arith.constant 16 : index
        %get3A_878 = tpu.vector_load %arg13[%get3A_876, %get3A_877] {strides = array<i32>} : memref<64x128xf32, #tpu.memory_space<vmem>>, vector<16xf32>,
        %mul3A_879 = arith.mulf %get3A_878, %gather3A_868 : vector<16xf32>
        %swap3A_880 = arith.index_cast %add3A_866 : i32 to index
        %swap3A_881 = arith.constant 16 : index
        %swap3A_882 = tpu.vector_load %arg13[%swap3A_880, %swap3A_881] {strides = array<i32>} : memref<64x128xf32, #tpu.memory_space<vmem>>, vector<16xf32>,
        tpu.vector_store %arg13[%swap3A_880, %swap3A_881], %mul3A_879 {strides = array<i32>} : memref<64x128xf32, #tpu.memory_space<vmem>>, vector<16xf32>,
        %get3A_883 = arith.index_cast %add3A_866 : i32 to index
        %get3A_884 = arith.constant 32 : index
        %get3A_885 = tpu.vector_load %arg13[%get3A_883, %get3A_884] {strides = array<i32>} : memref<64x128xf32, #tpu.memory_space<vmem>>, vector<16xf32>,
        %mul3A_886 = arith.mulf %get3A_885, %gather3A_868 : vector<16xf32>
        %swap3A_887 = arith.index_cast %add3A_866 : i32 to index
        %swap3A_888 = arith.constant 32 : index
        %swap3A_889 = tpu.vector_load %arg13[%swap3A_887, %swap3A_888] {strides = array<i32>} : memref<64x128xf32, #tpu.memory_space<vmem>>, vector<16xf32>,
        tpu.vector_store %arg13[%swap3A_887, %swap3A_888], %mul3A_886 {strides = array<i32>} : memref<64x128xf32, #tpu.memory_space<vmem>>, vector<16xf32>,
        %get3A_890 = arith.index_cast %add3A_866 : i32 to index
        %get3A_891 = arith.constant 48 : index
        %get3A_892 = tpu.vector_load %arg13[%get3A_890, %get3A_891] {strides = array<i32>} : memref<64x128xf32, #tpu.memory_space<vmem>>, vector<16xf32>,
        %mul3A_893 = arith.mulf %get3A_892, %gather3A_868 : vector<16xf32>
        %swap3A_894 = arith.index_cast %add3A_866 : i32 to index
        %swap3A_895 = arith.constant 48 : index
        %swap3A_896 = tpu.vector_load %arg13[%swap3A_894, %swap3A_895] {strides = array<i32>} : memref<64x128xf32, #tpu.memory_space<vmem>>, vector<16xf32>,
        tpu.vector_store %arg13[%swap3A_894, %swap3A_895], %mul3A_893 {strides = array<i32>} : memref<64x128xf32, #tpu.memory_space<vmem>>, vector<16xf32>,
        %get3A_897 = arith.index_cast %add3A_866 : i32 to index
        %get3A_898 = arith.constant 64 : index
        %get3A_899 = tpu.vector_load %arg13[%get3A_897, %get3A_898] {strides = array<i32>} : memref<64x128xf32, #tpu.memory_space<vmem>>, vector<16xf32>,
        %mul3A_900 = arith.mulf %get3A_899, %gather3A_868 : vector<16xf32>
        %swap3A_901 = arith.index_cast %add3A_866 : i32 to index
        %swap3A_902 = arith.constant 64 : index
        %swap3A_903 = tpu.vector_load %arg13[%swap3A_901, %swap3A_902] {strides = array<i32>} : memref<64x128xf32, #tpu.memory_space<vmem>>, vector<16xf32>,
        tpu.vector_store %arg13[%swap3A_901, %swap3A_902], %mul3A_900 {strides = array<i32>} : memref<64x128xf32, #tpu.memory_space<vmem>>, vector<16xf32>,
        %get3A_904 = arith.index_cast %add3A_866 : i32 to index
        %get3A_905 = arith.constant 80 : index
        %get3A_906 = tpu.vector_load %arg13[%get3A_904, %get3A_905] {strides = array<i32>} : memref<64x128xf32, #tpu.memory_space<vmem>>, vector<16xf32>,
        %mul3A_907 = arith.mulf %get3A_906, %gather3A_868 : vector<16xf32>
        %swap3A_908 = arith.index_cast %add3A_866 : i32 to index
        %swap3A_909 = arith.constant 80 : index
        %swap3A_910 = tpu.vector_load %arg13[%swap3A_908, %swap3A_909] {strides = array<i32>} : memref<64x128xf32, #tpu.memory_space<vmem>>, vector<16xf32>,
        tpu.vector_store %arg13[%swap3A_908, %swap3A_909], %mul3A_907 {strides = array<i32>} : memref<64x128xf32, #tpu.memory_space<vmem>>, vector<16xf32>,
        %get3A_911 = arith.index_cast %add3A_866 : i32 to index
        %get3A_912 = arith.constant 96 : index
        %get3A_913 = tpu.vector_load %arg13[%get3A_911, %get3A_912] {strides = array<i32>} : memref<64x128xf32, #tpu.memory_space<vmem>>, vector<16xf32>,
        %mul3A_914 = arith.mulf %get3A_913, %gather3A_868 : vector<16xf32>
        %swap3A_915 = arith.index_cast %add3A_866 : i32 to index
        %swap3A_916 = arith.constant 96 : index
        %swap3A_917 = tpu.vector_load %arg13[%swap3A_915, %swap3A_916] {strides = array<i32>} : memref<64x128xf32, #tpu.memory_space<vmem>>, vector<16xf32>,
        tpu.vector_store %arg13[%swap3A_915, %swap3A_916], %mul3A_914 {strides = array<i32>} : memref<64x128xf32, #tpu.memory_space<vmem>>, vector<16xf32>,
        %get3A_918 = arith.index_cast %add3A_866 : i32 to index
        %get3A_919 = arith.constant 112 : index
        %get3A_920 = tpu.vector_load %arg13[%get3A_918, %get3A_919] {strides = array<i32>} : memref<64x128xf32, #tpu.memory_space<vmem>>, vector<16xf32>,
        %mul3A_921 = arith.mulf %get3A_920, %gather3A_868 : vector<16xf32>
        %swap3A_922 = arith.index_cast %add3A_866 : i32 to index
        %swap3A_923 = arith.constant 112 : index
        %swap3A_924 = tpu.vector_load %arg13[%swap3A_922, %swap3A_923] {strides = array<i32>} : memref<64x128xf32, #tpu.memory_space<vmem>>, vector<16xf32>,
        tpu.vector_store %arg13[%swap3A_922, %swap3A_923], %mul3A_921 {strides = array<i32>} : memref<64x128xf32, #tpu.memory_space<vmem>>, vector<16xf32>,
      }
      %scan3A_490 = arith.constant 64 : i32
      %dma_start3A_491 = arith.constant 1 : i32
      %dma_start3A_492 = arith.constant 0 : i32
      %dma_start3A_493 = tpu.memref_slice %arg8[%dma_start3A_491, %dma_start3A_492] : memref<3x64xi32, #tpu.memory_space<vmem>> -> memref<1x64xi32, #tpu.memory_space<vmem>>
      %dma_start3A_494 = tpu.memref_squeeze %dma_start3A_493 : memref<1x64xi32, #tpu.memory_space<vmem>> -> memref<64xi32, #tpu.memory_space<vmem>>
      %dma_start3A_495 = arith.constant 0 : i32
      %dma_start3A_496 = arith.constant 0 : i32
      %dma_start3A_497 = tpu.memref_slice %arg16[%dma_start3A_495, %dma_start3A_496] : memref<10240x128xf32, #tpu.memory_space<vmem_shared>> -> memref<10240x128xf32, #tpu.memory_space<vmem_shared>>
      tpu.enqueue_indirect_dma source(%arg13 : memref<64x128xf32, #tpu.memory_space<vmem>>) target(%dma_start3A_497 : memref<10240x128xf32, #tpu.memory_space<vmem_shared>>) offsets(%dma_start3A_494 : memref<64xi32, #tpu.memory_space<vmem>>) semaphore(%arg26 : memref<!tpu.dma_semaphore, #tpu.memory_space<semaphore_mem>>) {add = true}
      %add3A_498 = arith.constant 2 : i32
      %add3A_499 = arith.addi %add3A_142, %add3A_498 : i32
      %ge3A_500 = arith.constant 2 : i32
      %ge3A_501 = arith.cmpi sge, %add3A_499, %ge3A_500 : i32
      %convert_element_type3A_502 = arith.extui %ge3A_501 : i1 to i32
      %cond3A_503 = arith.constant 0 : i32
      %cond3A_504 = arith.cmpi ne, %convert_element_type3A_502, %cond3A_503 : i32
      scf.if %cond3A_504 {
        %dma_wait3A_862 = arith.constant 1 : i32
        %dma_wait3A_863 = arith.constant 0 : i32
        %dma_wait3A_864 = tpu.memref_slice %arg7[%dma_wait3A_862, %dma_wait3A_863] : memref<3x64xi32, #tpu.memory_space<vmem>> -> memref<1x64xi32, #tpu.memory_space<vmem>>
        %dma_wait3A_865 = tpu.memref_squeeze %dma_wait3A_864 : memref<1x64xi32, #tpu.memory_space<vmem>> -> memref<64xi32, #tpu.memory_space<vmem>>
        %dma_wait3A_866 = arith.constant 0 : i32
        %dma_wait3A_867 = arith.constant 0 : i32
        %dma_wait3A_868 = tpu.memref_slice %arg16[%dma_wait3A_866, %dma_wait3A_867] : memref<10240x128xf32, #tpu.memory_space<vmem_shared>> -> memref<10240x128xf32, #tpu.memory_space<vmem_shared>>
        tpu.wait_indirect_dma semaphore(%arg25 : memref<!tpu.dma_semaphore, #tpu.memory_space<semaphore_mem>>) src(%arg12 : memref<64x128xf32, #tpu.memory_space<vmem>>) dst(%dma_wait3A_868 : memref<10240x128xf32, #tpu.memory_space<vmem_shared>>)
      } else {
      }
      %add3A_505 = arith.constant 2 : i32
      %add3A_506 = arith.addi %add3A_499, %add3A_505 : i32
      %lt3A_507 = arith.cmpi slt, %add3A_506, %select_n3A : i32
      %convert_element_type3A_508 = arith.extui %lt3A_507 : i1 to i32
      %cond3A_509 = arith.constant 0 : i32
      %cond3A_510 = arith.cmpi ne, %convert_element_type3A_508, %cond3A_509 : i32
      scf.if %cond3A_510 {
        %add3A_862 = arith.constant 2 : i32
        %add3A_863 = arith.addi %add3A_499, %add3A_862 : i32
        %add3A_864 = arith.addi %select_n3A_9, %add3A_863 : i32
        %dma_start3A_865 = arith.constant 0 : i32
        %dma_start3A_866 = arith.constant 0 : i32
        %dma_start3A_867 = tpu.memref_slice %arg2[%add3A_864, %dma_start3A_865, %dma_start3A_866] : memref<5120x3x64xi32, #tpu.memory_space<hbm>> -> memref<1x3x64xi32, #tpu.memory_space<hbm>>
        %dma_start3A_868 = tpu.memref_squeeze %dma_start3A_867 : memref<1x3x64xi32, #tpu.memory_space<hbm>> -> memref<3x64xi32, #tpu.memory_space<hbm>>
        %dma_start3A_869 = arith.constant 0 : i32
        %dma_start3A_870 = arith.constant 0 : i32
        %dma_start3A_871 = tpu.memref_slice %arg2[%add3A_864, %dma_start3A_869, %dma_start3A_870] : memref<5120x3x64xi32, #tpu.memory_space<hbm>> -> memref<1x3x64xi32, #tpu.memory_space<hbm>>
        %dma_start3A_872 = tpu.memref_squeeze %dma_start3A_871 : memref<1x3x64xi32, #tpu.memory_space<hbm>> -> memref<3x64xi32, #tpu.memory_space<hbm>>
        tpu.enqueue_dma source(%dma_start3A_872 : memref<3x64xi32, #tpu.memory_space<hbm>>) target(%arg7 : memref<3x64xi32, #tpu.memory_space<vmem>>) target_semaphore(%arg21 : memref<!tpu.dma_semaphore, #tpu.memory_space<semaphore_mem>>)
      } else {
      }
      %add3A_511 = arith.constant 1 : i32
      %add3A_512 = arith.addi %add3A_499, %add3A_511 : i32
      %lt3A_513 = arith.cmpi slt, %add3A_512, %select_n3A : i32
      %convert_element_type3A_514 = arith.extui %lt3A_513 : i1 to i32
      %cond3A_515 = arith.constant 0 : i32
      %cond3A_516 = arith.cmpi ne, %convert_element_type3A_514, %cond3A_515 : i32
      scf.if %cond3A_516 {
        %dma_wait3A_862 = arith.constant 0 : i32
        %dma_wait3A_863 = arith.constant 0 : i32
        %dma_wait3A_864 = tpu.memref_slice %arg2[%select_n3A_9, %dma_wait3A_862, %dma_wait3A_863] : memref<5120x3x64xi32, #tpu.memory_space<hbm>> -> memref<1x3x64xi32, #tpu.memory_space<hbm>>
        %dma_wait3A_865 = tpu.memref_squeeze %dma_wait3A_864 : memref<1x3x64xi32, #tpu.memory_space<hbm>> -> memref<3x64xi32, #tpu.memory_space<hbm>>
        %dma_wait3A_866 = arith.constant 0 : i32
        %dma_wait3A_867 = arith.constant 0 : i32
        %dma_wait3A_868 = tpu.memref_slice %arg2[%select_n3A_9, %dma_wait3A_866, %dma_wait3A_867] : memref<5120x3x64xi32, #tpu.memory_space<hbm>> -> memref<1x3x64xi32, #tpu.memory_space<hbm>>
        %dma_wait3A_869 = tpu.memref_squeeze %dma_wait3A_868 : memref<1x3x64xi32, #tpu.memory_space<hbm>> -> memref<3x64xi32, #tpu.memory_space<hbm>>
        tpu.wait_dma2 semaphore(%arg24 : memref<!tpu.dma_semaphore, #tpu.memory_space<semaphore_mem>>) src(%dma_wait3A_869 : memref<3x64xi32, #tpu.memory_space<hbm>>) dst(%arg10 : memref<3x64xi32, #tpu.memory_space<vmem>>)
        %get3A_870 = arith.constant 0 : i32
        %get3A_871 = arith.index_cast %get3A_870 : i32 to index
        %get3A_872 = arith.constant 0 : index
        %get3A_873 = tpu.vector_load %arg10[%get3A_871, %get3A_872] {strides = array<i32>} : memref<3x64xi32, #tpu.memory_space<vmem>>, vector<16xi32>,
        %add3A_874 = vector.broadcast %mul3A_37 : i32 to vector<16xi32>
        %add3A_875 = arith.addi %get3A_873, %add3A_874 : vector<16xi32>
        %swap3A_876 = arith.constant 0 : i32
        %swap3A_877 = arith.index_cast %swap3A_876 : i32 to index
        %swap3A_878 = arith.constant 0 : index
        %swap3A_879 = tpu.vector_load %arg10[%swap3A_877, %swap3A_878] {strides = array<i32>} : memref<3x64xi32, #tpu.memory_space<vmem>>, vector<16xi32>,
        tpu.vector_store %arg10[%swap3A_877, %swap3A_878], %add3A_875 {strides = array<i32>} : memref<3x64xi32, #tpu.memory_space<vmem>>, vector<16xi32>,
        %get3A_880 = arith.constant 0 : i32
        %get3A_881 = arith.index_cast %get3A_880 : i32 to index
        %get3A_882 = arith.constant 16 : index
        %get3A_883 = tpu.vector_load %arg10[%get3A_881, %get3A_882] {strides = array<i32>} : memref<3x64xi32, #tpu.memory_space<vmem>>, vector<16xi32>,
        %add3A_884 = vector.broadcast %mul3A_37 : i32 to vector<16xi32>
        %add3A_885 = arith.addi %get3A_883, %add3A_884 : vector<16xi32>
        %swap3A_886 = arith.constant 0 : i32
        %swap3A_887 = arith.index_cast %swap3A_886 : i32 to index
        %swap3A_888 = arith.constant 16 : index
        %swap3A_889 = tpu.vector_load %arg10[%swap3A_887, %swap3A_888] {strides = array<i32>} : memref<3x64xi32, #tpu.memory_space<vmem>>, vector<16xi32>,
        tpu.vector_store %arg10[%swap3A_887, %swap3A_888], %add3A_885 {strides = array<i32>} : memref<3x64xi32, #tpu.memory_space<vmem>>, vector<16xi32>,
        %get3A_890 = arith.constant 0 : i32
        %get3A_891 = arith.index_cast %get3A_890 : i32 to index
        %get3A_892 = arith.constant 32 : index
        %get3A_893 = tpu.vector_load %arg10[%get3A_891, %get3A_892] {strides = array<i32>} : memref<3x64xi32, #tpu.memory_space<vmem>>, vector<16xi32>,
        %add3A_894 = vector.broadcast %mul3A_37 : i32 to vector<16xi32>
        %add3A_895 = arith.addi %get3A_893, %add3A_894 : vector<16xi32>
        %swap3A_896 = arith.constant 0 : i32
        %swap3A_897 = arith.index_cast %swap3A_896 : i32 to index
        %swap3A_898 = arith.constant 32 : index
        %swap3A_899 = tpu.vector_load %arg10[%swap3A_897, %swap3A_898] {strides = array<i32>} : memref<3x64xi32, #tpu.memory_space<vmem>>, vector<16xi32>,
        tpu.vector_store %arg10[%swap3A_897, %swap3A_898], %add3A_895 {strides = array<i32>} : memref<3x64xi32, #tpu.memory_space<vmem>>, vector<16xi32>,
        %get3A_900 = arith.constant 0 : i32
        %get3A_901 = arith.index_cast %get3A_900 : i32 to index
        %get3A_902 = arith.constant 48 : index
        %get3A_903 = tpu.vector_load %arg10[%get3A_901, %get3A_902] {strides = array<i32>} : memref<3x64xi32, #tpu.memory_space<vmem>>, vector<16xi32>,
        %add3A_904 = vector.broadcast %mul3A_37 : i32 to vector<16xi32>
        %add3A_905 = arith.addi %get3A_903, %add3A_904 : vector<16xi32>
        %swap3A_906 = arith.constant 0 : i32
        %swap3A_907 = arith.index_cast %swap3A_906 : i32 to index
        %swap3A_908 = arith.constant 48 : index
        %swap3A_909 = tpu.vector_load %arg10[%swap3A_907, %swap3A_908] {strides = array<i32>} : memref<3x64xi32, #tpu.memory_space<vmem>>, vector<16xi32>,
        tpu.vector_store %arg10[%swap3A_907, %swap3A_908], %add3A_905 {strides = array<i32>} : memref<3x64xi32, #tpu.memory_space<vmem>>, vector<16xi32>,
        %dma_start3A_910 = arith.constant 0 : i32
        %dma_start3A_911 = arith.constant 0 : i32
        %dma_start3A_912 = tpu.memref_slice %arg10[%dma_start3A_910, %dma_start3A_911] : memref<3x64xi32, #tpu.memory_space<vmem>> -> memref<1x64xi32, #tpu.memory_space<vmem>>
        %dma_start3A_913 = tpu.memref_squeeze %dma_start3A_912 : memref<1x64xi32, #tpu.memory_space<vmem>> -> memref<64xi32, #tpu.memory_space<vmem>>
        %dma_start3A_914 = arith.constant 0 : i32
        %dma_start3A_915 = arith.constant 0 : i32
        %dma_start3A_916 = tpu.memref_slice %arg4[%dma_start3A_914, %dma_start3A_915] : memref<20000x128xf32, #tpu.memory_space<hbm>> -> memref<20000x128xf32, #tpu.memory_space<hbm>>
        tpu.enqueue_indirect_dma source(%dma_start3A_916 : memref<20000x128xf32, #tpu.memory_space<hbm>>) target(%arg15 : memref<64x128xf32, #tpu.memory_space<vmem>>) offsets(%dma_start3A_913 : memref<64xi32, #tpu.memory_space<vmem>>) semaphore(%arg20 : memref<!tpu.dma_semaphore, #tpu.memory_space<semaphore_mem>>)
      } else {
      }
      %dma_wait3A_517 = arith.constant 0 : i32
      %dma_wait3A_518 = arith.constant 0 : i32
      %dma_wait3A_519 = tpu.memref_slice %arg9[%dma_wait3A_517, %dma_wait3A_518] : memref<3x64xi32, #tpu.memory_space<vmem>> -> memref<1x64xi32, #tpu.memory_space<vmem>>
      %dma_wait3A_520 = tpu.memref_squeeze %dma_wait3A_519 : memref<1x64xi32, #tpu.memory_space<vmem>> -> memref<64xi32, #tpu.memory_space<vmem>>
      %dma_wait3A_521 = arith.constant 0 : i32
      %dma_wait3A_522 = arith.constant 0 : i32
      %dma_wait3A_523 = tpu.memref_slice %arg4[%dma_wait3A_521, %dma_wait3A_522] : memref<20000x128xf32, #tpu.memory_space<hbm>> -> memref<20000x128xf32, #tpu.memory_space<hbm>>
      tpu.wait_indirect_dma semaphore(%arg19 : memref<!tpu.dma_semaphore, #tpu.memory_space<semaphore_mem>>) src(%dma_wait3A_523 : memref<20000x128xf32, #tpu.memory_space<hbm>>) dst(%arg14 : memref<64x128xf32, #tpu.memory_space<vmem>>)
      %get3A_524 = arith.constant 2 : i32
      %get3A_525 = arith.index_cast %get3A_524 : i32 to index
      %get3A_526 = arith.constant 0 : index
      %get3A_527 = tpu.vector_load %arg9[%get3A_525, %get3A_526] {strides = array<i32>} : memref<3x64xi32, #tpu.memory_space<vmem>>, vector<16xi32>,
      %bitcast3A_528 = vector.bitcast %get3A_527 : vector<16xi32> to vector<16xf32>
      %get3A_529 = arith.constant 0 : i32
      %get3A_530 = arith.index_cast %get3A_529 : i32 to index
      %get3A_531 = arith.constant 0 : index
      %get3A_532 = tpu.vector_load %arg9[%get3A_530, %get3A_531] {strides = array<i32>} : memref<3x64xi32, #tpu.memory_space<vmem>>, vector<16xi32>,
      %sub3A_533 = vector.broadcast %mul3A_37 : i32 to vector<16xi32>
      %sub3A_534 = arith.subi %get3A_532, %sub3A_533 : vector<16xi32>
      %shift_right_logical3A_535 = arith.constant 7 : i32
      %shift_right_logical3A_536 = vector.broadcast %shift_right_logical3A_535 : i32 to vector<16xi32>
      %shift_right_logical3A_537 = arith.shrui %sub3A_534, %shift_right_logical3A_536 : vector<16xi32>
      %and3A_538 = arith.constant 127 : i32
      %and3A_539 = vector.broadcast %and3A_538 : i32 to vector<16xi32>
      %and3A_540 = arith.andi %sub3A_534, %and3A_539 : vector<16xi32>
      %get3A_541 = arith.constant 1 : i32
      %get3A_542 = arith.index_cast %get3A_541 : i32 to index
      %get3A_543 = arith.constant 0 : index
      %get3A_544 = tpu.vector_load %arg9[%get3A_542, %get3A_543] {strides = array<i32>} : memref<3x64xi32, #tpu.memory_space<vmem>>, vector<16xi32>,
      %shift_right_logical3A_545 = arith.constant 7 : i32
      %shift_right_logical3A_546 = vector.broadcast %shift_right_logical3A_545 : i32 to vector<16xi32>
      %shift_right_logical3A_547 = arith.shrui %get3A_544, %shift_right_logical3A_546 : vector<16xi32>
      %and3A_548 = arith.constant 127 : i32
      %and3A_549 = vector.broadcast %and3A_548 : i32 to vector<16xi32>
      %and3A_550 = arith.andi %get3A_544, %and3A_549 : vector<16xi32>
      %gather3A_551 = tpu.vector_load_idx %arg6[%shift_right_logical3A_537, %and3A_540] : memref<80x128xf32, #tpu.memory_space<vmem>>[vector<16xi32>, vector<16xi32>], vector<16xf32>,
      %gather3A_552 = tpu.vector_load_idx %arg6[%shift_right_logical3A_547, %and3A_550] : memref<80x128xf32, #tpu.memory_space<vmem>>[vector<16xi32>, vector<16xi32>], vector<16xf32>,
      %mul3A_553 = arith.mulf %bitcast3A_528, %gather3A_551 : vector<16xf32>
      %mul3A_554 = arith.mulf %mul3A_553, %gather3A_552 : vector<16xf32>
      %neg3A_555 = arith.constant 0.000000e+00 : f32
      %neg3A_556 = vector.broadcast %neg3A_555 : f32 to vector<16xf32>
      %neg3A_557 = arith.subf %neg3A_556, %mul3A_554 : vector<16xf32>
      %swap3A_558 = arith.constant 0 : index
      %swap3A_559 = tpu.vector_load %arg11[%swap3A_558] {strides = array<i32>} : memref<64xf32, #tpu.memory_space<vmem>>, vector<16xf32>,
      tpu.vector_store %arg11[%swap3A_558], %neg3A_557 {strides = array<i32>} : memref<64xf32, #tpu.memory_space<vmem>>, vector<16xf32>,
      %get3A_560 = arith.constant 2 : i32
      %get3A_561 = arith.index_cast %get3A_560 : i32 to index
      %get3A_562 = arith.constant 16 : index
      %get3A_563 = tpu.vector_load %arg9[%get3A_561, %get3A_562] {strides = array<i32>} : memref<3x64xi32, #tpu.memory_space<vmem>>, vector<16xi32>,
      %bitcast3A_564 = vector.bitcast %get3A_563 : vector<16xi32> to vector<16xf32>
      %get3A_565 = arith.constant 0 : i32
      %get3A_566 = arith.index_cast %get3A_565 : i32 to index
      %get3A_567 = arith.constant 16 : index
      %get3A_568 = tpu.vector_load %arg9[%get3A_566, %get3A_567] {strides = array<i32>} : memref<3x64xi32, #tpu.memory_space<vmem>>, vector<16xi32>,
      %sub3A_569 = vector.broadcast %mul3A_37 : i32 to vector<16xi32>
      %sub3A_570 = arith.subi %get3A_568, %sub3A_569 : vector<16xi32>
      %shift_right_logical3A_571 = arith.constant 7 : i32
      %shift_right_logical3A_572 = vector.broadcast %shift_right_logical3A_571 : i32 to vector<16xi32>
      %shift_right_logical3A_573 = arith.shrui %sub3A_570, %shift_right_logical3A_572 : vector<16xi32>
      %and3A_574 = arith.constant 127 : i32
      %and3A_575 = vector.broadcast %and3A_574 : i32 to vector<16xi32>
      %and3A_576 = arith.andi %sub3A_570, %and3A_575 : vector<16xi32>
      %get3A_577 = arith.constant 1 : i32
      %get3A_578 = arith.index_cast %get3A_577 : i32 to index
      %get3A_579 = arith.constant 16 : index
      %get3A_580 = tpu.vector_load %arg9[%get3A_578, %get3A_579] {strides = array<i32>} : memref<3x64xi32, #tpu.memory_space<vmem>>, vector<16xi32>,
      %shift_right_logical3A_581 = arith.constant 7 : i32
      %shift_right_logical3A_582 = vector.broadcast %shift_right_logical3A_581 : i32 to vector<16xi32>
      %shift_right_logical3A_583 = arith.shrui %get3A_580, %shift_right_logical3A_582 : vector<16xi32>
      %and3A_584 = arith.constant 127 : i32
      %and3A_585 = vector.broadcast %and3A_584 : i32 to vector<16xi32>
      %and3A_586 = arith.andi %get3A_580, %and3A_585 : vector<16xi32>
      %gather3A_587 = tpu.vector_load_idx %arg6[%shift_right_logical3A_573, %and3A_576] : memref<80x128xf32, #tpu.memory_space<vmem>>[vector<16xi32>, vector<16xi32>], vector<16xf32>,
      %gather3A_588 = tpu.vector_load_idx %arg6[%shift_right_logical3A_583, %and3A_586] : memref<80x128xf32, #tpu.memory_space<vmem>>[vector<16xi32>, vector<16xi32>], vector<16xf32>,
      %mul3A_589 = arith.mulf %bitcast3A_564, %gather3A_587 : vector<16xf32>
      %mul3A_590 = arith.mulf %mul3A_589, %gather3A_588 : vector<16xf32>
      %neg3A_591 = arith.constant 0.000000e+00 : f32
      %neg3A_592 = vector.broadcast %neg3A_591 : f32 to vector<16xf32>
      %neg3A_593 = arith.subf %neg3A_592, %mul3A_590 : vector<16xf32>
      %swap3A_594 = arith.constant 16 : index
      %swap3A_595 = tpu.vector_load %arg11[%swap3A_594] {strides = array<i32>} : memref<64xf32, #tpu.memory_space<vmem>>, vector<16xf32>,
      tpu.vector_store %arg11[%swap3A_594], %neg3A_593 {strides = array<i32>} : memref<64xf32, #tpu.memory_space<vmem>>, vector<16xf32>,
      %get3A_596 = arith.constant 2 : i32
      %get3A_597 = arith.index_cast %get3A_596 : i32 to index
      %get3A_598 = arith.constant 32 : index
      %get3A_599 = tpu.vector_load %arg9[%get3A_597, %get3A_598] {strides = array<i32>} : memref<3x64xi32, #tpu.memory_space<vmem>>, vector<16xi32>,
      %bitcast3A_600 = vector.bitcast %get3A_599 : vector<16xi32> to vector<16xf32>
      %get3A_601 = arith.constant 0 : i32
      %get3A_602 = arith.index_cast %get3A_601 : i32 to index
      %get3A_603 = arith.constant 32 : index
      %get3A_604 = tpu.vector_load %arg9[%get3A_602, %get3A_603] {strides = array<i32>} : memref<3x64xi32, #tpu.memory_space<vmem>>, vector<16xi32>,
      %sub3A_605 = vector.broadcast %mul3A_37 : i32 to vector<16xi32>
      %sub3A_606 = arith.subi %get3A_604, %sub3A_605 : vector<16xi32>
      %shift_right_logical3A_607 = arith.constant 7 : i32
      %shift_right_logical3A_608 = vector.broadcast %shift_right_logical3A_607 : i32 to vector<16xi32>
      %shift_right_logical3A_609 = arith.shrui %sub3A_606, %shift_right_logical3A_608 : vector<16xi32>
      %and3A_610 = arith.constant 127 : i32
      %and3A_611 = vector.broadcast %and3A_610 : i32 to vector<16xi32>
      %and3A_612 = arith.andi %sub3A_606, %and3A_611 : vector<16xi32>
      %get3A_613 = arith.constant 1 : i32
      %get3A_614 = arith.index_cast %get3A_613 : i32 to index
      %get3A_615 = arith.constant 32 : index
      %get3A_616 = tpu.vector_load %arg9[%get3A_614, %get3A_615] {strides = array<i32>} : memref<3x64xi32, #tpu.memory_space<vmem>>, vector<16xi32>,
      %shift_right_logical3A_617 = arith.constant 7 : i32
      %shift_right_logical3A_618 = vector.broadcast %shift_right_logical3A_617 : i32 to vector<16xi32>
      %shift_right_logical3A_619 = arith.shrui %get3A_616, %shift_right_logical3A_618 : vector<16xi32>
      %and3A_620 = arith.constant 127 : i32
      %and3A_621 = vector.broadcast %and3A_620 : i32 to vector<16xi32>
      %and3A_622 = arith.andi %get3A_616, %and3A_621 : vector<16xi32>
      %gather3A_623 = tpu.vector_load_idx %arg6[%shift_right_logical3A_609, %and3A_612] : memref<80x128xf32, #tpu.memory_space<vmem>>[vector<16xi32>, vector<16xi32>], vector<16xf32>,
      %gather3A_624 = tpu.vector_load_idx %arg6[%shift_right_logical3A_619, %and3A_622] : memref<80x128xf32, #tpu.memory_space<vmem>>[vector<16xi32>, vector<16xi32>], vector<16xf32>,
      %mul3A_625 = arith.mulf %bitcast3A_600, %gather3A_623 : vector<16xf32>
      %mul3A_626 = arith.mulf %mul3A_625, %gather3A_624 : vector<16xf32>
      %neg3A_627 = arith.constant 0.000000e+00 : f32
      %neg3A_628 = vector.broadcast %neg3A_627 : f32 to vector<16xf32>
      %neg3A_629 = arith.subf %neg3A_628, %mul3A_626 : vector<16xf32>
      %swap3A_630 = arith.constant 32 : index
      %swap3A_631 = tpu.vector_load %arg11[%swap3A_630] {strides = array<i32>} : memref<64xf32, #tpu.memory_space<vmem>>, vector<16xf32>,
      tpu.vector_store %arg11[%swap3A_630], %neg3A_629 {strides = array<i32>} : memref<64xf32, #tpu.memory_space<vmem>>, vector<16xf32>,
      %get3A_632 = arith.constant 2 : i32
      %get3A_633 = arith.index_cast %get3A_632 : i32 to index
      %get3A_634 = arith.constant 48 : index
      %get3A_635 = tpu.vector_load %arg9[%get3A_633, %get3A_634] {strides = array<i32>} : memref<3x64xi32, #tpu.memory_space<vmem>>, vector<16xi32>,
      %bitcast3A_636 = vector.bitcast %get3A_635 : vector<16xi32> to vector<16xf32>
      %get3A_637 = arith.constant 0 : i32
      %get3A_638 = arith.index_cast %get3A_637 : i32 to index
      %get3A_639 = arith.constant 48 : index
      %get3A_640 = tpu.vector_load %arg9[%get3A_638, %get3A_639] {strides = array<i32>} : memref<3x64xi32, #tpu.memory_space<vmem>>, vector<16xi32>,
      %sub3A_641 = vector.broadcast %mul3A_37 : i32 to vector<16xi32>
      %sub3A_642 = arith.subi %get3A_640, %sub3A_641 : vector<16xi32>
      %shift_right_logical3A_643 = arith.constant 7 : i32
      %shift_right_logical3A_644 = vector.broadcast %shift_right_logical3A_643 : i32 to vector<16xi32>
      %shift_right_logical3A_645 = arith.shrui %sub3A_642, %shift_right_logical3A_644 : vector<16xi32>
      %and3A_646 = arith.constant 127 : i32
      %and3A_647 = vector.broadcast %and3A_646 : i32 to vector<16xi32>
      %and3A_648 = arith.andi %sub3A_642, %and3A_647 : vector<16xi32>
      %get3A_649 = arith.constant 1 : i32
      %get3A_650 = arith.index_cast %get3A_649 : i32 to index
      %get3A_651 = arith.constant 48 : index
      %get3A_652 = tpu.vector_load %arg9[%get3A_650, %get3A_651] {strides = array<i32>} : memref<3x64xi32, #tpu.memory_space<vmem>>, vector<16xi32>,
      %shift_right_logical3A_653 = arith.constant 7 : i32
      %shift_right_logical3A_654 = vector.broadcast %shift_right_logical3A_653 : i32 to vector<16xi32>
      %shift_right_logical3A_655 = arith.shrui %get3A_652, %shift_right_logical3A_654 : vector<16xi32>
      %and3A_656 = arith.constant 127 : i32
      %and3A_657 = vector.broadcast %and3A_656 : i32 to vector<16xi32>
      %and3A_658 = arith.andi %get3A_652, %and3A_657 : vector<16xi32>
      %gather3A_659 = tpu.vector_load_idx %arg6[%shift_right_logical3A_645, %and3A_648] : memref<80x128xf32, #tpu.memory_space<vmem>>[vector<16xi32>, vector<16xi32>], vector<16xf32>,
      %gather3A_660 = tpu.vector_load_idx %arg6[%shift_right_logical3A_655, %and3A_658] : memref<80x128xf32, #tpu.memory_space<vmem>>[vector<16xi32>, vector<16xi32>], vector<16xf32>,
      %mul3A_661 = arith.mulf %bitcast3A_636, %gather3A_659 : vector<16xf32>
      %mul3A_662 = arith.mulf %mul3A_661, %gather3A_660 : vector<16xf32>
      %neg3A_663 = arith.constant 0.000000e+00 : f32
      %neg3A_664 = vector.broadcast %neg3A_663 : f32 to vector<16xf32>
      %neg3A_665 = arith.subf %neg3A_664, %mul3A_662 : vector<16xf32>
      %swap3A_666 = arith.constant 48 : index
      %swap3A_667 = tpu.vector_load %arg11[%swap3A_666] {strides = array<i32>} : memref<64xf32, #tpu.memory_space<vmem>>, vector<16xf32>,
      tpu.vector_store %arg11[%swap3A_666], %neg3A_665 {strides = array<i32>} : memref<64xf32, #tpu.memory_space<vmem>>, vector<16xf32>,
      %scan3A_668 = arith.constant 0 : i32
      %scan3A_669 = arith.constant 64 : i32
      %scan3A_670 = arith.addi %scan3A_668, %scan3A_669 : i32
      %scan3A_671 = arith.constant 1 : i32
      scf.for %scan3A_862 = %scan3A_668 to %scan3A_670 step %scan3A_671  : i32 {
        %mul3A_863 = arith.constant 1 : i32
        %mul3A_864 = arith.muli %scan3A_862, %mul3A_863 : i32
        %add3A_865 = arith.constant 0 : i32
        %add3A_866 = arith.addi %add3A_865, %mul3A_864 : i32
        %broadcast_in_dim3A_867 = vector.broadcast %add3A_866 : i32 to vector<16xi32>
        %gather3A_868 = tpu.vector_load_idx %arg11[%broadcast_in_dim3A_867] : memref<64xf32, #tpu.memory_space<vmem>>[vector<16xi32>], vector<16xf32>,
        %get3A_869 = arith.index_cast %add3A_866 : i32 to index
        %get3A_870 = arith.constant 0 : index
        %get3A_871 = tpu.vector_load %arg14[%get3A_869, %get3A_870] {strides = array<i32>} : memref<64x128xf32, #tpu.memory_space<vmem>>, vector<16xf32>,
        %mul3A_872 = arith.mulf %get3A_871, %gather3A_868 : vector<16xf32>
        %swap3A_873 = arith.index_cast %add3A_866 : i32 to index
        %swap3A_874 = arith.constant 0 : index
        %swap3A_875 = tpu.vector_load %arg14[%swap3A_873, %swap3A_874] {strides = array<i32>} : memref<64x128xf32, #tpu.memory_space<vmem>>, vector<16xf32>,
        tpu.vector_store %arg14[%swap3A_873, %swap3A_874], %mul3A_872 {strides = array<i32>} : memref<64x128xf32, #tpu.memory_space<vmem>>, vector<16xf32>,
        %get3A_876 = arith.index_cast %add3A_866 : i32 to index
        %get3A_877 = arith.constant 16 : index
        %get3A_878 = tpu.vector_load %arg14[%get3A_876, %get3A_877] {strides = array<i32>} : memref<64x128xf32, #tpu.memory_space<vmem>>, vector<16xf32>,
        %mul3A_879 = arith.mulf %get3A_878, %gather3A_868 : vector<16xf32>
        %swap3A_880 = arith.index_cast %add3A_866 : i32 to index
        %swap3A_881 = arith.constant 16 : index
        %swap3A_882 = tpu.vector_load %arg14[%swap3A_880, %swap3A_881] {strides = array<i32>} : memref<64x128xf32, #tpu.memory_space<vmem>>, vector<16xf32>,
        tpu.vector_store %arg14[%swap3A_880, %swap3A_881], %mul3A_879 {strides = array<i32>} : memref<64x128xf32, #tpu.memory_space<vmem>>, vector<16xf32>,
        %get3A_883 = arith.index_cast %add3A_866 : i32 to index
        %get3A_884 = arith.constant 32 : index
        %get3A_885 = tpu.vector_load %arg14[%get3A_883, %get3A_884] {strides = array<i32>} : memref<64x128xf32, #tpu.memory_space<vmem>>, vector<16xf32>,
        %mul3A_886 = arith.mulf %get3A_885, %gather3A_868 : vector<16xf32>
        %swap3A_887 = arith.index_cast %add3A_866 : i32 to index
        %swap3A_888 = arith.constant 32 : index
        %swap3A_889 = tpu.vector_load %arg14[%swap3A_887, %swap3A_888] {strides = array<i32>} : memref<64x128xf32, #tpu.memory_space<vmem>>, vector<16xf32>,
        tpu.vector_store %arg14[%swap3A_887, %swap3A_888], %mul3A_886 {strides = array<i32>} : memref<64x128xf32, #tpu.memory_space<vmem>>, vector<16xf32>,
        %get3A_890 = arith.index_cast %add3A_866 : i32 to index
        %get3A_891 = arith.constant 48 : index
        %get3A_892 = tpu.vector_load %arg14[%get3A_890, %get3A_891] {strides = array<i32>} : memref<64x128xf32, #tpu.memory_space<vmem>>, vector<16xf32>,
        %mul3A_893 = arith.mulf %get3A_892, %gather3A_868 : vector<16xf32>
        %swap3A_894 = arith.index_cast %add3A_866 : i32 to index
        %swap3A_895 = arith.constant 48 : index
        %swap3A_896 = tpu.vector_load %arg14[%swap3A_894, %swap3A_895] {strides = array<i32>} : memref<64x128xf32, #tpu.memory_space<vmem>>, vector<16xf32>,
        tpu.vector_store %arg14[%swap3A_894, %swap3A_895], %mul3A_893 {strides = array<i32>} : memref<64x128xf32, #tpu.memory_space<vmem>>, vector<16xf32>,
        %get3A_897 = arith.index_cast %add3A_866 : i32 to index
        %get3A_898 = arith.constant 64 : index
        %get3A_899 = tpu.vector_load %arg14[%get3A_897, %get3A_898] {strides = array<i32>} : memref<64x128xf32, #tpu.memory_space<vmem>>, vector<16xf32>,
        %mul3A_900 = arith.mulf %get3A_899, %gather3A_868 : vector<16xf32>
        %swap3A_901 = arith.index_cast %add3A_866 : i32 to index
        %swap3A_902 = arith.constant 64 : index
        %swap3A_903 = tpu.vector_load %arg14[%swap3A_901, %swap3A_902] {strides = array<i32>} : memref<64x128xf32, #tpu.memory_space<vmem>>, vector<16xf32>,
        tpu.vector_store %arg14[%swap3A_901, %swap3A_902], %mul3A_900 {strides = array<i32>} : memref<64x128xf32, #tpu.memory_space<vmem>>, vector<16xf32>,
        %get3A_904 = arith.index_cast %add3A_866 : i32 to index
        %get3A_905 = arith.constant 80 : index
        %get3A_906 = tpu.vector_load %arg14[%get3A_904, %get3A_905] {strides = array<i32>} : memref<64x128xf32, #tpu.memory_space<vmem>>, vector<16xf32>,
        %mul3A_907 = arith.mulf %get3A_906, %gather3A_868 : vector<16xf32>
        %swap3A_908 = arith.index_cast %add3A_866 : i32 to index
        %swap3A_909 = arith.constant 80 : index
        %swap3A_910 = tpu.vector_load %arg14[%swap3A_908, %swap3A_909] {strides = array<i32>} : memref<64x128xf32, #tpu.memory_space<vmem>>, vector<16xf32>,
        tpu.vector_store %arg14[%swap3A_908, %swap3A_909], %mul3A_907 {strides = array<i32>} : memref<64x128xf32, #tpu.memory_space<vmem>>, vector<16xf32>,
        %get3A_911 = arith.index_cast %add3A_866 : i32 to index
        %get3A_912 = arith.constant 96 : index
        %get3A_913 = tpu.vector_load %arg14[%get3A_911, %get3A_912] {strides = array<i32>} : memref<64x128xf32, #tpu.memory_space<vmem>>, vector<16xf32>,
        %mul3A_914 = arith.mulf %get3A_913, %gather3A_868 : vector<16xf32>
        %swap3A_915 = arith.index_cast %add3A_866 : i32 to index
        %swap3A_916 = arith.constant 96 : index
        %swap3A_917 = tpu.vector_load %arg14[%swap3A_915, %swap3A_916] {strides = array<i32>} : memref<64x128xf32, #tpu.memory_space<vmem>>, vector<16xf32>,
        tpu.vector_store %arg14[%swap3A_915, %swap3A_916], %mul3A_914 {strides = array<i32>} : memref<64x128xf32, #tpu.memory_space<vmem>>, vector<16xf32>,
        %get3A_918 = arith.index_cast %add3A_866 : i32 to index
        %get3A_919 = arith.constant 112 : index
        %get3A_920 = tpu.vector_load %arg14[%get3A_918, %get3A_919] {strides = array<i32>} : memref<64x128xf32, #tpu.memory_space<vmem>>, vector<16xf32>,
        %mul3A_921 = arith.mulf %get3A_920, %gather3A_868 : vector<16xf32>
        %swap3A_922 = arith.index_cast %add3A_866 : i32 to index
        %swap3A_923 = arith.constant 112 : index
        %swap3A_924 = tpu.vector_load %arg14[%swap3A_922, %swap3A_923] {strides = array<i32>} : memref<64x128xf32, #tpu.memory_space<vmem>>, vector<16xf32>,
        tpu.vector_store %arg14[%swap3A_922, %swap3A_923], %mul3A_921 {strides = array<i32>} : memref<64x128xf32, #tpu.memory_space<vmem>>, vector<16xf32>,
      }
      %scan3A_672 = arith.constant 64 : i32
      %dma_start3A_673 = arith.constant 1 : i32
      %dma_start3A_674 = arith.constant 0 : i32
      %dma_start3A_675 = tpu.memref_slice %arg9[%dma_start3A_673, %dma_start3A_674] : memref<3x64xi32, #tpu.memory_space<vmem>> -> memref<1x64xi32, #tpu.memory_space<vmem>>
      %dma_start3A_676 = tpu.memref_squeeze %dma_start3A_675 : memref<1x64xi32, #tpu.memory_space<vmem>> -> memref<64xi32, #tpu.memory_space<vmem>>
      %dma_start3A_677 = arith.constant 0 : i32
      %dma_start3A_678 = arith.constant 0 : i32
      %dma_start3A_679 = tpu.memref_slice %arg16[%dma_start3A_677, %dma_start3A_678] : memref<10240x128xf32, #tpu.memory_space<vmem_shared>> -> memref<10240x128xf32, #tpu.memory_space<vmem_shared>>
      tpu.enqueue_indirect_dma source(%arg14 : memref<64x128xf32, #tpu.memory_space<vmem>>) target(%dma_start3A_679 : memref<10240x128xf32, #tpu.memory_space<vmem_shared>>) offsets(%dma_start3A_676 : memref<64xi32, #tpu.memory_space<vmem>>) semaphore(%arg27 : memref<!tpu.dma_semaphore, #tpu.memory_space<semaphore_mem>>) {add = true}
      %add3A_680 = arith.constant 3 : i32
      %add3A_681 = arith.addi %add3A_142, %add3A_680 : i32
      %ge3A_682 = arith.constant 2 : i32
      %ge3A_683 = arith.cmpi sge, %add3A_681, %ge3A_682 : i32
      %convert_element_type3A_684 = arith.extui %ge3A_683 : i1 to i32
      %cond3A_685 = arith.constant 0 : i32
      %cond3A_686 = arith.cmpi ne, %convert_element_type3A_684, %cond3A_685 : i32
      scf.if %cond3A_686 {
        %dma_wait3A_862 = arith.constant 1 : i32
        %dma_wait3A_863 = arith.constant 0 : i32
        %dma_wait3A_864 = tpu.memref_slice %arg8[%dma_wait3A_862, %dma_wait3A_863] : memref<3x64xi32, #tpu.memory_space<vmem>> -> memref<1x64xi32, #tpu.memory_space<vmem>>
        %dma_wait3A_865 = tpu.memref_squeeze %dma_wait3A_864 : memref<1x64xi32, #tpu.memory_space<vmem>> -> memref<64xi32, #tpu.memory_space<vmem>>
        %dma_wait3A_866 = arith.constant 0 : i32
        %dma_wait3A_867 = arith.constant 0 : i32
        %dma_wait3A_868 = tpu.memref_slice %arg16[%dma_wait3A_866, %dma_wait3A_867] : memref<10240x128xf32, #tpu.memory_space<vmem_shared>> -> memref<10240x128xf32, #tpu.memory_space<vmem_shared>>
        tpu.wait_indirect_dma semaphore(%arg26 : memref<!tpu.dma_semaphore, #tpu.memory_space<semaphore_mem>>) src(%arg13 : memref<64x128xf32, #tpu.memory_space<vmem>>) dst(%dma_wait3A_868 : memref<10240x128xf32, #tpu.memory_space<vmem_shared>>)
      } else {
      }
      %add3A_687 = arith.constant 2 : i32
      %add3A_688 = arith.addi %add3A_681, %add3A_687 : i32
      %lt3A_689 = arith.cmpi slt, %add3A_688, %select_n3A : i32
      %convert_element_type3A_690 = arith.extui %lt3A_689 : i1 to i32
      %cond3A_691 = arith.constant 0 : i32
      %cond3A_692 = arith.cmpi ne, %convert_element_type3A_690, %cond3A_691 : i32
      scf.if %cond3A_692 {
        %add3A_862 = arith.constant 2 : i32
        %add3A_863 = arith.addi %add3A_681, %add3A_862 : i32
        %add3A_864 = arith.addi %select_n3A_9, %add3A_863 : i32
        %dma_start3A_865 = arith.constant 0 : i32
        %dma_start3A_866 = arith.constant 0 : i32
        %dma_start3A_867 = tpu.memref_slice %arg2[%add3A_864, %dma_start3A_865, %dma_start3A_866] : memref<5120x3x64xi32, #tpu.memory_space<hbm>> -> memref<1x3x64xi32, #tpu.memory_space<hbm>>
        %dma_start3A_868 = tpu.memref_squeeze %dma_start3A_867 : memref<1x3x64xi32, #tpu.memory_space<hbm>> -> memref<3x64xi32, #tpu.memory_space<hbm>>
        %dma_start3A_869 = arith.constant 0 : i32
        %dma_start3A_870 = arith.constant 0 : i32
        %dma_start3A_871 = tpu.memref_slice %arg2[%add3A_864, %dma_start3A_869, %dma_start3A_870] : memref<5120x3x64xi32, #tpu.memory_space<hbm>> -> memref<1x3x64xi32, #tpu.memory_space<hbm>>
        %dma_start3A_872 = tpu.memref_squeeze %dma_start3A_871 : memref<1x3x64xi32, #tpu.memory_space<hbm>> -> memref<3x64xi32, #tpu.memory_space<hbm>>
        tpu.enqueue_dma source(%dma_start3A_872 : memref<3x64xi32, #tpu.memory_space<hbm>>) target(%arg8 : memref<3x64xi32, #tpu.memory_space<vmem>>) target_semaphore(%arg22 : memref<!tpu.dma_semaphore, #tpu.memory_space<semaphore_mem>>)
      } else {
      }
      %add3A_693 = arith.constant 1 : i32
      %add3A_694 = arith.addi %add3A_681, %add3A_693 : i32
      %lt3A_695 = arith.cmpi slt, %add3A_694, %select_n3A : i32
      %convert_element_type3A_696 = arith.extui %lt3A_695 : i1 to i32
      %cond3A_697 = arith.constant 0 : i32
      %cond3A_698 = arith.cmpi ne, %convert_element_type3A_696, %cond3A_697 : i32
      scf.if %cond3A_698 {
        %dma_wait3A_862 = arith.constant 0 : i32
        %dma_wait3A_863 = arith.constant 0 : i32
        %dma_wait3A_864 = tpu.memref_slice %arg2[%select_n3A_9, %dma_wait3A_862, %dma_wait3A_863] : memref<5120x3x64xi32, #tpu.memory_space<hbm>> -> memref<1x3x64xi32, #tpu.memory_space<hbm>>
        %dma_wait3A_865 = tpu.memref_squeeze %dma_wait3A_864 : memref<1x3x64xi32, #tpu.memory_space<hbm>> -> memref<3x64xi32, #tpu.memory_space<hbm>>
        %dma_wait3A_866 = arith.constant 0 : i32
        %dma_wait3A_867 = arith.constant 0 : i32
        %dma_wait3A_868 = tpu.memref_slice %arg2[%select_n3A_9, %dma_wait3A_866, %dma_wait3A_867] : memref<5120x3x64xi32, #tpu.memory_space<hbm>> -> memref<1x3x64xi32, #tpu.memory_space<hbm>>
        %dma_wait3A_869 = tpu.memref_squeeze %dma_wait3A_868 : memref<1x3x64xi32, #tpu.memory_space<hbm>> -> memref<3x64xi32, #tpu.memory_space<hbm>>
        tpu.wait_dma2 semaphore(%arg21 : memref<!tpu.dma_semaphore, #tpu.memory_space<semaphore_mem>>) src(%dma_wait3A_869 : memref<3x64xi32, #tpu.memory_space<hbm>>) dst(%arg7 : memref<3x64xi32, #tpu.memory_space<vmem>>)
        %get3A_870 = arith.constant 0 : i32
        %get3A_871 = arith.index_cast %get3A_870 : i32 to index
        %get3A_872 = arith.constant 0 : index
        %get3A_873 = tpu.vector_load %arg7[%get3A_871, %get3A_872] {strides = array<i32>} : memref<3x64xi32, #tpu.memory_space<vmem>>, vector<16xi32>,
        %add3A_874 = vector.broadcast %mul3A_37 : i32 to vector<16xi32>
        %add3A_875 = arith.addi %get3A_873, %add3A_874 : vector<16xi32>
        %swap3A_876 = arith.constant 0 : i32
        %swap3A_877 = arith.index_cast %swap3A_876 : i32 to index
        %swap3A_878 = arith.constant 0 : index
        %swap3A_879 = tpu.vector_load %arg7[%swap3A_877, %swap3A_878] {strides = array<i32>} : memref<3x64xi32, #tpu.memory_space<vmem>>, vector<16xi32>,
        tpu.vector_store %arg7[%swap3A_877, %swap3A_878], %add3A_875 {strides = array<i32>} : memref<3x64xi32, #tpu.memory_space<vmem>>, vector<16xi32>,
        %get3A_880 = arith.constant 0 : i32
        %get3A_881 = arith.index_cast %get3A_880 : i32 to index
        %get3A_882 = arith.constant 16 : index
        %get3A_883 = tpu.vector_load %arg7[%get3A_881, %get3A_882] {strides = array<i32>} : memref<3x64xi32, #tpu.memory_space<vmem>>, vector<16xi32>,
        %add3A_884 = vector.broadcast %mul3A_37 : i32 to vector<16xi32>
        %add3A_885 = arith.addi %get3A_883, %add3A_884 : vector<16xi32>
        %swap3A_886 = arith.constant 0 : i32
        %swap3A_887 = arith.index_cast %swap3A_886 : i32 to index
        %swap3A_888 = arith.constant 16 : index
        %swap3A_889 = tpu.vector_load %arg7[%swap3A_887, %swap3A_888] {strides = array<i32>} : memref<3x64xi32, #tpu.memory_space<vmem>>, vector<16xi32>,
        tpu.vector_store %arg7[%swap3A_887, %swap3A_888], %add3A_885 {strides = array<i32>} : memref<3x64xi32, #tpu.memory_space<vmem>>, vector<16xi32>,
        %get3A_890 = arith.constant 0 : i32
        %get3A_891 = arith.index_cast %get3A_890 : i32 to index
        %get3A_892 = arith.constant 32 : index
        %get3A_893 = tpu.vector_load %arg7[%get3A_891, %get3A_892] {strides = array<i32>} : memref<3x64xi32, #tpu.memory_space<vmem>>, vector<16xi32>,
        %add3A_894 = vector.broadcast %mul3A_37 : i32 to vector<16xi32>
        %add3A_895 = arith.addi %get3A_893, %add3A_894 : vector<16xi32>
        %swap3A_896 = arith.constant 0 : i32
        %swap3A_897 = arith.index_cast %swap3A_896 : i32 to index
        %swap3A_898 = arith.constant 32 : index
        %swap3A_899 = tpu.vector_load %arg7[%swap3A_897, %swap3A_898] {strides = array<i32>} : memref<3x64xi32, #tpu.memory_space<vmem>>, vector<16xi32>,
        tpu.vector_store %arg7[%swap3A_897, %swap3A_898], %add3A_895 {strides = array<i32>} : memref<3x64xi32, #tpu.memory_space<vmem>>, vector<16xi32>,
        %get3A_900 = arith.constant 0 : i32
        %get3A_901 = arith.index_cast %get3A_900 : i32 to index
        %get3A_902 = arith.constant 48 : index
        %get3A_903 = tpu.vector_load %arg7[%get3A_901, %get3A_902] {strides = array<i32>} : memref<3x64xi32, #tpu.memory_space<vmem>>, vector<16xi32>,
        %add3A_904 = vector.broadcast %mul3A_37 : i32 to vector<16xi32>
        %add3A_905 = arith.addi %get3A_903, %add3A_904 : vector<16xi32>
        %swap3A_906 = arith.constant 0 : i32
        %swap3A_907 = arith.index_cast %swap3A_906 : i32 to index
        %swap3A_908 = arith.constant 48 : index
        %swap3A_909 = tpu.vector_load %arg7[%swap3A_907, %swap3A_908] {strides = array<i32>} : memref<3x64xi32, #tpu.memory_space<vmem>>, vector<16xi32>,
        tpu.vector_store %arg7[%swap3A_907, %swap3A_908], %add3A_905 {strides = array<i32>} : memref<3x64xi32, #tpu.memory_space<vmem>>, vector<16xi32>,
        %dma_start3A_910 = arith.constant 0 : i32
        %dma_start3A_911 = arith.constant 0 : i32
        %dma_start3A_912 = tpu.memref_slice %arg7[%dma_start3A_910, %dma_start3A_911] : memref<3x64xi32, #tpu.memory_space<vmem>> -> memref<1x64xi32, #tpu.memory_space<vmem>>
        %dma_start3A_913 = tpu.memref_squeeze %dma_start3A_912 : memref<1x64xi32, #tpu.memory_space<vmem>> -> memref<64xi32, #tpu.memory_space<vmem>>
        %dma_start3A_914 = arith.constant 0 : i32
        %dma_start3A_915 = arith.constant 0 : i32
        %dma_start3A_916 = tpu.memref_slice %arg4[%dma_start3A_914, %dma_start3A_915] : memref<20000x128xf32, #tpu.memory_space<hbm>> -> memref<20000x128xf32, #tpu.memory_space<hbm>>
        tpu.enqueue_indirect_dma source(%dma_start3A_916 : memref<20000x128xf32, #tpu.memory_space<hbm>>) target(%arg12 : memref<64x128xf32, #tpu.memory_space<vmem>>) offsets(%dma_start3A_913 : memref<64xi32, #tpu.memory_space<vmem>>) semaphore(%arg17 : memref<!tpu.dma_semaphore, #tpu.memory_space<semaphore_mem>>)
      } else {
      }
      %dma_wait3A_699 = arith.constant 0 : i32
      %dma_wait3A_700 = arith.constant 0 : i32
      %dma_wait3A_701 = tpu.memref_slice %arg10[%dma_wait3A_699, %dma_wait3A_700] : memref<3x64xi32, #tpu.memory_space<vmem>> -> memref<1x64xi32, #tpu.memory_space<vmem>>
      %dma_wait3A_702 = tpu.memref_squeeze %dma_wait3A_701 : memref<1x64xi32, #tpu.memory_space<vmem>> -> memref<64xi32, #tpu.memory_space<vmem>>
      %dma_wait3A_703 = arith.constant 0 : i32
      %dma_wait3A_704 = arith.constant 0 : i32
      %dma_wait3A_705 = tpu.memref_slice %arg4[%dma_wait3A_703, %dma_wait3A_704] : memref<20000x128xf32, #tpu.memory_space<hbm>> -> memref<20000x128xf32, #tpu.memory_space<hbm>>
      tpu.wait_indirect_dma semaphore(%arg20 : memref<!tpu.dma_semaphore, #tpu.memory_space<semaphore_mem>>) src(%dma_wait3A_705 : memref<20000x128xf32, #tpu.memory_space<hbm>>) dst(%arg15 : memref<64x128xf32, #tpu.memory_space<vmem>>)
      %get3A_706 = arith.constant 2 : i32
      %get3A_707 = arith.index_cast %get3A_706 : i32 to index
      %get3A_708 = arith.constant 0 : index
      %get3A_709 = tpu.vector_load %arg10[%get3A_707, %get3A_708] {strides = array<i32>} : memref<3x64xi32, #tpu.memory_space<vmem>>, vector<16xi32>,
      %bitcast3A_710 = vector.bitcast %get3A_709 : vector<16xi32> to vector<16xf32>
      %get3A_711 = arith.constant 0 : i32
      %get3A_712 = arith.index_cast %get3A_711 : i32 to index
      %get3A_713 = arith.constant 0 : index
      %get3A_714 = tpu.vector_load %arg10[%get3A_712, %get3A_713] {strides = array<i32>} : memref<3x64xi32, #tpu.memory_space<vmem>>, vector<16xi32>,
      %sub3A_715 = vector.broadcast %mul3A_37 : i32 to vector<16xi32>
      %sub3A_716 = arith.subi %get3A_714, %sub3A_715 : vector<16xi32>
      %shift_right_logical3A_717 = arith.constant 7 : i32
      %shift_right_logical3A_718 = vector.broadcast %shift_right_logical3A_717 : i32 to vector<16xi32>
      %shift_right_logical3A_719 = arith.shrui %sub3A_716, %shift_right_logical3A_718 : vector<16xi32>
      %and3A_720 = arith.constant 127 : i32
      %and3A_721 = vector.broadcast %and3A_720 : i32 to vector<16xi32>
      %and3A_722 = arith.andi %sub3A_716, %and3A_721 : vector<16xi32>
      %get3A_723 = arith.constant 1 : i32
      %get3A_724 = arith.index_cast %get3A_723 : i32 to index
      %get3A_725 = arith.constant 0 : index
      %get3A_726 = tpu.vector_load %arg10[%get3A_724, %get3A_725] {strides = array<i32>} : memref<3x64xi32, #tpu.memory_space<vmem>>, vector<16xi32>,
      %shift_right_logical3A_727 = arith.constant 7 : i32
      %shift_right_logical3A_728 = vector.broadcast %shift_right_logical3A_727 : i32 to vector<16xi32>
      %shift_right_logical3A_729 = arith.shrui %get3A_726, %shift_right_logical3A_728 : vector<16xi32>
      %and3A_730 = arith.constant 127 : i32
      %and3A_731 = vector.broadcast %and3A_730 : i32 to vector<16xi32>
      %and3A_732 = arith.andi %get3A_726, %and3A_731 : vector<16xi32>
      %gather3A_733 = tpu.vector_load_idx %arg6[%shift_right_logical3A_719, %and3A_722] : memref<80x128xf32, #tpu.memory_space<vmem>>[vector<16xi32>, vector<16xi32>], vector<16xf32>,
      %gather3A_734 = tpu.vector_load_idx %arg6[%shift_right_logical3A_729, %and3A_732] : memref<80x128xf32, #tpu.memory_space<vmem>>[vector<16xi32>, vector<16xi32>], vector<16xf32>,
      %mul3A_735 = arith.mulf %bitcast3A_710, %gather3A_733 : vector<16xf32>
      %mul3A_736 = arith.mulf %mul3A_735, %gather3A_734 : vector<16xf32>
      %neg3A_737 = arith.constant 0.000000e+00 : f32
      %neg3A_738 = vector.broadcast %neg3A_737 : f32 to vector<16xf32>
      %neg3A_739 = arith.subf %neg3A_738, %mul3A_736 : vector<16xf32>
      %swap3A_740 = arith.constant 0 : index
      %swap3A_741 = tpu.vector_load %arg11[%swap3A_740] {strides = array<i32>} : memref<64xf32, #tpu.memory_space<vmem>>, vector<16xf32>,
      tpu.vector_store %arg11[%swap3A_740], %neg3A_739 {strides = array<i32>} : memref<64xf32, #tpu.memory_space<vmem>>, vector<16xf32>,
      %get3A_742 = arith.constant 2 : i32
      %get3A_743 = arith.index_cast %get3A_742 : i32 to index
      %get3A_744 = arith.constant 16 : index
      %get3A_745 = tpu.vector_load %arg10[%get3A_743, %get3A_744] {strides = array<i32>} : memref<3x64xi32, #tpu.memory_space<vmem>>, vector<16xi32>,
      %bitcast3A_746 = vector.bitcast %get3A_745 : vector<16xi32> to vector<16xf32>
      %get3A_747 = arith.constant 0 : i32
      %get3A_748 = arith.index_cast %get3A_747 : i32 to index
      %get3A_749 = arith.constant 16 : index
      %get3A_750 = tpu.vector_load %arg10[%get3A_748, %get3A_749] {strides = array<i32>} : memref<3x64xi32, #tpu.memory_space<vmem>>, vector<16xi32>,
      %sub3A_751 = vector.broadcast %mul3A_37 : i32 to vector<16xi32>
      %sub3A_752 = arith.subi %get3A_750, %sub3A_751 : vector<16xi32>
      %shift_right_logical3A_753 = arith.constant 7 : i32
      %shift_right_logical3A_754 = vector.broadcast %shift_right_logical3A_753 : i32 to vector<16xi32>
      %shift_right_logical3A_755 = arith.shrui %sub3A_752, %shift_right_logical3A_754 : vector<16xi32>
      %and3A_756 = arith.constant 127 : i32
      %and3A_757 = vector.broadcast %and3A_756 : i32 to vector<16xi32>
      %and3A_758 = arith.andi %sub3A_752, %and3A_757 : vector<16xi32>
      %get3A_759 = arith.constant 1 : i32
      %get3A_760 = arith.index_cast %get3A_759 : i32 to index
      %get3A_761 = arith.constant 16 : index
      %get3A_762 = tpu.vector_load %arg10[%get3A_760, %get3A_761] {strides = array<i32>} : memref<3x64xi32, #tpu.memory_space<vmem>>, vector<16xi32>,
      %shift_right_logical3A_763 = arith.constant 7 : i32
      %shift_right_logical3A_764 = vector.broadcast %shift_right_logical3A_763 : i32 to vector<16xi32>
      %shift_right_logical3A_765 = arith.shrui %get3A_762, %shift_right_logical3A_764 : vector<16xi32>
      %and3A_766 = arith.constant 127 : i32
      %and3A_767 = vector.broadcast %and3A_766 : i32 to vector<16xi32>
      %and3A_768 = arith.andi %get3A_762, %and3A_767 : vector<16xi32>
      %gather3A_769 = tpu.vector_load_idx %arg6[%shift_right_logical3A_755, %and3A_758] : memref<80x128xf32, #tpu.memory_space<vmem>>[vector<16xi32>, vector<16xi32>], vector<16xf32>,
      %gather3A_770 = tpu.vector_load_idx %arg6[%shift_right_logical3A_765, %and3A_768] : memref<80x128xf32, #tpu.memory_space<vmem>>[vector<16xi32>, vector<16xi32>], vector<16xf32>,
      %mul3A_771 = arith.mulf %bitcast3A_746, %gather3A_769 : vector<16xf32>
      %mul3A_772 = arith.mulf %mul3A_771, %gather3A_770 : vector<16xf32>
      %neg3A_773 = arith.constant 0.000000e+00 : f32
      %neg3A_774 = vector.broadcast %neg3A_773 : f32 to vector<16xf32>
      %neg3A_775 = arith.subf %neg3A_774, %mul3A_772 : vector<16xf32>
      %swap3A_776 = arith.constant 16 : index
      %swap3A_777 = tpu.vector_load %arg11[%swap3A_776] {strides = array<i32>} : memref<64xf32, #tpu.memory_space<vmem>>, vector<16xf32>,
      tpu.vector_store %arg11[%swap3A_776], %neg3A_775 {strides = array<i32>} : memref<64xf32, #tpu.memory_space<vmem>>, vector<16xf32>,
      %get3A_778 = arith.constant 2 : i32
      %get3A_779 = arith.index_cast %get3A_778 : i32 to index
      %get3A_780 = arith.constant 32 : index
      %get3A_781 = tpu.vector_load %arg10[%get3A_779, %get3A_780] {strides = array<i32>} : memref<3x64xi32, #tpu.memory_space<vmem>>, vector<16xi32>,
      %bitcast3A_782 = vector.bitcast %get3A_781 : vector<16xi32> to vector<16xf32>
      %get3A_783 = arith.constant 0 : i32
      %get3A_784 = arith.index_cast %get3A_783 : i32 to index
      %get3A_785 = arith.constant 32 : index
      %get3A_786 = tpu.vector_load %arg10[%get3A_784, %get3A_785] {strides = array<i32>} : memref<3x64xi32, #tpu.memory_space<vmem>>, vector<16xi32>,
      %sub3A_787 = vector.broadcast %mul3A_37 : i32 to vector<16xi32>
      %sub3A_788 = arith.subi %get3A_786, %sub3A_787 : vector<16xi32>
      %shift_right_logical3A_789 = arith.constant 7 : i32
      %shift_right_logical3A_790 = vector.broadcast %shift_right_logical3A_789 : i32 to vector<16xi32>
      %shift_right_logical3A_791 = arith.shrui %sub3A_788, %shift_right_logical3A_790 : vector<16xi32>
      %and3A_792 = arith.constant 127 : i32
      %and3A_793 = vector.broadcast %and3A_792 : i32 to vector<16xi32>
      %and3A_794 = arith.andi %sub3A_788, %and3A_793 : vector<16xi32>
      %get3A_795 = arith.constant 1 : i32
      %get3A_796 = arith.index_cast %get3A_795 : i32 to index
      %get3A_797 = arith.constant 32 : index
      %get3A_798 = tpu.vector_load %arg10[%get3A_796, %get3A_797] {strides = array<i32>} : memref<3x64xi32, #tpu.memory_space<vmem>>, vector<16xi32>,
      %shift_right_logical3A_799 = arith.constant 7 : i32
      %shift_right_logical3A_800 = vector.broadcast %shift_right_logical3A_799 : i32 to vector<16xi32>
      %shift_right_logical3A_801 = arith.shrui %get3A_798, %shift_right_logical3A_800 : vector<16xi32>
      %and3A_802 = arith.constant 127 : i32
      %and3A_803 = vector.broadcast %and3A_802 : i32 to vector<16xi32>
      %and3A_804 = arith.andi %get3A_798, %and3A_803 : vector<16xi32>
      %gather3A_805 = tpu.vector_load_idx %arg6[%shift_right_logical3A_791, %and3A_794] : memref<80x128xf32, #tpu.memory_space<vmem>>[vector<16xi32>, vector<16xi32>], vector<16xf32>,
      %gather3A_806 = tpu.vector_load_idx %arg6[%shift_right_logical3A_801, %and3A_804] : memref<80x128xf32, #tpu.memory_space<vmem>>[vector<16xi32>, vector<16xi32>], vector<16xf32>,
      %mul3A_807 = arith.mulf %bitcast3A_782, %gather3A_805 : vector<16xf32>
      %mul3A_808 = arith.mulf %mul3A_807, %gather3A_806 : vector<16xf32>
      %neg3A_809 = arith.constant 0.000000e+00 : f32
      %neg3A_810 = vector.broadcast %neg3A_809 : f32 to vector<16xf32>
      %neg3A_811 = arith.subf %neg3A_810, %mul3A_808 : vector<16xf32>
      %swap3A_812 = arith.constant 32 : index
      %swap3A_813 = tpu.vector_load %arg11[%swap3A_812] {strides = array<i32>} : memref<64xf32, #tpu.memory_space<vmem>>, vector<16xf32>,
      tpu.vector_store %arg11[%swap3A_812], %neg3A_811 {strides = array<i32>} : memref<64xf32, #tpu.memory_space<vmem>>, vector<16xf32>,
      %get3A_814 = arith.constant 2 : i32
      %get3A_815 = arith.index_cast %get3A_814 : i32 to index
      %get3A_816 = arith.constant 48 : index
      %get3A_817 = tpu.vector_load %arg10[%get3A_815, %get3A_816] {strides = array<i32>} : memref<3x64xi32, #tpu.memory_space<vmem>>, vector<16xi32>,
      %bitcast3A_818 = vector.bitcast %get3A_817 : vector<16xi32> to vector<16xf32>
      %get3A_819 = arith.constant 0 : i32
      %get3A_820 = arith.index_cast %get3A_819 : i32 to index
      %get3A_821 = arith.constant 48 : index
      %get3A_822 = tpu.vector_load %arg10[%get3A_820, %get3A_821] {strides = array<i32>} : memref<3x64xi32, #tpu.memory_space<vmem>>, vector<16xi32>,
      %sub3A_823 = vector.broadcast %mul3A_37 : i32 to vector<16xi32>
      %sub3A_824 = arith.subi %get3A_822, %sub3A_823 : vector<16xi32>
      %shift_right_logical3A_825 = arith.constant 7 : i32
      %shift_right_logical3A_826 = vector.broadcast %shift_right_logical3A_825 : i32 to vector<16xi32>
      %shift_right_logical3A_827 = arith.shrui %sub3A_824, %shift_right_logical3A_826 : vector<16xi32>
      %and3A_828 = arith.constant 127 : i32
      %and3A_829 = vector.broadcast %and3A_828 : i32 to vector<16xi32>
      %and3A_830 = arith.andi %sub3A_824, %and3A_829 : vector<16xi32>
      %get3A_831 = arith.constant 1 : i32
      %get3A_832 = arith.index_cast %get3A_831 : i32 to index
      %get3A_833 = arith.constant 48 : index
      %get3A_834 = tpu.vector_load %arg10[%get3A_832, %get3A_833] {strides = array<i32>} : memref<3x64xi32, #tpu.memory_space<vmem>>, vector<16xi32>,
      %shift_right_logical3A_835 = arith.constant 7 : i32
      %shift_right_logical3A_836 = vector.broadcast %shift_right_logical3A_835 : i32 to vector<16xi32>
      %shift_right_logical3A_837 = arith.shrui %get3A_834, %shift_right_logical3A_836 : vector<16xi32>
      %and3A_838 = arith.constant 127 : i32
      %and3A_839 = vector.broadcast %and3A_838 : i32 to vector<16xi32>
      %and3A_840 = arith.andi %get3A_834, %and3A_839 : vector<16xi32>
      %gather3A_841 = tpu.vector_load_idx %arg6[%shift_right_logical3A_827, %and3A_830] : memref<80x128xf32, #tpu.memory_space<vmem>>[vector<16xi32>, vector<16xi32>], vector<16xf32>,
      %gather3A_842 = tpu.vector_load_idx %arg6[%shift_right_logical3A_837, %and3A_840] : memref<80x128xf32, #tpu.memory_space<vmem>>[vector<16xi32>, vector<16xi32>], vector<16xf32>,
      %mul3A_843 = arith.mulf %bitcast3A_818, %gather3A_841 : vector<16xf32>
      %mul3A_844 = arith.mulf %mul3A_843, %gather3A_842 : vector<16xf32>
      %neg3A_845 = arith.constant 0.000000e+00 : f32
      %neg3A_846 = vector.broadcast %neg3A_845 : f32 to vector<16xf32>
      %neg3A_847 = arith.subf %neg3A_846, %mul3A_844 : vector<16xf32>
      %swap3A_848 = arith.constant 48 : index
      %swap3A_849 = tpu.vector_load %arg11[%swap3A_848] {strides = array<i32>} : memref<64xf32, #tpu.memory_space<vmem>>, vector<16xf32>,
      tpu.vector_store %arg11[%swap3A_848], %neg3A_847 {strides = array<i32>} : memref<64xf32, #tpu.memory_space<vmem>>, vector<16xf32>,
      %scan3A_850 = arith.constant 0 : i32
      %scan3A_851 = arith.constant 64 : i32
      %scan3A_852 = arith.addi %scan3A_850, %scan3A_851 : i32
      %scan3A_853 = arith.constant 1 : i32
      scf.for %scan3A_862 = %scan3A_850 to %scan3A_852 step %scan3A_853  : i32 {
        %mul3A_863 = arith.constant 1 : i32
        %mul3A_864 = arith.muli %scan3A_862, %mul3A_863 : i32
        %add3A_865 = arith.constant 0 : i32
        %add3A_866 = arith.addi %add3A_865, %mul3A_864 : i32
        %broadcast_in_dim3A_867 = vector.broadcast %add3A_866 : i32 to vector<16xi32>
        %gather3A_868 = tpu.vector_load_idx %arg11[%broadcast_in_dim3A_867] : memref<64xf32, #tpu.memory_space<vmem>>[vector<16xi32>], vector<16xf32>,
        %get3A_869 = arith.index_cast %add3A_866 : i32 to index
        %get3A_870 = arith.constant 0 : index
        %get3A_871 = tpu.vector_load %arg15[%get3A_869, %get3A_870] {strides = array<i32>} : memref<64x128xf32, #tpu.memory_space<vmem>>, vector<16xf32>,
        %mul3A_872 = arith.mulf %get3A_871, %gather3A_868 : vector<16xf32>
        %swap3A_873 = arith.index_cast %add3A_866 : i32 to index
        %swap3A_874 = arith.constant 0 : index
        %swap3A_875 = tpu.vector_load %arg15[%swap3A_873, %swap3A_874] {strides = array<i32>} : memref<64x128xf32, #tpu.memory_space<vmem>>, vector<16xf32>,
        tpu.vector_store %arg15[%swap3A_873, %swap3A_874], %mul3A_872 {strides = array<i32>} : memref<64x128xf32, #tpu.memory_space<vmem>>, vector<16xf32>,
        %get3A_876 = arith.index_cast %add3A_866 : i32 to index
        %get3A_877 = arith.constant 16 : index
        %get3A_878 = tpu.vector_load %arg15[%get3A_876, %get3A_877] {strides = array<i32>} : memref<64x128xf32, #tpu.memory_space<vmem>>, vector<16xf32>,
        %mul3A_879 = arith.mulf %get3A_878, %gather3A_868 : vector<16xf32>
        %swap3A_880 = arith.index_cast %add3A_866 : i32 to index
        %swap3A_881 = arith.constant 16 : index
        %swap3A_882 = tpu.vector_load %arg15[%swap3A_880, %swap3A_881] {strides = array<i32>} : memref<64x128xf32, #tpu.memory_space<vmem>>, vector<16xf32>,
        tpu.vector_store %arg15[%swap3A_880, %swap3A_881], %mul3A_879 {strides = array<i32>} : memref<64x128xf32, #tpu.memory_space<vmem>>, vector<16xf32>,
        %get3A_883 = arith.index_cast %add3A_866 : i32 to index
        %get3A_884 = arith.constant 32 : index
        %get3A_885 = tpu.vector_load %arg15[%get3A_883, %get3A_884] {strides = array<i32>} : memref<64x128xf32, #tpu.memory_space<vmem>>, vector<16xf32>,
        %mul3A_886 = arith.mulf %get3A_885, %gather3A_868 : vector<16xf32>
        %swap3A_887 = arith.index_cast %add3A_866 : i32 to index
        %swap3A_888 = arith.constant 32 : index
        %swap3A_889 = tpu.vector_load %arg15[%swap3A_887, %swap3A_888] {strides = array<i32>} : memref<64x128xf32, #tpu.memory_space<vmem>>, vector<16xf32>,
        tpu.vector_store %arg15[%swap3A_887, %swap3A_888], %mul3A_886 {strides = array<i32>} : memref<64x128xf32, #tpu.memory_space<vmem>>, vector<16xf32>,
        %get3A_890 = arith.index_cast %add3A_866 : i32 to index
        %get3A_891 = arith.constant 48 : index
        %get3A_892 = tpu.vector_load %arg15[%get3A_890, %get3A_891] {strides = array<i32>} : memref<64x128xf32, #tpu.memory_space<vmem>>, vector<16xf32>,
        %mul3A_893 = arith.mulf %get3A_892, %gather3A_868 : vector<16xf32>
        %swap3A_894 = arith.index_cast %add3A_866 : i32 to index
        %swap3A_895 = arith.constant 48 : index
        %swap3A_896 = tpu.vector_load %arg15[%swap3A_894, %swap3A_895] {strides = array<i32>} : memref<64x128xf32, #tpu.memory_space<vmem>>, vector<16xf32>,
        tpu.vector_store %arg15[%swap3A_894, %swap3A_895], %mul3A_893 {strides = array<i32>} : memref<64x128xf32, #tpu.memory_space<vmem>>, vector<16xf32>,
        %get3A_897 = arith.index_cast %add3A_866 : i32 to index
        %get3A_898 = arith.constant 64 : index
        %get3A_899 = tpu.vector_load %arg15[%get3A_897, %get3A_898] {strides = array<i32>} : memref<64x128xf32, #tpu.memory_space<vmem>>, vector<16xf32>,
        %mul3A_900 = arith.mulf %get3A_899, %gather3A_868 : vector<16xf32>
        %swap3A_901 = arith.index_cast %add3A_866 : i32 to index
        %swap3A_902 = arith.constant 64 : index
        %swap3A_903 = tpu.vector_load %arg15[%swap3A_901, %swap3A_902] {strides = array<i32>} : memref<64x128xf32, #tpu.memory_space<vmem>>, vector<16xf32>,
        tpu.vector_store %arg15[%swap3A_901, %swap3A_902], %mul3A_900 {strides = array<i32>} : memref<64x128xf32, #tpu.memory_space<vmem>>, vector<16xf32>,
        %get3A_904 = arith.index_cast %add3A_866 : i32 to index
        %get3A_905 = arith.constant 80 : index
        %get3A_906 = tpu.vector_load %arg15[%get3A_904, %get3A_905] {strides = array<i32>} : memref<64x128xf32, #tpu.memory_space<vmem>>, vector<16xf32>,
        %mul3A_907 = arith.mulf %get3A_906, %gather3A_868 : vector<16xf32>
        %swap3A_908 = arith.index_cast %add3A_866 : i32 to index
        %swap3A_909 = arith.constant 80 : index
        %swap3A_910 = tpu.vector_load %arg15[%swap3A_908, %swap3A_909] {strides = array<i32>} : memref<64x128xf32, #tpu.memory_space<vmem>>, vector<16xf32>,
        tpu.vector_store %arg15[%swap3A_908, %swap3A_909], %mul3A_907 {strides = array<i32>} : memref<64x128xf32, #tpu.memory_space<vmem>>, vector<16xf32>,
        %get3A_911 = arith.index_cast %add3A_866 : i32 to index
        %get3A_912 = arith.constant 96 : index
        %get3A_913 = tpu.vector_load %arg15[%get3A_911, %get3A_912] {strides = array<i32>} : memref<64x128xf32, #tpu.memory_space<vmem>>, vector<16xf32>,
        %mul3A_914 = arith.mulf %get3A_913, %gather3A_868 : vector<16xf32>
        %swap3A_915 = arith.index_cast %add3A_866 : i32 to index
        %swap3A_916 = arith.constant 96 : index
        %swap3A_917 = tpu.vector_load %arg15[%swap3A_915, %swap3A_916] {strides = array<i32>} : memref<64x128xf32, #tpu.memory_space<vmem>>, vector<16xf32>,
        tpu.vector_store %arg15[%swap3A_915, %swap3A_916], %mul3A_914 {strides = array<i32>} : memref<64x128xf32, #tpu.memory_space<vmem>>, vector<16xf32>,
        %get3A_918 = arith.index_cast %add3A_866 : i32 to index
        %get3A_919 = arith.constant 112 : index
        %get3A_920 = tpu.vector_load %arg15[%get3A_918, %get3A_919] {strides = array<i32>} : memref<64x128xf32, #tpu.memory_space<vmem>>, vector<16xf32>,
        %mul3A_921 = arith.mulf %get3A_920, %gather3A_868 : vector<16xf32>
        %swap3A_922 = arith.index_cast %add3A_866 : i32 to index
        %swap3A_923 = arith.constant 112 : index
        %swap3A_924 = tpu.vector_load %arg15[%swap3A_922, %swap3A_923] {strides = array<i32>} : memref<64x128xf32, #tpu.memory_space<vmem>>, vector<16xf32>,
        tpu.vector_store %arg15[%swap3A_922, %swap3A_923], %mul3A_921 {strides = array<i32>} : memref<64x128xf32, #tpu.memory_space<vmem>>, vector<16xf32>,
      }
      %scan3A_854 = arith.constant 64 : i32
      %dma_start3A_855 = arith.constant 1 : i32
      %dma_start3A_856 = arith.constant 0 : i32
      %dma_start3A_857 = tpu.memref_slice %arg10[%dma_start3A_855, %dma_start3A_856] : memref<3x64xi32, #tpu.memory_space<vmem>> -> memref<1x64xi32, #tpu.memory_space<vmem>>
      %dma_start3A_858 = tpu.memref_squeeze %dma_start3A_857 : memref<1x64xi32, #tpu.memory_space<vmem>> -> memref<64xi32, #tpu.memory_space<vmem>>
      %dma_start3A_859 = arith.constant 0 : i32
      %dma_start3A_860 = arith.constant 0 : i32
      %dma_start3A_861 = tpu.memref_slice %arg16[%dma_start3A_859, %dma_start3A_860] : memref<10240x128xf32, #tpu.memory_space<vmem_shared>> -> memref<10240x128xf32, #tpu.memory_space<vmem_shared>>
      tpu.enqueue_indirect_dma source(%arg15 : memref<64x128xf32, #tpu.memory_space<vmem>>) target(%dma_start3A_861 : memref<10240x128xf32, #tpu.memory_space<vmem_shared>>) offsets(%dma_start3A_858 : memref<64xi32, #tpu.memory_space<vmem>>) semaphore(%arg28 : memref<!tpu.dma_semaphore, #tpu.memory_space<semaphore_mem>>) {add = true}
    }
    %while3A_124 = arith.constant 1 : i32
    scf.for %while3A_140 = %while3A_122 to %while3A_118 step %while3A_124  : i32 {
      %mul3A_141 = arith.muli %while3A_140, %while3A : i32
      %add3A_142 = arith.addi %while3A_115, %mul3A_141 : i32
      %add3A_143 = arith.constant 0 : i32
      %add3A_144 = arith.addi %add3A_142, %add3A_143 : i32
      %ge3A = arith.constant 2 : i32
      %ge3A_145 = arith.cmpi sge, %add3A_144, %ge3A : i32
      %convert_element_type3A = arith.extui %ge3A_145 : i1 to i32
      %cond3A = arith.constant 0 : i32
      %cond3A_146 = arith.cmpi ne, %convert_element_type3A, %cond3A : i32
      scf.if %cond3A_146 {
        %dma_wait3A_862 = arith.constant 1 : i32
        %dma_wait3A_863 = arith.constant 0 : i32
        %dma_wait3A_864 = tpu.memref_slice %arg9[%dma_wait3A_862, %dma_wait3A_863] : memref<3x64xi32, #tpu.memory_space<vmem>> -> memref<1x64xi32, #tpu.memory_space<vmem>>
        %dma_wait3A_865 = tpu.memref_squeeze %dma_wait3A_864 : memref<1x64xi32, #tpu.memory_space<vmem>> -> memref<64xi32, #tpu.memory_space<vmem>>
        %dma_wait3A_866 = arith.constant 0 : i32
        %dma_wait3A_867 = arith.constant 0 : i32
        %dma_wait3A_868 = tpu.memref_slice %arg16[%dma_wait3A_866, %dma_wait3A_867] : memref<10240x128xf32, #tpu.memory_space<vmem_shared>> -> memref<10240x128xf32, #tpu.memory_space<vmem_shared>>
        tpu.wait_indirect_dma semaphore(%arg27 : memref<!tpu.dma_semaphore, #tpu.memory_space<semaphore_mem>>) src(%arg14 : memref<64x128xf32, #tpu.memory_space<vmem>>) dst(%dma_wait3A_868 : memref<10240x128xf32, #tpu.memory_space<vmem_shared>>)
      } else {
      }
      %add3A_147 = arith.constant 2 : i32
      %add3A_148 = arith.addi %add3A_144, %add3A_147 : i32
      %lt3A = arith.cmpi slt, %add3A_148, %select_n3A : i32
      %convert_element_type3A_149 = arith.extui %lt3A : i1 to i32
      %cond3A_150 = arith.constant 0 : i32
      %cond3A_151 = arith.cmpi ne, %convert_element_type3A_149, %cond3A_150 : i32
      scf.if %cond3A_151 {
        %add3A_862 = arith.constant 2 : i32
        %add3A_863 = arith.addi %add3A_144, %add3A_862 : i32
        %add3A_864 = arith.addi %select_n3A_9, %add3A_863 : i32
        %dma_start3A_865 = arith.constant 0 : i32
        %dma_start3A_866 = arith.constant 0 : i32
        %dma_start3A_867 = tpu.memref_slice %arg2[%add3A_864, %dma_start3A_865, %dma_start3A_866] : memref<5120x3x64xi32, #tpu.memory_space<hbm>> -> memref<1x3x64xi32, #tpu.memory_space<hbm>>
        %dma_start3A_868 = tpu.memref_squeeze %dma_start3A_867 : memref<1x3x64xi32, #tpu.memory_space<hbm>> -> memref<3x64xi32, #tpu.memory_space<hbm>>
        %dma_start3A_869 = arith.constant 0 : i32
        %dma_start3A_870 = arith.constant 0 : i32
        %dma_start3A_871 = tpu.memref_slice %arg2[%add3A_864, %dma_start3A_869, %dma_start3A_870] : memref<5120x3x64xi32, #tpu.memory_space<hbm>> -> memref<1x3x64xi32, #tpu.memory_space<hbm>>
        %dma_start3A_872 = tpu.memref_squeeze %dma_start3A_871 : memref<1x3x64xi32, #tpu.memory_space<hbm>> -> memref<3x64xi32, #tpu.memory_space<hbm>>
        tpu.enqueue_dma source(%dma_start3A_872 : memref<3x64xi32, #tpu.memory_space<hbm>>) target(%arg9 : memref<3x64xi32, #tpu.memory_space<vmem>>) target_semaphore(%arg23 : memref<!tpu.dma_semaphore, #tpu.memory_space<semaphore_mem>>)
      } else {
      }
      %add3A_152 = arith.constant 1 : i32
      %add3A_153 = arith.addi %add3A_144, %add3A_152 : i32
      %lt3A_154 = arith.cmpi slt, %add3A_153, %select_n3A : i32
      %convert_element_type3A_155 = arith.extui %lt3A_154 : i1 to i32
      %cond3A_156 = arith.constant 0 : i32
      %cond3A_157 = arith.cmpi ne, %convert_element_type3A_155, %cond3A_156 : i32
      scf.if %cond3A_157 {
        %dma_wait3A_862 = arith.constant 0 : i32
        %dma_wait3A_863 = arith.constant 0 : i32
        %dma_wait3A_864 = tpu.memref_slice %arg2[%select_n3A_9, %dma_wait3A_862, %dma_wait3A_863] : memref<5120x3x64xi32, #tpu.memory_space<hbm>> -> memref<1x3x64xi32, #tpu.memory_space<hbm>>
        %dma_wait3A_865 = tpu.memref_squeeze %dma_wait3A_864 : memref<1x3x64xi32, #tpu.memory_space<hbm>> -> memref<3x64xi32, #tpu.memory_space<hbm>>
        %dma_wait3A_866 = arith.constant 0 : i32
        %dma_wait3A_867 = arith.constant 0 : i32
        %dma_wait3A_868 = tpu.memref_slice %arg2[%select_n3A_9, %dma_wait3A_866, %dma_wait3A_867] : memref<5120x3x64xi32, #tpu.memory_space<hbm>> -> memref<1x3x64xi32, #tpu.memory_space<hbm>>
        %dma_wait3A_869 = tpu.memref_squeeze %dma_wait3A_868 : memref<1x3x64xi32, #tpu.memory_space<hbm>> -> memref<3x64xi32, #tpu.memory_space<hbm>>
        tpu.wait_dma2 semaphore(%arg22 : memref<!tpu.dma_semaphore, #tpu.memory_space<semaphore_mem>>) src(%dma_wait3A_869 : memref<3x64xi32, #tpu.memory_space<hbm>>) dst(%arg8 : memref<3x64xi32, #tpu.memory_space<vmem>>)
        %get3A_870 = arith.constant 0 : i32
        %get3A_871 = arith.index_cast %get3A_870 : i32 to index
        %get3A_872 = arith.constant 0 : index
        %get3A_873 = tpu.vector_load %arg8[%get3A_871, %get3A_872] {strides = array<i32>} : memref<3x64xi32, #tpu.memory_space<vmem>>, vector<16xi32>,
        %add3A_874 = vector.broadcast %mul3A_37 : i32 to vector<16xi32>
        %add3A_875 = arith.addi %get3A_873, %add3A_874 : vector<16xi32>
        %swap3A_876 = arith.constant 0 : i32
        %swap3A_877 = arith.index_cast %swap3A_876 : i32 to index
        %swap3A_878 = arith.constant 0 : index
        %swap3A_879 = tpu.vector_load %arg8[%swap3A_877, %swap3A_878] {strides = array<i32>} : memref<3x64xi32, #tpu.memory_space<vmem>>, vector<16xi32>,
        tpu.vector_store %arg8[%swap3A_877, %swap3A_878], %add3A_875 {strides = array<i32>} : memref<3x64xi32, #tpu.memory_space<vmem>>, vector<16xi32>,
        %get3A_880 = arith.constant 0 : i32
        %get3A_881 = arith.index_cast %get3A_880 : i32 to index
        %get3A_882 = arith.constant 16 : index
        %get3A_883 = tpu.vector_load %arg8[%get3A_881, %get3A_882] {strides = array<i32>} : memref<3x64xi32, #tpu.memory_space<vmem>>, vector<16xi32>,
        %add3A_884 = vector.broadcast %mul3A_37 : i32 to vector<16xi32>
        %add3A_885 = arith.addi %get3A_883, %add3A_884 : vector<16xi32>
        %swap3A_886 = arith.constant 0 : i32
        %swap3A_887 = arith.index_cast %swap3A_886 : i32 to index
        %swap3A_888 = arith.constant 16 : index
        %swap3A_889 = tpu.vector_load %arg8[%swap3A_887, %swap3A_888] {strides = array<i32>} : memref<3x64xi32, #tpu.memory_space<vmem>>, vector<16xi32>,
        tpu.vector_store %arg8[%swap3A_887, %swap3A_888], %add3A_885 {strides = array<i32>} : memref<3x64xi32, #tpu.memory_space<vmem>>, vector<16xi32>,
        %get3A_890 = arith.constant 0 : i32
        %get3A_891 = arith.index_cast %get3A_890 : i32 to index
        %get3A_892 = arith.constant 32 : index
        %get3A_893 = tpu.vector_load %arg8[%get3A_891, %get3A_892] {strides = array<i32>} : memref<3x64xi32, #tpu.memory_space<vmem>>, vector<16xi32>,
        %add3A_894 = vector.broadcast %mul3A_37 : i32 to vector<16xi32>
        %add3A_895 = arith.addi %get3A_893, %add3A_894 : vector<16xi32>
        %swap3A_896 = arith.constant 0 : i32
        %swap3A_897 = arith.index_cast %swap3A_896 : i32 to index
        %swap3A_898 = arith.constant 32 : index
        %swap3A_899 = tpu.vector_load %arg8[%swap3A_897, %swap3A_898] {strides = array<i32>} : memref<3x64xi32, #tpu.memory_space<vmem>>, vector<16xi32>,
        tpu.vector_store %arg8[%swap3A_897, %swap3A_898], %add3A_895 {strides = array<i32>} : memref<3x64xi32, #tpu.memory_space<vmem>>, vector<16xi32>,
        %get3A_900 = arith.constant 0 : i32
        %get3A_901 = arith.index_cast %get3A_900 : i32 to index
        %get3A_902 = arith.constant 48 : index
        %get3A_903 = tpu.vector_load %arg8[%get3A_901, %get3A_902] {strides = array<i32>} : memref<3x64xi32, #tpu.memory_space<vmem>>, vector<16xi32>,
        %add3A_904 = vector.broadcast %mul3A_37 : i32 to vector<16xi32>
        %add3A_905 = arith.addi %get3A_903, %add3A_904 : vector<16xi32>
        %swap3A_906 = arith.constant 0 : i32
        %swap3A_907 = arith.index_cast %swap3A_906 : i32 to index
        %swap3A_908 = arith.constant 48 : index
        %swap3A_909 = tpu.vector_load %arg8[%swap3A_907, %swap3A_908] {strides = array<i32>} : memref<3x64xi32, #tpu.memory_space<vmem>>, vector<16xi32>,
        tpu.vector_store %arg8[%swap3A_907, %swap3A_908], %add3A_905 {strides = array<i32>} : memref<3x64xi32, #tpu.memory_space<vmem>>, vector<16xi32>,
        %dma_start3A_910 = arith.constant 0 : i32
        %dma_start3A_911 = arith.constant 0 : i32
        %dma_start3A_912 = tpu.memref_slice %arg8[%dma_start3A_910, %dma_start3A_911] : memref<3x64xi32, #tpu.memory_space<vmem>> -> memref<1x64xi32, #tpu.memory_space<vmem>>
        %dma_start3A_913 = tpu.memref_squeeze %dma_start3A_912 : memref<1x64xi32, #tpu.memory_space<vmem>> -> memref<64xi32, #tpu.memory_space<vmem>>
        %dma_start3A_914 = arith.constant 0 : i32
        %dma_start3A_915 = arith.constant 0 : i32
        %dma_start3A_916 = tpu.memref_slice %arg4[%dma_start3A_914, %dma_start3A_915] : memref<20000x128xf32, #tpu.memory_space<hbm>> -> memref<20000x128xf32, #tpu.memory_space<hbm>>
        tpu.enqueue_indirect_dma source(%dma_start3A_916 : memref<20000x128xf32, #tpu.memory_space<hbm>>) target(%arg13 : memref<64x128xf32, #tpu.memory_space<vmem>>) offsets(%dma_start3A_913 : memref<64xi32, #tpu.memory_space<vmem>>) semaphore(%arg18 : memref<!tpu.dma_semaphore, #tpu.memory_space<semaphore_mem>>)
      } else {
      }
      %dma_wait3A_158 = arith.constant 0 : i32
      %dma_wait3A_159 = arith.constant 0 : i32
      %dma_wait3A_160 = tpu.memref_slice %arg7[%dma_wait3A_158, %dma_wait3A_159] : memref<3x64xi32, #tpu.memory_space<vmem>> -> memref<1x64xi32, #tpu.memory_space<vmem>>
      %dma_wait3A_161 = tpu.memref_squeeze %dma_wait3A_160 : memref<1x64xi32, #tpu.memory_space<vmem>> -> memref<64xi32, #tpu.memory_space<vmem>>
      %dma_wait3A_162 = arith.constant 0 : i32
      %dma_wait3A_163 = arith.constant 0 : i32
      %dma_wait3A_164 = tpu.memref_slice %arg4[%dma_wait3A_162, %dma_wait3A_163] : memref<20000x128xf32, #tpu.memory_space<hbm>> -> memref<20000x128xf32, #tpu.memory_space<hbm>>
      tpu.wait_indirect_dma semaphore(%arg17 : memref<!tpu.dma_semaphore, #tpu.memory_space<semaphore_mem>>) src(%dma_wait3A_164 : memref<20000x128xf32, #tpu.memory_space<hbm>>) dst(%arg12 : memref<64x128xf32, #tpu.memory_space<vmem>>)
      %get3A_165 = arith.constant 2 : i32
      %get3A_166 = arith.index_cast %get3A_165 : i32 to index
      %get3A_167 = arith.constant 0 : index
      %get3A_168 = tpu.vector_load %arg7[%get3A_166, %get3A_167] {strides = array<i32>} : memref<3x64xi32, #tpu.memory_space<vmem>>, vector<16xi32>,
      %bitcast3A = vector.bitcast %get3A_168 : vector<16xi32> to vector<16xf32>
      %get3A_169 = arith.constant 0 : i32
      %get3A_170 = arith.index_cast %get3A_169 : i32 to index
      %get3A_171 = arith.constant 0 : index
      %get3A_172 = tpu.vector_load %arg7[%get3A_170, %get3A_171] {strides = array<i32>} : memref<3x64xi32, #tpu.memory_space<vmem>>, vector<16xi32>,
      %sub3A_173 = vector.broadcast %mul3A_37 : i32 to vector<16xi32>
      %sub3A_174 = arith.subi %get3A_172, %sub3A_173 : vector<16xi32>
      %shift_right_logical3A = arith.constant 7 : i32
      %shift_right_logical3A_175 = vector.broadcast %shift_right_logical3A : i32 to vector<16xi32>
      %shift_right_logical3A_176 = arith.shrui %sub3A_174, %shift_right_logical3A_175 : vector<16xi32>
      %and3A = arith.constant 127 : i32
      %and3A_177 = vector.broadcast %and3A : i32 to vector<16xi32>
      %and3A_178 = arith.andi %sub3A_174, %and3A_177 : vector<16xi32>
      %get3A_179 = arith.constant 1 : i32
      %get3A_180 = arith.index_cast %get3A_179 : i32 to index
      %get3A_181 = arith.constant 0 : index
      %get3A_182 = tpu.vector_load %arg7[%get3A_180, %get3A_181] {strides = array<i32>} : memref<3x64xi32, #tpu.memory_space<vmem>>, vector<16xi32>,
      %shift_right_logical3A_183 = arith.constant 7 : i32
      %shift_right_logical3A_184 = vector.broadcast %shift_right_logical3A_183 : i32 to vector<16xi32>
      %shift_right_logical3A_185 = arith.shrui %get3A_182, %shift_right_logical3A_184 : vector<16xi32>
      %and3A_186 = arith.constant 127 : i32
      %and3A_187 = vector.broadcast %and3A_186 : i32 to vector<16xi32>
      %and3A_188 = arith.andi %get3A_182, %and3A_187 : vector<16xi32>
      %gather3A = tpu.vector_load_idx %arg6[%shift_right_logical3A_176, %and3A_178] : memref<80x128xf32, #tpu.memory_space<vmem>>[vector<16xi32>, vector<16xi32>], vector<16xf32>,
      %gather3A_189 = tpu.vector_load_idx %arg6[%shift_right_logical3A_185, %and3A_188] : memref<80x128xf32, #tpu.memory_space<vmem>>[vector<16xi32>, vector<16xi32>], vector<16xf32>,
      %mul3A_190 = arith.mulf %bitcast3A, %gather3A : vector<16xf32>
      %mul3A_191 = arith.mulf %mul3A_190, %gather3A_189 : vector<16xf32>
      %neg3A = arith.constant 0.000000e+00 : f32
      %neg3A_192 = vector.broadcast %neg3A : f32 to vector<16xf32>
      %neg3A_193 = arith.subf %neg3A_192, %mul3A_191 : vector<16xf32>
      %swap3A_194 = arith.constant 0 : index
      %swap3A_195 = tpu.vector_load %arg11[%swap3A_194] {strides = array<i32>} : memref<64xf32, #tpu.memory_space<vmem>>, vector<16xf32>,
      tpu.vector_store %arg11[%swap3A_194], %neg3A_193 {strides = array<i32>} : memref<64xf32, #tpu.memory_space<vmem>>, vector<16xf32>,
      %get3A_196 = arith.constant 2 : i32
      %get3A_197 = arith.index_cast %get3A_196 : i32 to index
      %get3A_198 = arith.constant 16 : index
      %get3A_199 = tpu.vector_load %arg7[%get3A_197, %get3A_198] {strides = array<i32>} : memref<3x64xi32, #tpu.memory_space<vmem>>, vector<16xi32>,
      %bitcast3A_200 = vector.bitcast %get3A_199 : vector<16xi32> to vector<16xf32>
      %get3A_201 = arith.constant 0 : i32
      %get3A_202 = arith.index_cast %get3A_201 : i32 to index
      %get3A_203 = arith.constant 16 : index
      %get3A_204 = tpu.vector_load %arg7[%get3A_202, %get3A_203] {strides = array<i32>} : memref<3x64xi32, #tpu.memory_space<vmem>>, vector<16xi32>,
      %sub3A_205 = vector.broadcast %mul3A_37 : i32 to vector<16xi32>
      %sub3A_206 = arith.subi %get3A_204, %sub3A_205 : vector<16xi32>
      %shift_right_logical3A_207 = arith.constant 7 : i32
      %shift_right_logical3A_208 = vector.broadcast %shift_right_logical3A_207 : i32 to vector<16xi32>
      %shift_right_logical3A_209 = arith.shrui %sub3A_206, %shift_right_logical3A_208 : vector<16xi32>
      %and3A_210 = arith.constant 127 : i32
      %and3A_211 = vector.broadcast %and3A_210 : i32 to vector<16xi32>
      %and3A_212 = arith.andi %sub3A_206, %and3A_211 : vector<16xi32>
      %get3A_213 = arith.constant 1 : i32
      %get3A_214 = arith.index_cast %get3A_213 : i32 to index
      %get3A_215 = arith.constant 16 : index
      %get3A_216 = tpu.vector_load %arg7[%get3A_214, %get3A_215] {strides = array<i32>} : memref<3x64xi32, #tpu.memory_space<vmem>>, vector<16xi32>,
      %shift_right_logical3A_217 = arith.constant 7 : i32
      %shift_right_logical3A_218 = vector.broadcast %shift_right_logical3A_217 : i32 to vector<16xi32>
      %shift_right_logical3A_219 = arith.shrui %get3A_216, %shift_right_logical3A_218 : vector<16xi32>
      %and3A_220 = arith.constant 127 : i32
      %and3A_221 = vector.broadcast %and3A_220 : i32 to vector<16xi32>
      %and3A_222 = arith.andi %get3A_216, %and3A_221 : vector<16xi32>
      %gather3A_223 = tpu.vector_load_idx %arg6[%shift_right_logical3A_209, %and3A_212] : memref<80x128xf32, #tpu.memory_space<vmem>>[vector<16xi32>, vector<16xi32>], vector<16xf32>,
      %gather3A_224 = tpu.vector_load_idx %arg6[%shift_right_logical3A_219, %and3A_222] : memref<80x128xf32, #tpu.memory_space<vmem>>[vector<16xi32>, vector<16xi32>], vector<16xf32>,
      %mul3A_225 = arith.mulf %bitcast3A_200, %gather3A_223 : vector<16xf32>
      %mul3A_226 = arith.mulf %mul3A_225, %gather3A_224 : vector<16xf32>
      %neg3A_227 = arith.constant 0.000000e+00 : f32
      %neg3A_228 = vector.broadcast %neg3A_227 : f32 to vector<16xf32>
      %neg3A_229 = arith.subf %neg3A_228, %mul3A_226 : vector<16xf32>
      %swap3A_230 = arith.constant 16 : index
      %swap3A_231 = tpu.vector_load %arg11[%swap3A_230] {strides = array<i32>} : memref<64xf32, #tpu.memory_space<vmem>>, vector<16xf32>,
      tpu.vector_store %arg11[%swap3A_230], %neg3A_229 {strides = array<i32>} : memref<64xf32, #tpu.memory_space<vmem>>, vector<16xf32>,
      %get3A_232 = arith.constant 2 : i32
      %get3A_233 = arith.index_cast %get3A_232 : i32 to index
      %get3A_234 = arith.constant 32 : index
      %get3A_235 = tpu.vector_load %arg7[%get3A_233, %get3A_234] {strides = array<i32>} : memref<3x64xi32, #tpu.memory_space<vmem>>, vector<16xi32>,
      %bitcast3A_236 = vector.bitcast %get3A_235 : vector<16xi32> to vector<16xf32>
      %get3A_237 = arith.constant 0 : i32
      %get3A_238 = arith.index_cast %get3A_237 : i32 to index
      %get3A_239 = arith.constant 32 : index
      %get3A_240 = tpu.vector_load %arg7[%get3A_238, %get3A_239] {strides = array<i32>} : memref<3x64xi32, #tpu.memory_space<vmem>>, vector<16xi32>,
      %sub3A_241 = vector.broadcast %mul3A_37 : i32 to vector<16xi32>
      %sub3A_242 = arith.subi %get3A_240, %sub3A_241 : vector<16xi32>
      %shift_right_logical3A_243 = arith.constant 7 : i32
      %shift_right_logical3A_244 = vector.broadcast %shift_right_logical3A_243 : i32 to vector<16xi32>
      %shift_right_logical3A_245 = arith.shrui %sub3A_242, %shift_right_logical3A_244 : vector<16xi32>
      %and3A_246 = arith.constant 127 : i32
      %and3A_247 = vector.broadcast %and3A_246 : i32 to vector<16xi32>
      %and3A_248 = arith.andi %sub3A_242, %and3A_247 : vector<16xi32>
      %get3A_249 = arith.constant 1 : i32
      %get3A_250 = arith.index_cast %get3A_249 : i32 to index
      %get3A_251 = arith.constant 32 : index
      %get3A_252 = tpu.vector_load %arg7[%get3A_250, %get3A_251] {strides = array<i32>} : memref<3x64xi32, #tpu.memory_space<vmem>>, vector<16xi32>,
      %shift_right_logical3A_253 = arith.constant 7 : i32
      %shift_right_logical3A_254 = vector.broadcast %shift_right_logical3A_253 : i32 to vector<16xi32>
      %shift_right_logical3A_255 = arith.shrui %get3A_252, %shift_right_logical3A_254 : vector<16xi32>
      %and3A_256 = arith.constant 127 : i32
      %and3A_257 = vector.broadcast %and3A_256 : i32 to vector<16xi32>
      %and3A_258 = arith.andi %get3A_252, %and3A_257 : vector<16xi32>
      %gather3A_259 = tpu.vector_load_idx %arg6[%shift_right_logical3A_245, %and3A_248] : memref<80x128xf32, #tpu.memory_space<vmem>>[vector<16xi32>, vector<16xi32>], vector<16xf32>,
      %gather3A_260 = tpu.vector_load_idx %arg6[%shift_right_logical3A_255, %and3A_258] : memref<80x128xf32, #tpu.memory_space<vmem>>[vector<16xi32>, vector<16xi32>], vector<16xf32>,
      %mul3A_261 = arith.mulf %bitcast3A_236, %gather3A_259 : vector<16xf32>
      %mul3A_262 = arith.mulf %mul3A_261, %gather3A_260 : vector<16xf32>
      %neg3A_263 = arith.constant 0.000000e+00 : f32
      %neg3A_264 = vector.broadcast %neg3A_263 : f32 to vector<16xf32>
      %neg3A_265 = arith.subf %neg3A_264, %mul3A_262 : vector<16xf32>
      %swap3A_266 = arith.constant 32 : index
      %swap3A_267 = tpu.vector_load %arg11[%swap3A_266] {strides = array<i32>} : memref<64xf32, #tpu.memory_space<vmem>>, vector<16xf32>,
      tpu.vector_store %arg11[%swap3A_266], %neg3A_265 {strides = array<i32>} : memref<64xf32, #tpu.memory_space<vmem>>, vector<16xf32>,
      %get3A_268 = arith.constant 2 : i32
      %get3A_269 = arith.index_cast %get3A_268 : i32 to index
      %get3A_270 = arith.constant 48 : index
      %get3A_271 = tpu.vector_load %arg7[%get3A_269, %get3A_270] {strides = array<i32>} : memref<3x64xi32, #tpu.memory_space<vmem>>, vector<16xi32>,
      %bitcast3A_272 = vector.bitcast %get3A_271 : vector<16xi32> to vector<16xf32>
      %get3A_273 = arith.constant 0 : i32
      %get3A_274 = arith.index_cast %get3A_273 : i32 to index
      %get3A_275 = arith.constant 48 : index
      %get3A_276 = tpu.vector_load %arg7[%get3A_274, %get3A_275] {strides = array<i32>} : memref<3x64xi32, #tpu.memory_space<vmem>>, vector<16xi32>,
      %sub3A_277 = vector.broadcast %mul3A_37 : i32 to vector<16xi32>
      %sub3A_278 = arith.subi %get3A_276, %sub3A_277 : vector<16xi32>
      %shift_right_logical3A_279 = arith.constant 7 : i32
      %shift_right_logical3A_280 = vector.broadcast %shift_right_logical3A_279 : i32 to vector<16xi32>
      %shift_right_logical3A_281 = arith.shrui %sub3A_278, %shift_right_logical3A_280 : vector<16xi32>
      %and3A_282 = arith.constant 127 : i32
      %and3A_283 = vector.broadcast %and3A_282 : i32 to vector<16xi32>
      %and3A_284 = arith.andi %sub3A_278, %and3A_283 : vector<16xi32>
      %get3A_285 = arith.constant 1 : i32
      %get3A_286 = arith.index_cast %get3A_285 : i32 to index
      %get3A_287 = arith.constant 48 : index
      %get3A_288 = tpu.vector_load %arg7[%get3A_286, %get3A_287] {strides = array<i32>} : memref<3x64xi32, #tpu.memory_space<vmem>>, vector<16xi32>,
      %shift_right_logical3A_289 = arith.constant 7 : i32
      %shift_right_logical3A_290 = vector.broadcast %shift_right_logical3A_289 : i32 to vector<16xi32>
      %shift_right_logical3A_291 = arith.shrui %get3A_288, %shift_right_logical3A_290 : vector<16xi32>
      %and3A_292 = arith.constant 127 : i32
      %and3A_293 = vector.broadcast %and3A_292 : i32 to vector<16xi32>
      %and3A_294 = arith.andi %get3A_288, %and3A_293 : vector<16xi32>
      %gather3A_295 = tpu.vector_load_idx %arg6[%shift_right_logical3A_281, %and3A_284] : memref<80x128xf32, #tpu.memory_space<vmem>>[vector<16xi32>, vector<16xi32>], vector<16xf32>,
      %gather3A_296 = tpu.vector_load_idx %arg6[%shift_right_logical3A_291, %and3A_294] : memref<80x128xf32, #tpu.memory_space<vmem>>[vector<16xi32>, vector<16xi32>], vector<16xf32>,
      %mul3A_297 = arith.mulf %bitcast3A_272, %gather3A_295 : vector<16xf32>
      %mul3A_298 = arith.mulf %mul3A_297, %gather3A_296 : vector<16xf32>
      %neg3A_299 = arith.constant 0.000000e+00 : f32
      %neg3A_300 = vector.broadcast %neg3A_299 : f32 to vector<16xf32>
      %neg3A_301 = arith.subf %neg3A_300, %mul3A_298 : vector<16xf32>
      %swap3A_302 = arith.constant 48 : index
      %swap3A_303 = tpu.vector_load %arg11[%swap3A_302] {strides = array<i32>} : memref<64xf32, #tpu.memory_space<vmem>>, vector<16xf32>,
      tpu.vector_store %arg11[%swap3A_302], %neg3A_301 {strides = array<i32>} : memref<64xf32, #tpu.memory_space<vmem>>, vector<16xf32>,
      %scan3A_304 = arith.constant 0 : i32
      %scan3A_305 = arith.constant 64 : i32
      %scan3A_306 = arith.addi %scan3A_304, %scan3A_305 : i32
      %scan3A_307 = arith.constant 1 : i32
      scf.for %scan3A_862 = %scan3A_304 to %scan3A_306 step %scan3A_307  : i32 {
        %mul3A_863 = arith.constant 1 : i32
        %mul3A_864 = arith.muli %scan3A_862, %mul3A_863 : i32
        %add3A_865 = arith.constant 0 : i32
        %add3A_866 = arith.addi %add3A_865, %mul3A_864 : i32
        %broadcast_in_dim3A_867 = vector.broadcast %add3A_866 : i32 to vector<16xi32>
        %gather3A_868 = tpu.vector_load_idx %arg11[%broadcast_in_dim3A_867] : memref<64xf32, #tpu.memory_space<vmem>>[vector<16xi32>], vector<16xf32>,
        %get3A_869 = arith.index_cast %add3A_866 : i32 to index
        %get3A_870 = arith.constant 0 : index
        %get3A_871 = tpu.vector_load %arg12[%get3A_869, %get3A_870] {strides = array<i32>} : memref<64x128xf32, #tpu.memory_space<vmem>>, vector<16xf32>,
        %mul3A_872 = arith.mulf %get3A_871, %gather3A_868 : vector<16xf32>
        %swap3A_873 = arith.index_cast %add3A_866 : i32 to index
        %swap3A_874 = arith.constant 0 : index
        %swap3A_875 = tpu.vector_load %arg12[%swap3A_873, %swap3A_874] {strides = array<i32>} : memref<64x128xf32, #tpu.memory_space<vmem>>, vector<16xf32>,
        tpu.vector_store %arg12[%swap3A_873, %swap3A_874], %mul3A_872 {strides = array<i32>} : memref<64x128xf32, #tpu.memory_space<vmem>>, vector<16xf32>,
        %get3A_876 = arith.index_cast %add3A_866 : i32 to index
        %get3A_877 = arith.constant 16 : index
        %get3A_878 = tpu.vector_load %arg12[%get3A_876, %get3A_877] {strides = array<i32>} : memref<64x128xf32, #tpu.memory_space<vmem>>, vector<16xf32>,
        %mul3A_879 = arith.mulf %get3A_878, %gather3A_868 : vector<16xf32>
        %swap3A_880 = arith.index_cast %add3A_866 : i32 to index
        %swap3A_881 = arith.constant 16 : index
        %swap3A_882 = tpu.vector_load %arg12[%swap3A_880, %swap3A_881] {strides = array<i32>} : memref<64x128xf32, #tpu.memory_space<vmem>>, vector<16xf32>,
        tpu.vector_store %arg12[%swap3A_880, %swap3A_881], %mul3A_879 {strides = array<i32>} : memref<64x128xf32, #tpu.memory_space<vmem>>, vector<16xf32>,
        %get3A_883 = arith.index_cast %add3A_866 : i32 to index
        %get3A_884 = arith.constant 32 : index
        %get3A_885 = tpu.vector_load %arg12[%get3A_883, %get3A_884] {strides = array<i32>} : memref<64x128xf32, #tpu.memory_space<vmem>>, vector<16xf32>,
        %mul3A_886 = arith.mulf %get3A_885, %gather3A_868 : vector<16xf32>
        %swap3A_887 = arith.index_cast %add3A_866 : i32 to index
        %swap3A_888 = arith.constant 32 : index
        %swap3A_889 = tpu.vector_load %arg12[%swap3A_887, %swap3A_888] {strides = array<i32>} : memref<64x128xf32, #tpu.memory_space<vmem>>, vector<16xf32>,
        tpu.vector_store %arg12[%swap3A_887, %swap3A_888], %mul3A_886 {strides = array<i32>} : memref<64x128xf32, #tpu.memory_space<vmem>>, vector<16xf32>,
        %get3A_890 = arith.index_cast %add3A_866 : i32 to index
        %get3A_891 = arith.constant 48 : index
        %get3A_892 = tpu.vector_load %arg12[%get3A_890, %get3A_891] {strides = array<i32>} : memref<64x128xf32, #tpu.memory_space<vmem>>, vector<16xf32>,
        %mul3A_893 = arith.mulf %get3A_892, %gather3A_868 : vector<16xf32>
        %swap3A_894 = arith.index_cast %add3A_866 : i32 to index
        %swap3A_895 = arith.constant 48 : index
        %swap3A_896 = tpu.vector_load %arg12[%swap3A_894, %swap3A_895] {strides = array<i32>} : memref<64x128xf32, #tpu.memory_space<vmem>>, vector<16xf32>,
        tpu.vector_store %arg12[%swap3A_894, %swap3A_895], %mul3A_893 {strides = array<i32>} : memref<64x128xf32, #tpu.memory_space<vmem>>, vector<16xf32>,
        %get3A_897 = arith.index_cast %add3A_866 : i32 to index
        %get3A_898 = arith.constant 64 : index
        %get3A_899 = tpu.vector_load %arg12[%get3A_897, %get3A_898] {strides = array<i32>} : memref<64x128xf32, #tpu.memory_space<vmem>>, vector<16xf32>,
        %mul3A_900 = arith.mulf %get3A_899, %gather3A_868 : vector<16xf32>
        %swap3A_901 = arith.index_cast %add3A_866 : i32 to index
        %swap3A_902 = arith.constant 64 : index
        %swap3A_903 = tpu.vector_load %arg12[%swap3A_901, %swap3A_902] {strides = array<i32>} : memref<64x128xf32, #tpu.memory_space<vmem>>, vector<16xf32>,
        tpu.vector_store %arg12[%swap3A_901, %swap3A_902], %mul3A_900 {strides = array<i32>} : memref<64x128xf32, #tpu.memory_space<vmem>>, vector<16xf32>,
        %get3A_904 = arith.index_cast %add3A_866 : i32 to index
        %get3A_905 = arith.constant 80 : index
        %get3A_906 = tpu.vector_load %arg12[%get3A_904, %get3A_905] {strides = array<i32>} : memref<64x128xf32, #tpu.memory_space<vmem>>, vector<16xf32>,
        %mul3A_907 = arith.mulf %get3A_906, %gather3A_868 : vector<16xf32>
        %swap3A_908 = arith.index_cast %add3A_866 : i32 to index
        %swap3A_909 = arith.constant 80 : index
        %swap3A_910 = tpu.vector_load %arg12[%swap3A_908, %swap3A_909] {strides = array<i32>} : memref<64x128xf32, #tpu.memory_space<vmem>>, vector<16xf32>,
        tpu.vector_store %arg12[%swap3A_908, %swap3A_909], %mul3A_907 {strides = array<i32>} : memref<64x128xf32, #tpu.memory_space<vmem>>, vector<16xf32>,
        %get3A_911 = arith.index_cast %add3A_866 : i32 to index
        %get3A_912 = arith.constant 96 : index
        %get3A_913 = tpu.vector_load %arg12[%get3A_911, %get3A_912] {strides = array<i32>} : memref<64x128xf32, #tpu.memory_space<vmem>>, vector<16xf32>,
        %mul3A_914 = arith.mulf %get3A_913, %gather3A_868 : vector<16xf32>
        %swap3A_915 = arith.index_cast %add3A_866 : i32 to index
        %swap3A_916 = arith.constant 96 : index
        %swap3A_917 = tpu.vector_load %arg12[%swap3A_915, %swap3A_916] {strides = array<i32>} : memref<64x128xf32, #tpu.memory_space<vmem>>, vector<16xf32>,
        tpu.vector_store %arg12[%swap3A_915, %swap3A_916], %mul3A_914 {strides = array<i32>} : memref<64x128xf32, #tpu.memory_space<vmem>>, vector<16xf32>,
        %get3A_918 = arith.index_cast %add3A_866 : i32 to index
        %get3A_919 = arith.constant 112 : index
        %get3A_920 = tpu.vector_load %arg12[%get3A_918, %get3A_919] {strides = array<i32>} : memref<64x128xf32, #tpu.memory_space<vmem>>, vector<16xf32>,
        %mul3A_921 = arith.mulf %get3A_920, %gather3A_868 : vector<16xf32>
        %swap3A_922 = arith.index_cast %add3A_866 : i32 to index
        %swap3A_923 = arith.constant 112 : index
        %swap3A_924 = tpu.vector_load %arg12[%swap3A_922, %swap3A_923] {strides = array<i32>} : memref<64x128xf32, #tpu.memory_space<vmem>>, vector<16xf32>,
        tpu.vector_store %arg12[%swap3A_922, %swap3A_923], %mul3A_921 {strides = array<i32>} : memref<64x128xf32, #tpu.memory_space<vmem>>, vector<16xf32>,
      }
      %scan3A_308 = arith.constant 64 : i32
      %dma_start3A_309 = arith.constant 1 : i32
      %dma_start3A_310 = arith.constant 0 : i32
      %dma_start3A_311 = tpu.memref_slice %arg7[%dma_start3A_309, %dma_start3A_310] : memref<3x64xi32, #tpu.memory_space<vmem>> -> memref<1x64xi32, #tpu.memory_space<vmem>>
      %dma_start3A_312 = tpu.memref_squeeze %dma_start3A_311 : memref<1x64xi32, #tpu.memory_space<vmem>> -> memref<64xi32, #tpu.memory_space<vmem>>
      %dma_start3A_313 = arith.constant 0 : i32
      %dma_start3A_314 = arith.constant 0 : i32
      %dma_start3A_315 = tpu.memref_slice %arg16[%dma_start3A_313, %dma_start3A_314] : memref<10240x128xf32, #tpu.memory_space<vmem_shared>> -> memref<10240x128xf32, #tpu.memory_space<vmem_shared>>
      tpu.enqueue_indirect_dma source(%arg12 : memref<64x128xf32, #tpu.memory_space<vmem>>) target(%dma_start3A_315 : memref<10240x128xf32, #tpu.memory_space<vmem_shared>>) offsets(%dma_start3A_312 : memref<64xi32, #tpu.memory_space<vmem>>) semaphore(%arg25 : memref<!tpu.dma_semaphore, #tpu.memory_space<semaphore_mem>>) {add = true}
      %add3A_316 = arith.constant 1 : i32
      %add3A_317 = arith.addi %add3A_142, %add3A_316 : i32
      %ge3A_318 = arith.constant 2 : i32
      %ge3A_319 = arith.cmpi sge, %add3A_317, %ge3A_318 : i32
      %convert_element_type3A_320 = arith.extui %ge3A_319 : i1 to i32
      %cond3A_321 = arith.constant 0 : i32
      %cond3A_322 = arith.cmpi ne, %convert_element_type3A_320, %cond3A_321 : i32
      scf.if %cond3A_322 {
        %dma_wait3A_862 = arith.constant 1 : i32
        %dma_wait3A_863 = arith.constant 0 : i32
        %dma_wait3A_864 = tpu.memref_slice %arg10[%dma_wait3A_862, %dma_wait3A_863] : memref<3x64xi32, #tpu.memory_space<vmem>> -> memref<1x64xi32, #tpu.memory_space<vmem>>
        %dma_wait3A_865 = tpu.memref_squeeze %dma_wait3A_864 : memref<1x64xi32, #tpu.memory_space<vmem>> -> memref<64xi32, #tpu.memory_space<vmem>>
        %dma_wait3A_866 = arith.constant 0 : i32
        %dma_wait3A_867 = arith.constant 0 : i32
        %dma_wait3A_868 = tpu.memref_slice %arg16[%dma_wait3A_866, %dma_wait3A_867] : memref<10240x128xf32, #tpu.memory_space<vmem_shared>> -> memref<10240x128xf32, #tpu.memory_space<vmem_shared>>
        tpu.wait_indirect_dma semaphore(%arg28 : memref<!tpu.dma_semaphore, #tpu.memory_space<semaphore_mem>>) src(%arg15 : memref<64x128xf32, #tpu.memory_space<vmem>>) dst(%dma_wait3A_868 : memref<10240x128xf32, #tpu.memory_space<vmem_shared>>)
      } else {
      }
      %add3A_323 = arith.constant 2 : i32
      %add3A_324 = arith.addi %add3A_317, %add3A_323 : i32
      %lt3A_325 = arith.cmpi slt, %add3A_324, %select_n3A : i32
      %convert_element_type3A_326 = arith.extui %lt3A_325 : i1 to i32
      %cond3A_327 = arith.constant 0 : i32
      %cond3A_328 = arith.cmpi ne, %convert_element_type3A_326, %cond3A_327 : i32
      scf.if %cond3A_328 {
        %add3A_862 = arith.constant 2 : i32
        %add3A_863 = arith.addi %add3A_317, %add3A_862 : i32
        %add3A_864 = arith.addi %select_n3A_9, %add3A_863 : i32
        %dma_start3A_865 = arith.constant 0 : i32
        %dma_start3A_866 = arith.constant 0 : i32
        %dma_start3A_867 = tpu.memref_slice %arg2[%add3A_864, %dma_start3A_865, %dma_start3A_866] : memref<5120x3x64xi32, #tpu.memory_space<hbm>> -> memref<1x3x64xi32, #tpu.memory_space<hbm>>
        %dma_start3A_868 = tpu.memref_squeeze %dma_start3A_867 : memref<1x3x64xi32, #tpu.memory_space<hbm>> -> memref<3x64xi32, #tpu.memory_space<hbm>>
        %dma_start3A_869 = arith.constant 0 : i32
        %dma_start3A_870 = arith.constant 0 : i32
        %dma_start3A_871 = tpu.memref_slice %arg2[%add3A_864, %dma_start3A_869, %dma_start3A_870] : memref<5120x3x64xi32, #tpu.memory_space<hbm>> -> memref<1x3x64xi32, #tpu.memory_space<hbm>>
        %dma_start3A_872 = tpu.memref_squeeze %dma_start3A_871 : memref<1x3x64xi32, #tpu.memory_space<hbm>> -> memref<3x64xi32, #tpu.memory_space<hbm>>
        tpu.enqueue_dma source(%dma_start3A_872 : memref<3x64xi32, #tpu.memory_space<hbm>>) target(%arg10 : memref<3x64xi32, #tpu.memory_space<vmem>>) target_semaphore(%arg24 : memref<!tpu.dma_semaphore, #tpu.memory_space<semaphore_mem>>)
      } else {
      }
      %add3A_329 = arith.constant 1 : i32
      %add3A_330 = arith.addi %add3A_317, %add3A_329 : i32
      %lt3A_331 = arith.cmpi slt, %add3A_330, %select_n3A : i32
      %convert_element_type3A_332 = arith.extui %lt3A_331 : i1 to i32
      %cond3A_333 = arith.constant 0 : i32
      %cond3A_334 = arith.cmpi ne, %convert_element_type3A_332, %cond3A_333 : i32
      scf.if %cond3A_334 {
        %dma_wait3A_862 = arith.constant 0 : i32
        %dma_wait3A_863 = arith.constant 0 : i32
        %dma_wait3A_864 = tpu.memref_slice %arg2[%select_n3A_9, %dma_wait3A_862, %dma_wait3A_863] : memref<5120x3x64xi32, #tpu.memory_space<hbm>> -> memref<1x3x64xi32, #tpu.memory_space<hbm>>
        %dma_wait3A_865 = tpu.memref_squeeze %dma_wait3A_864 : memref<1x3x64xi32, #tpu.memory_space<hbm>> -> memref<3x64xi32, #tpu.memory_space<hbm>>
        %dma_wait3A_866 = arith.constant 0 : i32
        %dma_wait3A_867 = arith.constant 0 : i32
        %dma_wait3A_868 = tpu.memref_slice %arg2[%select_n3A_9, %dma_wait3A_866, %dma_wait3A_867] : memref<5120x3x64xi32, #tpu.memory_space<hbm>> -> memref<1x3x64xi32, #tpu.memory_space<hbm>>
        %dma_wait3A_869 = tpu.memref_squeeze %dma_wait3A_868 : memref<1x3x64xi32, #tpu.memory_space<hbm>> -> memref<3x64xi32, #tpu.memory_space<hbm>>
        tpu.wait_dma2 semaphore(%arg23 : memref<!tpu.dma_semaphore, #tpu.memory_space<semaphore_mem>>) src(%dma_wait3A_869 : memref<3x64xi32, #tpu.memory_space<hbm>>) dst(%arg9 : memref<3x64xi32, #tpu.memory_space<vmem>>)
        %get3A_870 = arith.constant 0 : i32
        %get3A_871 = arith.index_cast %get3A_870 : i32 to index
        %get3A_872 = arith.constant 0 : index
        %get3A_873 = tpu.vector_load %arg9[%get3A_871, %get3A_872] {strides = array<i32>} : memref<3x64xi32, #tpu.memory_space<vmem>>, vector<16xi32>,
        %add3A_874 = vector.broadcast %mul3A_37 : i32 to vector<16xi32>
        %add3A_875 = arith.addi %get3A_873, %add3A_874 : vector<16xi32>
        %swap3A_876 = arith.constant 0 : i32
        %swap3A_877 = arith.index_cast %swap3A_876 : i32 to index
        %swap3A_878 = arith.constant 0 : index
        %swap3A_879 = tpu.vector_load %arg9[%swap3A_877, %swap3A_878] {strides = array<i32>} : memref<3x64xi32, #tpu.memory_space<vmem>>, vector<16xi32>,
        tpu.vector_store %arg9[%swap3A_877, %swap3A_878], %add3A_875 {strides = array<i32>} : memref<3x64xi32, #tpu.memory_space<vmem>>, vector<16xi32>,
        %get3A_880 = arith.constant 0 : i32
        %get3A_881 = arith.index_cast %get3A_880 : i32 to index
        %get3A_882 = arith.constant 16 : index
        %get3A_883 = tpu.vector_load %arg9[%get3A_881, %get3A_882] {strides = array<i32>} : memref<3x64xi32, #tpu.memory_space<vmem>>, vector<16xi32>,
        %add3A_884 = vector.broadcast %mul3A_37 : i32 to vector<16xi32>
        %add3A_885 = arith.addi %get3A_883, %add3A_884 : vector<16xi32>
        %swap3A_886 = arith.constant 0 : i32
        %swap3A_887 = arith.index_cast %swap3A_886 : i32 to index
        %swap3A_888 = arith.constant 16 : index
        %swap3A_889 = tpu.vector_load %arg9[%swap3A_887, %swap3A_888] {strides = array<i32>} : memref<3x64xi32, #tpu.memory_space<vmem>>, vector<16xi32>,
        tpu.vector_store %arg9[%swap3A_887, %swap3A_888], %add3A_885 {strides = array<i32>} : memref<3x64xi32, #tpu.memory_space<vmem>>, vector<16xi32>,
        %get3A_890 = arith.constant 0 : i32
        %get3A_891 = arith.index_cast %get3A_890 : i32 to index
        %get3A_892 = arith.constant 32 : index
        %get3A_893 = tpu.vector_load %arg9[%get3A_891, %get3A_892] {strides = array<i32>} : memref<3x64xi32, #tpu.memory_space<vmem>>, vector<16xi32>,
        %add3A_894 = vector.broadcast %mul3A_37 : i32 to vector<16xi32>
        %add3A_895 = arith.addi %get3A_893, %add3A_894 : vector<16xi32>
        %swap3A_896 = arith.constant 0 : i32
        %swap3A_897 = arith.index_cast %swap3A_896 : i32 to index
        %swap3A_898 = arith.constant 32 : index
        %swap3A_899 = tpu.vector_load %arg9[%swap3A_897, %swap3A_898] {strides = array<i32>} : memref<3x64xi32, #tpu.memory_space<vmem>>, vector<16xi32>,
        tpu.vector_store %arg9[%swap3A_897, %swap3A_898], %add3A_895 {strides = array<i32>} : memref<3x64xi32, #tpu.memory_space<vmem>>, vector<16xi32>,
        %get3A_900 = arith.constant 0 : i32
        %get3A_901 = arith.index_cast %get3A_900 : i32 to index
        %get3A_902 = arith.constant 48 : index
        %get3A_903 = tpu.vector_load %arg9[%get3A_901, %get3A_902] {strides = array<i32>} : memref<3x64xi32, #tpu.memory_space<vmem>>, vector<16xi32>,
        %add3A_904 = vector.broadcast %mul3A_37 : i32 to vector<16xi32>
        %add3A_905 = arith.addi %get3A_903, %add3A_904 : vector<16xi32>
        %swap3A_906 = arith.constant 0 : i32
        %swap3A_907 = arith.index_cast %swap3A_906 : i32 to index
        %swap3A_908 = arith.constant 48 : index
        %swap3A_909 = tpu.vector_load %arg9[%swap3A_907, %swap3A_908] {strides = array<i32>} : memref<3x64xi32, #tpu.memory_space<vmem>>, vector<16xi32>,
        tpu.vector_store %arg9[%swap3A_907, %swap3A_908], %add3A_905 {strides = array<i32>} : memref<3x64xi32, #tpu.memory_space<vmem>>, vector<16xi32>,
        %dma_start3A_910 = arith.constant 0 : i32
        %dma_start3A_911 = arith.constant 0 : i32
        %dma_start3A_912 = tpu.memref_slice %arg9[%dma_start3A_910, %dma_start3A_911] : memref<3x64xi32, #tpu.memory_space<vmem>> -> memref<1x64xi32, #tpu.memory_space<vmem>>
        %dma_start3A_913 = tpu.memref_squeeze %dma_start3A_912 : memref<1x64xi32, #tpu.memory_space<vmem>> -> memref<64xi32, #tpu.memory_space<vmem>>
        %dma_start3A_914 = arith.constant 0 : i32
        %dma_start3A_915 = arith.constant 0 : i32
        %dma_start3A_916 = tpu.memref_slice %arg4[%dma_start3A_914, %dma_start3A_915] : memref<20000x128xf32, #tpu.memory_space<hbm>> -> memref<20000x128xf32, #tpu.memory_space<hbm>>
        tpu.enqueue_indirect_dma source(%dma_start3A_916 : memref<20000x128xf32, #tpu.memory_space<hbm>>) target(%arg14 : memref<64x128xf32, #tpu.memory_space<vmem>>) offsets(%dma_start3A_913 : memref<64xi32, #tpu.memory_space<vmem>>) semaphore(%arg19 : memref<!tpu.dma_semaphore, #tpu.memory_space<semaphore_mem>>)
      } else {
      }
      %dma_wait3A_335 = arith.constant 0 : i32
      %dma_wait3A_336 = arith.constant 0 : i32
      %dma_wait3A_337 = tpu.memref_slice %arg8[%dma_wait3A_335, %dma_wait3A_336] : memref<3x64xi32, #tpu.memory_space<vmem>> -> memref<1x64xi32, #tpu.memory_space<vmem>>
      %dma_wait3A_338 = tpu.memref_squeeze %dma_wait3A_337 : memref<1x64xi32, #tpu.memory_space<vmem>> -> memref<64xi32, #tpu.memory_space<vmem>>
      %dma_wait3A_339 = arith.constant 0 : i32
      %dma_wait3A_340 = arith.constant 0 : i32
      %dma_wait3A_341 = tpu.memref_slice %arg4[%dma_wait3A_339, %dma_wait3A_340] : memref<20000x128xf32, #tpu.memory_space<hbm>> -> memref<20000x128xf32, #tpu.memory_space<hbm>>
      tpu.wait_indirect_dma semaphore(%arg18 : memref<!tpu.dma_semaphore, #tpu.memory_space<semaphore_mem>>) src(%dma_wait3A_341 : memref<20000x128xf32, #tpu.memory_space<hbm>>) dst(%arg13 : memref<64x128xf32, #tpu.memory_space<vmem>>)
      %get3A_342 = arith.constant 2 : i32
      %get3A_343 = arith.index_cast %get3A_342 : i32 to index
      %get3A_344 = arith.constant 0 : index
      %get3A_345 = tpu.vector_load %arg8[%get3A_343, %get3A_344] {strides = array<i32>} : memref<3x64xi32, #tpu.memory_space<vmem>>, vector<16xi32>,
      %bitcast3A_346 = vector.bitcast %get3A_345 : vector<16xi32> to vector<16xf32>
      %get3A_347 = arith.constant 0 : i32
      %get3A_348 = arith.index_cast %get3A_347 : i32 to index
      %get3A_349 = arith.constant 0 : index
      %get3A_350 = tpu.vector_load %arg8[%get3A_348, %get3A_349] {strides = array<i32>} : memref<3x64xi32, #tpu.memory_space<vmem>>, vector<16xi32>,
      %sub3A_351 = vector.broadcast %mul3A_37 : i32 to vector<16xi32>
      %sub3A_352 = arith.subi %get3A_350, %sub3A_351 : vector<16xi32>
      %shift_right_logical3A_353 = arith.constant 7 : i32
      %shift_right_logical3A_354 = vector.broadcast %shift_right_logical3A_353 : i32 to vector<16xi32>
      %shift_right_logical3A_355 = arith.shrui %sub3A_352, %shift_right_logical3A_354 : vector<16xi32>
      %and3A_356 = arith.constant 127 : i32
      %and3A_357 = vector.broadcast %and3A_356 : i32 to vector<16xi32>
      %and3A_358 = arith.andi %sub3A_352, %and3A_357 : vector<16xi32>
      %get3A_359 = arith.constant 1 : i32
      %get3A_360 = arith.index_cast %get3A_359 : i32 to index
      %get3A_361 = arith.constant 0 : index
      %get3A_362 = tpu.vector_load %arg8[%get3A_360, %get3A_361] {strides = array<i32>} : memref<3x64xi32, #tpu.memory_space<vmem>>, vector<16xi32>,
      %shift_right_logical3A_363 = arith.constant 7 : i32
      %shift_right_logical3A_364 = vector.broadcast %shift_right_logical3A_363 : i32 to vector<16xi32>
      %shift_right_logical3A_365 = arith.shrui %get3A_362, %shift_right_logical3A_364 : vector<16xi32>
      %and3A_366 = arith.constant 127 : i32
      %and3A_367 = vector.broadcast %and3A_366 : i32 to vector<16xi32>
      %and3A_368 = arith.andi %get3A_362, %and3A_367 : vector<16xi32>
      %gather3A_369 = tpu.vector_load_idx %arg6[%shift_right_logical3A_355, %and3A_358] : memref<80x128xf32, #tpu.memory_space<vmem>>[vector<16xi32>, vector<16xi32>], vector<16xf32>,
      %gather3A_370 = tpu.vector_load_idx %arg6[%shift_right_logical3A_365, %and3A_368] : memref<80x128xf32, #tpu.memory_space<vmem>>[vector<16xi32>, vector<16xi32>], vector<16xf32>,
      %mul3A_371 = arith.mulf %bitcast3A_346, %gather3A_369 : vector<16xf32>
      %mul3A_372 = arith.mulf %mul3A_371, %gather3A_370 : vector<16xf32>
      %neg3A_373 = arith.constant 0.000000e+00 : f32
      %neg3A_374 = vector.broadcast %neg3A_373 : f32 to vector<16xf32>
      %neg3A_375 = arith.subf %neg3A_374, %mul3A_372 : vector<16xf32>
      %swap3A_376 = arith.constant 0 : index
      %swap3A_377 = tpu.vector_load %arg11[%swap3A_376] {strides = array<i32>} : memref<64xf32, #tpu.memory_space<vmem>>, vector<16xf32>,
      tpu.vector_store %arg11[%swap3A_376], %neg3A_375 {strides = array<i32>} : memref<64xf32, #tpu.memory_space<vmem>>, vector<16xf32>,
      %get3A_378 = arith.constant 2 : i32
      %get3A_379 = arith.index_cast %get3A_378 : i32 to index
      %get3A_380 = arith.constant 16 : index
      %get3A_381 = tpu.vector_load %arg8[%get3A_379, %get3A_380] {strides = array<i32>} : memref<3x64xi32, #tpu.memory_space<vmem>>, vector<16xi32>,
      %bitcast3A_382 = vector.bitcast %get3A_381 : vector<16xi32> to vector<16xf32>
      %get3A_383 = arith.constant 0 : i32
      %get3A_384 = arith.index_cast %get3A_383 : i32 to index
      %get3A_385 = arith.constant 16 : index
      %get3A_386 = tpu.vector_load %arg8[%get3A_384, %get3A_385] {strides = array<i32>} : memref<3x64xi32, #tpu.memory_space<vmem>>, vector<16xi32>,
      %sub3A_387 = vector.broadcast %mul3A_37 : i32 to vector<16xi32>
      %sub3A_388 = arith.subi %get3A_386, %sub3A_387 : vector<16xi32>
      %shift_right_logical3A_389 = arith.constant 7 : i32
      %shift_right_logical3A_390 = vector.broadcast %shift_right_logical3A_389 : i32 to vector<16xi32>
      %shift_right_logical3A_391 = arith.shrui %sub3A_388, %shift_right_logical3A_390 : vector<16xi32>
      %and3A_392 = arith.constant 127 : i32
      %and3A_393 = vector.broadcast %and3A_392 : i32 to vector<16xi32>
      %and3A_394 = arith.andi %sub3A_388, %and3A_393 : vector<16xi32>
      %get3A_395 = arith.constant 1 : i32
      %get3A_396 = arith.index_cast %get3A_395 : i32 to index
      %get3A_397 = arith.constant 16 : index
      %get3A_398 = tpu.vector_load %arg8[%get3A_396, %get3A_397] {strides = array<i32>} : memref<3x64xi32, #tpu.memory_space<vmem>>, vector<16xi32>,
      %shift_right_logical3A_399 = arith.constant 7 : i32
      %shift_right_logical3A_400 = vector.broadcast %shift_right_logical3A_399 : i32 to vector<16xi32>
      %shift_right_logical3A_401 = arith.shrui %get3A_398, %shift_right_logical3A_400 : vector<16xi32>
      %and3A_402 = arith.constant 127 : i32
      %and3A_403 = vector.broadcast %and3A_402 : i32 to vector<16xi32>
      %and3A_404 = arith.andi %get3A_398, %and3A_403 : vector<16xi32>
      %gather3A_405 = tpu.vector_load_idx %arg6[%shift_right_logical3A_391, %and3A_394] : memref<80x128xf32, #tpu.memory_space<vmem>>[vector<16xi32>, vector<16xi32>], vector<16xf32>,
      %gather3A_406 = tpu.vector_load_idx %arg6[%shift_right_logical3A_401, %and3A_404] : memref<80x128xf32, #tpu.memory_space<vmem>>[vector<16xi32>, vector<16xi32>], vector<16xf32>,
      %mul3A_407 = arith.mulf %bitcast3A_382, %gather3A_405 : vector<16xf32>
      %mul3A_408 = arith.mulf %mul3A_407, %gather3A_406 : vector<16xf32>
      %neg3A_409 = arith.constant 0.000000e+00 : f32
      %neg3A_410 = vector.broadcast %neg3A_409 : f32 to vector<16xf32>
      %neg3A_411 = arith.subf %neg3A_410, %mul3A_408 : vector<16xf32>
      %swap3A_412 = arith.constant 16 : index
      %swap3A_413 = tpu.vector_load %arg11[%swap3A_412] {strides = array<i32>} : memref<64xf32, #tpu.memory_space<vmem>>, vector<16xf32>,
      tpu.vector_store %arg11[%swap3A_412], %neg3A_411 {strides = array<i32>} : memref<64xf32, #tpu.memory_space<vmem>>, vector<16xf32>,
      %get3A_414 = arith.constant 2 : i32
      %get3A_415 = arith.index_cast %get3A_414 : i32 to index
      %get3A_416 = arith.constant 32 : index
      %get3A_417 = tpu.vector_load %arg8[%get3A_415, %get3A_416] {strides = array<i32>} : memref<3x64xi32, #tpu.memory_space<vmem>>, vector<16xi32>,
      %bitcast3A_418 = vector.bitcast %get3A_417 : vector<16xi32> to vector<16xf32>
      %get3A_419 = arith.constant 0 : i32
      %get3A_420 = arith.index_cast %get3A_419 : i32 to index
      %get3A_421 = arith.constant 32 : index
      %get3A_422 = tpu.vector_load %arg8[%get3A_420, %get3A_421] {strides = array<i32>} : memref<3x64xi32, #tpu.memory_space<vmem>>, vector<16xi32>,
      %sub3A_423 = vector.broadcast %mul3A_37 : i32 to vector<16xi32>
      %sub3A_424 = arith.subi %get3A_422, %sub3A_423 : vector<16xi32>
      %shift_right_logical3A_425 = arith.constant 7 : i32
      %shift_right_logical3A_426 = vector.broadcast %shift_right_logical3A_425 : i32 to vector<16xi32>
      %shift_right_logical3A_427 = arith.shrui %sub3A_424, %shift_right_logical3A_426 : vector<16xi32>
      %and3A_428 = arith.constant 127 : i32
      %and3A_429 = vector.broadcast %and3A_428 : i32 to vector<16xi32>
      %and3A_430 = arith.andi %sub3A_424, %and3A_429 : vector<16xi32>
      %get3A_431 = arith.constant 1 : i32
      %get3A_432 = arith.index_cast %get3A_431 : i32 to index
      %get3A_433 = arith.constant 32 : index
      %get3A_434 = tpu.vector_load %arg8[%get3A_432, %get3A_433] {strides = array<i32>} : memref<3x64xi32, #tpu.memory_space<vmem>>, vector<16xi32>,
      %shift_right_logical3A_435 = arith.constant 7 : i32
      %shift_right_logical3A_436 = vector.broadcast %shift_right_logical3A_435 : i32 to vector<16xi32>
      %shift_right_logical3A_437 = arith.shrui %get3A_434, %shift_right_logical3A_436 : vector<16xi32>
      %and3A_438 = arith.constant 127 : i32
      %and3A_439 = vector.broadcast %and3A_438 : i32 to vector<16xi32>
      %and3A_440 = arith.andi %get3A_434, %and3A_439 : vector<16xi32>
      %gather3A_441 = tpu.vector_load_idx %arg6[%shift_right_logical3A_427, %and3A_430] : memref<80x128xf32, #tpu.memory_space<vmem>>[vector<16xi32>, vector<16xi32>], vector<16xf32>,
      %gather3A_442 = tpu.vector_load_idx %arg6[%shift_right_logical3A_437, %and3A_440] : memref<80x128xf32, #tpu.memory_space<vmem>>[vector<16xi32>, vector<16xi32>], vector<16xf32>,
      %mul3A_443 = arith.mulf %bitcast3A_418, %gather3A_441 : vector<16xf32>
      %mul3A_444 = arith.mulf %mul3A_443, %gather3A_442 : vector<16xf32>
      %neg3A_445 = arith.constant 0.000000e+00 : f32
      %neg3A_446 = vector.broadcast %neg3A_445 : f32 to vector<16xf32>
      %neg3A_447 = arith.subf %neg3A_446, %mul3A_444 : vector<16xf32>
      %swap3A_448 = arith.constant 32 : index
      %swap3A_449 = tpu.vector_load %arg11[%swap3A_448] {strides = array<i32>} : memref<64xf32, #tpu.memory_space<vmem>>, vector<16xf32>,
      tpu.vector_store %arg11[%swap3A_448], %neg3A_447 {strides = array<i32>} : memref<64xf32, #tpu.memory_space<vmem>>, vector<16xf32>,
      %get3A_450 = arith.constant 2 : i32
      %get3A_451 = arith.index_cast %get3A_450 : i32 to index
      %get3A_452 = arith.constant 48 : index
      %get3A_453 = tpu.vector_load %arg8[%get3A_451, %get3A_452] {strides = array<i32>} : memref<3x64xi32, #tpu.memory_space<vmem>>, vector<16xi32>,
      %bitcast3A_454 = vector.bitcast %get3A_453 : vector<16xi32> to vector<16xf32>
      %get3A_455 = arith.constant 0 : i32
      %get3A_456 = arith.index_cast %get3A_455 : i32 to index
      %get3A_457 = arith.constant 48 : index
      %get3A_458 = tpu.vector_load %arg8[%get3A_456, %get3A_457] {strides = array<i32>} : memref<3x64xi32, #tpu.memory_space<vmem>>, vector<16xi32>,
      %sub3A_459 = vector.broadcast %mul3A_37 : i32 to vector<16xi32>
      %sub3A_460 = arith.subi %get3A_458, %sub3A_459 : vector<16xi32>
      %shift_right_logical3A_461 = arith.constant 7 : i32
      %shift_right_logical3A_462 = vector.broadcast %shift_right_logical3A_461 : i32 to vector<16xi32>
      %shift_right_logical3A_463 = arith.shrui %sub3A_460, %shift_right_logical3A_462 : vector<16xi32>
      %and3A_464 = arith.constant 127 : i32
      %and3A_465 = vector.broadcast %and3A_464 : i32 to vector<16xi32>
      %and3A_466 = arith.andi %sub3A_460, %and3A_465 : vector<16xi32>
      %get3A_467 = arith.constant 1 : i32
      %get3A_468 = arith.index_cast %get3A_467 : i32 to index
      %get3A_469 = arith.constant 48 : index
      %get3A_470 = tpu.vector_load %arg8[%get3A_468, %get3A_469] {strides = array<i32>} : memref<3x64xi32, #tpu.memory_space<vmem>>, vector<16xi32>,
      %shift_right_logical3A_471 = arith.constant 7 : i32
      %shift_right_logical3A_472 = vector.broadcast %shift_right_logical3A_471 : i32 to vector<16xi32>
      %shift_right_logical3A_473 = arith.shrui %get3A_470, %shift_right_logical3A_472 : vector<16xi32>
      %and3A_474 = arith.constant 127 : i32
      %and3A_475 = vector.broadcast %and3A_474 : i32 to vector<16xi32>
      %and3A_476 = arith.andi %get3A_470, %and3A_475 : vector<16xi32>
      %gather3A_477 = tpu.vector_load_idx %arg6[%shift_right_logical3A_463, %and3A_466] : memref<80x128xf32, #tpu.memory_space<vmem>>[vector<16xi32>, vector<16xi32>], vector<16xf32>,
      %gather3A_478 = tpu.vector_load_idx %arg6[%shift_right_logical3A_473, %and3A_476] : memref<80x128xf32, #tpu.memory_space<vmem>>[vector<16xi32>, vector<16xi32>], vector<16xf32>,
      %mul3A_479 = arith.mulf %bitcast3A_454, %gather3A_477 : vector<16xf32>
      %mul3A_480 = arith.mulf %mul3A_479, %gather3A_478 : vector<16xf32>
      %neg3A_481 = arith.constant 0.000000e+00 : f32
      %neg3A_482 = vector.broadcast %neg3A_481 : f32 to vector<16xf32>
      %neg3A_483 = arith.subf %neg3A_482, %mul3A_480 : vector<16xf32>
      %swap3A_484 = arith.constant 48 : index
      %swap3A_485 = tpu.vector_load %arg11[%swap3A_484] {strides = array<i32>} : memref<64xf32, #tpu.memory_space<vmem>>, vector<16xf32>,
      tpu.vector_store %arg11[%swap3A_484], %neg3A_483 {strides = array<i32>} : memref<64xf32, #tpu.memory_space<vmem>>, vector<16xf32>,
      %scan3A_486 = arith.constant 0 : i32
      %scan3A_487 = arith.constant 64 : i32
      %scan3A_488 = arith.addi %scan3A_486, %scan3A_487 : i32
      %scan3A_489 = arith.constant 1 : i32
      scf.for %scan3A_862 = %scan3A_486 to %scan3A_488 step %scan3A_489  : i32 {
        %mul3A_863 = arith.constant 1 : i32
        %mul3A_864 = arith.muli %scan3A_862, %mul3A_863 : i32
        %add3A_865 = arith.constant 0 : i32
        %add3A_866 = arith.addi %add3A_865, %mul3A_864 : i32
        %broadcast_in_dim3A_867 = vector.broadcast %add3A_866 : i32 to vector<16xi32>
        %gather3A_868 = tpu.vector_load_idx %arg11[%broadcast_in_dim3A_867] : memref<64xf32, #tpu.memory_space<vmem>>[vector<16xi32>], vector<16xf32>,
        %get3A_869 = arith.index_cast %add3A_866 : i32 to index
        %get3A_870 = arith.constant 0 : index
        %get3A_871 = tpu.vector_load %arg13[%get3A_869, %get3A_870] {strides = array<i32>} : memref<64x128xf32, #tpu.memory_space<vmem>>, vector<16xf32>,
        %mul3A_872 = arith.mulf %get3A_871, %gather3A_868 : vector<16xf32>
        %swap3A_873 = arith.index_cast %add3A_866 : i32 to index
        %swap3A_874 = arith.constant 0 : index
        %swap3A_875 = tpu.vector_load %arg13[%swap3A_873, %swap3A_874] {strides = array<i32>} : memref<64x128xf32, #tpu.memory_space<vmem>>, vector<16xf32>,
        tpu.vector_store %arg13[%swap3A_873, %swap3A_874], %mul3A_872 {strides = array<i32>} : memref<64x128xf32, #tpu.memory_space<vmem>>, vector<16xf32>,
        %get3A_876 = arith.index_cast %add3A_866 : i32 to index
        %get3A_877 = arith.constant 16 : index
        %get3A_878 = tpu.vector_load %arg13[%get3A_876, %get3A_877] {strides = array<i32>} : memref<64x128xf32, #tpu.memory_space<vmem>>, vector<16xf32>,
        %mul3A_879 = arith.mulf %get3A_878, %gather3A_868 : vector<16xf32>
        %swap3A_880 = arith.index_cast %add3A_866 : i32 to index
        %swap3A_881 = arith.constant 16 : index
        %swap3A_882 = tpu.vector_load %arg13[%swap3A_880, %swap3A_881] {strides = array<i32>} : memref<64x128xf32, #tpu.memory_space<vmem>>, vector<16xf32>,
        tpu.vector_store %arg13[%swap3A_880, %swap3A_881], %mul3A_879 {strides = array<i32>} : memref<64x128xf32, #tpu.memory_space<vmem>>, vector<16xf32>,
        %get3A_883 = arith.index_cast %add3A_866 : i32 to index
        %get3A_884 = arith.constant 32 : index
        %get3A_885 = tpu.vector_load %arg13[%get3A_883, %get3A_884] {strides = array<i32>} : memref<64x128xf32, #tpu.memory_space<vmem>>, vector<16xf32>,
        %mul3A_886 = arith.mulf %get3A_885, %gather3A_868 : vector<16xf32>
        %swap3A_887 = arith.index_cast %add3A_866 : i32 to index
        %swap3A_888 = arith.constant 32 : index
        %swap3A_889 = tpu.vector_load %arg13[%swap3A_887, %swap3A_888] {strides = array<i32>} : memref<64x128xf32, #tpu.memory_space<vmem>>, vector<16xf32>,
        tpu.vector_store %arg13[%swap3A_887, %swap3A_888], %mul3A_886 {strides = array<i32>} : memref<64x128xf32, #tpu.memory_space<vmem>>, vector<16xf32>,
        %get3A_890 = arith.index_cast %add3A_866 : i32 to index
        %get3A_891 = arith.constant 48 : index
        %get3A_892 = tpu.vector_load %arg13[%get3A_890, %get3A_891] {strides = array<i32>} : memref<64x128xf32, #tpu.memory_space<vmem>>, vector<16xf32>,
        %mul3A_893 = arith.mulf %get3A_892, %gather3A_868 : vector<16xf32>
        %swap3A_894 = arith.index_cast %add3A_866 : i32 to index
        %swap3A_895 = arith.constant 48 : index
        %swap3A_896 = tpu.vector_load %arg13[%swap3A_894, %swap3A_895] {strides = array<i32>} : memref<64x128xf32, #tpu.memory_space<vmem>>, vector<16xf32>,
        tpu.vector_store %arg13[%swap3A_894, %swap3A_895], %mul3A_893 {strides = array<i32>} : memref<64x128xf32, #tpu.memory_space<vmem>>, vector<16xf32>,
        %get3A_897 = arith.index_cast %add3A_866 : i32 to index
        %get3A_898 = arith.constant 64 : index
        %get3A_899 = tpu.vector_load %arg13[%get3A_897, %get3A_898] {strides = array<i32>} : memref<64x128xf32, #tpu.memory_space<vmem>>, vector<16xf32>,
        %mul3A_900 = arith.mulf %get3A_899, %gather3A_868 : vector<16xf32>
        %swap3A_901 = arith.index_cast %add3A_866 : i32 to index
        %swap3A_902 = arith.constant 64 : index
        %swap3A_903 = tpu.vector_load %arg13[%swap3A_901, %swap3A_902] {strides = array<i32>} : memref<64x128xf32, #tpu.memory_space<vmem>>, vector<16xf32>,
        tpu.vector_store %arg13[%swap3A_901, %swap3A_902], %mul3A_900 {strides = array<i32>} : memref<64x128xf32, #tpu.memory_space<vmem>>, vector<16xf32>,
        %get3A_904 = arith.index_cast %add3A_866 : i32 to index
        %get3A_905 = arith.constant 80 : index
        %get3A_906 = tpu.vector_load %arg13[%get3A_904, %get3A_905] {strides = array<i32>} : memref<64x128xf32, #tpu.memory_space<vmem>>, vector<16xf32>,
        %mul3A_907 = arith.mulf %get3A_906, %gather3A_868 : vector<16xf32>
        %swap3A_908 = arith.index_cast %add3A_866 : i32 to index
        %swap3A_909 = arith.constant 80 : index
        %swap3A_910 = tpu.vector_load %arg13[%swap3A_908, %swap3A_909] {strides = array<i32>} : memref<64x128xf32, #tpu.memory_space<vmem>>, vector<16xf32>,
        tpu.vector_store %arg13[%swap3A_908, %swap3A_909], %mul3A_907 {strides = array<i32>} : memref<64x128xf32, #tpu.memory_space<vmem>>, vector<16xf32>,
        %get3A_911 = arith.index_cast %add3A_866 : i32 to index
        %get3A_912 = arith.constant 96 : index
        %get3A_913 = tpu.vector_load %arg13[%get3A_911, %get3A_912] {strides = array<i32>} : memref<64x128xf32, #tpu.memory_space<vmem>>, vector<16xf32>,
        %mul3A_914 = arith.mulf %get3A_913, %gather3A_868 : vector<16xf32>
        %swap3A_915 = arith.index_cast %add3A_866 : i32 to index
        %swap3A_916 = arith.constant 96 : index
        %swap3A_917 = tpu.vector_load %arg13[%swap3A_915, %swap3A_916] {strides = array<i32>} : memref<64x128xf32, #tpu.memory_space<vmem>>, vector<16xf32>,
        tpu.vector_store %arg13[%swap3A_915, %swap3A_916], %mul3A_914 {strides = array<i32>} : memref<64x128xf32, #tpu.memory_space<vmem>>, vector<16xf32>,
        %get3A_918 = arith.index_cast %add3A_866 : i32 to index
        %get3A_919 = arith.constant 112 : index
        %get3A_920 = tpu.vector_load %arg13[%get3A_918, %get3A_919] {strides = array<i32>} : memref<64x128xf32, #tpu.memory_space<vmem>>, vector<16xf32>,
        %mul3A_921 = arith.mulf %get3A_920, %gather3A_868 : vector<16xf32>
        %swap3A_922 = arith.index_cast %add3A_866 : i32 to index
        %swap3A_923 = arith.constant 112 : index
        %swap3A_924 = tpu.vector_load %arg13[%swap3A_922, %swap3A_923] {strides = array<i32>} : memref<64x128xf32, #tpu.memory_space<vmem>>, vector<16xf32>,
        tpu.vector_store %arg13[%swap3A_922, %swap3A_923], %mul3A_921 {strides = array<i32>} : memref<64x128xf32, #tpu.memory_space<vmem>>, vector<16xf32>,
      }
      %scan3A_490 = arith.constant 64 : i32
      %dma_start3A_491 = arith.constant 1 : i32
      %dma_start3A_492 = arith.constant 0 : i32
      %dma_start3A_493 = tpu.memref_slice %arg8[%dma_start3A_491, %dma_start3A_492] : memref<3x64xi32, #tpu.memory_space<vmem>> -> memref<1x64xi32, #tpu.memory_space<vmem>>
      %dma_start3A_494 = tpu.memref_squeeze %dma_start3A_493 : memref<1x64xi32, #tpu.memory_space<vmem>> -> memref<64xi32, #tpu.memory_space<vmem>>
      %dma_start3A_495 = arith.constant 0 : i32
      %dma_start3A_496 = arith.constant 0 : i32
      %dma_start3A_497 = tpu.memref_slice %arg16[%dma_start3A_495, %dma_start3A_496] : memref<10240x128xf32, #tpu.memory_space<vmem_shared>> -> memref<10240x128xf32, #tpu.memory_space<vmem_shared>>
      tpu.enqueue_indirect_dma source(%arg13 : memref<64x128xf32, #tpu.memory_space<vmem>>) target(%dma_start3A_497 : memref<10240x128xf32, #tpu.memory_space<vmem_shared>>) offsets(%dma_start3A_494 : memref<64xi32, #tpu.memory_space<vmem>>) semaphore(%arg26 : memref<!tpu.dma_semaphore, #tpu.memory_space<semaphore_mem>>) {add = true}
      %add3A_498 = arith.constant 2 : i32
      %add3A_499 = arith.addi %add3A_142, %add3A_498 : i32
      %ge3A_500 = arith.constant 2 : i32
      %ge3A_501 = arith.cmpi sge, %add3A_499, %ge3A_500 : i32
      %convert_element_type3A_502 = arith.extui %ge3A_501 : i1 to i32
      %cond3A_503 = arith.constant 0 : i32
      %cond3A_504 = arith.cmpi ne, %convert_element_type3A_502, %cond3A_503 : i32
      scf.if %cond3A_504 {
        %dma_wait3A_862 = arith.constant 1 : i32
        %dma_wait3A_863 = arith.constant 0 : i32
        %dma_wait3A_864 = tpu.memref_slice %arg7[%dma_wait3A_862, %dma_wait3A_863] : memref<3x64xi32, #tpu.memory_space<vmem>> -> memref<1x64xi32, #tpu.memory_space<vmem>>
        %dma_wait3A_865 = tpu.memref_squeeze %dma_wait3A_864 : memref<1x64xi32, #tpu.memory_space<vmem>> -> memref<64xi32, #tpu.memory_space<vmem>>
        %dma_wait3A_866 = arith.constant 0 : i32
        %dma_wait3A_867 = arith.constant 0 : i32
        %dma_wait3A_868 = tpu.memref_slice %arg16[%dma_wait3A_866, %dma_wait3A_867] : memref<10240x128xf32, #tpu.memory_space<vmem_shared>> -> memref<10240x128xf32, #tpu.memory_space<vmem_shared>>
        tpu.wait_indirect_dma semaphore(%arg25 : memref<!tpu.dma_semaphore, #tpu.memory_space<semaphore_mem>>) src(%arg12 : memref<64x128xf32, #tpu.memory_space<vmem>>) dst(%dma_wait3A_868 : memref<10240x128xf32, #tpu.memory_space<vmem_shared>>)
      } else {
      }
      %add3A_505 = arith.constant 2 : i32
      %add3A_506 = arith.addi %add3A_499, %add3A_505 : i32
      %lt3A_507 = arith.cmpi slt, %add3A_506, %select_n3A : i32
      %convert_element_type3A_508 = arith.extui %lt3A_507 : i1 to i32
      %cond3A_509 = arith.constant 0 : i32
      %cond3A_510 = arith.cmpi ne, %convert_element_type3A_508, %cond3A_509 : i32
      scf.if %cond3A_510 {
        %add3A_862 = arith.constant 2 : i32
        %add3A_863 = arith.addi %add3A_499, %add3A_862 : i32
        %add3A_864 = arith.addi %select_n3A_9, %add3A_863 : i32
        %dma_start3A_865 = arith.constant 0 : i32
        %dma_start3A_866 = arith.constant 0 : i32
        %dma_start3A_867 = tpu.memref_slice %arg2[%add3A_864, %dma_start3A_865, %dma_start3A_866] : memref<5120x3x64xi32, #tpu.memory_space<hbm>> -> memref<1x3x64xi32, #tpu.memory_space<hbm>>
        %dma_start3A_868 = tpu.memref_squeeze %dma_start3A_867 : memref<1x3x64xi32, #tpu.memory_space<hbm>> -> memref<3x64xi32, #tpu.memory_space<hbm>>
        %dma_start3A_869 = arith.constant 0 : i32
        %dma_start3A_870 = arith.constant 0 : i32
        %dma_start3A_871 = tpu.memref_slice %arg2[%add3A_864, %dma_start3A_869, %dma_start3A_870] : memref<5120x3x64xi32, #tpu.memory_space<hbm>> -> memref<1x3x64xi32, #tpu.memory_space<hbm>>
        %dma_start3A_872 = tpu.memref_squeeze %dma_start3A_871 : memref<1x3x64xi32, #tpu.memory_space<hbm>> -> memref<3x64xi32, #tpu.memory_space<hbm>>
        tpu.enqueue_dma source(%dma_start3A_872 : memref<3x64xi32, #tpu.memory_space<hbm>>) target(%arg7 : memref<3x64xi32, #tpu.memory_space<vmem>>) target_semaphore(%arg21 : memref<!tpu.dma_semaphore, #tpu.memory_space<semaphore_mem>>)
      } else {
      }
      %add3A_511 = arith.constant 1 : i32
      %add3A_512 = arith.addi %add3A_499, %add3A_511 : i32
      %lt3A_513 = arith.cmpi slt, %add3A_512, %select_n3A : i32
      %convert_element_type3A_514 = arith.extui %lt3A_513 : i1 to i32
      %cond3A_515 = arith.constant 0 : i32
      %cond3A_516 = arith.cmpi ne, %convert_element_type3A_514, %cond3A_515 : i32
      scf.if %cond3A_516 {
        %dma_wait3A_862 = arith.constant 0 : i32
        %dma_wait3A_863 = arith.constant 0 : i32
        %dma_wait3A_864 = tpu.memref_slice %arg2[%select_n3A_9, %dma_wait3A_862, %dma_wait3A_863] : memref<5120x3x64xi32, #tpu.memory_space<hbm>> -> memref<1x3x64xi32, #tpu.memory_space<hbm>>
        %dma_wait3A_865 = tpu.memref_squeeze %dma_wait3A_864 : memref<1x3x64xi32, #tpu.memory_space<hbm>> -> memref<3x64xi32, #tpu.memory_space<hbm>>
        %dma_wait3A_866 = arith.constant 0 : i32
        %dma_wait3A_867 = arith.constant 0 : i32
        %dma_wait3A_868 = tpu.memref_slice %arg2[%select_n3A_9, %dma_wait3A_866, %dma_wait3A_867] : memref<5120x3x64xi32, #tpu.memory_space<hbm>> -> memref<1x3x64xi32, #tpu.memory_space<hbm>>
        %dma_wait3A_869 = tpu.memref_squeeze %dma_wait3A_868 : memref<1x3x64xi32, #tpu.memory_space<hbm>> -> memref<3x64xi32, #tpu.memory_space<hbm>>
        tpu.wait_dma2 semaphore(%arg24 : memref<!tpu.dma_semaphore, #tpu.memory_space<semaphore_mem>>) src(%dma_wait3A_869 : memref<3x64xi32, #tpu.memory_space<hbm>>) dst(%arg10 : memref<3x64xi32, #tpu.memory_space<vmem>>)
        %get3A_870 = arith.constant 0 : i32
        %get3A_871 = arith.index_cast %get3A_870 : i32 to index
        %get3A_872 = arith.constant 0 : index
        %get3A_873 = tpu.vector_load %arg10[%get3A_871, %get3A_872] {strides = array<i32>} : memref<3x64xi32, #tpu.memory_space<vmem>>, vector<16xi32>,
        %add3A_874 = vector.broadcast %mul3A_37 : i32 to vector<16xi32>
        %add3A_875 = arith.addi %get3A_873, %add3A_874 : vector<16xi32>
        %swap3A_876 = arith.constant 0 : i32
        %swap3A_877 = arith.index_cast %swap3A_876 : i32 to index
        %swap3A_878 = arith.constant 0 : index
        %swap3A_879 = tpu.vector_load %arg10[%swap3A_877, %swap3A_878] {strides = array<i32>} : memref<3x64xi32, #tpu.memory_space<vmem>>, vector<16xi32>,
        tpu.vector_store %arg10[%swap3A_877, %swap3A_878], %add3A_875 {strides = array<i32>} : memref<3x64xi32, #tpu.memory_space<vmem>>, vector<16xi32>,
        %get3A_880 = arith.constant 0 : i32
        %get3A_881 = arith.index_cast %get3A_880 : i32 to index
        %get3A_882 = arith.constant 16 : index
        %get3A_883 = tpu.vector_load %arg10[%get3A_881, %get3A_882] {strides = array<i32>} : memref<3x64xi32, #tpu.memory_space<vmem>>, vector<16xi32>,
        %add3A_884 = vector.broadcast %mul3A_37 : i32 to vector<16xi32>
        %add3A_885 = arith.addi %get3A_883, %add3A_884 : vector<16xi32>
        %swap3A_886 = arith.constant 0 : i32
        %swap3A_887 = arith.index_cast %swap3A_886 : i32 to index
        %swap3A_888 = arith.constant 16 : index
        %swap3A_889 = tpu.vector_load %arg10[%swap3A_887, %swap3A_888] {strides = array<i32>} : memref<3x64xi32, #tpu.memory_space<vmem>>, vector<16xi32>,
        tpu.vector_store %arg10[%swap3A_887, %swap3A_888], %add3A_885 {strides = array<i32>} : memref<3x64xi32, #tpu.memory_space<vmem>>, vector<16xi32>,
        %get3A_890 = arith.constant 0 : i32
        %get3A_891 = arith.index_cast %get3A_890 : i32 to index
        %get3A_892 = arith.constant 32 : index
        %get3A_893 = tpu.vector_load %arg10[%get3A_891, %get3A_892] {strides = array<i32>} : memref<3x64xi32, #tpu.memory_space<vmem>>, vector<16xi32>,
        %add3A_894 = vector.broadcast %mul3A_37 : i32 to vector<16xi32>
        %add3A_895 = arith.addi %get3A_893, %add3A_894 : vector<16xi32>
        %swap3A_896 = arith.constant 0 : i32
        %swap3A_897 = arith.index_cast %swap3A_896 : i32 to index
        %swap3A_898 = arith.constant 32 : index
        %swap3A_899 = tpu.vector_load %arg10[%swap3A_897, %swap3A_898] {strides = array<i32>} : memref<3x64xi32, #tpu.memory_space<vmem>>, vector<16xi32>,
        tpu.vector_store %arg10[%swap3A_897, %swap3A_898], %add3A_895 {strides = array<i32>} : memref<3x64xi32, #tpu.memory_space<vmem>>, vector<16xi32>,
        %get3A_900 = arith.constant 0 : i32
        %get3A_901 = arith.index_cast %get3A_900 : i32 to index
        %get3A_902 = arith.constant 48 : index
        %get3A_903 = tpu.vector_load %arg10[%get3A_901, %get3A_902] {strides = array<i32>} : memref<3x64xi32, #tpu.memory_space<vmem>>, vector<16xi32>,
        %add3A_904 = vector.broadcast %mul3A_37 : i32 to vector<16xi32>
        %add3A_905 = arith.addi %get3A_903, %add3A_904 : vector<16xi32>
        %swap3A_906 = arith.constant 0 : i32
        %swap3A_907 = arith.index_cast %swap3A_906 : i32 to index
        %swap3A_908 = arith.constant 48 : index
        %swap3A_909 = tpu.vector_load %arg10[%swap3A_907, %swap3A_908] {strides = array<i32>} : memref<3x64xi32, #tpu.memory_space<vmem>>, vector<16xi32>,
        tpu.vector_store %arg10[%swap3A_907, %swap3A_908], %add3A_905 {strides = array<i32>} : memref<3x64xi32, #tpu.memory_space<vmem>>, vector<16xi32>,
        %dma_start3A_910 = arith.constant 0 : i32
        %dma_start3A_911 = arith.constant 0 : i32
        %dma_start3A_912 = tpu.memref_slice %arg10[%dma_start3A_910, %dma_start3A_911] : memref<3x64xi32, #tpu.memory_space<vmem>> -> memref<1x64xi32, #tpu.memory_space<vmem>>
        %dma_start3A_913 = tpu.memref_squeeze %dma_start3A_912 : memref<1x64xi32, #tpu.memory_space<vmem>> -> memref<64xi32, #tpu.memory_space<vmem>>
        %dma_start3A_914 = arith.constant 0 : i32
        %dma_start3A_915 = arith.constant 0 : i32
        %dma_start3A_916 = tpu.memref_slice %arg4[%dma_start3A_914, %dma_start3A_915] : memref<20000x128xf32, #tpu.memory_space<hbm>> -> memref<20000x128xf32, #tpu.memory_space<hbm>>
        tpu.enqueue_indirect_dma source(%dma_start3A_916 : memref<20000x128xf32, #tpu.memory_space<hbm>>) target(%arg15 : memref<64x128xf32, #tpu.memory_space<vmem>>) offsets(%dma_start3A_913 : memref<64xi32, #tpu.memory_space<vmem>>) semaphore(%arg20 : memref<!tpu.dma_semaphore, #tpu.memory_space<semaphore_mem>>)
      } else {
      }
      %dma_wait3A_517 = arith.constant 0 : i32
      %dma_wait3A_518 = arith.constant 0 : i32
      %dma_wait3A_519 = tpu.memref_slice %arg9[%dma_wait3A_517, %dma_wait3A_518] : memref<3x64xi32, #tpu.memory_space<vmem>> -> memref<1x64xi32, #tpu.memory_space<vmem>>
      %dma_wait3A_520 = tpu.memref_squeeze %dma_wait3A_519 : memref<1x64xi32, #tpu.memory_space<vmem>> -> memref<64xi32, #tpu.memory_space<vmem>>
      %dma_wait3A_521 = arith.constant 0 : i32
      %dma_wait3A_522 = arith.constant 0 : i32
      %dma_wait3A_523 = tpu.memref_slice %arg4[%dma_wait3A_521, %dma_wait3A_522] : memref<20000x128xf32, #tpu.memory_space<hbm>> -> memref<20000x128xf32, #tpu.memory_space<hbm>>
      tpu.wait_indirect_dma semaphore(%arg19 : memref<!tpu.dma_semaphore, #tpu.memory_space<semaphore_mem>>) src(%dma_wait3A_523 : memref<20000x128xf32, #tpu.memory_space<hbm>>) dst(%arg14 : memref<64x128xf32, #tpu.memory_space<vmem>>)
      %get3A_524 = arith.constant 2 : i32
      %get3A_525 = arith.index_cast %get3A_524 : i32 to index
      %get3A_526 = arith.constant 0 : index
      %get3A_527 = tpu.vector_load %arg9[%get3A_525, %get3A_526] {strides = array<i32>} : memref<3x64xi32, #tpu.memory_space<vmem>>, vector<16xi32>,
      %bitcast3A_528 = vector.bitcast %get3A_527 : vector<16xi32> to vector<16xf32>
      %get3A_529 = arith.constant 0 : i32
      %get3A_530 = arith.index_cast %get3A_529 : i32 to index
      %get3A_531 = arith.constant 0 : index
      %get3A_532 = tpu.vector_load %arg9[%get3A_530, %get3A_531] {strides = array<i32>} : memref<3x64xi32, #tpu.memory_space<vmem>>, vector<16xi32>,
      %sub3A_533 = vector.broadcast %mul3A_37 : i32 to vector<16xi32>
      %sub3A_534 = arith.subi %get3A_532, %sub3A_533 : vector<16xi32>
      %shift_right_logical3A_535 = arith.constant 7 : i32
      %shift_right_logical3A_536 = vector.broadcast %shift_right_logical3A_535 : i32 to vector<16xi32>
      %shift_right_logical3A_537 = arith.shrui %sub3A_534, %shift_right_logical3A_536 : vector<16xi32>
      %and3A_538 = arith.constant 127 : i32
      %and3A_539 = vector.broadcast %and3A_538 : i32 to vector<16xi32>
      %and3A_540 = arith.andi %sub3A_534, %and3A_539 : vector<16xi32>
      %get3A_541 = arith.constant 1 : i32
      %get3A_542 = arith.index_cast %get3A_541 : i32 to index
      %get3A_543 = arith.constant 0 : index
      %get3A_544 = tpu.vector_load %arg9[%get3A_542, %get3A_543] {strides = array<i32>} : memref<3x64xi32, #tpu.memory_space<vmem>>, vector<16xi32>,
      %shift_right_logical3A_545 = arith.constant 7 : i32
      %shift_right_logical3A_546 = vector.broadcast %shift_right_logical3A_545 : i32 to vector<16xi32>
      %shift_right_logical3A_547 = arith.shrui %get3A_544, %shift_right_logical3A_546 : vector<16xi32>
      %and3A_548 = arith.constant 127 : i32
      %and3A_549 = vector.broadcast %and3A_548 : i32 to vector<16xi32>
      %and3A_550 = arith.andi %get3A_544, %and3A_549 : vector<16xi32>
      %gather3A_551 = tpu.vector_load_idx %arg6[%shift_right_logical3A_537, %and3A_540] : memref<80x128xf32, #tpu.memory_space<vmem>>[vector<16xi32>, vector<16xi32>], vector<16xf32>,
      %gather3A_552 = tpu.vector_load_idx %arg6[%shift_right_logical3A_547, %and3A_550] : memref<80x128xf32, #tpu.memory_space<vmem>>[vector<16xi32>, vector<16xi32>], vector<16xf32>,
      %mul3A_553 = arith.mulf %bitcast3A_528, %gather3A_551 : vector<16xf32>
      %mul3A_554 = arith.mulf %mul3A_553, %gather3A_552 : vector<16xf32>
      %neg3A_555 = arith.constant 0.000000e+00 : f32
      %neg3A_556 = vector.broadcast %neg3A_555 : f32 to vector<16xf32>
      %neg3A_557 = arith.subf %neg3A_556, %mul3A_554 : vector<16xf32>
      %swap3A_558 = arith.constant 0 : index
      %swap3A_559 = tpu.vector_load %arg11[%swap3A_558] {strides = array<i32>} : memref<64xf32, #tpu.memory_space<vmem>>, vector<16xf32>,
      tpu.vector_store %arg11[%swap3A_558], %neg3A_557 {strides = array<i32>} : memref<64xf32, #tpu.memory_space<vmem>>, vector<16xf32>,
      %get3A_560 = arith.constant 2 : i32
      %get3A_561 = arith.index_cast %get3A_560 : i32 to index
      %get3A_562 = arith.constant 16 : index
      %get3A_563 = tpu.vector_load %arg9[%get3A_561, %get3A_562] {strides = array<i32>} : memref<3x64xi32, #tpu.memory_space<vmem>>, vector<16xi32>,
      %bitcast3A_564 = vector.bitcast %get3A_563 : vector<16xi32> to vector<16xf32>
      %get3A_565 = arith.constant 0 : i32
      %get3A_566 = arith.index_cast %get3A_565 : i32 to index
      %get3A_567 = arith.constant 16 : index
      %get3A_568 = tpu.vector_load %arg9[%get3A_566, %get3A_567] {strides = array<i32>} : memref<3x64xi32, #tpu.memory_space<vmem>>, vector<16xi32>,
      %sub3A_569 = vector.broadcast %mul3A_37 : i32 to vector<16xi32>
      %sub3A_570 = arith.subi %get3A_568, %sub3A_569 : vector<16xi32>
      %shift_right_logical3A_571 = arith.constant 7 : i32
      %shift_right_logical3A_572 = vector.broadcast %shift_right_logical3A_571 : i32 to vector<16xi32>
      %shift_right_logical3A_573 = arith.shrui %sub3A_570, %shift_right_logical3A_572 : vector<16xi32>
      %and3A_574 = arith.constant 127 : i32
      %and3A_575 = vector.broadcast %and3A_574 : i32 to vector<16xi32>
      %and3A_576 = arith.andi %sub3A_570, %and3A_575 : vector<16xi32>
      %get3A_577 = arith.constant 1 : i32
      %get3A_578 = arith.index_cast %get3A_577 : i32 to index
      %get3A_579 = arith.constant 16 : index
      %get3A_580 = tpu.vector_load %arg9[%get3A_578, %get3A_579] {strides = array<i32>} : memref<3x64xi32, #tpu.memory_space<vmem>>, vector<16xi32>,
      %shift_right_logical3A_581 = arith.constant 7 : i32
      %shift_right_logical3A_582 = vector.broadcast %shift_right_logical3A_581 : i32 to vector<16xi32>
      %shift_right_logical3A_583 = arith.shrui %get3A_580, %shift_right_logical3A_582 : vector<16xi32>
      %and3A_584 = arith.constant 127 : i32
      %and3A_585 = vector.broadcast %and3A_584 : i32 to vector<16xi32>
      %and3A_586 = arith.andi %get3A_580, %and3A_585 : vector<16xi32>
      %gather3A_587 = tpu.vector_load_idx %arg6[%shift_right_logical3A_573, %and3A_576] : memref<80x128xf32, #tpu.memory_space<vmem>>[vector<16xi32>, vector<16xi32>], vector<16xf32>,
      %gather3A_588 = tpu.vector_load_idx %arg6[%shift_right_logical3A_583, %and3A_586] : memref<80x128xf32, #tpu.memory_space<vmem>>[vector<16xi32>, vector<16xi32>], vector<16xf32>,
      %mul3A_589 = arith.mulf %bitcast3A_564, %gather3A_587 : vector<16xf32>
      %mul3A_590 = arith.mulf %mul3A_589, %gather3A_588 : vector<16xf32>
      %neg3A_591 = arith.constant 0.000000e+00 : f32
      %neg3A_592 = vector.broadcast %neg3A_591 : f32 to vector<16xf32>
      %neg3A_593 = arith.subf %neg3A_592, %mul3A_590 : vector<16xf32>
      %swap3A_594 = arith.constant 16 : index
      %swap3A_595 = tpu.vector_load %arg11[%swap3A_594] {strides = array<i32>} : memref<64xf32, #tpu.memory_space<vmem>>, vector<16xf32>,
      tpu.vector_store %arg11[%swap3A_594], %neg3A_593 {strides = array<i32>} : memref<64xf32, #tpu.memory_space<vmem>>, vector<16xf32>,
      %get3A_596 = arith.constant 2 : i32
      %get3A_597 = arith.index_cast %get3A_596 : i32 to index
      %get3A_598 = arith.constant 32 : index
      %get3A_599 = tpu.vector_load %arg9[%get3A_597, %get3A_598] {strides = array<i32>} : memref<3x64xi32, #tpu.memory_space<vmem>>, vector<16xi32>,
      %bitcast3A_600 = vector.bitcast %get3A_599 : vector<16xi32> to vector<16xf32>
      %get3A_601 = arith.constant 0 : i32
      %get3A_602 = arith.index_cast %get3A_601 : i32 to index
      %get3A_603 = arith.constant 32 : index
      %get3A_604 = tpu.vector_load %arg9[%get3A_602, %get3A_603] {strides = array<i32>} : memref<3x64xi32, #tpu.memory_space<vmem>>, vector<16xi32>,
      %sub3A_605 = vector.broadcast %mul3A_37 : i32 to vector<16xi32>
      %sub3A_606 = arith.subi %get3A_604, %sub3A_605 : vector<16xi32>
      %shift_right_logical3A_607 = arith.constant 7 : i32
      %shift_right_logical3A_608 = vector.broadcast %shift_right_logical3A_607 : i32 to vector<16xi32>
      %shift_right_logical3A_609 = arith.shrui %sub3A_606, %shift_right_logical3A_608 : vector<16xi32>
      %and3A_610 = arith.constant 127 : i32
      %and3A_611 = vector.broadcast %and3A_610 : i32 to vector<16xi32>
      %and3A_612 = arith.andi %sub3A_606, %and3A_611 : vector<16xi32>
      %get3A_613 = arith.constant 1 : i32
      %get3A_614 = arith.index_cast %get3A_613 : i32 to index
      %get3A_615 = arith.constant 32 : index
      %get3A_616 = tpu.vector_load %arg9[%get3A_614, %get3A_615] {strides = array<i32>} : memref<3x64xi32, #tpu.memory_space<vmem>>, vector<16xi32>,
      %shift_right_logical3A_617 = arith.constant 7 : i32
      %shift_right_logical3A_618 = vector.broadcast %shift_right_logical3A_617 : i32 to vector<16xi32>
      %shift_right_logical3A_619 = arith.shrui %get3A_616, %shift_right_logical3A_618 : vector<16xi32>
      %and3A_620 = arith.constant 127 : i32
      %and3A_621 = vector.broadcast %and3A_620 : i32 to vector<16xi32>
      %and3A_622 = arith.andi %get3A_616, %and3A_621 : vector<16xi32>
      %gather3A_623 = tpu.vector_load_idx %arg6[%shift_right_logical3A_609, %and3A_612] : memref<80x128xf32, #tpu.memory_space<vmem>>[vector<16xi32>, vector<16xi32>], vector<16xf32>,
      %gather3A_624 = tpu.vector_load_idx %arg6[%shift_right_logical3A_619, %and3A_622] : memref<80x128xf32, #tpu.memory_space<vmem>>[vector<16xi32>, vector<16xi32>], vector<16xf32>,
      %mul3A_625 = arith.mulf %bitcast3A_600, %gather3A_623 : vector<16xf32>
      %mul3A_626 = arith.mulf %mul3A_625, %gather3A_624 : vector<16xf32>
      %neg3A_627 = arith.constant 0.000000e+00 : f32
      %neg3A_628 = vector.broadcast %neg3A_627 : f32 to vector<16xf32>
      %neg3A_629 = arith.subf %neg3A_628, %mul3A_626 : vector<16xf32>
      %swap3A_630 = arith.constant 32 : index
      %swap3A_631 = tpu.vector_load %arg11[%swap3A_630] {strides = array<i32>} : memref<64xf32, #tpu.memory_space<vmem>>, vector<16xf32>,
      tpu.vector_store %arg11[%swap3A_630], %neg3A_629 {strides = array<i32>} : memref<64xf32, #tpu.memory_space<vmem>>, vector<16xf32>,
      %get3A_632 = arith.constant 2 : i32
      %get3A_633 = arith.index_cast %get3A_632 : i32 to index
      %get3A_634 = arith.constant 48 : index
      %get3A_635 = tpu.vector_load %arg9[%get3A_633, %get3A_634] {strides = array<i32>} : memref<3x64xi32, #tpu.memory_space<vmem>>, vector<16xi32>,
      %bitcast3A_636 = vector.bitcast %get3A_635 : vector<16xi32> to vector<16xf32>
      %get3A_637 = arith.constant 0 : i32
      %get3A_638 = arith.index_cast %get3A_637 : i32 to index
      %get3A_639 = arith.constant 48 : index
      %get3A_640 = tpu.vector_load %arg9[%get3A_638, %get3A_639] {strides = array<i32>} : memref<3x64xi32, #tpu.memory_space<vmem>>, vector<16xi32>,
      %sub3A_641 = vector.broadcast %mul3A_37 : i32 to vector<16xi32>
      %sub3A_642 = arith.subi %get3A_640, %sub3A_641 : vector<16xi32>
      %shift_right_logical3A_643 = arith.constant 7 : i32
      %shift_right_logical3A_644 = vector.broadcast %shift_right_logical3A_643 : i32 to vector<16xi32>
      %shift_right_logical3A_645 = arith.shrui %sub3A_642, %shift_right_logical3A_644 : vector<16xi32>
      %and3A_646 = arith.constant 127 : i32
      %and3A_647 = vector.broadcast %and3A_646 : i32 to vector<16xi32>
      %and3A_648 = arith.andi %sub3A_642, %and3A_647 : vector<16xi32>
      %get3A_649 = arith.constant 1 : i32
      %get3A_650 = arith.index_cast %get3A_649 : i32 to index
      %get3A_651 = arith.constant 48 : index
      %get3A_652 = tpu.vector_load %arg9[%get3A_650, %get3A_651] {strides = array<i32>} : memref<3x64xi32, #tpu.memory_space<vmem>>, vector<16xi32>,
      %shift_right_logical3A_653 = arith.constant 7 : i32
      %shift_right_logical3A_654 = vector.broadcast %shift_right_logical3A_653 : i32 to vector<16xi32>
      %shift_right_logical3A_655 = arith.shrui %get3A_652, %shift_right_logical3A_654 : vector<16xi32>
      %and3A_656 = arith.constant 127 : i32
      %and3A_657 = vector.broadcast %and3A_656 : i32 to vector<16xi32>
      %and3A_658 = arith.andi %get3A_652, %and3A_657 : vector<16xi32>
      %gather3A_659 = tpu.vector_load_idx %arg6[%shift_right_logical3A_645, %and3A_648] : memref<80x128xf32, #tpu.memory_space<vmem>>[vector<16xi32>, vector<16xi32>], vector<16xf32>,
      %gather3A_660 = tpu.vector_load_idx %arg6[%shift_right_logical3A_655, %and3A_658] : memref<80x128xf32, #tpu.memory_space<vmem>>[vector<16xi32>, vector<16xi32>], vector<16xf32>,
      %mul3A_661 = arith.mulf %bitcast3A_636, %gather3A_659 : vector<16xf32>
      %mul3A_662 = arith.mulf %mul3A_661, %gather3A_660 : vector<16xf32>
      %neg3A_663 = arith.constant 0.000000e+00 : f32
      %neg3A_664 = vector.broadcast %neg3A_663 : f32 to vector<16xf32>
      %neg3A_665 = arith.subf %neg3A_664, %mul3A_662 : vector<16xf32>
      %swap3A_666 = arith.constant 48 : index
      %swap3A_667 = tpu.vector_load %arg11[%swap3A_666] {strides = array<i32>} : memref<64xf32, #tpu.memory_space<vmem>>, vector<16xf32>,
      tpu.vector_store %arg11[%swap3A_666], %neg3A_665 {strides = array<i32>} : memref<64xf32, #tpu.memory_space<vmem>>, vector<16xf32>,
      %scan3A_668 = arith.constant 0 : i32
      %scan3A_669 = arith.constant 64 : i32
      %scan3A_670 = arith.addi %scan3A_668, %scan3A_669 : i32
      %scan3A_671 = arith.constant 1 : i32
      scf.for %scan3A_862 = %scan3A_668 to %scan3A_670 step %scan3A_671  : i32 {
        %mul3A_863 = arith.constant 1 : i32
        %mul3A_864 = arith.muli %scan3A_862, %mul3A_863 : i32
        %add3A_865 = arith.constant 0 : i32
        %add3A_866 = arith.addi %add3A_865, %mul3A_864 : i32
        %broadcast_in_dim3A_867 = vector.broadcast %add3A_866 : i32 to vector<16xi32>
        %gather3A_868 = tpu.vector_load_idx %arg11[%broadcast_in_dim3A_867] : memref<64xf32, #tpu.memory_space<vmem>>[vector<16xi32>], vector<16xf32>,
        %get3A_869 = arith.index_cast %add3A_866 : i32 to index
        %get3A_870 = arith.constant 0 : index
        %get3A_871 = tpu.vector_load %arg14[%get3A_869, %get3A_870] {strides = array<i32>} : memref<64x128xf32, #tpu.memory_space<vmem>>, vector<16xf32>,
        %mul3A_872 = arith.mulf %get3A_871, %gather3A_868 : vector<16xf32>
        %swap3A_873 = arith.index_cast %add3A_866 : i32 to index
        %swap3A_874 = arith.constant 0 : index
        %swap3A_875 = tpu.vector_load %arg14[%swap3A_873, %swap3A_874] {strides = array<i32>} : memref<64x128xf32, #tpu.memory_space<vmem>>, vector<16xf32>,
        tpu.vector_store %arg14[%swap3A_873, %swap3A_874], %mul3A_872 {strides = array<i32>} : memref<64x128xf32, #tpu.memory_space<vmem>>, vector<16xf32>,
        %get3A_876 = arith.index_cast %add3A_866 : i32 to index
        %get3A_877 = arith.constant 16 : index
        %get3A_878 = tpu.vector_load %arg14[%get3A_876, %get3A_877] {strides = array<i32>} : memref<64x128xf32, #tpu.memory_space<vmem>>, vector<16xf32>,
        %mul3A_879 = arith.mulf %get3A_878, %gather3A_868 : vector<16xf32>
        %swap3A_880 = arith.index_cast %add3A_866 : i32 to index
        %swap3A_881 = arith.constant 16 : index
        %swap3A_882 = tpu.vector_load %arg14[%swap3A_880, %swap3A_881] {strides = array<i32>} : memref<64x128xf32, #tpu.memory_space<vmem>>, vector<16xf32>,
        tpu.vector_store %arg14[%swap3A_880, %swap3A_881], %mul3A_879 {strides = array<i32>} : memref<64x128xf32, #tpu.memory_space<vmem>>, vector<16xf32>,
        %get3A_883 = arith.index_cast %add3A_866 : i32 to index
        %get3A_884 = arith.constant 32 : index
        %get3A_885 = tpu.vector_load %arg14[%get3A_883, %get3A_884] {strides = array<i32>} : memref<64x128xf32, #tpu.memory_space<vmem>>, vector<16xf32>,
        %mul3A_886 = arith.mulf %get3A_885, %gather3A_868 : vector<16xf32>
        %swap3A_887 = arith.index_cast %add3A_866 : i32 to index
        %swap3A_888 = arith.constant 32 : index
        %swap3A_889 = tpu.vector_load %arg14[%swap3A_887, %swap3A_888] {strides = array<i32>} : memref<64x128xf32, #tpu.memory_space<vmem>>, vector<16xf32>,
        tpu.vector_store %arg14[%swap3A_887, %swap3A_888], %mul3A_886 {strides = array<i32>} : memref<64x128xf32, #tpu.memory_space<vmem>>, vector<16xf32>,
        %get3A_890 = arith.index_cast %add3A_866 : i32 to index
        %get3A_891 = arith.constant 48 : index
        %get3A_892 = tpu.vector_load %arg14[%get3A_890, %get3A_891] {strides = array<i32>} : memref<64x128xf32, #tpu.memory_space<vmem>>, vector<16xf32>,
        %mul3A_893 = arith.mulf %get3A_892, %gather3A_868 : vector<16xf32>
        %swap3A_894 = arith.index_cast %add3A_866 : i32 to index
        %swap3A_895 = arith.constant 48 : index
        %swap3A_896 = tpu.vector_load %arg14[%swap3A_894, %swap3A_895] {strides = array<i32>} : memref<64x128xf32, #tpu.memory_space<vmem>>, vector<16xf32>,
        tpu.vector_store %arg14[%swap3A_894, %swap3A_895], %mul3A_893 {strides = array<i32>} : memref<64x128xf32, #tpu.memory_space<vmem>>, vector<16xf32>,
        %get3A_897 = arith.index_cast %add3A_866 : i32 to index
        %get3A_898 = arith.constant 64 : index
        %get3A_899 = tpu.vector_load %arg14[%get3A_897, %get3A_898] {strides = array<i32>} : memref<64x128xf32, #tpu.memory_space<vmem>>, vector<16xf32>,
        %mul3A_900 = arith.mulf %get3A_899, %gather3A_868 : vector<16xf32>
        %swap3A_901 = arith.index_cast %add3A_866 : i32 to index
        %swap3A_902 = arith.constant 64 : index
        %swap3A_903 = tpu.vector_load %arg14[%swap3A_901, %swap3A_902] {strides = array<i32>} : memref<64x128xf32, #tpu.memory_space<vmem>>, vector<16xf32>,
        tpu.vector_store %arg14[%swap3A_901, %swap3A_902], %mul3A_900 {strides = array<i32>} : memref<64x128xf32, #tpu.memory_space<vmem>>, vector<16xf32>,
        %get3A_904 = arith.index_cast %add3A_866 : i32 to index
        %get3A_905 = arith.constant 80 : index
        %get3A_906 = tpu.vector_load %arg14[%get3A_904, %get3A_905] {strides = array<i32>} : memref<64x128xf32, #tpu.memory_space<vmem>>, vector<16xf32>,
        %mul3A_907 = arith.mulf %get3A_906, %gather3A_868 : vector<16xf32>
        %swap3A_908 = arith.index_cast %add3A_866 : i32 to index
        %swap3A_909 = arith.constant 80 : index
        %swap3A_910 = tpu.vector_load %arg14[%swap3A_908, %swap3A_909] {strides = array<i32>} : memref<64x128xf32, #tpu.memory_space<vmem>>, vector<16xf32>,
        tpu.vector_store %arg14[%swap3A_908, %swap3A_909], %mul3A_907 {strides = array<i32>} : memref<64x128xf32, #tpu.memory_space<vmem>>, vector<16xf32>,
        %get3A_911 = arith.index_cast %add3A_866 : i32 to index
        %get3A_912 = arith.constant 96 : index
        %get3A_913 = tpu.vector_load %arg14[%get3A_911, %get3A_912] {strides = array<i32>} : memref<64x128xf32, #tpu.memory_space<vmem>>, vector<16xf32>,
        %mul3A_914 = arith.mulf %get3A_913, %gather3A_868 : vector<16xf32>
        %swap3A_915 = arith.index_cast %add3A_866 : i32 to index
        %swap3A_916 = arith.constant 96 : index
        %swap3A_917 = tpu.vector_load %arg14[%swap3A_915, %swap3A_916] {strides = array<i32>} : memref<64x128xf32, #tpu.memory_space<vmem>>, vector<16xf32>,
        tpu.vector_store %arg14[%swap3A_915, %swap3A_916], %mul3A_914 {strides = array<i32>} : memref<64x128xf32, #tpu.memory_space<vmem>>, vector<16xf32>,
        %get3A_918 = arith.index_cast %add3A_866 : i32 to index
        %get3A_919 = arith.constant 112 : index
        %get3A_920 = tpu.vector_load %arg14[%get3A_918, %get3A_919] {strides = array<i32>} : memref<64x128xf32, #tpu.memory_space<vmem>>, vector<16xf32>,
        %mul3A_921 = arith.mulf %get3A_920, %gather3A_868 : vector<16xf32>
        %swap3A_922 = arith.index_cast %add3A_866 : i32 to index
        %swap3A_923 = arith.constant 112 : index
        %swap3A_924 = tpu.vector_load %arg14[%swap3A_922, %swap3A_923] {strides = array<i32>} : memref<64x128xf32, #tpu.memory_space<vmem>>, vector<16xf32>,
        tpu.vector_store %arg14[%swap3A_922, %swap3A_923], %mul3A_921 {strides = array<i32>} : memref<64x128xf32, #tpu.memory_space<vmem>>, vector<16xf32>,
      }
      %scan3A_672 = arith.constant 64 : i32
      %dma_start3A_673 = arith.constant 1 : i32
      %dma_start3A_674 = arith.constant 0 : i32
      %dma_start3A_675 = tpu.memref_slice %arg9[%dma_start3A_673, %dma_start3A_674] : memref<3x64xi32, #tpu.memory_space<vmem>> -> memref<1x64xi32, #tpu.memory_space<vmem>>
      %dma_start3A_676 = tpu.memref_squeeze %dma_start3A_675 : memref<1x64xi32, #tpu.memory_space<vmem>> -> memref<64xi32, #tpu.memory_space<vmem>>
      %dma_start3A_677 = arith.constant 0 : i32
      %dma_start3A_678 = arith.constant 0 : i32
      %dma_start3A_679 = tpu.memref_slice %arg16[%dma_start3A_677, %dma_start3A_678] : memref<10240x128xf32, #tpu.memory_space<vmem_shared>> -> memref<10240x128xf32, #tpu.memory_space<vmem_shared>>
      tpu.enqueue_indirect_dma source(%arg14 : memref<64x128xf32, #tpu.memory_space<vmem>>) target(%dma_start3A_679 : memref<10240x128xf32, #tpu.memory_space<vmem_shared>>) offsets(%dma_start3A_676 : memref<64xi32, #tpu.memory_space<vmem>>) semaphore(%arg27 : memref<!tpu.dma_semaphore, #tpu.memory_space<semaphore_mem>>) {add = true}
      %add3A_680 = arith.constant 3 : i32
      %add3A_681 = arith.addi %add3A_142, %add3A_680 : i32
      %ge3A_682 = arith.constant 2 : i32
      %ge3A_683 = arith.cmpi sge, %add3A_681, %ge3A_682 : i32
      %convert_element_type3A_684 = arith.extui %ge3A_683 : i1 to i32
      %cond3A_685 = arith.constant 0 : i32
      %cond3A_686 = arith.cmpi ne, %convert_element_type3A_684, %cond3A_685 : i32
      scf.if %cond3A_686 {
        %dma_wait3A_862 = arith.constant 1 : i32
        %dma_wait3A_863 = arith.constant 0 : i32
        %dma_wait3A_864 = tpu.memref_slice %arg8[%dma_wait3A_862, %dma_wait3A_863] : memref<3x64xi32, #tpu.memory_space<vmem>> -> memref<1x64xi32, #tpu.memory_space<vmem>>
        %dma_wait3A_865 = tpu.memref_squeeze %dma_wait3A_864 : memref<1x64xi32, #tpu.memory_space<vmem>> -> memref<64xi32, #tpu.memory_space<vmem>>
        %dma_wait3A_866 = arith.constant 0 : i32
        %dma_wait3A_867 = arith.constant 0 : i32
        %dma_wait3A_868 = tpu.memref_slice %arg16[%dma_wait3A_866, %dma_wait3A_867] : memref<10240x128xf32, #tpu.memory_space<vmem_shared>> -> memref<10240x128xf32, #tpu.memory_space<vmem_shared>>
        tpu.wait_indirect_dma semaphore(%arg26 : memref<!tpu.dma_semaphore, #tpu.memory_space<semaphore_mem>>) src(%arg13 : memref<64x128xf32, #tpu.memory_space<vmem>>) dst(%dma_wait3A_868 : memref<10240x128xf32, #tpu.memory_space<vmem_shared>>)
      } else {
      }
      %add3A_687 = arith.constant 2 : i32
      %add3A_688 = arith.addi %add3A_681, %add3A_687 : i32
      %lt3A_689 = arith.cmpi slt, %add3A_688, %select_n3A : i32
      %convert_element_type3A_690 = arith.extui %lt3A_689 : i1 to i32
      %cond3A_691 = arith.constant 0 : i32
      %cond3A_692 = arith.cmpi ne, %convert_element_type3A_690, %cond3A_691 : i32
      scf.if %cond3A_692 {
        %add3A_862 = arith.constant 2 : i32
        %add3A_863 = arith.addi %add3A_681, %add3A_862 : i32
        %add3A_864 = arith.addi %select_n3A_9, %add3A_863 : i32
        %dma_start3A_865 = arith.constant 0 : i32
        %dma_start3A_866 = arith.constant 0 : i32
        %dma_start3A_867 = tpu.memref_slice %arg2[%add3A_864, %dma_start3A_865, %dma_start3A_866] : memref<5120x3x64xi32, #tpu.memory_space<hbm>> -> memref<1x3x64xi32, #tpu.memory_space<hbm>>
        %dma_start3A_868 = tpu.memref_squeeze %dma_start3A_867 : memref<1x3x64xi32, #tpu.memory_space<hbm>> -> memref<3x64xi32, #tpu.memory_space<hbm>>
        %dma_start3A_869 = arith.constant 0 : i32
        %dma_start3A_870 = arith.constant 0 : i32
        %dma_start3A_871 = tpu.memref_slice %arg2[%add3A_864, %dma_start3A_869, %dma_start3A_870] : memref<5120x3x64xi32, #tpu.memory_space<hbm>> -> memref<1x3x64xi32, #tpu.memory_space<hbm>>
        %dma_start3A_872 = tpu.memref_squeeze %dma_start3A_871 : memref<1x3x64xi32, #tpu.memory_space<hbm>> -> memref<3x64xi32, #tpu.memory_space<hbm>>
        tpu.enqueue_dma source(%dma_start3A_872 : memref<3x64xi32, #tpu.memory_space<hbm>>) target(%arg8 : memref<3x64xi32, #tpu.memory_space<vmem>>) target_semaphore(%arg22 : memref<!tpu.dma_semaphore, #tpu.memory_space<semaphore_mem>>)
      } else {
      }
      %add3A_693 = arith.constant 1 : i32
      %add3A_694 = arith.addi %add3A_681, %add3A_693 : i32
      %lt3A_695 = arith.cmpi slt, %add3A_694, %select_n3A : i32
      %convert_element_type3A_696 = arith.extui %lt3A_695 : i1 to i32
      %cond3A_697 = arith.constant 0 : i32
      %cond3A_698 = arith.cmpi ne, %convert_element_type3A_696, %cond3A_697 : i32
      scf.if %cond3A_698 {
        %dma_wait3A_862 = arith.constant 0 : i32
        %dma_wait3A_863 = arith.constant 0 : i32
        %dma_wait3A_864 = tpu.memref_slice %arg2[%select_n3A_9, %dma_wait3A_862, %dma_wait3A_863] : memref<5120x3x64xi32, #tpu.memory_space<hbm>> -> memref<1x3x64xi32, #tpu.memory_space<hbm>>
        %dma_wait3A_865 = tpu.memref_squeeze %dma_wait3A_864 : memref<1x3x64xi32, #tpu.memory_space<hbm>> -> memref<3x64xi32, #tpu.memory_space<hbm>>
        %dma_wait3A_866 = arith.constant 0 : i32
        %dma_wait3A_867 = arith.constant 0 : i32
        %dma_wait3A_868 = tpu.memref_slice %arg2[%select_n3A_9, %dma_wait3A_866, %dma_wait3A_867] : memref<5120x3x64xi32, #tpu.memory_space<hbm>> -> memref<1x3x64xi32, #tpu.memory_space<hbm>>
        %dma_wait3A_869 = tpu.memref_squeeze %dma_wait3A_868 : memref<1x3x64xi32, #tpu.memory_space<hbm>> -> memref<3x64xi32, #tpu.memory_space<hbm>>
        tpu.wait_dma2 semaphore(%arg21 : memref<!tpu.dma_semaphore, #tpu.memory_space<semaphore_mem>>) src(%dma_wait3A_869 : memref<3x64xi32, #tpu.memory_space<hbm>>) dst(%arg7 : memref<3x64xi32, #tpu.memory_space<vmem>>)
        %get3A_870 = arith.constant 0 : i32
        %get3A_871 = arith.index_cast %get3A_870 : i32 to index
        %get3A_872 = arith.constant 0 : index
        %get3A_873 = tpu.vector_load %arg7[%get3A_871, %get3A_872] {strides = array<i32>} : memref<3x64xi32, #tpu.memory_space<vmem>>, vector<16xi32>,
        %add3A_874 = vector.broadcast %mul3A_37 : i32 to vector<16xi32>
        %add3A_875 = arith.addi %get3A_873, %add3A_874 : vector<16xi32>
        %swap3A_876 = arith.constant 0 : i32
        %swap3A_877 = arith.index_cast %swap3A_876 : i32 to index
        %swap3A_878 = arith.constant 0 : index
        %swap3A_879 = tpu.vector_load %arg7[%swap3A_877, %swap3A_878] {strides = array<i32>} : memref<3x64xi32, #tpu.memory_space<vmem>>, vector<16xi32>,
        tpu.vector_store %arg7[%swap3A_877, %swap3A_878], %add3A_875 {strides = array<i32>} : memref<3x64xi32, #tpu.memory_space<vmem>>, vector<16xi32>,
        %get3A_880 = arith.constant 0 : i32
        %get3A_881 = arith.index_cast %get3A_880 : i32 to index
        %get3A_882 = arith.constant 16 : index
        %get3A_883 = tpu.vector_load %arg7[%get3A_881, %get3A_882] {strides = array<i32>} : memref<3x64xi32, #tpu.memory_space<vmem>>, vector<16xi32>,
        %add3A_884 = vector.broadcast %mul3A_37 : i32 to vector<16xi32>
        %add3A_885 = arith.addi %get3A_883, %add3A_884 : vector<16xi32>
        %swap3A_886 = arith.constant 0 : i32
        %swap3A_887 = arith.index_cast %swap3A_886 : i32 to index
        %swap3A_888 = arith.constant 16 : index
        %swap3A_889 = tpu.vector_load %arg7[%swap3A_887, %swap3A_888] {strides = array<i32>} : memref<3x64xi32, #tpu.memory_space<vmem>>, vector<16xi32>,
        tpu.vector_store %arg7[%swap3A_887, %swap3A_888], %add3A_885 {strides = array<i32>} : memref<3x64xi32, #tpu.memory_space<vmem>>, vector<16xi32>,
        %get3A_890 = arith.constant 0 : i32
        %get3A_891 = arith.index_cast %get3A_890 : i32 to index
        %get3A_892 = arith.constant 32 : index
        %get3A_893 = tpu.vector_load %arg7[%get3A_891, %get3A_892] {strides = array<i32>} : memref<3x64xi32, #tpu.memory_space<vmem>>, vector<16xi32>,
        %add3A_894 = vector.broadcast %mul3A_37 : i32 to vector<16xi32>
        %add3A_895 = arith.addi %get3A_893, %add3A_894 : vector<16xi32>
        %swap3A_896 = arith.constant 0 : i32
        %swap3A_897 = arith.index_cast %swap3A_896 : i32 to index
        %swap3A_898 = arith.constant 32 : index
        %swap3A_899 = tpu.vector_load %arg7[%swap3A_897, %swap3A_898] {strides = array<i32>} : memref<3x64xi32, #tpu.memory_space<vmem>>, vector<16xi32>,
        tpu.vector_store %arg7[%swap3A_897, %swap3A_898], %add3A_895 {strides = array<i32>} : memref<3x64xi32, #tpu.memory_space<vmem>>, vector<16xi32>,
        %get3A_900 = arith.constant 0 : i32
        %get3A_901 = arith.index_cast %get3A_900 : i32 to index
        %get3A_902 = arith.constant 48 : index
        %get3A_903 = tpu.vector_load %arg7[%get3A_901, %get3A_902] {strides = array<i32>} : memref<3x64xi32, #tpu.memory_space<vmem>>, vector<16xi32>,
        %add3A_904 = vector.broadcast %mul3A_37 : i32 to vector<16xi32>
        %add3A_905 = arith.addi %get3A_903, %add3A_904 : vector<16xi32>
        %swap3A_906 = arith.constant 0 : i32
        %swap3A_907 = arith.index_cast %swap3A_906 : i32 to index
        %swap3A_908 = arith.constant 48 : index
        %swap3A_909 = tpu.vector_load %arg7[%swap3A_907, %swap3A_908] {strides = array<i32>} : memref<3x64xi32, #tpu.memory_space<vmem>>, vector<16xi32>,
        tpu.vector_store %arg7[%swap3A_907, %swap3A_908], %add3A_905 {strides = array<i32>} : memref<3x64xi32, #tpu.memory_space<vmem>>, vector<16xi32>,
        %dma_start3A_910 = arith.constant 0 : i32
        %dma_start3A_911 = arith.constant 0 : i32
        %dma_start3A_912 = tpu.memref_slice %arg7[%dma_start3A_910, %dma_start3A_911] : memref<3x64xi32, #tpu.memory_space<vmem>> -> memref<1x64xi32, #tpu.memory_space<vmem>>
        %dma_start3A_913 = tpu.memref_squeeze %dma_start3A_912 : memref<1x64xi32, #tpu.memory_space<vmem>> -> memref<64xi32, #tpu.memory_space<vmem>>
        %dma_start3A_914 = arith.constant 0 : i32
        %dma_start3A_915 = arith.constant 0 : i32
        %dma_start3A_916 = tpu.memref_slice %arg4[%dma_start3A_914, %dma_start3A_915] : memref<20000x128xf32, #tpu.memory_space<hbm>> -> memref<20000x128xf32, #tpu.memory_space<hbm>>
        tpu.enqueue_indirect_dma source(%dma_start3A_916 : memref<20000x128xf32, #tpu.memory_space<hbm>>) target(%arg12 : memref<64x128xf32, #tpu.memory_space<vmem>>) offsets(%dma_start3A_913 : memref<64xi32, #tpu.memory_space<vmem>>) semaphore(%arg17 : memref<!tpu.dma_semaphore, #tpu.memory_space<semaphore_mem>>)
      } else {
      }
      %dma_wait3A_699 = arith.constant 0 : i32
      %dma_wait3A_700 = arith.constant 0 : i32
      %dma_wait3A_701 = tpu.memref_slice %arg10[%dma_wait3A_699, %dma_wait3A_700] : memref<3x64xi32, #tpu.memory_space<vmem>> -> memref<1x64xi32, #tpu.memory_space<vmem>>
      %dma_wait3A_702 = tpu.memref_squeeze %dma_wait3A_701 : memref<1x64xi32, #tpu.memory_space<vmem>> -> memref<64xi32, #tpu.memory_space<vmem>>
      %dma_wait3A_703 = arith.constant 0 : i32
      %dma_wait3A_704 = arith.constant 0 : i32
      %dma_wait3A_705 = tpu.memref_slice %arg4[%dma_wait3A_703, %dma_wait3A_704] : memref<20000x128xf32, #tpu.memory_space<hbm>> -> memref<20000x128xf32, #tpu.memory_space<hbm>>
      tpu.wait_indirect_dma semaphore(%arg20 : memref<!tpu.dma_semaphore, #tpu.memory_space<semaphore_mem>>) src(%dma_wait3A_705 : memref<20000x128xf32, #tpu.memory_space<hbm>>) dst(%arg15 : memref<64x128xf32, #tpu.memory_space<vmem>>)
      %get3A_706 = arith.constant 2 : i32
      %get3A_707 = arith.index_cast %get3A_706 : i32 to index
      %get3A_708 = arith.constant 0 : index
      %get3A_709 = tpu.vector_load %arg10[%get3A_707, %get3A_708] {strides = array<i32>} : memref<3x64xi32, #tpu.memory_space<vmem>>, vector<16xi32>,
      %bitcast3A_710 = vector.bitcast %get3A_709 : vector<16xi32> to vector<16xf32>
      %get3A_711 = arith.constant 0 : i32
      %get3A_712 = arith.index_cast %get3A_711 : i32 to index
      %get3A_713 = arith.constant 0 : index
      %get3A_714 = tpu.vector_load %arg10[%get3A_712, %get3A_713] {strides = array<i32>} : memref<3x64xi32, #tpu.memory_space<vmem>>, vector<16xi32>,
      %sub3A_715 = vector.broadcast %mul3A_37 : i32 to vector<16xi32>
      %sub3A_716 = arith.subi %get3A_714, %sub3A_715 : vector<16xi32>
      %shift_right_logical3A_717 = arith.constant 7 : i32
      %shift_right_logical3A_718 = vector.broadcast %shift_right_logical3A_717 : i32 to vector<16xi32>
      %shift_right_logical3A_719 = arith.shrui %sub3A_716, %shift_right_logical3A_718 : vector<16xi32>
      %and3A_720 = arith.constant 127 : i32
      %and3A_721 = vector.broadcast %and3A_720 : i32 to vector<16xi32>
      %and3A_722 = arith.andi %sub3A_716, %and3A_721 : vector<16xi32>
      %get3A_723 = arith.constant 1 : i32
      %get3A_724 = arith.index_cast %get3A_723 : i32 to index
      %get3A_725 = arith.constant 0 : index
      %get3A_726 = tpu.vector_load %arg10[%get3A_724, %get3A_725] {strides = array<i32>} : memref<3x64xi32, #tpu.memory_space<vmem>>, vector<16xi32>,
      %shift_right_logical3A_727 = arith.constant 7 : i32
      %shift_right_logical3A_728 = vector.broadcast %shift_right_logical3A_727 : i32 to vector<16xi32>
      %shift_right_logical3A_729 = arith.shrui %get3A_726, %shift_right_logical3A_728 : vector<16xi32>
      %and3A_730 = arith.constant 127 : i32
      %and3A_731 = vector.broadcast %and3A_730 : i32 to vector<16xi32>
      %and3A_732 = arith.andi %get3A_726, %and3A_731 : vector<16xi32>
      %gather3A_733 = tpu.vector_load_idx %arg6[%shift_right_logical3A_719, %and3A_722] : memref<80x128xf32, #tpu.memory_space<vmem>>[vector<16xi32>, vector<16xi32>], vector<16xf32>,
      %gather3A_734 = tpu.vector_load_idx %arg6[%shift_right_logical3A_729, %and3A_732] : memref<80x128xf32, #tpu.memory_space<vmem>>[vector<16xi32>, vector<16xi32>], vector<16xf32>,
      %mul3A_735 = arith.mulf %bitcast3A_710, %gather3A_733 : vector<16xf32>
      %mul3A_736 = arith.mulf %mul3A_735, %gather3A_734 : vector<16xf32>
      %neg3A_737 = arith.constant 0.000000e+00 : f32
      %neg3A_738 = vector.broadcast %neg3A_737 : f32 to vector<16xf32>
      %neg3A_739 = arith.subf %neg3A_738, %mul3A_736 : vector<16xf32>
      %swap3A_740 = arith.constant 0 : index
      %swap3A_741 = tpu.vector_load %arg11[%swap3A_740] {strides = array<i32>} : memref<64xf32, #tpu.memory_space<vmem>>, vector<16xf32>,
      tpu.vector_store %arg11[%swap3A_740], %neg3A_739 {strides = array<i32>} : memref<64xf32, #tpu.memory_space<vmem>>, vector<16xf32>,
      %get3A_742 = arith.constant 2 : i32
      %get3A_743 = arith.index_cast %get3A_742 : i32 to index
      %get3A_744 = arith.constant 16 : index
      %get3A_745 = tpu.vector_load %arg10[%get3A_743, %get3A_744] {strides = array<i32>} : memref<3x64xi32, #tpu.memory_space<vmem>>, vector<16xi32>,
      %bitcast3A_746 = vector.bitcast %get3A_745 : vector<16xi32> to vector<16xf32>
      %get3A_747 = arith.constant 0 : i32
      %get3A_748 = arith.index_cast %get3A_747 : i32 to index
      %get3A_749 = arith.constant 16 : index
      %get3A_750 = tpu.vector_load %arg10[%get3A_748, %get3A_749] {strides = array<i32>} : memref<3x64xi32, #tpu.memory_space<vmem>>, vector<16xi32>,
      %sub3A_751 = vector.broadcast %mul3A_37 : i32 to vector<16xi32>
      %sub3A_752 = arith.subi %get3A_750, %sub3A_751 : vector<16xi32>
      %shift_right_logical3A_753 = arith.constant 7 : i32
      %shift_right_logical3A_754 = vector.broadcast %shift_right_logical3A_753 : i32 to vector<16xi32>
      %shift_right_logical3A_755 = arith.shrui %sub3A_752, %shift_right_logical3A_754 : vector<16xi32>
      %and3A_756 = arith.constant 127 : i32
      %and3A_757 = vector.broadcast %and3A_756 : i32 to vector<16xi32>
      %and3A_758 = arith.andi %sub3A_752, %and3A_757 : vector<16xi32>
      %get3A_759 = arith.constant 1 : i32
      %get3A_760 = arith.index_cast %get3A_759 : i32 to index
      %get3A_761 = arith.constant 16 : index
      %get3A_762 = tpu.vector_load %arg10[%get3A_760, %get3A_761] {strides = array<i32>} : memref<3x64xi32, #tpu.memory_space<vmem>>, vector<16xi32>,
      %shift_right_logical3A_763 = arith.constant 7 : i32
      %shift_right_logical3A_764 = vector.broadcast %shift_right_logical3A_763 : i32 to vector<16xi32>
      %shift_right_logical3A_765 = arith.shrui %get3A_762, %shift_right_logical3A_764 : vector<16xi32>
      %and3A_766 = arith.constant 127 : i32
      %and3A_767 = vector.broadcast %and3A_766 : i32 to vector<16xi32>
      %and3A_768 = arith.andi %get3A_762, %and3A_767 : vector<16xi32>
      %gather3A_769 = tpu.vector_load_idx %arg6[%shift_right_logical3A_755, %and3A_758] : memref<80x128xf32, #tpu.memory_space<vmem>>[vector<16xi32>, vector<16xi32>], vector<16xf32>,
      %gather3A_770 = tpu.vector_load_idx %arg6[%shift_right_logical3A_765, %and3A_768] : memref<80x128xf32, #tpu.memory_space<vmem>>[vector<16xi32>, vector<16xi32>], vector<16xf32>,
      %mul3A_771 = arith.mulf %bitcast3A_746, %gather3A_769 : vector<16xf32>
      %mul3A_772 = arith.mulf %mul3A_771, %gather3A_770 : vector<16xf32>
      %neg3A_773 = arith.constant 0.000000e+00 : f32
      %neg3A_774 = vector.broadcast %neg3A_773 : f32 to vector<16xf32>
      %neg3A_775 = arith.subf %neg3A_774, %mul3A_772 : vector<16xf32>
      %swap3A_776 = arith.constant 16 : index
      %swap3A_777 = tpu.vector_load %arg11[%swap3A_776] {strides = array<i32>} : memref<64xf32, #tpu.memory_space<vmem>>, vector<16xf32>,
      tpu.vector_store %arg11[%swap3A_776], %neg3A_775 {strides = array<i32>} : memref<64xf32, #tpu.memory_space<vmem>>, vector<16xf32>,
      %get3A_778 = arith.constant 2 : i32
      %get3A_779 = arith.index_cast %get3A_778 : i32 to index
      %get3A_780 = arith.constant 32 : index
      %get3A_781 = tpu.vector_load %arg10[%get3A_779, %get3A_780] {strides = array<i32>} : memref<3x64xi32, #tpu.memory_space<vmem>>, vector<16xi32>,
      %bitcast3A_782 = vector.bitcast %get3A_781 : vector<16xi32> to vector<16xf32>
      %get3A_783 = arith.constant 0 : i32
      %get3A_784 = arith.index_cast %get3A_783 : i32 to index
      %get3A_785 = arith.constant 32 : index
      %get3A_786 = tpu.vector_load %arg10[%get3A_784, %get3A_785] {strides = array<i32>} : memref<3x64xi32, #tpu.memory_space<vmem>>, vector<16xi32>,
      %sub3A_787 = vector.broadcast %mul3A_37 : i32 to vector<16xi32>
      %sub3A_788 = arith.subi %get3A_786, %sub3A_787 : vector<16xi32>
      %shift_right_logical3A_789 = arith.constant 7 : i32
      %shift_right_logical3A_790 = vector.broadcast %shift_right_logical3A_789 : i32 to vector<16xi32>
      %shift_right_logical3A_791 = arith.shrui %sub3A_788, %shift_right_logical3A_790 : vector<16xi32>
      %and3A_792 = arith.constant 127 : i32
      %and3A_793 = vector.broadcast %and3A_792 : i32 to vector<16xi32>
      %and3A_794 = arith.andi %sub3A_788, %and3A_793 : vector<16xi32>
      %get3A_795 = arith.constant 1 : i32
      %get3A_796 = arith.index_cast %get3A_795 : i32 to index
      %get3A_797 = arith.constant 32 : index
      %get3A_798 = tpu.vector_load %arg10[%get3A_796, %get3A_797] {strides = array<i32>} : memref<3x64xi32, #tpu.memory_space<vmem>>, vector<16xi32>,
      %shift_right_logical3A_799 = arith.constant 7 : i32
      %shift_right_logical3A_800 = vector.broadcast %shift_right_logical3A_799 : i32 to vector<16xi32>
      %shift_right_logical3A_801 = arith.shrui %get3A_798, %shift_right_logical3A_800 : vector<16xi32>
      %and3A_802 = arith.constant 127 : i32
      %and3A_803 = vector.broadcast %and3A_802 : i32 to vector<16xi32>
      %and3A_804 = arith.andi %get3A_798, %and3A_803 : vector<16xi32>
      %gather3A_805 = tpu.vector_load_idx %arg6[%shift_right_logical3A_791, %and3A_794] : memref<80x128xf32, #tpu.memory_space<vmem>>[vector<16xi32>, vector<16xi32>], vector<16xf32>,
      %gather3A_806 = tpu.vector_load_idx %arg6[%shift_right_logical3A_801, %and3A_804] : memref<80x128xf32, #tpu.memory_space<vmem>>[vector<16xi32>, vector<16xi32>], vector<16xf32>,
      %mul3A_807 = arith.mulf %bitcast3A_782, %gather3A_805 : vector<16xf32>
      %mul3A_808 = arith.mulf %mul3A_807, %gather3A_806 : vector<16xf32>
      %neg3A_809 = arith.constant 0.000000e+00 : f32
      %neg3A_810 = vector.broadcast %neg3A_809 : f32 to vector<16xf32>
      %neg3A_811 = arith.subf %neg3A_810, %mul3A_808 : vector<16xf32>
      %swap3A_812 = arith.constant 32 : index
      %swap3A_813 = tpu.vector_load %arg11[%swap3A_812] {strides = array<i32>} : memref<64xf32, #tpu.memory_space<vmem>>, vector<16xf32>,
      tpu.vector_store %arg11[%swap3A_812], %neg3A_811 {strides = array<i32>} : memref<64xf32, #tpu.memory_space<vmem>>, vector<16xf32>,
      %get3A_814 = arith.constant 2 : i32
      %get3A_815 = arith.index_cast %get3A_814 : i32 to index
      %get3A_816 = arith.constant 48 : index
      %get3A_817 = tpu.vector_load %arg10[%get3A_815, %get3A_816] {strides = array<i32>} : memref<3x64xi32, #tpu.memory_space<vmem>>, vector<16xi32>,
      %bitcast3A_818 = vector.bitcast %get3A_817 : vector<16xi32> to vector<16xf32>
      %get3A_819 = arith.constant 0 : i32
      %get3A_820 = arith.index_cast %get3A_819 : i32 to index
      %get3A_821 = arith.constant 48 : index
      %get3A_822 = tpu.vector_load %arg10[%get3A_820, %get3A_821] {strides = array<i32>} : memref<3x64xi32, #tpu.memory_space<vmem>>, vector<16xi32>,
      %sub3A_823 = vector.broadcast %mul3A_37 : i32 to vector<16xi32>
      %sub3A_824 = arith.subi %get3A_822, %sub3A_823 : vector<16xi32>
      %shift_right_logical3A_825 = arith.constant 7 : i32
      %shift_right_logical3A_826 = vector.broadcast %shift_right_logical3A_825 : i32 to vector<16xi32>
      %shift_right_logical3A_827 = arith.shrui %sub3A_824, %shift_right_logical3A_826 : vector<16xi32>
      %and3A_828 = arith.constant 127 : i32
      %and3A_829 = vector.broadcast %and3A_828 : i32 to vector<16xi32>
      %and3A_830 = arith.andi %sub3A_824, %and3A_829 : vector<16xi32>
      %get3A_831 = arith.constant 1 : i32
      %get3A_832 = arith.index_cast %get3A_831 : i32 to index
      %get3A_833 = arith.constant 48 : index
      %get3A_834 = tpu.vector_load %arg10[%get3A_832, %get3A_833] {strides = array<i32>} : memref<3x64xi32, #tpu.memory_space<vmem>>, vector<16xi32>,
      %shift_right_logical3A_835 = arith.constant 7 : i32
      %shift_right_logical3A_836 = vector.broadcast %shift_right_logical3A_835 : i32 to vector<16xi32>
      %shift_right_logical3A_837 = arith.shrui %get3A_834, %shift_right_logical3A_836 : vector<16xi32>
      %and3A_838 = arith.constant 127 : i32
      %and3A_839 = vector.broadcast %and3A_838 : i32 to vector<16xi32>
      %and3A_840 = arith.andi %get3A_834, %and3A_839 : vector<16xi32>
      %gather3A_841 = tpu.vector_load_idx %arg6[%shift_right_logical3A_827, %and3A_830] : memref<80x128xf32, #tpu.memory_space<vmem>>[vector<16xi32>, vector<16xi32>], vector<16xf32>,
      %gather3A_842 = tpu.vector_load_idx %arg6[%shift_right_logical3A_837, %and3A_840] : memref<80x128xf32, #tpu.memory_space<vmem>>[vector<16xi32>, vector<16xi32>], vector<16xf32>,
      %mul3A_843 = arith.mulf %bitcast3A_818, %gather3A_841 : vector<16xf32>
      %mul3A_844 = arith.mulf %mul3A_843, %gather3A_842 : vector<16xf32>
      %neg3A_845 = arith.constant 0.000000e+00 : f32
      %neg3A_846 = vector.broadcast %neg3A_845 : f32 to vector<16xf32>
      %neg3A_847 = arith.subf %neg3A_846, %mul3A_844 : vector<16xf32>
      %swap3A_848 = arith.constant 48 : index
      %swap3A_849 = tpu.vector_load %arg11[%swap3A_848] {strides = array<i32>} : memref<64xf32, #tpu.memory_space<vmem>>, vector<16xf32>,
      tpu.vector_store %arg11[%swap3A_848], %neg3A_847 {strides = array<i32>} : memref<64xf32, #tpu.memory_space<vmem>>, vector<16xf32>,
      %scan3A_850 = arith.constant 0 : i32
      %scan3A_851 = arith.constant 64 : i32
      %scan3A_852 = arith.addi %scan3A_850, %scan3A_851 : i32
      %scan3A_853 = arith.constant 1 : i32
      scf.for %scan3A_862 = %scan3A_850 to %scan3A_852 step %scan3A_853  : i32 {
        %mul3A_863 = arith.constant 1 : i32
        %mul3A_864 = arith.muli %scan3A_862, %mul3A_863 : i32
        %add3A_865 = arith.constant 0 : i32
        %add3A_866 = arith.addi %add3A_865, %mul3A_864 : i32
        %broadcast_in_dim3A_867 = vector.broadcast %add3A_866 : i32 to vector<16xi32>
        %gather3A_868 = tpu.vector_load_idx %arg11[%broadcast_in_dim3A_867] : memref<64xf32, #tpu.memory_space<vmem>>[vector<16xi32>], vector<16xf32>,
        %get3A_869 = arith.index_cast %add3A_866 : i32 to index
        %get3A_870 = arith.constant 0 : index
        %get3A_871 = tpu.vector_load %arg15[%get3A_869, %get3A_870] {strides = array<i32>} : memref<64x128xf32, #tpu.memory_space<vmem>>, vector<16xf32>,
        %mul3A_872 = arith.mulf %get3A_871, %gather3A_868 : vector<16xf32>
        %swap3A_873 = arith.index_cast %add3A_866 : i32 to index
        %swap3A_874 = arith.constant 0 : index
        %swap3A_875 = tpu.vector_load %arg15[%swap3A_873, %swap3A_874] {strides = array<i32>} : memref<64x128xf32, #tpu.memory_space<vmem>>, vector<16xf32>,
        tpu.vector_store %arg15[%swap3A_873, %swap3A_874], %mul3A_872 {strides = array<i32>} : memref<64x128xf32, #tpu.memory_space<vmem>>, vector<16xf32>,
        %get3A_876 = arith.index_cast %add3A_866 : i32 to index
        %get3A_877 = arith.constant 16 : index
        %get3A_878 = tpu.vector_load %arg15[%get3A_876, %get3A_877] {strides = array<i32>} : memref<64x128xf32, #tpu.memory_space<vmem>>, vector<16xf32>,
        %mul3A_879 = arith.mulf %get3A_878, %gather3A_868 : vector<16xf32>
        %swap3A_880 = arith.index_cast %add3A_866 : i32 to index
        %swap3A_881 = arith.constant 16 : index
        %swap3A_882 = tpu.vector_load %arg15[%swap3A_880, %swap3A_881] {strides = array<i32>} : memref<64x128xf32, #tpu.memory_space<vmem>>, vector<16xf32>,
        tpu.vector_store %arg15[%swap3A_880, %swap3A_881], %mul3A_879 {strides = array<i32>} : memref<64x128xf32, #tpu.memory_space<vmem>>, vector<16xf32>,
        %get3A_883 = arith.index_cast %add3A_866 : i32 to index
        %get3A_884 = arith.constant 32 : index
        %get3A_885 = tpu.vector_load %arg15[%get3A_883, %get3A_884] {strides = array<i32>} : memref<64x128xf32, #tpu.memory_space<vmem>>, vector<16xf32>,
        %mul3A_886 = arith.mulf %get3A_885, %gather3A_868 : vector<16xf32>
        %swap3A_887 = arith.index_cast %add3A_866 : i32 to index
        %swap3A_888 = arith.constant 32 : index
        %swap3A_889 = tpu.vector_load %arg15[%swap3A_887, %swap3A_888] {strides = array<i32>} : memref<64x128xf32, #tpu.memory_space<vmem>>, vector<16xf32>,
        tpu.vector_store %arg15[%swap3A_887, %swap3A_888], %mul3A_886 {strides = array<i32>} : memref<64x128xf32, #tpu.memory_space<vmem>>, vector<16xf32>,
        %get3A_890 = arith.index_cast %add3A_866 : i32 to index
        %get3A_891 = arith.constant 48 : index
        %get3A_892 = tpu.vector_load %arg15[%get3A_890, %get3A_891] {strides = array<i32>} : memref<64x128xf32, #tpu.memory_space<vmem>>, vector<16xf32>,
        %mul3A_893 = arith.mulf %get3A_892, %gather3A_868 : vector<16xf32>
        %swap3A_894 = arith.index_cast %add3A_866 : i32 to index
        %swap3A_895 = arith.constant 48 : index
        %swap3A_896 = tpu.vector_load %arg15[%swap3A_894, %swap3A_895] {strides = array<i32>} : memref<64x128xf32, #tpu.memory_space<vmem>>, vector<16xf32>,
        tpu.vector_store %arg15[%swap3A_894, %swap3A_895], %mul3A_893 {strides = array<i32>} : memref<64x128xf32, #tpu.memory_space<vmem>>, vector<16xf32>,
        %get3A_897 = arith.index_cast %add3A_866 : i32 to index
        %get3A_898 = arith.constant 64 : index
        %get3A_899 = tpu.vector_load %arg15[%get3A_897, %get3A_898] {strides = array<i32>} : memref<64x128xf32, #tpu.memory_space<vmem>>, vector<16xf32>,
        %mul3A_900 = arith.mulf %get3A_899, %gather3A_868 : vector<16xf32>
        %swap3A_901 = arith.index_cast %add3A_866 : i32 to index
        %swap3A_902 = arith.constant 64 : index
        %swap3A_903 = tpu.vector_load %arg15[%swap3A_901, %swap3A_902] {strides = array<i32>} : memref<64x128xf32, #tpu.memory_space<vmem>>, vector<16xf32>,
        tpu.vector_store %arg15[%swap3A_901, %swap3A_902], %mul3A_900 {strides = array<i32>} : memref<64x128xf32, #tpu.memory_space<vmem>>, vector<16xf32>,
        %get3A_904 = arith.index_cast %add3A_866 : i32 to index
        %get3A_905 = arith.constant 80 : index
        %get3A_906 = tpu.vector_load %arg15[%get3A_904, %get3A_905] {strides = array<i32>} : memref<64x128xf32, #tpu.memory_space<vmem>>, vector<16xf32>,
        %mul3A_907 = arith.mulf %get3A_906, %gather3A_868 : vector<16xf32>
        %swap3A_908 = arith.index_cast %add3A_866 : i32 to index
        %swap3A_909 = arith.constant 80 : index
        %swap3A_910 = tpu.vector_load %arg15[%swap3A_908, %swap3A_909] {strides = array<i32>} : memref<64x128xf32, #tpu.memory_space<vmem>>, vector<16xf32>,
        tpu.vector_store %arg15[%swap3A_908, %swap3A_909], %mul3A_907 {strides = array<i32>} : memref<64x128xf32, #tpu.memory_space<vmem>>, vector<16xf32>,
        %get3A_911 = arith.index_cast %add3A_866 : i32 to index
        %get3A_912 = arith.constant 96 : index
        %get3A_913 = tpu.vector_load %arg15[%get3A_911, %get3A_912] {strides = array<i32>} : memref<64x128xf32, #tpu.memory_space<vmem>>, vector<16xf32>,
        %mul3A_914 = arith.mulf %get3A_913, %gather3A_868 : vector<16xf32>
        %swap3A_915 = arith.index_cast %add3A_866 : i32 to index
        %swap3A_916 = arith.constant 96 : index
        %swap3A_917 = tpu.vector_load %arg15[%swap3A_915, %swap3A_916] {strides = array<i32>} : memref<64x128xf32, #tpu.memory_space<vmem>>, vector<16xf32>,
        tpu.vector_store %arg15[%swap3A_915, %swap3A_916], %mul3A_914 {strides = array<i32>} : memref<64x128xf32, #tpu.memory_space<vmem>>, vector<16xf32>,
        %get3A_918 = arith.index_cast %add3A_866 : i32 to index
        %get3A_919 = arith.constant 112 : index
        %get3A_920 = tpu.vector_load %arg15[%get3A_918, %get3A_919] {strides = array<i32>} : memref<64x128xf32, #tpu.memory_space<vmem>>, vector<16xf32>,
        %mul3A_921 = arith.mulf %get3A_920, %gather3A_868 : vector<16xf32>
        %swap3A_922 = arith.index_cast %add3A_866 : i32 to index
        %swap3A_923 = arith.constant 112 : index
        %swap3A_924 = tpu.vector_load %arg15[%swap3A_922, %swap3A_923] {strides = array<i32>} : memref<64x128xf32, #tpu.memory_space<vmem>>, vector<16xf32>,
        tpu.vector_store %arg15[%swap3A_922, %swap3A_923], %mul3A_921 {strides = array<i32>} : memref<64x128xf32, #tpu.memory_space<vmem>>, vector<16xf32>,
      }
      %scan3A_854 = arith.constant 64 : i32
      %dma_start3A_855 = arith.constant 1 : i32
      %dma_start3A_856 = arith.constant 0 : i32
      %dma_start3A_857 = tpu.memref_slice %arg10[%dma_start3A_855, %dma_start3A_856] : memref<3x64xi32, #tpu.memory_space<vmem>> -> memref<1x64xi32, #tpu.memory_space<vmem>>
      %dma_start3A_858 = tpu.memref_squeeze %dma_start3A_857 : memref<1x64xi32, #tpu.memory_space<vmem>> -> memref<64xi32, #tpu.memory_space<vmem>>
      %dma_start3A_859 = arith.constant 0 : i32
      %dma_start3A_860 = arith.constant 0 : i32
      %dma_start3A_861 = tpu.memref_slice %arg16[%dma_start3A_859, %dma_start3A_860] : memref<10240x128xf32, #tpu.memory_space<vmem_shared>> -> memref<10240x128xf32, #tpu.memory_space<vmem_shared>>
      tpu.enqueue_indirect_dma source(%arg15 : memref<64x128xf32, #tpu.memory_space<vmem>>) target(%dma_start3A_861 : memref<10240x128xf32, #tpu.memory_space<vmem_shared>>) offsets(%dma_start3A_858 : memref<64xi32, #tpu.memory_space<vmem>>) semaphore(%arg28 : memref<!tpu.dma_semaphore, #tpu.memory_space<semaphore_mem>>) {add = true}
    }
    %dma_wait3A_125 = arith.constant 1 : i32
    %dma_wait3A_126 = arith.constant 0 : i32
    %dma_wait3A_127 = tpu.memref_slice %arg9[%dma_wait3A_125, %dma_wait3A_126] : memref<3x64xi32, #tpu.memory_space<vmem>> -> memref<1x64xi32, #tpu.memory_space<vmem>>
    %dma_wait3A_128 = tpu.memref_squeeze %dma_wait3A_127 : memref<1x64xi32, #tpu.memory_space<vmem>> -> memref<64xi32, #tpu.memory_space<vmem>>
    %dma_wait3A_129 = arith.constant 0 : i32
    %dma_wait3A_130 = arith.constant 0 : i32
    %dma_wait3A_131 = tpu.memref_slice %arg16[%dma_wait3A_129, %dma_wait3A_130] : memref<10240x128xf32, #tpu.memory_space<vmem_shared>> -> memref<10240x128xf32, #tpu.memory_space<vmem_shared>>
    tpu.wait_indirect_dma semaphore(%arg27 : memref<!tpu.dma_semaphore, #tpu.memory_space<semaphore_mem>>) src(%arg14 : memref<64x128xf32, #tpu.memory_space<vmem>>) dst(%dma_wait3A_131 : memref<10240x128xf32, #tpu.memory_space<vmem_shared>>)
    %dma_wait3A_132 = arith.constant 1 : i32
    %dma_wait3A_133 = arith.constant 0 : i32
    %dma_wait3A_134 = tpu.memref_slice %arg10[%dma_wait3A_132, %dma_wait3A_133] : memref<3x64xi32, #tpu.memory_space<vmem>> -> memref<1x64xi32, #tpu.memory_space<vmem>>
    %dma_wait3A_135 = tpu.memref_squeeze %dma_wait3A_134 : memref<1x64xi32, #tpu.memory_space<vmem>> -> memref<64xi32, #tpu.memory_space<vmem>>
    %dma_wait3A_136 = arith.constant 0 : i32
    %dma_wait3A_137 = arith.constant 0 : i32
    %dma_wait3A_138 = tpu.memref_slice %arg16[%dma_wait3A_136, %dma_wait3A_137] : memref<10240x128xf32, #tpu.memory_space<vmem_shared>> -> memref<10240x128xf32, #tpu.memory_space<vmem_shared>>
    tpu.wait_indirect_dma semaphore(%arg28 : memref<!tpu.dma_semaphore, #tpu.memory_space<semaphore_mem>>) src(%arg15 : memref<64x128xf32, #tpu.memory_space<vmem>>) dst(%dma_wait3A_138 : memref<10240x128xf32, #tpu.memory_space<vmem_shared>>)
    %barrier3A_139 = arith.constant 0 : index
    tpu.barrier barrier_id(%barrier3A_139)
    "tpu.region"() ({
      %run_scoped3A = tpu.sem_alloc : memref<!tpu.dma_semaphore, #tpu.memory_space<semaphore_mem>>
      %dma_start3A_140 = arith.constant 0 : i32
      %dma_start3A_141 = tpu.memref_slice %arg5[%arg0, %mul3A_15, %dma_start3A_140] : memref<2x10240x128xf32, #tpu.memory_space<hbm>> -> memref<1x640x128xf32, #tpu.memory_space<hbm>>
      %dma_start3A_142 = tpu.memref_squeeze %dma_start3A_141 : memref<1x640x128xf32, #tpu.memory_space<hbm>> -> memref<640x128xf32, #tpu.memory_space<hbm>>
      %dma_start3A_143 = arith.constant 0 : i32
      %dma_start3A_144 = tpu.memref_slice %arg16[%mul3A_15, %dma_start3A_143] : memref<10240x128xf32, #tpu.memory_space<vmem_shared>> -> memref<640x128xf32, #tpu.memory_space<vmem_shared>>
      tpu.enqueue_dma source(%dma_start3A_144 : memref<640x128xf32, #tpu.memory_space<vmem_shared>>) target(%dma_start3A_142 : memref<640x128xf32, #tpu.memory_space<hbm>>) target_semaphore(%run_scoped3A : memref<!tpu.dma_semaphore, #tpu.memory_space<semaphore_mem>>)
      %dma_wait3A_145 = arith.constant 0 : i32
      %dma_wait3A_146 = tpu.memref_slice %arg5[%arg0, %mul3A_15, %dma_wait3A_145] : memref<2x10240x128xf32, #tpu.memory_space<hbm>> -> memref<1x640x128xf32, #tpu.memory_space<hbm>>
      %dma_wait3A_147 = tpu.memref_squeeze %dma_wait3A_146 : memref<1x640x128xf32, #tpu.memory_space<hbm>> -> memref<640x128xf32, #tpu.memory_space<hbm>>
      %dma_wait3A_148 = arith.constant 0 : i32
      %dma_wait3A_149 = tpu.memref_slice %arg16[%mul3A_15, %dma_wait3A_148] : memref<10240x128xf32, #tpu.memory_space<vmem_shared>> -> memref<640x128xf32, #tpu.memory_space<vmem_shared>>
      tpu.wait_dma2 semaphore(%run_scoped3A : memref<!tpu.dma_semaphore, #tpu.memory_space<semaphore_mem>>) src(%dma_wait3A_149 : memref<640x128xf32, #tpu.memory_space<vmem_shared>>) dst(%dma_wait3A_147 : memref<640x128xf32, #tpu.memory_space<hbm>>)
      tpu.yield
    }) : () -> ()
    return
  }
}

#map = affine_map<(d0, d1) -> (0, 0, 0)>
#map1 = affine_map<(d0, d1) -> (0, 0, 0, 0)>
module attributes {stable_mosaic.version = 14 : i64} {
  func.func @_sc_deg_body(%arg0: i32, %arg1: i32, %arg2: memref<32x80x128xi32, #tpu.memory_space<hbm>>, %arg3: memref<32x80x128xf32, #tpu.memory_space<hbm>>, %arg4: memref<2x16x80x128xf32, #tpu.memory_space<hbm>>, %arg5: memref<80x128xi32, #tpu.memory_space<vmem>>, %arg6: memref<80x128xf32, #tpu.memory_space<vmem>>, %arg7: memref<80x128xf32, #tpu.memory_space<vmem>>) attributes {dimension_semantics = [#tpu.dimension_semantics<core_parallel>, #tpu.dimension_semantics<subcore_parallel>], iteration_bounds = array<i64: 2, 16>, scalar_prefetch = 0 : i64, scratch_operands = 3 : i64, tpu.core_type = #tpu.core_type<sc_vector_subcore>, window_params = [{transform_indices = #map}, {transform_indices = #map}, {transform_indices = #map1}]} {
    %mul3A = arith.constant 16 : i32
    %mul3A_0 = arith.muli %arg0, %mul3A : i32
    %add3A = arith.addi %mul3A_0, %arg1 : i32
    %broadcast_in_dim3A = arith.constant 0.000000e+00 : f32
    %broadcast_in_dim3A_1 = vector.broadcast %broadcast_in_dim3A : f32 to vector<16xf32>
    %scan3A = arith.constant 0 : i32
    %scan3A_2 = arith.constant 80 : i32
    %scan3A_3 = arith.addi %scan3A, %scan3A_2 : i32
    %scan3A_4 = arith.constant 1 : i32
    scf.for %scan3A_11 = %scan3A to %scan3A_3 step %scan3A_4  : i32 {
      %mul3A_12 = arith.constant 1 : i32
      %mul3A_13 = arith.muli %scan3A_11, %mul3A_12 : i32
      %add3A_14 = arith.constant 0 : i32
      %add3A_15 = arith.addi %add3A_14, %mul3A_13 : i32
      %swap3A = arith.index_cast %add3A_15 : i32 to index
      %swap3A_16 = arith.constant 0 : index
      %swap3A_17 = tpu.vector_load %arg7[%swap3A, %swap3A_16] {strides = array<i32>} : memref<80x128xf32, #tpu.memory_space<vmem>>, vector<16xf32>,
      tpu.vector_store %arg7[%swap3A, %swap3A_16], %broadcast_in_dim3A_1 {strides = array<i32>} : memref<80x128xf32, #tpu.memory_space<vmem>>, vector<16xf32>,
      %swap3A_18 = arith.index_cast %add3A_15 : i32 to index
      %swap3A_19 = arith.constant 16 : index
      %swap3A_20 = tpu.vector_load %arg7[%swap3A_18, %swap3A_19] {strides = array<i32>} : memref<80x128xf32, #tpu.memory_space<vmem>>, vector<16xf32>,
      tpu.vector_store %arg7[%swap3A_18, %swap3A_19], %broadcast_in_dim3A_1 {strides = array<i32>} : memref<80x128xf32, #tpu.memory_space<vmem>>, vector<16xf32>,
      %swap3A_21 = arith.index_cast %add3A_15 : i32 to index
      %swap3A_22 = arith.constant 32 : index
      %swap3A_23 = tpu.vector_load %arg7[%swap3A_21, %swap3A_22] {strides = array<i32>} : memref<80x128xf32, #tpu.memory_space<vmem>>, vector<16xf32>,
      tpu.vector_store %arg7[%swap3A_21, %swap3A_22], %broadcast_in_dim3A_1 {strides = array<i32>} : memref<80x128xf32, #tpu.memory_space<vmem>>, vector<16xf32>,
      %swap3A_24 = arith.index_cast %add3A_15 : i32 to index
      %swap3A_25 = arith.constant 48 : index
      %swap3A_26 = tpu.vector_load %arg7[%swap3A_24, %swap3A_25] {strides = array<i32>} : memref<80x128xf32, #tpu.memory_space<vmem>>, vector<16xf32>,
      tpu.vector_store %arg7[%swap3A_24, %swap3A_25], %broadcast_in_dim3A_1 {strides = array<i32>} : memref<80x128xf32, #tpu.memory_space<vmem>>, vector<16xf32>,
      %swap3A_27 = arith.index_cast %add3A_15 : i32 to index
      %swap3A_28 = arith.constant 64 : index
      %swap3A_29 = tpu.vector_load %arg7[%swap3A_27, %swap3A_28] {strides = array<i32>} : memref<80x128xf32, #tpu.memory_space<vmem>>, vector<16xf32>,
      tpu.vector_store %arg7[%swap3A_27, %swap3A_28], %broadcast_in_dim3A_1 {strides = array<i32>} : memref<80x128xf32, #tpu.memory_space<vmem>>, vector<16xf32>,
      %swap3A_30 = arith.index_cast %add3A_15 : i32 to index
      %swap3A_31 = arith.constant 80 : index
      %swap3A_32 = tpu.vector_load %arg7[%swap3A_30, %swap3A_31] {strides = array<i32>} : memref<80x128xf32, #tpu.memory_space<vmem>>, vector<16xf32>,
      tpu.vector_store %arg7[%swap3A_30, %swap3A_31], %broadcast_in_dim3A_1 {strides = array<i32>} : memref<80x128xf32, #tpu.memory_space<vmem>>, vector<16xf32>,
      %swap3A_33 = arith.index_cast %add3A_15 : i32 to index
      %swap3A_34 = arith.constant 96 : index
      %swap3A_35 = tpu.vector_load %arg7[%swap3A_33, %swap3A_34] {strides = array<i32>} : memref<80x128xf32, #tpu.memory_space<vmem>>, vector<16xf32>,
      tpu.vector_store %arg7[%swap3A_33, %swap3A_34], %broadcast_in_dim3A_1 {strides = array<i32>} : memref<80x128xf32, #tpu.memory_space<vmem>>, vector<16xf32>,
      %swap3A_36 = arith.index_cast %add3A_15 : i32 to index
      %swap3A_37 = arith.constant 112 : index
      %swap3A_38 = tpu.vector_load %arg7[%swap3A_36, %swap3A_37] {strides = array<i32>} : memref<80x128xf32, #tpu.memory_space<vmem>>, vector<16xf32>,
      tpu.vector_store %arg7[%swap3A_36, %swap3A_37], %broadcast_in_dim3A_1 {strides = array<i32>} : memref<80x128xf32, #tpu.memory_space<vmem>>, vector<16xf32>,
    }
    %scan3A_5 = arith.constant 80 : i32
    "tpu.region"() ({
      %run_scoped3A = tpu.sem_alloc : memref<!tpu.dma_semaphore, #tpu.memory_space<semaphore_mem>>
      %dma_start3A = arith.constant 0 : i32
      %dma_start3A_11 = arith.constant 0 : i32
      %dma_start3A_12 = tpu.memref_slice %arg2[%add3A, %dma_start3A, %dma_start3A_11] : memref<32x80x128xi32, #tpu.memory_space<hbm>> -> memref<1x80x128xi32, #tpu.memory_space<hbm>>
      %dma_start3A_13 = tpu.memref_squeeze %dma_start3A_12 : memref<1x80x128xi32, #tpu.memory_space<hbm>> -> memref<80x128xi32, #tpu.memory_space<hbm>>
      %dma_start3A_14 = arith.constant 0 : i32
      %dma_start3A_15 = arith.constant 0 : i32
      %dma_start3A_16 = tpu.memref_slice %arg2[%add3A, %dma_start3A_14, %dma_start3A_15] : memref<32x80x128xi32, #tpu.memory_space<hbm>> -> memref<1x80x128xi32, #tpu.memory_space<hbm>>
      %dma_start3A_17 = tpu.memref_squeeze %dma_start3A_16 : memref<1x80x128xi32, #tpu.memory_space<hbm>> -> memref<80x128xi32, #tpu.memory_space<hbm>>
      tpu.enqueue_dma source(%dma_start3A_17 : memref<80x128xi32, #tpu.memory_space<hbm>>) target(%arg5 : memref<80x128xi32, #tpu.memory_space<vmem>>) target_semaphore(%run_scoped3A : memref<!tpu.dma_semaphore, #tpu.memory_space<semaphore_mem>>)
      %dma_wait3A = arith.constant 0 : i32
      %dma_wait3A_18 = arith.constant 0 : i32
      %dma_wait3A_19 = tpu.memref_slice %arg2[%add3A, %dma_wait3A, %dma_wait3A_18] : memref<32x80x128xi32, #tpu.memory_space<hbm>> -> memref<1x80x128xi32, #tpu.memory_space<hbm>>
      %dma_wait3A_20 = tpu.memref_squeeze %dma_wait3A_19 : memref<1x80x128xi32, #tpu.memory_space<hbm>> -> memref<80x128xi32, #tpu.memory_space<hbm>>
      %dma_wait3A_21 = arith.constant 0 : i32
      %dma_wait3A_22 = arith.constant 0 : i32
      %dma_wait3A_23 = tpu.memref_slice %arg2[%add3A, %dma_wait3A_21, %dma_wait3A_22] : memref<32x80x128xi32, #tpu.memory_space<hbm>> -> memref<1x80x128xi32, #tpu.memory_space<hbm>>
      %dma_wait3A_24 = tpu.memref_squeeze %dma_wait3A_23 : memref<1x80x128xi32, #tpu.memory_space<hbm>> -> memref<80x128xi32, #tpu.memory_space<hbm>>
      tpu.wait_dma2 semaphore(%run_scoped3A : memref<!tpu.dma_semaphore, #tpu.memory_space<semaphore_mem>>) src(%dma_wait3A_24 : memref<80x128xi32, #tpu.memory_space<hbm>>) dst(%arg5 : memref<80x128xi32, #tpu.memory_space<vmem>>)
      tpu.yield
    }) : () -> ()
    "tpu.region"() ({
      %run_scoped3A = tpu.sem_alloc : memref<!tpu.dma_semaphore, #tpu.memory_space<semaphore_mem>>
      %dma_start3A = arith.constant 0 : i32
      %dma_start3A_11 = arith.constant 0 : i32
      %dma_start3A_12 = tpu.memref_slice %arg3[%add3A, %dma_start3A, %dma_start3A_11] : memref<32x80x128xf32, #tpu.memory_space<hbm>> -> memref<1x80x128xf32, #tpu.memory_space<hbm>>
      %dma_start3A_13 = tpu.memref_squeeze %dma_start3A_12 : memref<1x80x128xf32, #tpu.memory_space<hbm>> -> memref<80x128xf32, #tpu.memory_space<hbm>>
      %dma_start3A_14 = arith.constant 0 : i32
      %dma_start3A_15 = arith.constant 0 : i32
      %dma_start3A_16 = tpu.memref_slice %arg3[%add3A, %dma_start3A_14, %dma_start3A_15] : memref<32x80x128xf32, #tpu.memory_space<hbm>> -> memref<1x80x128xf32, #tpu.memory_space<hbm>>
      %dma_start3A_17 = tpu.memref_squeeze %dma_start3A_16 : memref<1x80x128xf32, #tpu.memory_space<hbm>> -> memref<80x128xf32, #tpu.memory_space<hbm>>
      tpu.enqueue_dma source(%dma_start3A_17 : memref<80x128xf32, #tpu.memory_space<hbm>>) target(%arg6 : memref<80x128xf32, #tpu.memory_space<vmem>>) target_semaphore(%run_scoped3A : memref<!tpu.dma_semaphore, #tpu.memory_space<semaphore_mem>>)
      %dma_wait3A = arith.constant 0 : i32
      %dma_wait3A_18 = arith.constant 0 : i32
      %dma_wait3A_19 = tpu.memref_slice %arg3[%add3A, %dma_wait3A, %dma_wait3A_18] : memref<32x80x128xf32, #tpu.memory_space<hbm>> -> memref<1x80x128xf32, #tpu.memory_space<hbm>>
      %dma_wait3A_20 = tpu.memref_squeeze %dma_wait3A_19 : memref<1x80x128xf32, #tpu.memory_space<hbm>> -> memref<80x128xf32, #tpu.memory_space<hbm>>
      %dma_wait3A_21 = arith.constant 0 : i32
      %dma_wait3A_22 = arith.constant 0 : i32
      %dma_wait3A_23 = tpu.memref_slice %arg3[%add3A, %dma_wait3A_21, %dma_wait3A_22] : memref<32x80x128xf32, #tpu.memory_space<hbm>> -> memref<1x80x128xf32, #tpu.memory_space<hbm>>
      %dma_wait3A_24 = tpu.memref_squeeze %dma_wait3A_23 : memref<1x80x128xf32, #tpu.memory_space<hbm>> -> memref<80x128xf32, #tpu.memory_space<hbm>>
      tpu.wait_dma2 semaphore(%run_scoped3A : memref<!tpu.dma_semaphore, #tpu.memory_space<semaphore_mem>>) src(%dma_wait3A_24 : memref<80x128xf32, #tpu.memory_space<hbm>>) dst(%arg6 : memref<80x128xf32, #tpu.memory_space<vmem>>)
      tpu.yield
    }) : () -> ()
    %scan3A_6 = arith.constant 0 : i32
    %scan3A_7 = arith.constant 80 : i32
    %scan3A_8 = arith.addi %scan3A_6, %scan3A_7 : i32
    %scan3A_9 = arith.constant 1 : i32
    scf.for %scan3A_11 = %scan3A_6 to %scan3A_8 step %scan3A_9  : i32 {
      %mul3A_12 = arith.constant 1 : i32
      %mul3A_13 = arith.muli %scan3A_11, %mul3A_12 : i32
      %add3A_14 = arith.constant 0 : i32
      %add3A_15 = arith.addi %add3A_14, %mul3A_13 : i32
      %get3A = arith.index_cast %add3A_15 : i32 to index
      %get3A_16 = arith.constant 0 : index
      %get3A_17 = tpu.vector_load %arg5[%get3A, %get3A_16] {strides = array<i32>} : memref<80x128xi32, #tpu.memory_space<vmem>>, vector<16xi32>,
      %shift_right_logical3A = arith.constant 7 : i32
      %shift_right_logical3A_18 = vector.broadcast %shift_right_logical3A : i32 to vector<16xi32>
      %shift_right_logical3A_19 = arith.shrui %get3A_17, %shift_right_logical3A_18 : vector<16xi32>
      %and3A = arith.constant 127 : i32
      %and3A_20 = vector.broadcast %and3A : i32 to vector<16xi32>
      %and3A_21 = arith.andi %get3A_17, %and3A_20 : vector<16xi32>
      %get3A_22 = arith.index_cast %add3A_15 : i32 to index
      %get3A_23 = arith.constant 0 : index
      %get3A_24 = tpu.vector_load %arg6[%get3A_22, %get3A_23] {strides = array<i32>} : memref<80x128xf32, #tpu.memory_space<vmem>>, vector<16xf32>,
      tpu.vector_store_idx %arg7[%shift_right_logical3A_19, %and3A_21], %get3A_24 {add = true} : memref<80x128xf32, #tpu.memory_space<vmem>>[vector<16xi32>, vector<16xi32>], vector<16xf32>,
      %get3A_25 = arith.index_cast %add3A_15 : i32 to index
      %get3A_26 = arith.constant 16 : index
      %get3A_27 = tpu.vector_load %arg5[%get3A_25, %get3A_26] {strides = array<i32>} : memref<80x128xi32, #tpu.memory_space<vmem>>, vector<16xi32>,
      %shift_right_logical3A_28 = arith.constant 7 : i32
      %shift_right_logical3A_29 = vector.broadcast %shift_right_logical3A_28 : i32 to vector<16xi32>
      %shift_right_logical3A_30 = arith.shrui %get3A_27, %shift_right_logical3A_29 : vector<16xi32>
      %and3A_31 = arith.constant 127 : i32
      %and3A_32 = vector.broadcast %and3A_31 : i32 to vector<16xi32>
      %and3A_33 = arith.andi %get3A_27, %and3A_32 : vector<16xi32>
      %get3A_34 = arith.index_cast %add3A_15 : i32 to index
      %get3A_35 = arith.constant 16 : index
      %get3A_36 = tpu.vector_load %arg6[%get3A_34, %get3A_35] {strides = array<i32>} : memref<80x128xf32, #tpu.memory_space<vmem>>, vector<16xf32>,
      tpu.vector_store_idx %arg7[%shift_right_logical3A_30, %and3A_33], %get3A_36 {add = true} : memref<80x128xf32, #tpu.memory_space<vmem>>[vector<16xi32>, vector<16xi32>], vector<16xf32>,
      %get3A_37 = arith.index_cast %add3A_15 : i32 to index
      %get3A_38 = arith.constant 32 : index
      %get3A_39 = tpu.vector_load %arg5[%get3A_37, %get3A_38] {strides = array<i32>} : memref<80x128xi32, #tpu.memory_space<vmem>>, vector<16xi32>,
      %shift_right_logical3A_40 = arith.constant 7 : i32
      %shift_right_logical3A_41 = vector.broadcast %shift_right_logical3A_40 : i32 to vector<16xi32>
      %shift_right_logical3A_42 = arith.shrui %get3A_39, %shift_right_logical3A_41 : vector<16xi32>
      %and3A_43 = arith.constant 127 : i32
      %and3A_44 = vector.broadcast %and3A_43 : i32 to vector<16xi32>
      %and3A_45 = arith.andi %get3A_39, %and3A_44 : vector<16xi32>
      %get3A_46 = arith.index_cast %add3A_15 : i32 to index
      %get3A_47 = arith.constant 32 : index
      %get3A_48 = tpu.vector_load %arg6[%get3A_46, %get3A_47] {strides = array<i32>} : memref<80x128xf32, #tpu.memory_space<vmem>>, vector<16xf32>,
      tpu.vector_store_idx %arg7[%shift_right_logical3A_42, %and3A_45], %get3A_48 {add = true} : memref<80x128xf32, #tpu.memory_space<vmem>>[vector<16xi32>, vector<16xi32>], vector<16xf32>,
      %get3A_49 = arith.index_cast %add3A_15 : i32 to index
      %get3A_50 = arith.constant 48 : index
      %get3A_51 = tpu.vector_load %arg5[%get3A_49, %get3A_50] {strides = array<i32>} : memref<80x128xi32, #tpu.memory_space<vmem>>, vector<16xi32>,
      %shift_right_logical3A_52 = arith.constant 7 : i32
      %shift_right_logical3A_53 = vector.broadcast %shift_right_logical3A_52 : i32 to vector<16xi32>
      %shift_right_logical3A_54 = arith.shrui %get3A_51, %shift_right_logical3A_53 : vector<16xi32>
      %and3A_55 = arith.constant 127 : i32
      %and3A_56 = vector.broadcast %and3A_55 : i32 to vector<16xi32>
      %and3A_57 = arith.andi %get3A_51, %and3A_56 : vector<16xi32>
      %get3A_58 = arith.index_cast %add3A_15 : i32 to index
      %get3A_59 = arith.constant 48 : index
      %get3A_60 = tpu.vector_load %arg6[%get3A_58, %get3A_59] {strides = array<i32>} : memref<80x128xf32, #tpu.memory_space<vmem>>, vector<16xf32>,
      tpu.vector_store_idx %arg7[%shift_right_logical3A_54, %and3A_57], %get3A_60 {add = true} : memref<80x128xf32, #tpu.memory_space<vmem>>[vector<16xi32>, vector<16xi32>], vector<16xf32>,
      %get3A_61 = arith.index_cast %add3A_15 : i32 to index
      %get3A_62 = arith.constant 64 : index
      %get3A_63 = tpu.vector_load %arg5[%get3A_61, %get3A_62] {strides = array<i32>} : memref<80x128xi32, #tpu.memory_space<vmem>>, vector<16xi32>,
      %shift_right_logical3A_64 = arith.constant 7 : i32
      %shift_right_logical3A_65 = vector.broadcast %shift_right_logical3A_64 : i32 to vector<16xi32>
      %shift_right_logical3A_66 = arith.shrui %get3A_63, %shift_right_logical3A_65 : vector<16xi32>
      %and3A_67 = arith.constant 127 : i32
      %and3A_68 = vector.broadcast %and3A_67 : i32 to vector<16xi32>
      %and3A_69 = arith.andi %get3A_63, %and3A_68 : vector<16xi32>
      %get3A_70 = arith.index_cast %add3A_15 : i32 to index
      %get3A_71 = arith.constant 64 : index
      %get3A_72 = tpu.vector_load %arg6[%get3A_70, %get3A_71] {strides = array<i32>} : memref<80x128xf32, #tpu.memory_space<vmem>>, vector<16xf32>,
      tpu.vector_store_idx %arg7[%shift_right_logical3A_66, %and3A_69], %get3A_72 {add = true} : memref<80x128xf32, #tpu.memory_space<vmem>>[vector<16xi32>, vector<16xi32>], vector<16xf32>,
      %get3A_73 = arith.index_cast %add3A_15 : i32 to index
      %get3A_74 = arith.constant 80 : index
      %get3A_75 = tpu.vector_load %arg5[%get3A_73, %get3A_74] {strides = array<i32>} : memref<80x128xi32, #tpu.memory_space<vmem>>, vector<16xi32>,
      %shift_right_logical3A_76 = arith.constant 7 : i32
      %shift_right_logical3A_77 = vector.broadcast %shift_right_logical3A_76 : i32 to vector<16xi32>
      %shift_right_logical3A_78 = arith.shrui %get3A_75, %shift_right_logical3A_77 : vector<16xi32>
      %and3A_79 = arith.constant 127 : i32
      %and3A_80 = vector.broadcast %and3A_79 : i32 to vector<16xi32>
      %and3A_81 = arith.andi %get3A_75, %and3A_80 : vector<16xi32>
      %get3A_82 = arith.index_cast %add3A_15 : i32 to index
      %get3A_83 = arith.constant 80 : index
      %get3A_84 = tpu.vector_load %arg6[%get3A_82, %get3A_83] {strides = array<i32>} : memref<80x128xf32, #tpu.memory_space<vmem>>, vector<16xf32>,
      tpu.vector_store_idx %arg7[%shift_right_logical3A_78, %and3A_81], %get3A_84 {add = true} : memref<80x128xf32, #tpu.memory_space<vmem>>[vector<16xi32>, vector<16xi32>], vector<16xf32>,
      %get3A_85 = arith.index_cast %add3A_15 : i32 to index
      %get3A_86 = arith.constant 96 : index
      %get3A_87 = tpu.vector_load %arg5[%get3A_85, %get3A_86] {strides = array<i32>} : memref<80x128xi32, #tpu.memory_space<vmem>>, vector<16xi32>,
      %shift_right_logical3A_88 = arith.constant 7 : i32
      %shift_right_logical3A_89 = vector.broadcast %shift_right_logical3A_88 : i32 to vector<16xi32>
      %shift_right_logical3A_90 = arith.shrui %get3A_87, %shift_right_logical3A_89 : vector<16xi32>
      %and3A_91 = arith.constant 127 : i32
      %and3A_92 = vector.broadcast %and3A_91 : i32 to vector<16xi32>
      %and3A_93 = arith.andi %get3A_87, %and3A_92 : vector<16xi32>
      %get3A_94 = arith.index_cast %add3A_15 : i32 to index
      %get3A_95 = arith.constant 96 : index
      %get3A_96 = tpu.vector_load %arg6[%get3A_94, %get3A_95] {strides = array<i32>} : memref<80x128xf32, #tpu.memory_space<vmem>>, vector<16xf32>,
      tpu.vector_store_idx %arg7[%shift_right_logical3A_90, %and3A_93], %get3A_96 {add = true} : memref<80x128xf32, #tpu.memory_space<vmem>>[vector<16xi32>, vector<16xi32>], vector<16xf32>,
      %get3A_97 = arith.index_cast %add3A_15 : i32 to index
      %get3A_98 = arith.constant 112 : index
      %get3A_99 = tpu.vector_load %arg5[%get3A_97, %get3A_98] {strides = array<i32>} : memref<80x128xi32, #tpu.memory_space<vmem>>, vector<16xi32>,
      %shift_right_logical3A_100 = arith.constant 7 : i32
      %shift_right_logical3A_101 = vector.broadcast %shift_right_logical3A_100 : i32 to vector<16xi32>
      %shift_right_logical3A_102 = arith.shrui %get3A_99, %shift_right_logical3A_101 : vector<16xi32>
      %and3A_103 = arith.constant 127 : i32
      %and3A_104 = vector.broadcast %and3A_103 : i32 to vector<16xi32>
      %and3A_105 = arith.andi %get3A_99, %and3A_104 : vector<16xi32>
      %get3A_106 = arith.index_cast %add3A_15 : i32 to index
      %get3A_107 = arith.constant 112 : index
      %get3A_108 = tpu.vector_load %arg6[%get3A_106, %get3A_107] {strides = array<i32>} : memref<80x128xf32, #tpu.memory_space<vmem>>, vector<16xf32>,
      tpu.vector_store_idx %arg7[%shift_right_logical3A_102, %and3A_105], %get3A_108 {add = true} : memref<80x128xf32, #tpu.memory_space<vmem>>[vector<16xi32>, vector<16xi32>], vector<16xf32>,
    }
    %scan3A_10 = arith.constant 80 : i32
    "tpu.region"() ({
      %run_scoped3A = tpu.sem_alloc : memref<!tpu.dma_semaphore, #tpu.memory_space<semaphore_mem>>
      %dma_start3A = arith.constant 0 : i32
      %dma_start3A_11 = arith.constant 0 : i32
      %dma_start3A_12 = tpu.memref_slice %arg4[%arg0, %arg1, %dma_start3A, %dma_start3A_11] : memref<2x16x80x128xf32, #tpu.memory_space<hbm>> -> memref<1x1x80x128xf32, #tpu.memory_space<hbm>>
      %dma_start3A_13 = tpu.memref_squeeze %dma_start3A_12 : memref<1x1x80x128xf32, #tpu.memory_space<hbm>> -> memref<80x128xf32, #tpu.memory_space<hbm>>
      %dma_start3A_14 = arith.constant 0 : i32
      %dma_start3A_15 = arith.constant 0 : i32
      %dma_start3A_16 = tpu.memref_slice %arg4[%arg0, %arg1, %dma_start3A_14, %dma_start3A_15] : memref<2x16x80x128xf32, #tpu.memory_space<hbm>> -> memref<1x1x80x128xf32, #tpu.memory_space<hbm>>
      %dma_start3A_17 = tpu.memref_squeeze %dma_start3A_16 : memref<1x1x80x128xf32, #tpu.memory_space<hbm>> -> memref<80x128xf32, #tpu.memory_space<hbm>>
      tpu.enqueue_dma source(%arg7 : memref<80x128xf32, #tpu.memory_space<vmem>>) target(%dma_start3A_17 : memref<80x128xf32, #tpu.memory_space<hbm>>) target_semaphore(%run_scoped3A : memref<!tpu.dma_semaphore, #tpu.memory_space<semaphore_mem>>)
      %dma_wait3A = arith.constant 0 : i32
      %dma_wait3A_18 = arith.constant 0 : i32
      %dma_wait3A_19 = tpu.memref_slice %arg4[%arg0, %arg1, %dma_wait3A, %dma_wait3A_18] : memref<2x16x80x128xf32, #tpu.memory_space<hbm>> -> memref<1x1x80x128xf32, #tpu.memory_space<hbm>>
      %dma_wait3A_20 = tpu.memref_squeeze %dma_wait3A_19 : memref<1x1x80x128xf32, #tpu.memory_space<hbm>> -> memref<80x128xf32, #tpu.memory_space<hbm>>
      %dma_wait3A_21 = arith.constant 0 : i32
      %dma_wait3A_22 = arith.constant 0 : i32
      %dma_wait3A_23 = tpu.memref_slice %arg4[%arg0, %arg1, %dma_wait3A_21, %dma_wait3A_22] : memref<2x16x80x128xf32, #tpu.memory_space<hbm>> -> memref<1x1x80x128xf32, #tpu.memory_space<hbm>>
      %dma_wait3A_24 = tpu.memref_squeeze %dma_wait3A_23 : memref<1x1x80x128xf32, #tpu.memory_space<hbm>> -> memref<80x128xf32, #tpu.memory_space<hbm>>
      tpu.wait_dma2 semaphore(%run_scoped3A : memref<!tpu.dma_semaphore, #tpu.memory_space<semaphore_mem>>) src(%arg7 : memref<80x128xf32, #tpu.memory_space<vmem>>) dst(%dma_wait3A_24 : memref<80x128xf32, #tpu.memory_space<hbm>>)
      tpu.yield
    }) : () -> ()
    return
  }
}

module attributes {stable_mosaic.version = 14 : i64} {
  func.func @_tc_mm_body(%arg0: i32, %arg1: memref<1000x128xf32, #tpu.memory_space<vmem>>, %arg2: memref<128x128xf32, #tpu.memory_space<vmem>>, %arg3: memref<128x128xf32, #tpu.memory_space<vmem>>, %arg4: memref<1x128xf32, #tpu.memory_space<vmem>>, %arg5: memref<1000x128xf32, #tpu.memory_space<vmem>>, %arg6: memref<1000x128xf32, #tpu.memory_space<vmem>>) attributes {dimension_semantics = [#tpu.dimension_semantics<arbitrary>], iteration_bounds = array<i64: 10>, scalar_prefetch = 0 : i64, scratch_operands = 0 : i64, tpu.core_type = #tpu.core_type<tc>, window_params = [{transform_indices = @transform_0, window_bounds = array<i64: 1000, 128>}, {pipeline_mode = #tpu.pipeline_mode<synchronous>, transform_indices = @transform_1, window_bounds = array<i64: 128, 128>}, {pipeline_mode = #tpu.pipeline_mode<synchronous>, transform_indices = @transform_2, window_bounds = array<i64: 128, 128>}, {pipeline_mode = #tpu.pipeline_mode<synchronous>, transform_indices = @transform_3, window_bounds = array<i64: 1, 128>}, {transform_indices = @transform_4, window_bounds = array<i64: 1000, 128>}, {transform_indices = @transform_5, window_bounds = array<i64: 1000, 128>}]} {
    %get3A = arith.constant 0 : index
    %get3A_0 = arith.constant 0 : index
    %get3A_1 = vector.load %arg1[%get3A, %get3A_0] : memref<1000x128xf32, #tpu.memory_space<vmem>>, vector<1000x128xf32>
    %get3A_2 = arith.constant 0 : index
    %get3A_3 = arith.constant 0 : index
    %get3A_4 = vector.load %arg2[%get3A_2, %get3A_3] : memref<128x128xf32, #tpu.memory_space<vmem>>, vector<128x128xf32>
    %dot_general3A = arith.constant dense<0.000000e+00> : vector<1000x128xf32>
    %dot_general3A_5 = tpu.matmul %get3A_1, %get3A_4, %dot_general3A {dimension_numbers = #tpu.dot_dimension_numbers<[1], [0], [0], [1], [0, 0, 1, 1], [], []>, transpose_lhs_hint = false} : vector<1000x128xf32>, vector<128x128xf32>, vector<1000x128xf32> -> vector<1000x128xf32>
    %get3A_6 = arith.constant 0 : index
    %get3A_7 = arith.constant 0 : index
    %get3A_8 = vector.load %arg4[%get3A_6, %get3A_7] : memref<1x128xf32, #tpu.memory_space<vmem>>, vector<1x128xf32>
    %add3A = vector.broadcast %get3A_8 : vector<1x128xf32> to vector<1000x128xf32>
    %add3A_9 = arith.addf %dot_general3A_5, %add3A : vector<1000x128xf32>
    %swap3A = arith.constant 0 : index
    %swap3A_10 = arith.constant 0 : index
    %swap3A_11 = vector.load %arg5[%swap3A, %swap3A_10] : memref<1000x128xf32, #tpu.memory_space<vmem>>, vector<1000x128xf32>
    tpu.vector_store %arg5[%swap3A, %swap3A_10], %add3A_9 {strides = array<i32>} : memref<1000x128xf32, #tpu.memory_space<vmem>>, vector<1000x128xf32>,
    %get3A_12 = arith.constant 0 : index
    %get3A_13 = arith.constant 0 : index
    %get3A_14 = vector.load %arg3[%get3A_12, %get3A_13] : memref<128x128xf32, #tpu.memory_space<vmem>>, vector<128x128xf32>
    %dot_general3A_15 = arith.constant dense<0.000000e+00> : vector<1000x128xf32>
    %dot_general3A_16 = tpu.matmul %get3A_1, %get3A_14, %dot_general3A_15 {dimension_numbers = #tpu.dot_dimension_numbers<[1], [0], [0], [1], [0, 0, 1, 1], [], []>, transpose_lhs_hint = false} : vector<1000x128xf32>, vector<128x128xf32>, vector<1000x128xf32> -> vector<1000x128xf32>
    %swap3A_17 = arith.constant 0 : index
    %swap3A_18 = arith.constant 0 : index
    %swap3A_19 = vector.load %arg6[%swap3A_17, %swap3A_18] : memref<1000x128xf32, #tpu.memory_space<vmem>>, vector<1000x128xf32>
    tpu.vector_store %arg6[%swap3A_17, %swap3A_18], %dot_general3A_16 {strides = array<i32>} : memref<1000x128xf32, #tpu.memory_space<vmem>>, vector<1000x128xf32>,
    return
  }
  func.func @transform_0(%arg0: i32) -> (i32, i32) {
    %c0_i32 = arith.constant 0 : i32
    %c0_i32_0 = arith.constant 0 : i32
    return %arg0, %c0_i32 : i32, i32
  }
  func.func @transform_1(%arg0: i32) -> (i32, i32) {
    %c0_i32 = arith.constant 0 : i32
    %c0_i32_0 = arith.constant 0 : i32
    %c0_i32_1 = arith.constant 0 : i32
    return %c0_i32, %c0_i32_0 : i32, i32
  }
  func.func @transform_2(%arg0: i32) -> (i32, i32) {
    %c0_i32 = arith.constant 0 : i32
    %c0_i32_0 = arith.constant 0 : i32
    %c0_i32_1 = arith.constant 0 : i32
    return %c0_i32, %c0_i32_0 : i32, i32
  }
  func.func @transform_3(%arg0: i32) -> (i32, i32) {
    %c0_i32 = arith.constant 0 : i32
    %c0_i32_0 = arith.constant 0 : i32
    %c0_i32_1 = arith.constant 0 : i32
    return %c0_i32, %c0_i32_0 : i32, i32
  }
  func.func @transform_4(%arg0: i32) -> (i32, i32) {
    %c0_i32 = arith.constant 0 : i32
    %c0_i32_0 = arith.constant 0 : i32
    return %arg0, %c0_i32 : i32, i32
  }
  func.func @transform_5(%arg0: i32) -> (i32, i32) {
    %c0_i32 = arith.constant 0 : i32
    %c0_i32_0 = arith.constant 0 : i32
    return %arg0, %c0_i32 : i32, i32
  }
}

module attributes {stable_mosaic.version = 14 : i64} {
  func.func @_tc_dis_body(%arg0: memref<2x16x80x128xf32, #tpu.memory_space<vmem>>, %arg1: memref<80x128xf32, #tpu.memory_space<vmem>>) attributes {dimension_semantics = [], scalar_prefetch = 0 : i64, scratch_operands = 0 : i64, tpu.core_type = #tpu.core_type<tc>} {
    %get3A = arith.constant 0 : index
    %get3A_0 = arith.constant 0 : index
    %get3A_1 = arith.constant 0 : index
    %get3A_2 = arith.constant 0 : index
    %get3A_3 = vector.load %arg0[%get3A, %get3A_0, %get3A_1, %get3A_2] : memref<2x16x80x128xf32, #tpu.memory_space<vmem>>, vector<2x16x80x128xf32>
    %reduce_sum3A = arith.constant dense<0.000000e+00> : vector<80x128xf32>
    %reduce_sum3A_4 = vector.multi_reduction <add>, %get3A_3, %reduce_sum3A [0, 1] : vector<2x16x80x128xf32> to vector<80x128xf32>
    %max3A = arith.constant 9.99999935E-39 : f32
    %max3A_5 = vector.broadcast %max3A : f32 to vector<80x128xf32>
    %max3A_6 = arith.maximumf %reduce_sum3A_4, %max3A_5 : vector<80x128xf32>
    %rsqrt3A = math.rsqrt %max3A_6 : vector<80x128xf32>
    %gt3A = arith.constant 0.000000e+00 : f32
    %gt3A_7 = vector.broadcast %gt3A : f32 to vector<80x128xf32>
    %gt3A_8 = arith.cmpf ogt, %reduce_sum3A_4, %gt3A_7 : vector<80x128xf32>
    %jit3A = arith.constant 0.000000e+00 : f32
    %broadcast_in_dim3A = vector.broadcast %jit3A : f32 to vector<80x128xf32>
    %select_n3A = arith.select %gt3A_8, %rsqrt3A, %broadcast_in_dim3A : vector<80x128xi1>, vector<80x128xf32>
    %swap3A = arith.constant 0 : index
    %swap3A_9 = arith.constant 0 : index
    %swap3A_10 = vector.load %arg1[%swap3A, %swap3A_9] : memref<80x128xf32, #tpu.memory_space<vmem>>, vector<80x128xf32>
    tpu.vector_store %arg1[%swap3A, %swap3A_9], %select_n3A {strides = array<i32>} : memref<80x128xf32, #tpu.memory_space<vmem>>, vector<80x128xf32>,
    return
  }
}

module attributes {stable_mosaic.version = 14 : i64} {
  func.func @_tc_add_body(%arg0: i32, %arg1: memref<1000x128xf32, #tpu.memory_space<vmem>>, %arg2: memref<2x1000x128xf32, #tpu.memory_space<vmem>>, %arg3: memref<1000x128xf32, #tpu.memory_space<vmem>>) attributes {dimension_semantics = [#tpu.dimension_semantics<arbitrary>], iteration_bounds = array<i64: 10>, scalar_prefetch = 0 : i64, scratch_operands = 0 : i64, tpu.core_type = #tpu.core_type<tc>, window_params = [{transform_indices = @transform_0, window_bounds = array<i64: 1000, 128>}, {transform_indices = @transform_1, window_bounds = array<i64: 2, 1000, 128>}, {transform_indices = @transform_2, window_bounds = array<i64: 1000, 128>}]} {
    %get3A = arith.constant 0 : index
    %get3A_0 = arith.constant 0 : index
    %get3A_1 = vector.load %arg1[%get3A, %get3A_0] : memref<1000x128xf32, #tpu.memory_space<vmem>>, vector<1000x128xf32>
    %get3A_2 = arith.constant 0 : index
    %get3A_3 = arith.constant 0 : index
    %get3A_4 = arith.constant 0 : index
    %get3A_5 = vector.load %arg2[%get3A_2, %get3A_3, %get3A_4] : memref<2x1000x128xf32, #tpu.memory_space<vmem>>, vector<1x1000x128xf32>
    %get3A_6 = vector.shape_cast %get3A_5 : vector<1x1000x128xf32> to vector<1000x128xf32>
    %add3A = arith.addf %get3A_1, %get3A_6 : vector<1000x128xf32>
    %get3A_7 = arith.constant 1 : index
    %get3A_8 = arith.constant 0 : index
    %get3A_9 = arith.constant 0 : index
    %get3A_10 = vector.load %arg2[%get3A_7, %get3A_8, %get3A_9] : memref<2x1000x128xf32, #tpu.memory_space<vmem>>, vector<1x1000x128xf32>
    %get3A_11 = vector.shape_cast %get3A_10 : vector<1x1000x128xf32> to vector<1000x128xf32>
    %add3A_12 = arith.addf %add3A, %get3A_11 : vector<1000x128xf32>
    %swap3A = arith.constant 0 : index
    %swap3A_13 = arith.constant 0 : index
    %swap3A_14 = vector.load %arg3[%swap3A, %swap3A_13] : memref<1000x128xf32, #tpu.memory_space<vmem>>, vector<1000x128xf32>
    tpu.vector_store %arg3[%swap3A, %swap3A_13], %add3A_12 {strides = array<i32>} : memref<1000x128xf32, #tpu.memory_space<vmem>>, vector<1000x128xf32>,
    return
  }
  func.func @transform_0(%arg0: i32) -> (i32, i32) {
    %c0_i32 = arith.constant 0 : i32
    %c0_i32_0 = arith.constant 0 : i32
    return %arg0, %c0_i32 : i32, i32
  }
  func.func @transform_1(%arg0: i32) -> (i32, i32, i32) {
    %c0_i32 = arith.constant 0 : i32
    %c0_i32_0 = arith.constant 0 : i32
    %c0_i32_1 = arith.constant 0 : i32
    return %c0_i32, %arg0, %c0_i32_0 : i32, i32, i32
  }
  func.func @transform_2(%arg0: i32) -> (i32, i32) {
    %c0_i32 = arith.constant 0 : i32
    %c0_i32_0 = arith.constant 0 : i32
    return %arg0, %c0_i32 : i32, i32
  }
}

</mosaic_0001>

<sc_bundles>
// kernel: kernel.10.cloned.1.call-start
scs
__scs_entry_jumppad:
0x0: {  	(pc) =	sbr.rel $0x88, $3  }
0x1: {  	(tag) =	ssettag $0x0;
	lr =	simm.s32 $0x1  }
0x2: {  	[smem:$0x3F9B] =	sst lr;
	_ =	strace $0xD0000000  }
0x3: {  	_ = 	snop  }
0x4: {  	_ = 	snop  }
0x5: {  	_ = 	snop  }
0x6: {  	_ = 	snop  }
0x7: {  	_ = 	snop  }
__scs_overlays_trampoline_lowered:
0x8: {  	[smem:$0x3FAA] =	sst s0  }
0x9: {  	[smem:$0x3FAB] =	sst s1  }
0xa: {  	[smem:$0x3FAC] =	sst s2  }
0xb: {  	[smem:$0x3FAD] =	sst s3  }
0xc: {  	[smem:$0x3FAE] =	sst s4  }
0xd: {  	[smem:$0x3FAF] =	sst s5  }
0xe: {  	[smem:$0x3FB0] =	sst s6  }
0xf: {  	[smem:$0x3FB1] =	sst s7  }
0x10: {  	[smem:$0x3FB2] =	sst s8  }
0x11: {  	[smem:$0x3FB3] =	sst s9;
	s0 =	simm.s32 @!p0 $0x0  }
0x12: {  	s1 =	sld [smem:$0x3F99];
	s0 =	simm.s32 @p0 $0x1  }
0x13: {  	[smem:$0x3FB4] =	sst s0;
	s0 =	simm.s32 @!p1 $0x0  }
0x14: {  	s2 =	sld [smem:$0x3F98];
	s0 =	simm.s32 @p1 $0x1  }
0x15: {  	[smem:$0x3FB5] =	sst s0;
	s0 =	simm.s32 @!p2 $0x0  }
0x16: {  	s3 =	sld [smem:$0x3FDB];
	s0 =	simm.s32 @p2 $0x1  }
0x17: {  	s4 =	simm.s32 $0x1BF5;
	[smem:$0x3FB7] =	sst s0  }
0x18: {  	s0 =	sld [smem:$0x3F9A];
	_ =	swait.ge [sflag:s4], $0x0  }
0x19: {  	s7 =	sld [smem:$0x3F9B]  }
0x1a: {  	s8 =	sadd.s32 $0xFFFFE003, lr  }
0x1b: {  	s9 =	sadd.s32 $0xFFFFFEF7, lr;
	s5 =	simm.s32 $0xFFFFFFFF;
	p2 =	slt.u32 s8, $0xFFFFF086  }
0x1c: {  	p1 =	slt.u32 s9, $0xF7A;
	s5 =	simm.s32 @!p2 $0x0  }
0x1d: {  	s5 =	simm.s32 @p1 $0x1;
	p0 =	seq.s32 s7, s2  }
0x1e: {  	s7 =	smul.u32 @!p0 $0xF7A, s2;
	p2 =	seq.s32 @!p0 s5, $0x0  }
0x1f: {  	s9 =	smul.u32 $0xF7A, s1;
	s8 =	simm.s32 @!p0 $0x1BF5;
	p2 =	por !p2, p0  }
0x20: {  	[sflag:s8] =	ssyncset.s32 @!p0 $0xFFFFF086;
	s6 =	sadd.s32 @!p0 s3, s7;
	s7 =	simm.s32 @!p0 $0x108  }
0x21: {  	s3 =	sadd.s32 s3, s9;
	s6 =	sadd.s32 @!p0 $0x88, s6;
	s7 =	simm.s32 @p2 $0x1082  }
0x22: {  	[simem:s7], [sflag:s8] =	dma.local @!p0 [hbm:s6], $0xF7A  }
0x23: {  	s9 =	sor.u32 $0xD0000000, s2;
	s6 =	simm.s32 $0x108;
	_ =	swait.ge @!p0 [sflag:s8], $0x0  }
0x24: {  	s3 =	sadd.s32 $0x88, s3;
	s6 =	simm.s32 @!p1 $0x1082;
	[sflag:s4] =	ssyncset.s32 $0xFFFFF086  }
0x25: {  	[simem:s6], [sflag:s4] =	dma.local [hbm:s3], $0xF7A  }
0x26: {  	[smem:$0x3F9B] =	sst s1;
	(tag) =	ssettag s2;
	_ =	strace s9  }
0x27: {  	s1 =	sld [smem:$0x3FAB]  }
0x28: {  	s2 =	sld [smem:$0x3FAC]  }
0x29: {  	s4 =	sld [smem:$0x3FAE]  }
0x2a: {  	p0 =	seq.s32 s5, $0x0;
	s5 =	sld [smem:$0x3FAF]  }
0x2b: {  	s6 =	sld [smem:$0x3FB0]  }
0x2c: {  	s7 =	sld [smem:$0x3FB1]  }
0x2d: {  	s3 =	simm.s32 $0x108;
	s8 =	sld [smem:$0x3FB2]  }
0x2e: {  	s3 =	simm.s32 @!p0 $0x1082;
	s9 =	sld [smem:$0x3FB3]  }
0x2f: {  	lr =	sadd.s32 s0, s3;
	s0 =	sld [smem:$0x3FAA]  }
0x30: {  	s3 =	sld [smem:$0x3FAD]  }
0x31: {  	[smem:$0x3FB6] =	sst s10  }
0x32: {  	s10 =	sld [smem:$0x3FB4];
	_ =	sdelay $0x3  }
0x33: {  	p0 =	seq.s32 s10, $0x1;
	s10 =	sld [smem:$0x3FB6];
	_ =	sdelay $0x3  }
0x34: {  	[smem:$0x3FB6] =	sst s10  }
0x35: {  	s10 =	sld [smem:$0x3FB5];
	_ =	sdelay $0x3  }
0x36: {  	p1 =	seq.s32 s10, $0x1;
	s10 =	sld [smem:$0x3FB6];
	_ =	sdelay $0x3  }
0x37: {  	[smem:$0x3FB6] =	sst s10  }
0x38: {  	s10 =	sld [smem:$0x3FB7]  }
0x39: {  	_ = 	snop;
	(pc) =	sbr.ind lr, $3  }
0x3a: {  	_ = 	snop  }
0x3b: {  	_ = 	snop  }
0x3c: {  	p2 =	seq.s32 s10, $0x1;
	s10 =	sld [smem:$0x3FB6]  }
0x3d: {  	_ =	shalt  }
0x3e: {  	_ =	shalt  }
0x3f: {  	_ =	shalt  }
0x40: {  	_ =	shalt  }
0x41: {  	_ =	shalt  }
0x42: {  	_ =	shalt  }
0x43: {  	_ =	shalt  }
0x44: {  	_ =	shalt  }
0x45: {  	_ =	shalt  }
0x46: {  	_ =	shalt  }
0x47: {  	_ =	shalt  }
0x48: {  	_ =	shalt  }
0x49: {  	_ =	shalt  }
0x4a: {  	_ =	shalt  }
0x4b: {  	_ =	shalt  }
0x4c: {  	_ =	shalt  }
0x4d: {  	_ =	shalt  }
0x4e: {  	_ =	shalt  }
0x4f: {  	_ =	shalt  }
0x50: {  	_ =	shalt  }
0x51: {  	_ =	shalt  }
0x52: {  	_ =	shalt  }
0x53: {  	_ =	shalt  }
0x54: {  	_ =	shalt  }
0x55: {  	_ =	shalt  }
0x56: {  	_ =	shalt  }
0x57: {  	_ =	shalt  }
0x58: {  	_ =	shalt  }
0x59: {  	_ =	shalt  }
0x5a: {  	_ =	shalt  }
0x5b: {  	_ =	shalt  }
0x5c: {  	_ =	shalt  }
0x5d: {  	_ =	shalt  }
0x5e: {  	_ =	shalt  }
0x5f: {  	_ =	shalt  }
0x60: {  	_ =	shalt  }
0x61: {  	_ =	shalt  }
0x62: {  	_ =	shalt  }
0x63: {  	_ =	shalt  }
0x64: {  	_ =	shalt  }
0x65: {  	_ =	shalt  }
0x66: {  	_ =	shalt  }
0x67: {  	_ =	shalt  }
0x68: {  	_ =	shalt  }
0x69: {  	_ =	shalt  }
0x6a: {  	_ =	shalt  }
0x6b: {  	_ =	shalt  }
0x6c: {  	_ =	shalt  }
0x6d: {  	_ =	shalt  }
0x6e: {  	_ =	shalt  }
0x6f: {  	_ =	shalt  }
0x70: {  	_ =	shalt  }
0x71: {  	_ =	shalt  }
0x72: {  	_ =	shalt  }
0x73: {  	_ =	shalt  }
0x74: {  	_ =	shalt  }
0x75: {  	_ =	shalt  }
0x76: {  	_ =	shalt  }
0x77: {  	_ =	shalt  }
0x78: {  	_ =	shalt  }
0x79: {  	_ =	shalt  }
0x7a: {  	_ =	shalt  }
0x7b: {  	_ =	shalt  }
0x7c: {  	_ =	shalt  }
0x7d: {  	_ =	shalt  }
0x7e: {  	_ =	shalt  }
0x7f: {  	_ =	shalt  }
0x80: {  	_ =	shalt  }
0x81: {  	_ =	shalt  }
0x82: {  	_ =	shalt  }
0x83: {  	_ =	shalt  }
0x84: {  	_ =	shalt  }
0x85: {  	_ =	shalt  }
0x86: {  	_ =	shalt  }
0x87: {  	_ =	shalt  }
.Lfunc_end0:
.L_simem_size_0:
called_computation.1_lowered:
.L_overlay_start_0:
0x88: {  	s2 =	sld [smem:$0x3FD9]  }
0x89: {  	s3 =	sld [smem:$0x3FFE];
	_ =	sdelay $0x1  }
0x8a: {  	s1 =	srdreg.scid  }
0x8b: {  	s0 =	sand.u32 $0x1, s1  }
0x8c: {  	s17 =	sshll.u32 s0, $0xA;
	s2 =	sadd.s32 s3, s2  }
0x8d: {  	s2 =	sadd.s32 s2, s17  }
0x8e: {  	[smem:$0x3FC2] =	sst s2  }
0x8f: {  	_ = 	snop  }
0x90: {  	s2 =	sld [smem:$0x3FD0];
	(tm) =	ssettm $0x1  }
0x91: {  	s18 =	sld [smem:$0x3FFB];
	_ =	sdelay $0x3  }
0x92: {  	_ =	strace s18  }
0x93: {  	s3 =	sld [smem:$0x3FFC];
	_ =	sdelay $0x3  }
0x94: {  	_ =	strace s3  }
0x95: {  	s3 =	sld [smem:$0x3FFD];
	_ =	sdelay $0x3  }
0x96: {  	_ =	strace s3  }
0x97: {  	_ =	strace $0x8FFFFFFF  }
0x98: {  	s19 =	sld [smem:$0x3FDB];
	_ =	sdelay $0x1  }
0x99: {  	s4 =	simm.s32 $_scs_section_size  }
0x9a: {  	s5 =	simm.s32 $_size__tile_overlayer_lowered;
	s6 =	simm.s32 $_tile_overlayer_lowered  }
0x9b: {  	s22 =	simm.s32 $0x1BFF;
	s21 =	sshll.u32 s6, $0x1;
	s3 =	sadd.s32 s4, s19  }
0x9c: {  	s7 =	simm.s32 $0x0;
	s20 =	sshll.u32 s5, $0x1;
	s5 =	sadd.s32 s21, s3  }
0x9d: {  	[timem:s7], [sflag:s22] =	dma.local [hbm:s5], s20  }
0x9e: {  	_ =	swait.ge [sflag:s22], s20  }
0x9f: {  	s4 =	ssub.s32 $0x0, s20;
	[sflag:s22] =	ssyncset.done $0x0  }
0xa0: {  	[sflag:s22] =	ssyncadd.s32 s4;
	_ =	sdelay $0x1  }
0xa1: {  	s23 =	simm.s32 $0x1B8B  }
0xa2: {  	_ =	swait.ge [sflag:s23], $0x1  }
0xa3: {  	[sflag:s23] =	ssyncset.done $0x0  }
0xa4: {  	s25 =	simm.s32 $0x1B8E;
	s24 =	sld [smem:$0x3FFE];
	[sflag:s23] =	ssyncadd.s32 $0xFFFFFFFF  }
0xa5: {  	s26 =	simm.s32 $execute0_lowered;
	[smem:$0x3FD2] =	sst s25  }
0xa6: {  	s5 =	sshll.u32 s26, $0x1;
	_ =	strace $0x80000049;
	[dreg:$0x1] =	wrdreg $0xFFFFFFFF  }
0xa7: {  	s28 =	simm.s32 $_size_execute0_lowered;
	s3 =	sadd.s32 s3, s5;
	[dreg:$0x0] =	wrdreg $0x0  }
0xa8: {  	s5 =	sshll.u32 s28, $0x1;
	[dreg:$0x2] =	wrdreg s3  }
0xa9: {  	[dreg:$0x3] =	wrdreg s5  }
0xaa: {  	[dreg:$0x4] =	wrdreg $0xC0  }
0xab: {  	_ =	task [dreg:s7], $0x5FFFF  }
0xac: {  	[dreg:$0x1] =	wrdreg $0xFFFFFFFF  }
0xad: {  	[dreg:$0x0] =	wrdreg $0x60  }
0xae: {  	[dreg:$0x2] =	wrdreg s24  }
0xaf: {  	[dreg:$0x3] =	wrdreg s2  }
0xb0: {  	[dreg:$0x4] =	wrdreg $0xB0800  }
0xb1: {  	[dreg:$0x5] =	wrdreg $0x9  }
0xb2: {  	_ =	task.clear_ibuf [dreg:s7], $0x6FFFF;
	_ =	strace $0x90000049  }
0xb3: {  	s29 =	simm.s32 $0x9;
	_ =	strace $0x8000004B  }
0xb4: {  	_ =	swait.ge [sflag:s29], $0x1  }
0xb5: {  	[sflag:s29] =	ssyncadd.s32 $0xFFFFFFFF  }
0xb6: {  	_ =	strace $0x9000004B  }
0xb7: {  	_ =	sfence  }
0xb8: {  	s30 =	sld [smem:$0x0];
	_ =	sdelay $0x2  }
0xb9: {  	s31 =	sshll.u32 s1, $0xD;
	s1 =	sshrl.u32 s1, $0x2  }
0xba: {  	s3 =	sand.u32 $0x4000, s31;
	s1 =	sadd.s32 s1, s30  }
0xbb: {  	s0 =	sor.u32 s3, s0;
	s1 =	sshll.u32 s1, $0x11  }
0xbc: {  	s0 =	sor.u32 s1, s0  }
0xbd: {  	s0 =	sadd.s32 $0x8F2B, s0  }
0xbe: {  	[sflag:s0] =	ssyncadd.remote.s32 $0x1  }
0xbf: {  	_ =	sfence.sel $0xFFFF  }
0xc0: {  	[dreg:$0x0] =	wrdreg $0xFFFFFFFF;
	(pc) =	sbr.abs _section_cstart, $3  }
0xc1: {  	[dreg:$0x1] =	wrdreg $0xFFFFFFFF  }
0xc2: {  	_ =	task.clear_ibuf [dreg:s7], $0x2FFFF;
	_ =	strace $0x9FFFFFFF  }
0xc3: {  	(tm) =	ssettm $0x7FFFFFFF  }
tec
execute0_lowered:
.L_overlay_start_1:
0x0: {  	(tag) =	ssettag $0x1  }
0x1: {  	s0 =	rddreg [dreg:$0x0]  }
0x2: {  	s2 =	rddreg [dreg:$0x2];
	s1 =	srdreg.scid  }
0x3: {  	s4 =	simm.s32 $0x0;
	s9 =	stileid.u32;
	s25 =	simm.s32 $0xD  }
0x4: {  	s31 =	simm.s32 $0x40;
	s29 =	simm.s32 $0x2;
	s10 =	smul.u32 $0x14000, s9  }
0x5: {  	s28 =	simm.s32 $0x4;
	s1 =	sand.u32 $0x1, s1;
	s8 =	smul.u32 $0x50000, s9  }
0x6: {  	[smem:$0x7FF] =	sst s4;
	s5 =	sadd.s32 $0x15A00, s0;
	s4 =	smul.u32 $0x120, s9  }
0x7: {  	s6 =	sadd.s32 $0x65A00, s0;
	s9 =	sshll.u32 s9, $0x5;
	s3 =	smul.u32 $0x140000, s1  }
0x8: {  	_ =	strace $0x8000004A;
	s11 =	ssub.s32 $0x2, s1;
	p0 =	seq.s32 s1, $0x0  }
0x9: {  	s24 =	smul.u32 $0x2710, s1;
	s1 =	simm.s32 $0x3000;
	s7 =	sshrl.u32 s11, $0x1  }
0xa: {  	s3 =	sadd.s32 s10, s3;
	s12 =	ssub.s32 s11, s7;
	s10 =	sshrl.u32 s8, $0x2  }
0xb: {  	s7 =	simm.s32 $0x120;
	s8 =	sor.u32 $0x1200, s9;
	s30 =	smax.u32 s12, $0x1  }
0xc: {  	s11 =	simm.s32 $0x9;
	s19 =	sadd.s32 s10, s2;
	[dreg:$0x11] =	wrdreg s30  }
0xd: {  	v0 =	vmov s24;
	s24 =	simm.s32 $0x0;
	s13 =	sadd.s32 $0x2000, s19;
	[dreg:$0x4] =	wrdreg s19  }
0xe: {  	s3 =	sshrl.u32 s3, $0x3;
	s14 =	sadd.s32 $0x4000, s19;
	[dreg:$0x5] =	wrdreg s13  }
0xf: {  	s7 =	simm.s32 @!p0 $0x20;
	s15 =	sadd.s32 $0x6000, s19;
	[dreg:$0x6] =	wrdreg s14  }
0x10: {  	s8 =	smov.u32 @p0 s4;
	s16 =	sadd.s32 $0x8000, s19;
	[dreg:$0x7] =	wrdreg s15  }
0x11: {  	s10 =	simm.s32 $0x5080;
	s17 =	sadd.s32 $0xA000, s19;
	[dreg:$0x8] =	wrdreg s16  }
0x12: {  	s12 =	simm.s32 $0x3;
	s18 =	sadd.s32 $0xC000, s19;
	[dreg:$0x9] =	wrdreg s17  }
0x13: {  	s0 =	sadd.s32 s3, s0;
	s21 =	sadd.s32 $0xE000, s19;
	[dreg:$0xa] =	wrdreg s18  }
0x14: {  	s20 =	sshll.u32 s8, $0x6;
	s22 =	sadd.s32 $0x10000, s19;
	[dreg:$0xb] =	wrdreg s21  }
0x15: {  	s23 =	sadd.s32 $0x12000, s19;
	s3 =	simm.s32 $0x2A80;
	[dreg:$0xc] =	wrdreg s22  }
0x16: {  	s4 =	sadd.s32 s5, s20;
	[dreg:$0xe] =	wrdreg s23;
	s21 =	sshrl.u32 s7, $0x2  }
0x17: {  	s22 =	sadd.s32 $0xFFFFFFFF, s7;
	s0 =	sadd.s32 $0xB3C00, s0;
	s13 =	simm.s32 $0x2C80  }
0x18: {  	s14 =	simm.s32 $0x7080;
	s15 =	simm.s32 $0xA;
	s16 =	simm.s32 $0x2E80  }
0x19: {  	s17 =	simm.s32 $0x9080;
	s18 =	simm.s32 $0x0;
	[dreg:$0xd] =	wrdreg s4  }
0x1a: {  	s26 =	sadd.s32 $0x40, s4;
	[dreg:$0x10] =	wrdreg s0;
	s0 =	simm.s32 $0x1  }
0x1b: {  	v1 =	vimm.f32 $0.0e+00;
	s4 =	simm.s32 $0x2880;
	[dreg:$0xf] =	wrdreg s26;
	s26 =	simm.s32 $0x3080  }
.LBB2_1:
0x1c: {  	[dreg:$0x12] =	wrdreg s18  }
0x1d: {  	s9 =	rddreg [dreg:$0x1];
	s30 =	simm.s32 $0x0  }
0x1e: {  	[tilespmem:s30], [sflag:$0xD] =	stream.linear.gather [hbm4b:s9+s30], $0x2800, $0x38;
	[tilespmem:$0x1F080] =	vst v63  }
0x1f: {  	_ =	swait.ge [sflag:s25], $0x2800  }
0x20: {  	[sflag:s25] =	ssyncset.done $0x0  }
0x21: {  	s18 =	simm.s32 $0x200;
	s9 =	simm.s32 $0x0;
	[sflag:s25] =	ssyncadd.s32 $0xFFFFD800  }
.LBB2_2:
0x22: {  	p0 =	sne.s32 s18, $0x7E00;
	[tilespmem:s9+$0x30F0] =	vst v1  }
0x23: {  	[tilespmem:s9+$0x3080] =	vst v1  }
0x24: {  	[tilespmem:s9+$0x3090] =	vst v1  }
.Ltmp0:
0x25: {  	[tilespmem:s9+$0x30A0] =	vst v1;
	(pc) =	sbr.rel @p0 .LBB2_2-.Ltmp0, $4  }
0x26: {  	[tilespmem:s9+$0x30B0] =	vst v1  }
0x27: {  	[tilespmem:s9+$0x30C0] =	vst v1  }
0x28: {  	[tilespmem:s9+$0x30D0] =	vst v1  }
0x29: {  	[tilespmem:s9+$0x30E0] =	vst v1;
	s9 =	sshra.s32 s18, $0x2;
	s18 =	sadd.s32 $0x200, s18  }
0x2a: {  	[tilespmem:s9+$0x30F0] =	vst v1  }
0x2b: {  	[tilespmem:s9+$0x3080] =	vst v1  }
0x2c: {  	[tilespmem:s9+$0x3090] =	vst v1  }
0x2d: {  	[tilespmem:s9+$0x30A0] =	vst v1  }
0x2e: {  	[tilespmem:s9+$0x30B0] =	vst v1  }
0x2f: {  	[tilespmem:s9+$0x30C0] =	vst v1  }
0x30: {  	[tilespmem:s9+$0x30D0] =	vst v1  }
0x31: {  	[tilespmem:s9+$0x30E0] =	vst v1  }
0x32: {  	[spmem:s19] =	stream.linear.scatter [tilespmem:s26], [sflag:$0xD], $0x2000, $0x38;
	[tilespmem:$0x1F080] =	vst v63  }
0x33: {  	_ =	swait.ge [sflag:s25], $0x2000  }
0x34: {  	[sflag:s25] =	ssyncset.done $0x0  }
0x35: {  	s20 =	rddreg [dreg:$0x5];
	[sflag:s25] =	ssyncadd.s32 $0xFFFFE000  }
0x36: {  	[spmem:s20] =	stream.linear.scatter [tilespmem:s26], [sflag:$0xD], $0x2000, $0x38;
	[tilespmem:$0x1F080] =	vst v63  }
0x37: {  	_ =	swait.ge [sflag:s25], $0x2000  }
0x38: {  	[sflag:s25] =	ssyncset.done $0x0  }
0x39: {  	s23 =	rddreg [dreg:$0x6];
	[sflag:s25] =	ssyncadd.s32 $0xFFFFE000  }
0x3a: {  	[spmem:s23] =	stream.linear.scatter [tilespmem:s26], [sflag:$0xD], $0x2000, $0x38;
	[tilespmem:$0x1F080] =	vst v63  }
0x3b: {  	_ =	swait.ge [sflag:s25], $0x2000  }
0x3c: {  	[sflag:s25] =	ssyncset.done $0x0  }
0x3d: {  	s30 =	rddreg [dreg:$0x7];
	[sflag:s25] =	ssyncadd.s32 $0xFFFFE000  }
0x3e: {  	[spmem:s30] =	stream.linear.scatter [tilespmem:s26], [sflag:$0xD], $0x2000, $0x38;
	[tilespmem:$0x1F080] =	vst v63  }
0x3f: {  	_ =	swait.ge [sflag:s25], $0x2000  }
0x40: {  	[sflag:s25] =	ssyncset.done $0x0  }
0x41: {  	s18 =	rddreg [dreg:$0x8];
	[sflag:s25] =	ssyncadd.s32 $0xFFFFE000  }
0x42: {  	[spmem:s18] =	stream.linear.scatter [tilespmem:s26], [sflag:$0xD], $0x2000, $0x38;
	[tilespmem:$0x1F080] =	vst v63  }
0x43: {  	_ =	swait.ge [sflag:s25], $0x2000  }
0x44: {  	[sflag:s25] =	ssyncset.done $0x0  }
0x45: {  	s19 =	rddreg [dreg:$0x9];
	[sflag:s25] =	ssyncadd.s32 $0xFFFFE000  }
0x46: {  	[spmem:s19] =	stream.linear.scatter [tilespmem:s26], [sflag:$0xD], $0x2000, $0x38;
	[tilespmem:$0x1F080] =	vst v63  }
0x47: {  	_ =	swait.ge [sflag:s25], $0x2000  }
0x48: {  	[sflag:s25] =	ssyncset.done $0x0  }
0x49: {  	s20 =	rddreg [dreg:$0xa];
	[sflag:s25] =	ssyncadd.s32 $0xFFFFE000  }
0x4a: {  	[spmem:s20] =	stream.linear.scatter [tilespmem:s26], [sflag:$0xD], $0x2000, $0x38;
	[tilespmem:$0x1F080] =	vst v63  }
0x4b: {  	_ =	swait.ge [sflag:s25], $0x2000  }
0x4c: {  	[sflag:s25] =	ssyncset.done $0x0  }
0x4d: {  	s23 =	rddreg [dreg:$0xb];
	[sflag:s25] =	ssyncadd.s32 $0xFFFFE000  }
0x4e: {  	[spmem:s23] =	stream.linear.scatter [tilespmem:s26], [sflag:$0xD], $0x2000, $0x38;
	[tilespmem:$0x1F080] =	vst v63  }
0x4f: {  	_ =	swait.ge [sflag:s25], $0x2000  }
0x50: {  	[sflag:s25] =	ssyncset.done $0x0  }
0x51: {  	s30 =	rddreg [dreg:$0xc];
	[sflag:s25] =	ssyncadd.s32 $0xFFFFE000  }
0x52: {  	[spmem:s30] =	stream.linear.scatter [tilespmem:s26], [sflag:$0xD], $0x2000, $0x38;
	[tilespmem:$0x1F080] =	vst v63  }
0x53: {  	_ =	swait.ge [sflag:s25], $0x2000  }
0x54: {  	[sflag:s25] =	ssyncset.done $0x0  }
0x55: {  	s18 =	rddreg [dreg:$0xe];
	[sflag:s25] =	ssyncadd.s32 $0xFFFFE000  }
0x56: {  	[spmem:s18] =	stream.linear.scatter [tilespmem:s26], [sflag:$0xD], $0x2000, $0x38;
	[tilespmem:$0x1F080] =	vst v63  }
0x57: {  	_ =	swait.ge [sflag:s25], $0x2000  }
0x58: {  	[sflag:s25] =	ssyncset.done $0x0  }
0x59: {  	[sflag:s25] =	ssyncadd.s32 $0xFFFFE000  }
0x5a: {  	[bflag:$0x0] =	sbarrier.arrive $0xFFFF  }
0x5b: {  	s18 =	simm.s32 $0x2800;
	s19 =	rddreg [dreg:$0xd]  }
0x5c: {  	[tilespmem:s18], [sflag:$0x5] =	stream.linear.gather [hbm4b:s19+s24], $0x180, $0x38;
	[tilespmem:$0x1F080] =	vst v63  }
0x5d: {  	s23 =	simm.s32 $0x2A00;
	s30 =	simm.s32 $0x5;
	s20 =	rddreg [dreg:$0xf]  }
0x5e: {  	[tilespmem:s23], [sflag:$0x6] =	stream.linear.gather [hbm4b:s20+s24], $0x180, $0x38;
	[tilespmem:$0x1F080] =	vst v63  }
0x5f: {  	_ =	swait.ge [sflag:s30], $0x180  }
0x60: {  	[sflag:s30] =	ssyncset.done $0x0  }
0x61: {  	[sflag:s30] =	ssyncadd.s32 $0xFFFFFE80  }
0x62: {  	v2 =	vld [tilespmem:$0x2800]  }
0x63: {  	v3 =	vld [tilespmem:$0x2810]  }
0x64: {  	v4 =	vld [tilespmem:$0x2820]  }
0x65: {  	v5 =	vld [tilespmem:$0x2830];
	_ =	sdelay $0x1  }
0x66: {  	v2 =	vadd.s32 v0, v2  }
0x67: {  	[tilespmem:$0x2800] =	vst v2;
	v2 =	vadd.s32 v0, v3  }
0x68: {  	[tilespmem:$0x2810] =	vst v2;
	v2 =	vadd.s32 v0, v4  }
0x69: {  	[tilespmem:$0x2820] =	vst v2;
	v2 =	vadd.s32 v0, v5  }
0x6a: {  	[tilespmem:$0x2830] =	vst v2  }
0x6b: {  	[tilespmem:s26], [sflag:$0x1] =	stream.indirect.gather [hbm4b:s6+s31], $0x80, s18, s31, $0xb8;
	[tilespmem:$0x1F080] =	vst v63  }
0x6c: {  	s18 =	simm.s32 $0x0  }
.LBB2_4:
0x6d: {  	s30 =	sshll.u32 s18, $0x2  }
0x6e: {  	p2 =	seq.s32 s30, $0x0  }
0x6f: {  	s19 =	sor.u32 $0x2, s30;
	s9 =	simm.s32 @!p2 $0xB  }
0x70: {  	p0 =	sge.u32 s19, s7;
	_ =	swait.ge @!p2 [sflag:s9], $0x2000  }
0x71: {  	s19 =	sadd.s32 @!p0 s8, s19;
	[sflag:s9] =	ssyncset.done @!p2 $0x0  }
0x72: {  	p1 =	sge.u32 s30, s22;
	[sflag:s9] =	ssyncadd.s32 @!p2 $0xFFFFE000;
	s9 =	sshll.u32 @!p0 s19, $0x6  }
0x73: {  	s20 =	simm.s32 @!p0 $0x2C00;
	s19 =	simm.s32 @!p0 $0x0;
	s9 =	sadd.s32 @!p0 s5, s9  }
0x74: {  	[tilespmem:s20], [sflag:$0x7] =	stream.linear.gather @!p0 [hbm4b:s9+s19], $0x180, $0x38;
	[tilespmem:$0x1F080] =	vst v63  }
0x75: {  	s9 =	simm.s32 @!p1 $0x6  }
0x76: {  	_ =	swait.ge @!p1 [sflag:s9], $0x180  }
0x77: {  	[sflag:s9] =	ssyncset.done @!p1 $0x0  }
0x78: {  	[sflag:s9] =	ssyncadd.s32 @!p1 $0xFFFFFE80  }
0x79: {  	v2 =	vld @!p1 [tilespmem:$0x2A00]  }
0x7a: {  	v3 =	vld @!p1 [tilespmem:$0x2A10]  }
0x7b: {  	v4 =	vld @!p1 [tilespmem:$0x2A20]  }
0x7c: {  	v5 =	vld @!p1 [tilespmem:$0x2A30];
	_ =	sdelay $0x1  }
0x7d: {  	v2 =	vadd.s32 @!p1 v0, v2  }
0x7e: {  	[tilespmem:$0x2A00] =	vst @!p1 v2;
	v2 =	vadd.s32 @!p1 v0, v3  }
0x7f: {  	[tilespmem:$0x2A10] =	vst @!p1 v2;
	v2 =	vadd.s32 @!p1 v0, v4  }
0x80: {  	[tilespmem:$0x2A20] =	vst @!p1 v2;
	v2 =	vadd.s32 @!p1 v0, v5  }
0x81: {  	s19 =	simm.s32 @!p1 $0x2A00;
	s20 =	simm.s32 @!p1 $0x5080;
	s9 =	simm.s32 @!p1 $0x40;
	[tilespmem:$0x2A30] =	vst @!p1 v2  }
0x82: {  	[tilespmem:s20], [sflag:$0x2] =	stream.indirect.gather @!p1 [hbm4b:s6+s9], $0x80, s19, s9, $0xb8;
	[tilespmem:$0x1F080] =	vst v63  }
0x83: {  	_ =	swait.ge [sflag:s0], $0x2000  }
0x84: {  	[sflag:s0] =	ssyncset.done $0x0  }
0x85: {  	[sflag:s0] =	ssyncadd.s32 $0xFFFFE000  }
0x86: {  	v2 =	vld [tilespmem:$0x2800];
	_ =	sdelay $0x3  }
0x87: {  	v3 =	vld [tilespmem:$0x2880]  }
0x88: {  	v2 =	vsub.s32 v2, v0;
	_ =	sdelay $0x3  }
0x89: {  	v4 =	vld [tilespmem:$0x2900]  }
0x8a: {  	v2 =	vld.idx.msk [tilespmem:v2+s24+$0x0], $0xffff  }
0x8b: {  	v5 =	vld [tilespmem:$0x2810]  }
0x8c: {  	v3 =	vld.idx.msk [tilespmem:v3+s24+$0x0], $0xffff;
	_ =	sdelay $0x2  }
0x8d: {  	v2 =	vmul.f32 v2, v4  }
0x8e: {  	v4 =	vld [tilespmem:$0x2890]  }
0x8f: {  	v2 =	vmul.f32 v3, v2;
	v3 =	vsub.s32 v5, v0;
	_ =	sdelay $0x1  }
0x90: {  	v2 =	vsub.f32 $0.0e+00, v2;
	_ =	sdelay $0x1  }
0x91: {  	[tilespmem:$0x3000] =	vst v2;
	v2 =	vld [tilespmem:$0x2910]  }
0x92: {  	v3 =	vld.idx.msk [tilespmem:v3+s24+$0x0], $0xffff  }
0x93: {  	v5 =	vld [tilespmem:$0x2820]  }
0x94: {  	v4 =	vld.idx.msk [tilespmem:v4+s24+$0x0], $0xffff;
	_ =	sdelay $0x2  }
0x95: {  	v2 =	vmul.f32 v3, v2  }
0x96: {  	v3 =	vld [tilespmem:$0x28A0]  }
0x97: {  	v2 =	vmul.f32 v4, v2;
	v4 =	vsub.s32 v5, v0;
	_ =	sdelay $0x1  }
0x98: {  	v2 =	vsub.f32 $0.0e+00, v2;
	_ =	sdelay $0x1  }
0x99: {  	[tilespmem:$0x3010] =	vst v2;
	v2 =	vld [tilespmem:$0x2920]  }
0x9a: {  	v4 =	vld.idx.msk [tilespmem:v4+s24+$0x0], $0xffff  }
0x9b: {  	v5 =	vld [tilespmem:$0x2830]  }
0x9c: {  	v3 =	vld.idx.msk [tilespmem:v3+s24+$0x0], $0xffff;
	_ =	sdelay $0x2  }
0x9d: {  	v2 =	vmul.f32 v4, v2  }
0x9e: {  	v4 =	vld [tilespmem:$0x28B0]  }
0x9f: {  	v2 =	vmul.f32 v3, v2;
	v3 =	vsub.s32 v5, v0;
	_ =	sdelay $0x1  }
0xa0: {  	v2 =	vsub.f32 $0.0e+00, v2;
	_ =	sdelay $0x1  }
0xa1: {  	[tilespmem:$0x3020] =	vst v2;
	v2 =	vld [tilespmem:$0x2930]  }
0xa2: {  	v3 =	vld.idx.msk [tilespmem:v3+s24+$0x0], $0xffff;
	_ =	sdelay $0x1  }
0xa3: {  	v4 =	vld.idx.msk [tilespmem:v4+s24+$0x0], $0xffff;
	_ =	sdelay $0x2  }
0xa4: {  	v2 =	vmul.f32 v3, v2;
	_ =	sdelay $0x1  }
0xa5: {  	v2 =	vmul.f32 v4, v2;
	_ =	sdelay $0x1  }
0xa6: {  	v2 =	vsub.f32 $0.0e+00, v2  }
0xa7: {  	v3 =	vmov s24  }
0xa8: {  	s19 =	simm.s32 $0x30C0;
	[tilespmem:$0x3030] =	vst v2  }
0xa9: {  	v6 =	vld [tilespmem:s19+$0x30]  }
0xaa: {  	v9 =	vld [tilespmem:s19+$0x10]  }
0xab: {  	v7 =	vld [tilespmem:s19+$0xFFFFFFC0]  }
0xac: {  	v3 =	vld.idx.msk [tilespmem:v3+s1+$0x0], $0xffff  }
0xad: {  	v11 =	vld [tilespmem:s19+$0xFFFFFFE0]  }
0xae: {  	v2 =	vld [tilespmem:s19+$0xFFFFFFF0]  }
0xaf: {  	v4 =	vld [tilespmem:s19+$0x20]  }
0xb0: {  	v5 =	vld [tilespmem:s19+$0xFFFFFFD0]  }
0xb1: {  	v10 =	vmul.f32 v6, v3;
	v6 =	vld [tilespmem:s19+$0x0]  }
0xb2: {  	v8 =	vmul.f32 v7, v3  }
0xb3: {  	s20 =	simm.s32 $0x1;
	s9 =	simm.s32 $0x30C0;
	v7 =	vmul.f32 v11, v3;
	v9 =	vmul.f32 v9, v3  }
.LBB2_5:
0xb4: {  	p1 =	sne.s32 s20, $0x3F  }
0xb5: {  	v5 =	vmul.f32 v5, v3;
	v4 =	vmul.f32 v4, v3;
	[tilespmem:s19+$0x30] =	vst v10;
	s9 =	sadd.s32 $0x80, s9;
	s23 =	smov.u32 s20;
	s20 =	sadd.s32 $0x1, s20  }
0xb6: {  	[tilespmem:s19+$0xFFFFFFC0] =	vst v8;
	v8 =	vmul.f32 v2, v3;
	v3 =	vmul.f32 v6, v3  }
0xb7: {  	[tilespmem:s19+$0x10] =	vst v9  }
0xb8: {  	v6 =	vmov s23;
	[tilespmem:s19+$0xFFFFFFE0] =	vst v7  }
0xb9: {  	v2 =	vld [tilespmem:s9+$0xFFFFFFF0];
	[tilespmem:s19+$0xFFFFFFF0] =	vst v8  }
0xba: {  	v7 =	vld [tilespmem:s9+$0x30];
	[tilespmem:s19+$0x0] =	vst v3  }
0xbb: {  	v9 =	vld [tilespmem:s9+$0x10];
	[tilespmem:s19+$0x20] =	vst v4  }
0xbc: {  	v8 =	vld [tilespmem:s9+$0xFFFFFFC0];
	[tilespmem:s19+$0xFFFFFFD0] =	vst v5;
	s19 =	smov.u32 s9  }
0xbd: {  	v3 =	vld.idx.msk [tilespmem:v6+s1+$0x0], $0xffff  }
0xbe: {  	v11 =	vld [tilespmem:s9+$0xFFFFFFE0]  }
0xbf: {  	v4 =	vld [tilespmem:s9+$0x20]  }
.Ltmp1:
0xc0: {  	v5 =	vld [tilespmem:s9+$0xFFFFFFD0];
	(pc) =	sbr.rel @p1 .LBB2_5-.Ltmp1, $3  }
0xc1: {  	v6 =	vld [tilespmem:s9+$0x0];
	_ =	sdelay $0x1  }
0xc2: {  	v8 =	vmul.f32 v8, v3;
	v10 =	vmul.f32 v7, v3  }
0xc3: {  	v9 =	vmul.f32 v9, v3;
	v7 =	vmul.f32 v11, v3  }
0xc4: {  	[tilespmem:s19+$0x30] =	vst v10  }
0xc5: {  	[tilespmem:s19+$0xFFFFFFC0] =	vst v8  }
0xc6: {  	v2 =	vmul.f32 v2, v3;
	[tilespmem:s19+$0x10] =	vst v9  }
0xc7: {  	v4 =	vmul.f32 v4, v3;
	[tilespmem:s19+$0xFFFFFFE0] =	vst v7  }
0xc8: {  	v6 =	vmul.f32 v6, v3;
	[tilespmem:s19+$0xFFFFFFF0] =	vst v2  }
0xc9: {  	v2 =	vmul.f32 v5, v3;
	[tilespmem:s19+$0x20] =	vst v4  }
0xca: {  	[tilespmem:s19+$0x0] =	vst v6  }
0xcb: {  	s9 =	simm.s32 @!p2 $0xC;
	[tilespmem:s19+$0xFFFFFFD0] =	vst v2;
	s19 =	sor.u32 $0x3, s30  }
0xcc: {  	[spmem:s2] =	stream.indirect.scatter.add.f32 [tilespmem:s26], [sflag:$0x9], $0x80, s4, s31, $0xb8;
	[tilespmem:$0x1F080] =	vst v63  }
0xcd: {  	p1 =	sge.u32 s19, s7;
	_ =	swait.ge @!p2 [sflag:s9], $0x2000  }
0xce: {  	s19 =	sadd.s32 @!p1 s8, s19;
	[sflag:s9] =	ssyncset.done @!p2 $0x0  }
0xcf: {  	[sflag:s9] =	ssyncadd.s32 @!p2 $0xFFFFE000;
	s9 =	sshll.u32 @!p1 s19, $0x6  }
0xd0: {  	s20 =	simm.s32 @!p1 $0x2E00;
	s19 =	simm.s32 @!p1 $0x0;
	s9 =	sadd.s32 @!p1 s5, s9  }
0xd1: {  	[tilespmem:s20], [sflag:$0x8] =	stream.linear.gather @!p1 [hbm4b:s9+s19], $0x180, $0x38;
	[tilespmem:$0x1F080] =	vst v63  }
0xd2: {  	s9 =	simm.s32 @!p0 $0x7  }
0xd3: {  	_ =	swait.ge @!p0 [sflag:s9], $0x180  }
0xd4: {  	[sflag:s9] =	ssyncset.done @!p0 $0x0  }
0xd5: {  	[sflag:s9] =	ssyncadd.s32 @!p0 $0xFFFFFE80  }
0xd6: {  	v2 =	vld @!p0 [tilespmem:$0x2C00]  }
0xd7: {  	v3 =	vld @!p0 [tilespmem:$0x2C10]  }
0xd8: {  	v4 =	vld @!p0 [tilespmem:$0x2C20]  }
0xd9: {  	v5 =	vld @!p0 [tilespmem:$0x2C30];
	_ =	sdelay $0x1  }
0xda: {  	v2 =	vadd.s32 @!p0 v0, v2  }
0xdb: {  	[tilespmem:$0x2C00] =	vst @!p0 v2;
	v2 =	vadd.s32 @!p0 v0, v3  }
0xdc: {  	[tilespmem:$0x2C10] =	vst @!p0 v2;
	v2 =	vadd.s32 @!p0 v0, v4  }
0xdd: {  	[tilespmem:$0x2C20] =	vst @!p0 v2;
	v2 =	vadd.s32 @!p0 v0, v5  }
0xde: {  	s19 =	simm.s32 @!p0 $0x2C00;
	s20 =	simm.s32 @!p0 $0x7080;
	s9 =	simm.s32 @!p0 $0x40;
	[tilespmem:$0x2C30] =	vst @!p0 v2  }
0xdf: {  	[tilespmem:s20], [sflag:$0x3] =	stream.indirect.gather @!p0 [hbm4b:s6+s9], $0x80, s19, s9, $0xb8;
	[tilespmem:$0x1F080] =	vst v63  }
0xe0: {  	_ =	swait.ge [sflag:s29], $0x2000  }
0xe1: {  	[sflag:s29] =	ssyncset.done $0x0  }
0xe2: {  	[sflag:s29] =	ssyncadd.s32 $0xFFFFE000  }
0xe3: {  	v2 =	vld [tilespmem:$0x2A00];
	_ =	sdelay $0x3  }
0xe4: {  	v3 =	vld [tilespmem:$0x2A80]  }
0xe5: {  	v2 =	vsub.s32 v2, v0;
	_ =	sdelay $0x3  }
0xe6: {  	s23 =	simm.s32 $0x0;
	v4 =	vld [tilespmem:$0x2B00]  }
0xe7: {  	v2 =	vld.idx.msk [tilespmem:v2+s23+$0x0], $0xffff  }
0xe8: {  	v5 =	vld [tilespmem:$0x2A10]  }
0xe9: {  	v3 =	vld.idx.msk [tilespmem:v3+s23+$0x0], $0xffff;
	_ =	sdelay $0x2  }
0xea: {  	v2 =	vmul.f32 v2, v4  }
0xeb: {  	v4 =	vld [tilespmem:$0x2A90]  }
0xec: {  	v2 =	vmul.f32 v3, v2;
	v3 =	vsub.s32 v5, v0;
	_ =	sdelay $0x1  }
0xed: {  	v2 =	vsub.f32 $0.0e+00, v2;
	_ =	sdelay $0x1  }
0xee: {  	[tilespmem:$0x3000] =	vst v2;
	v2 =	vld [tilespmem:$0x2B10]  }
0xef: {  	v3 =	vld.idx.msk [tilespmem:v3+s23+$0x0], $0xffff  }
0xf0: {  	v5 =	vld [tilespmem:$0x2A20]  }
0xf1: {  	v4 =	vld.idx.msk [tilespmem:v4+s23+$0x0], $0xffff;
	_ =	sdelay $0x2  }
0xf2: {  	v2 =	vmul.f32 v3, v2  }
0xf3: {  	v3 =	vld [tilespmem:$0x2AA0]  }
0xf4: {  	v2 =	vmul.f32 v4, v2;
	v4 =	vsub.s32 v5, v0;
	_ =	sdelay $0x1  }
0xf5: {  	v2 =	vsub.f32 $0.0e+00, v2;
	_ =	sdelay $0x1  }
0xf6: {  	[tilespmem:$0x3010] =	vst v2;
	v2 =	vld [tilespmem:$0x2B20]  }
0xf7: {  	v4 =	vld.idx.msk [tilespmem:v4+s23+$0x0], $0xffff  }
0xf8: {  	v5 =	vld [tilespmem:$0x2A30]  }
0xf9: {  	v3 =	vld.idx.msk [tilespmem:v3+s23+$0x0], $0xffff;
	_ =	sdelay $0x2  }
0xfa: {  	v2 =	vmul.f32 v4, v2  }
0xfb: {  	v4 =	vld [tilespmem:$0x2AB0]  }
0xfc: {  	v2 =	vmul.f32 v3, v2;
	v3 =	vsub.s32 v5, v0;
	_ =	sdelay $0x1  }
0xfd: {  	v2 =	vsub.f32 $0.0e+00, v2;
	_ =	sdelay $0x1  }
0xfe: {  	[tilespmem:$0x3020] =	vst v2;
	v2 =	vld [tilespmem:$0x2B30]  }
0xff: {  	v3 =	vld.idx.msk [tilespmem:v3+s23+$0x0], $0xffff;
	_ =	sdelay $0x1  }
0x100: {  	v4 =	vld.idx.msk [tilespmem:v4+s23+$0x0], $0xffff;
	_ =	sdelay $0x2  }
0x101: {  	v2 =	vmul.f32 v3, v2;
	_ =	sdelay $0x1  }
0x102: {  	v2 =	vmul.f32 v4, v2;
	_ =	sdelay $0x1  }
0x103: {  	v2 =	vsub.f32 $0.0e+00, v2  }
0x104: {  	v3 =	vmov s23  }
0x105: {  	s19 =	simm.s32 $0x50C0;
	[tilespmem:$0x3030] =	vst v2  }
0x106: {  	v6 =	vld [tilespmem:s19+$0x30]  }
0x107: {  	v9 =	vld [tilespmem:s19+$0x10]  }
0x108: {  	v7 =	vld [tilespmem:s19+$0xFFFFFFC0]  }
0x109: {  	v3 =	vld.idx.msk [tilespmem:v3+s1+$0x0], $0xffff  }
0x10a: {  	v11 =	vld [tilespmem:s19+$0xFFFFFFE0]  }
0x10b: {  	v2 =	vld [tilespmem:s19+$0xFFFFFFF0]  }
0x10c: {  	v4 =	vld [tilespmem:s19+$0x20]  }
0x10d: {  	v5 =	vld [tilespmem:s19+$0xFFFFFFD0]  }
0x10e: {  	v10 =	vmul.f32 v6, v3;
	v6 =	vld [tilespmem:s19+$0x0]  }
0x10f: {  	v8 =	vmul.f32 v7, v3  }
0x110: {  	s20 =	simm.s32 $0x1;
	s9 =	simm.s32 $0x50C0;
	v7 =	vmul.f32 v11, v3;
	v9 =	vmul.f32 v9, v3  }
.LBB2_7:
0x111: {  	p0 =	sne.s32 s20, $0x3F  }
0x112: {  	v5 =	vmul.f32 v5, v3;
	v4 =	vmul.f32 v4, v3;
	[tilespmem:s19+$0x30] =	vst v10;
	s9 =	sadd.s32 $0x80, s9;
	s23 =	smov.u32 s20;
	s20 =	sadd.s32 $0x1, s20  }
0x113: {  	[tilespmem:s19+$0xFFFFFFC0] =	vst v8;
	v8 =	vmul.f32 v2, v3;
	v3 =	vmul.f32 v6, v3  }
0x114: {  	[tilespmem:s19+$0x10] =	vst v9  }
0x115: {  	v6 =	vmov s23;
	[tilespmem:s19+$0xFFFFFFE0] =	vst v7  }
0x116: {  	v2 =	vld [tilespmem:s9+$0xFFFFFFF0];
	[tilespmem:s19+$0xFFFFFFF0] =	vst v8  }
0x117: {  	v7 =	vld [tilespmem:s9+$0x30];
	[tilespmem:s19+$0x0] =	vst v3  }
0x118: {  	v9 =	vld [tilespmem:s9+$0x10];
	[tilespmem:s19+$0x20] =	vst v4  }
0x119: {  	v8 =	vld [tilespmem:s9+$0xFFFFFFC0];
	[tilespmem:s19+$0xFFFFFFD0] =	vst v5;
	s19 =	smov.u32 s9  }
0x11a: {  	v3 =	vld.idx.msk [tilespmem:v6+s1+$0x0], $0xffff  }
0x11b: {  	v11 =	vld [tilespmem:s9+$0xFFFFFFE0]  }
0x11c: {  	v4 =	vld [tilespmem:s9+$0x20]  }
.Ltmp2:
0x11d: {  	v5 =	vld [tilespmem:s9+$0xFFFFFFD0];
	(pc) =	sbr.rel @p0 .LBB2_7-.Ltmp2, $3  }
0x11e: {  	v6 =	vld [tilespmem:s9+$0x0];
	_ =	sdelay $0x1  }
0x11f: {  	v8 =	vmul.f32 v8, v3;
	v10 =	vmul.f32 v7, v3  }
0x120: {  	v9 =	vmul.f32 v9, v3;
	v7 =	vmul.f32 v11, v3  }
0x121: {  	[tilespmem:s19+$0x30] =	vst v10  }
0x122: {  	[tilespmem:s19+$0xFFFFFFC0] =	vst v8  }
0x123: {  	v2 =	vmul.f32 v2, v3;
	[tilespmem:s19+$0x10] =	vst v9  }
0x124: {  	v4 =	vmul.f32 v4, v3;
	[tilespmem:s19+$0xFFFFFFE0] =	vst v7  }
0x125: {  	v6 =	vmul.f32 v6, v3;
	[tilespmem:s19+$0xFFFFFFF0] =	vst v2  }
0x126: {  	v2 =	vmul.f32 v5, v3;
	[tilespmem:s19+$0x20] =	vst v4  }
0x127: {  	s9 =	sadd.s32 $0x4, s30;
	[tilespmem:s19+$0x0] =	vst v6  }
0x128: {  	p0 =	sge.u32 s9, s7;
	[tilespmem:s19+$0xFFFFFFD0] =	vst v2  }
0x129: {  	[spmem:s2] =	stream.indirect.scatter.add.f32 [tilespmem:s10], [sflag:$0xA], $0x80, s3, s31, $0xb8;
	[tilespmem:$0x1F080] =	vst v63  }
0x12a: {  	s9 =	sadd.s32 @!p0 s8, s9;
	_ =	swait.ge [sflag:s11], $0x2000  }
0x12b: {  	s20 =	simm.s32 @!p0 $0x2800;
	s9 =	sshll.u32 @!p0 s9, $0x6;
	[sflag:s11] =	ssyncset.done $0x0  }
0x12c: {  	s9 =	sadd.s32 @!p0 s5, s9;
	s19 =	simm.s32 @!p0 $0x0;
	[sflag:s11] =	ssyncadd.s32 $0xFFFFE000  }
0x12d: {  	[tilespmem:s20], [sflag:$0x5] =	stream.linear.gather @!p0 [hbm4b:s9+s19], $0x180, $0x38;
	[tilespmem:$0x1F080] =	vst v63  }
0x12e: {  	s9 =	simm.s32 @!p1 $0x8  }
0x12f: {  	_ =	swait.ge @!p1 [sflag:s9], $0x180  }
0x130: {  	[sflag:s9] =	ssyncset.done @!p1 $0x0  }
0x131: {  	[sflag:s9] =	ssyncadd.s32 @!p1 $0xFFFFFE80  }
0x132: {  	v2 =	vld @!p1 [tilespmem:$0x2E00]  }
0x133: {  	v3 =	vld @!p1 [tilespmem:$0x2E10]  }
0x134: {  	v4 =	vld @!p1 [tilespmem:$0x2E20]  }
0x135: {  	v5 =	vld @!p1 [tilespmem:$0x2E30];
	_ =	sdelay $0x1  }
0x136: {  	v2 =	vadd.s32 @!p1 v0, v2  }
0x137: {  	[tilespmem:$0x2E00] =	vst @!p1 v2;
	v2 =	vadd.s32 @!p1 v0, v3  }
0x138: {  	[tilespmem:$0x2E10] =	vst @!p1 v2;
	v2 =	vadd.s32 @!p1 v0, v4  }
0x139: {  	[tilespmem:$0x2E20] =	vst @!p1 v2;
	v2 =	vadd.s32 @!p1 v0, v5  }
0x13a: {  	s19 =	simm.s32 @!p1 $0x2E00;
	s20 =	simm.s32 @!p1 $0x9080;
	s9 =	simm.s32 @!p1 $0x40;
	[tilespmem:$0x2E30] =	vst @!p1 v2  }
0x13b: {  	[tilespmem:s20], [sflag:$0x4] =	stream.indirect.gather @!p1 [hbm4b:s6+s9], $0x80, s19, s9, $0xb8;
	[tilespmem:$0x1F080] =	vst v63  }
0x13c: {  	_ =	swait.ge [sflag:s12], $0x2000  }
0x13d: {  	[sflag:s12] =	ssyncset.done $0x0  }
0x13e: {  	[sflag:s12] =	ssyncadd.s32 $0xFFFFE000  }
0x13f: {  	v2 =	vld [tilespmem:$0x2C00];
	_ =	sdelay $0x3  }
0x140: {  	v3 =	vld [tilespmem:$0x2C80]  }
0x141: {  	v2 =	vsub.s32 v2, v0;
	_ =	sdelay $0x3  }
0x142: {  	s23 =	simm.s32 $0x0;
	v4 =	vld [tilespmem:$0x2D00]  }
0x143: {  	v2 =	vld.idx.msk [tilespmem:v2+s23+$0x0], $0xffff  }
0x144: {  	v5 =	vld [tilespmem:$0x2C10]  }
0x145: {  	v3 =	vld.idx.msk [tilespmem:v3+s23+$0x0], $0xffff;
	_ =	sdelay $0x2  }
0x146: {  	v2 =	vmul.f32 v2, v4  }
0x147: {  	v4 =	vld [tilespmem:$0x2C90]  }
0x148: {  	v2 =	vmul.f32 v3, v2;
	v3 =	vsub.s32 v5, v0;
	_ =	sdelay $0x1  }
0x149: {  	v2 =	vsub.f32 $0.0e+00, v2;
	_ =	sdelay $0x1  }
0x14a: {  	[tilespmem:$0x3000] =	vst v2;
	v2 =	vld [tilespmem:$0x2D10]  }
0x14b: {  	v3 =	vld.idx.msk [tilespmem:v3+s23+$0x0], $0xffff  }
0x14c: {  	v5 =	vld [tilespmem:$0x2C20]  }
0x14d: {  	v4 =	vld.idx.msk [tilespmem:v4+s23+$0x0], $0xffff;
	_ =	sdelay $0x2  }
0x14e: {  	v2 =	vmul.f32 v3, v2  }
0x14f: {  	v3 =	vld [tilespmem:$0x2CA0]  }
0x150: {  	v2 =	vmul.f32 v4, v2;
	v4 =	vsub.s32 v5, v0;
	_ =	sdelay $0x1  }
0x151: {  	v2 =	vsub.f32 $0.0e+00, v2;
	_ =	sdelay $0x1  }
0x152: {  	[tilespmem:$0x3010] =	vst v2;
	v2 =	vld [tilespmem:$0x2D20]  }
0x153: {  	v4 =	vld.idx.msk [tilespmem:v4+s23+$0x0], $0xffff  }
0x154: {  	v5 =	vld [tilespmem:$0x2C30]  }
0x155: {  	v3 =	vld.idx.msk [tilespmem:v3+s23+$0x0], $0xffff;
	_ =	sdelay $0x2  }
0x156: {  	v2 =	vmul.f32 v4, v2  }
0x157: {  	v4 =	vld [tilespmem:$0x2CB0]  }
0x158: {  	v2 =	vmul.f32 v3, v2;
	v3 =	vsub.s32 v5, v0;
	_ =	sdelay $0x1  }
0x159: {  	v2 =	vsub.f32 $0.0e+00, v2;
	_ =	sdelay $0x1  }
0x15a: {  	[tilespmem:$0x3020] =	vst v2;
	v2 =	vld [tilespmem:$0x2D30]  }
0x15b: {  	v3 =	vld.idx.msk [tilespmem:v3+s23+$0x0], $0xffff;
	_ =	sdelay $0x1  }
0x15c: {  	v4 =	vld.idx.msk [tilespmem:v4+s23+$0x0], $0xffff;
	_ =	sdelay $0x2  }
0x15d: {  	v2 =	vmul.f32 v3, v2;
	_ =	sdelay $0x1  }
0x15e: {  	v2 =	vmul.f32 v4, v2;
	_ =	sdelay $0x1  }
0x15f: {  	v2 =	vsub.f32 $0.0e+00, v2  }
0x160: {  	v3 =	vmov s23  }
0x161: {  	s19 =	simm.s32 $0x70C0;
	[tilespmem:$0x3030] =	vst v2  }
0x162: {  	v6 =	vld [tilespmem:s19+$0x30]  }
0x163: {  	v9 =	vld [tilespmem:s19+$0x10]  }
0x164: {  	v7 =	vld [tilespmem:s19+$0xFFFFFFC0]  }
0x165: {  	v3 =	vld.idx.msk [tilespmem:v3+s1+$0x0], $0xffff  }
0x166: {  	v11 =	vld [tilespmem:s19+$0xFFFFFFE0]  }
0x167: {  	v2 =	vld [tilespmem:s19+$0xFFFFFFF0]  }
0x168: {  	v4 =	vld [tilespmem:s19+$0x20]  }
0x169: {  	v5 =	vld [tilespmem:s19+$0xFFFFFFD0]  }
0x16a: {  	v10 =	vmul.f32 v6, v3;
	v6 =	vld [tilespmem:s19+$0x0]  }
0x16b: {  	v8 =	vmul.f32 v7, v3  }
0x16c: {  	s20 =	simm.s32 $0x1;
	s9 =	simm.s32 $0x70C0;
	v7 =	vmul.f32 v11, v3;
	v9 =	vmul.f32 v9, v3  }
.LBB2_9:
0x16d: {  	p1 =	sne.s32 s20, $0x3F  }
0x16e: {  	v5 =	vmul.f32 v5, v3;
	v4 =	vmul.f32 v4, v3;
	[tilespmem:s19+$0x30] =	vst v10;
	s9 =	sadd.s32 $0x80, s9;
	s23 =	smov.u32 s20;
	s20 =	sadd.s32 $0x1, s20  }
0x16f: {  	[tilespmem:s19+$0xFFFFFFC0] =	vst v8;
	v8 =	vmul.f32 v2, v3;
	v3 =	vmul.f32 v6, v3  }
0x170: {  	[tilespmem:s19+$0x10] =	vst v9  }
0x171: {  	v6 =	vmov s23;
	[tilespmem:s19+$0xFFFFFFE0] =	vst v7  }
0x172: {  	v2 =	vld [tilespmem:s9+$0xFFFFFFF0];
	[tilespmem:s19+$0xFFFFFFF0] =	vst v8  }
0x173: {  	v7 =	vld [tilespmem:s9+$0x30];
	[tilespmem:s19+$0x0] =	vst v3  }
0x174: {  	v9 =	vld [tilespmem:s9+$0x10];
	[tilespmem:s19+$0x20] =	vst v4  }
0x175: {  	v8 =	vld [tilespmem:s9+$0xFFFFFFC0];
	[tilespmem:s19+$0xFFFFFFD0] =	vst v5;
	s19 =	smov.u32 s9  }
0x176: {  	v3 =	vld.idx.msk [tilespmem:v6+s1+$0x0], $0xffff  }
0x177: {  	v11 =	vld [tilespmem:s9+$0xFFFFFFE0]  }
0x178: {  	v4 =	vld [tilespmem:s9+$0x20]  }
.Ltmp3:
0x179: {  	v5 =	vld [tilespmem:s9+$0xFFFFFFD0];
	(pc) =	sbr.rel @p1 .LBB2_9-.Ltmp3, $3  }
0x17a: {  	v6 =	vld [tilespmem:s9+$0x0];
	_ =	sdelay $0x1  }
0x17b: {  	v8 =	vmul.f32 v8, v3;
	v10 =	vmul.f32 v7, v3  }
0x17c: {  	v9 =	vmul.f32 v9, v3;
	v7 =	vmul.f32 v11, v3  }
0x17d: {  	[tilespmem:s19+$0x30] =	vst v10  }
0x17e: {  	[tilespmem:s19+$0xFFFFFFC0] =	vst v8  }
0x17f: {  	v2 =	vmul.f32 v2, v3;
	[tilespmem:s19+$0x10] =	vst v9  }
0x180: {  	v4 =	vmul.f32 v4, v3;
	[tilespmem:s19+$0xFFFFFFE0] =	vst v7  }
0x181: {  	v6 =	vmul.f32 v6, v3;
	[tilespmem:s19+$0xFFFFFFF0] =	vst v2  }
0x182: {  	v2 =	vmul.f32 v5, v3;
	[tilespmem:s19+$0x20] =	vst v4  }
0x183: {  	s9 =	sadd.s32 $0x5, s30;
	[tilespmem:s19+$0x0] =	vst v6  }
0x184: {  	p1 =	sge.u32 s9, s7;
	[tilespmem:s19+$0xFFFFFFD0] =	vst v2  }
0x185: {  	[spmem:s2] =	stream.indirect.scatter.add.f32 [tilespmem:s14], [sflag:$0xB], $0x80, s13, s31, $0xb8;
	[tilespmem:$0x1F080] =	vst v63  }
0x186: {  	s9 =	sadd.s32 @!p1 s8, s9;
	_ =	swait.ge [sflag:s15], $0x2000  }
0x187: {  	s20 =	simm.s32 @!p1 $0x2A00;
	s9 =	sshll.u32 @!p1 s9, $0x6;
	[sflag:s15] =	ssyncset.done $0x0  }
0x188: {  	s9 =	sadd.s32 @!p1 s5, s9;
	s19 =	simm.s32 @!p1 $0x0;
	[sflag:s15] =	ssyncadd.s32 $0xFFFFE000  }
0x189: {  	[tilespmem:s20], [sflag:$0x6] =	stream.linear.gather @!p1 [hbm4b:s9+s19], $0x180, $0x38;
	[tilespmem:$0x1F080] =	vst v63  }
0x18a: {  	s9 =	simm.s32 @!p0 $0x5  }
0x18b: {  	_ =	swait.ge @!p0 [sflag:s9], $0x180  }
0x18c: {  	[sflag:s9] =	ssyncset.done @!p0 $0x0  }
0x18d: {  	[sflag:s9] =	ssyncadd.s32 @!p0 $0xFFFFFE80  }
0x18e: {  	v2 =	vld @!p0 [tilespmem:$0x2800]  }
0x18f: {  	v3 =	vld @!p0 [tilespmem:$0x2810]  }
0x190: {  	v4 =	vld @!p0 [tilespmem:$0x2820]  }
0x191: {  	v5 =	vld @!p0 [tilespmem:$0x2830];
	_ =	sdelay $0x1  }
0x192: {  	v2 =	vadd.s32 @!p0 v0, v2  }
0x193: {  	[tilespmem:$0x2800] =	vst @!p0 v2;
	v2 =	vadd.s32 @!p0 v0, v3  }
0x194: {  	[tilespmem:$0x2810] =	vst @!p0 v2;
	v2 =	vadd.s32 @!p0 v0, v4  }
0x195: {  	[tilespmem:$0x2820] =	vst @!p0 v2;
	v2 =	vadd.s32 @!p0 v0, v5  }
0x196: {  	s19 =	simm.s32 @!p0 $0x2800;
	s20 =	simm.s32 @!p0 $0x3080;
	s9 =	simm.s32 @!p0 $0x40;
	[tilespmem:$0x2830] =	vst @!p0 v2  }
0x197: {  	[tilespmem:s20], [sflag:$0x1] =	stream.indirect.gather @!p0 [hbm4b:s6+s9], $0x80, s19, s9, $0xb8;
	[tilespmem:$0x1F080] =	vst v63  }
0x198: {  	_ =	swait.ge [sflag:s28], $0x2000  }
0x199: {  	[sflag:s28] =	ssyncset.done $0x0  }
0x19a: {  	[sflag:s28] =	ssyncadd.s32 $0xFFFFE000  }
0x19b: {  	v2 =	vld [tilespmem:$0x2E00];
	_ =	sdelay $0x3  }
0x19c: {  	v3 =	vld [tilespmem:$0x2E80]  }
0x19d: {  	v2 =	vsub.s32 v2, v0;
	_ =	sdelay $0x3  }
0x19e: {  	s30 =	simm.s32 $0x0;
	v4 =	vld [tilespmem:$0x2F00]  }
0x19f: {  	v2 =	vld.idx.msk [tilespmem:v2+s30+$0x0], $0xffff  }
0x1a0: {  	v5 =	vld [tilespmem:$0x2E10]  }
0x1a1: {  	v3 =	vld.idx.msk [tilespmem:v3+s30+$0x0], $0xffff;
	_ =	sdelay $0x2  }
0x1a2: {  	v2 =	vmul.f32 v2, v4  }
0x1a3: {  	v4 =	vld [tilespmem:$0x2E90]  }
0x1a4: {  	v2 =	vmul.f32 v3, v2;
	v3 =	vsub.s32 v5, v0;
	_ =	sdelay $0x1  }
0x1a5: {  	v2 =	vsub.f32 $0.0e+00, v2;
	_ =	sdelay $0x1  }
0x1a6: {  	[tilespmem:$0x3000] =	vst v2;
	v2 =	vld [tilespmem:$0x2F10]  }
0x1a7: {  	v3 =	vld.idx.msk [tilespmem:v3+s30+$0x0], $0xffff  }
0x1a8: {  	v5 =	vld [tilespmem:$0x2E20]  }
0x1a9: {  	v4 =	vld.idx.msk [tilespmem:v4+s30+$0x0], $0xffff;
	_ =	sdelay $0x2  }
0x1aa: {  	v2 =	vmul.f32 v3, v2  }
0x1ab: {  	v3 =	vld [tilespmem:$0x2EA0]  }
0x1ac: {  	v2 =	vmul.f32 v4, v2;
	v4 =	vsub.s32 v5, v0;
	_ =	sdelay $0x1  }
0x1ad: {  	v2 =	vsub.f32 $0.0e+00, v2;
	_ =	sdelay $0x1  }
0x1ae: {  	[tilespmem:$0x3010] =	vst v2;
	v2 =	vld [tilespmem:$0x2F20]  }
0x1af: {  	v4 =	vld.idx.msk [tilespmem:v4+s30+$0x0], $0xffff  }
0x1b0: {  	v5 =	vld [tilespmem:$0x2E30]  }
0x1b1: {  	v3 =	vld.idx.msk [tilespmem:v3+s30+$0x0], $0xffff;
	_ =	sdelay $0x2  }
0x1b2: {  	v2 =	vmul.f32 v4, v2  }
0x1b3: {  	v4 =	vld [tilespmem:$0x2EB0]  }
0x1b4: {  	v2 =	vmul.f32 v3, v2;
	v3 =	vsub.s32 v5, v0;
	_ =	sdelay $0x1  }
0x1b5: {  	v2 =	vsub.f32 $0.0e+00, v2;
	_ =	sdelay $0x1  }
0x1b6: {  	[tilespmem:$0x3020] =	vst v2;
	v2 =	vld [tilespmem:$0x2F30]  }
0x1b7: {  	v3 =	vld.idx.msk [tilespmem:v3+s30+$0x0], $0xffff;
	_ =	sdelay $0x1  }
0x1b8: {  	v4 =	vld.idx.msk [tilespmem:v4+s30+$0x0], $0xffff;
	_ =	sdelay $0x2  }
0x1b9: {  	v2 =	vmul.f32 v3, v2;
	_ =	sdelay $0x1  }
0x1ba: {  	v2 =	vmul.f32 v4, v2;
	_ =	sdelay $0x1  }
0x1bb: {  	v2 =	vsub.f32 $0.0e+00, v2  }
0x1bc: {  	v3 =	vmov s30  }
0x1bd: {  	s19 =	simm.s32 $0x90C0;
	[tilespmem:$0x3030] =	vst v2  }
0x1be: {  	v6 =	vld [tilespmem:s19+$0x30]  }
0x1bf: {  	v9 =	vld [tilespmem:s19+$0x10]  }
0x1c0: {  	v7 =	vld [tilespmem:s19+$0xFFFFFFC0]  }
0x1c1: {  	v3 =	vld.idx.msk [tilespmem:v3+s1+$0x0], $0xffff  }
0x1c2: {  	v11 =	vld [tilespmem:s19+$0xFFFFFFE0]  }
0x1c3: {  	v2 =	vld [tilespmem:s19+$0xFFFFFFF0]  }
0x1c4: {  	v4 =	vld [tilespmem:s19+$0x20]  }
0x1c5: {  	v5 =	vld [tilespmem:s19+$0xFFFFFFD0]  }
0x1c6: {  	v10 =	vmul.f32 v6, v3;
	v6 =	vld [tilespmem:s19+$0x0]  }
0x1c7: {  	v8 =	vmul.f32 v7, v3  }
0x1c8: {  	s20 =	simm.s32 $0x1;
	s9 =	simm.s32 $0x90C0;
	v7 =	vmul.f32 v11, v3;
	v9 =	vmul.f32 v9, v3  }
.LBB2_11:
0x1c9: {  	p0 =	sne.s32 s20, $0x3F  }
0x1ca: {  	v5 =	vmul.f32 v5, v3;
	v4 =	vmul.f32 v4, v3;
	[tilespmem:s19+$0x30] =	vst v10;
	s9 =	sadd.s32 $0x80, s9;
	s23 =	smov.u32 s20;
	s20 =	sadd.s32 $0x1, s20  }
0x1cb: {  	[tilespmem:s19+$0xFFFFFFC0] =	vst v8;
	v8 =	vmul.f32 v2, v3;
	v3 =	vmul.f32 v6, v3  }
0x1cc: {  	[tilespmem:s19+$0x10] =	vst v9  }
0x1cd: {  	v6 =	vmov s23;
	[tilespmem:s19+$0xFFFFFFE0] =	vst v7  }
0x1ce: {  	v2 =	vld [tilespmem:s9+$0xFFFFFFF0];
	[tilespmem:s19+$0xFFFFFFF0] =	vst v8  }
0x1cf: {  	v7 =	vld [tilespmem:s9+$0x30];
	[tilespmem:s19+$0x0] =	vst v3  }
0x1d0: {  	v9 =	vld [tilespmem:s9+$0x10];
	[tilespmem:s19+$0x20] =	vst v4  }
0x1d1: {  	v8 =	vld [tilespmem:s9+$0xFFFFFFC0];
	[tilespmem:s19+$0xFFFFFFD0] =	vst v5;
	s19 =	smov.u32 s9  }
0x1d2: {  	v3 =	vld.idx.msk [tilespmem:v6+s1+$0x0], $0xffff  }
0x1d3: {  	v11 =	vld [tilespmem:s9+$0xFFFFFFE0]  }
0x1d4: {  	v4 =	vld [tilespmem:s9+$0x20]  }
.Ltmp4:
0x1d5: {  	v5 =	vld [tilespmem:s9+$0xFFFFFFD0];
	(pc) =	sbr.rel @p0 .LBB2_11-.Ltmp4, $3  }
0x1d6: {  	v6 =	vld [tilespmem:s9+$0x0];
	_ =	sdelay $0x1  }
0x1d7: {  	v8 =	vmul.f32 v8, v3;
	v10 =	vmul.f32 v7, v3  }
0x1d8: {  	v9 =	vmul.f32 v9, v3;
	v7 =	vmul.f32 v11, v3  }
0x1d9: {  	[tilespmem:s19+$0x30] =	vst v10  }
0x1da: {  	[tilespmem:s19+$0xFFFFFFC0] =	vst v8  }
0x1db: {  	v2 =	vmul.f32 v2, v3;
	s18 =	sadd.s32 $0x1, s18;
	[tilespmem:s19+$0x10] =	vst v9  }
0x1dc: {  	v4 =	vmul.f32 v4, v3;
	[tilespmem:s19+$0xFFFFFFE0] =	vst v7;
	p0 =	sne.s32 s18, s21  }
.Ltmp5:
0x1dd: {  	v6 =	vmul.f32 v6, v3;
	[tilespmem:s19+$0xFFFFFFF0] =	vst v2;
	(pc) =	sbr.rel @p0 .LBB2_4-.Ltmp5, $4  }
0x1de: {  	v2 =	vmul.f32 v5, v3;
	[tilespmem:s19+$0x20] =	vst v4  }
0x1df: {  	[tilespmem:s19+$0x0] =	vst v6  }
0x1e0: {  	[tilespmem:s19+$0xFFFFFFD0] =	vst v2  }
0x1e1: {  	[spmem:s2] =	stream.indirect.scatter.add.f32 [tilespmem:s17], [sflag:$0xC], $0x80, s16, s31, $0xb8;
	[tilespmem:$0x1F080] =	vst v63  }
0x1e2: {  	s9 =	simm.s32 $0xB  }
0x1e3: {  	_ =	swait.ge [sflag:s9], $0x2000  }
0x1e4: {  	[sflag:s9] =	ssyncset.done $0x0  }
0x1e5: {  	s19 =	simm.s32 $0xC;
	[sflag:s9] =	ssyncadd.s32 $0xFFFFE000  }
0x1e6: {  	_ =	swait.ge [sflag:s19], $0x2000  }
0x1e7: {  	[sflag:s19] =	ssyncset.done $0x0  }
0x1e8: {  	[sflag:s19] =	ssyncadd.s32 $0xFFFFE000  }
0x1e9: {  	s20 =	stileid.u32;
	[bflag:$0x0] =	sbarrier.arrive $0xFFFF  }
0x1ea: {  	s9 =	sshll.u32 s20, $0x6;
	s19 =	rddreg [dreg:$0x4]  }
0x1eb: {  	s9 =	sor.u32 $0x1C0D, s9;
	s20 =	rddreg [dreg:$0x10];
	s18 =	sshrl.u32 s19, $0x3  }
0x1ec: {  	[hbm:s20], [sflag:s9] =	dma.local [spmem:s18], $0x2800  }
0x1ed: {  	_ =	swait.ge [sflag:s25], $0x2800  }
0x1ee: {  	s23 =	rddreg [dreg:$0x12]  }
0x1ef: {  	s30 =	rddreg [dreg:$0x11];
	s18 =	sadd.s32 $0x1, s23  }
0x1f0: {  	p0 =	sne.s32 s18, s30  }
.Ltmp6:
0x1f1: {  	_ = 	snop;
	(pc) =	sbr.rel @p0 .LBB2_1-.Ltmp6, $3  }
0x1f2: {  	_ =	sdelay $0x1  }
0x1f3: {  	[sflag:s25] =	ssyncset.done $0x0  }
0x1f4: {  	[sflag:s25] =	ssyncadd.s32 $0xFFFFD800  }
0x1f5: {  	_ =	sfence.sel $0x180000  }
0x1f6: {  	[bflag:$0x0] =	sbarrier.arrive $0xFFFF  }
0x1f7: {  	_ =	strace $0x9000004A  }
0x1f8: {  	s0 =	stileid.u32;
	[bflag:$0x2] =	sbarrier.arrive $0xFFFF  }
0x1f9: {  	p0 =	sne.s32 s0, $0x0;
	s0 =	rddreg [dreg:$0x3]  }
0x1fa: {  	s0 =	sadd.s32 @!p0 $0x100000, s0  }
0x1fb: {  	[sflag:s0] =	ssyncadd.tile.s32 @!p0 $0x1;
	_ =	shalt  }
.Lfunc_end2:
_tile_overlayer_lowered:
.L_overlay_start_2:
0x1fc: {  	(tag) =	ssettag $0x2  }
0x1fd: {  	s0 =	rddreg [dreg:$0x0];
	s2 =	stileid.u32  }
0x1fe: {  	s1 =	rddreg [dreg:$0x1];
	p0 =	sne.s32 s2, $0x0  }
0x1ff: {  	s3 =	rddreg [dreg:$0x2];
	[bflag:$0x3] =	sbarrier.arrive $0xFFFF;
	s2 =	simm.s32 @!p0 $0x1C0D  }
0x200: {  	[timem:s3], [sflag:s2] =	dma.local @!p0 [hbm:s0], s1  }
0x201: {  	s0 =	simm.s32 @!p0 $0xD  }
0x202: {  	_ =	swait.ge @!p0 [sflag:s0], s1  }
0x203: {  	s1 =	ssub.s32 @!p0 $0x0, s1;
	[sflag:s0] =	ssyncset.done @!p0 $0x0  }
0x204: {  	[sflag:s0] =	ssyncadd.s32 @!p0 s1  }
0x205: {  	[bflag:$0x3] =	sbarrier.arrive $0xFFFF  }
0x206: {  	_ =	shalt  }

// kernel: kernel.7.cloned.1.call-start
scs
__scs_entry_jumppad:
0x0: {  	(pc) =	sbr.rel $0x88, $3  }
0x1: {  	(tag) =	ssettag $0x0;
	lr =	simm.s32 $0x1  }
0x2: {  	[smem:$0x3F9B] =	sst lr;
	_ =	strace $0xD0000000  }
0x3: {  	_ = 	snop  }
0x4: {  	_ = 	snop  }
0x5: {  	_ = 	snop  }
0x6: {  	_ = 	snop  }
0x7: {  	_ = 	snop  }
__scs_overlays_trampoline_lowered:
0x8: {  	[smem:$0x3FAA] =	sst s0  }
0x9: {  	[smem:$0x3FAB] =	sst s1  }
0xa: {  	[smem:$0x3FAC] =	sst s2  }
0xb: {  	[smem:$0x3FAD] =	sst s3  }
0xc: {  	[smem:$0x3FAE] =	sst s4  }
0xd: {  	[smem:$0x3FAF] =	sst s5  }
0xe: {  	[smem:$0x3FB0] =	sst s6  }
0xf: {  	[smem:$0x3FB1] =	sst s7  }
0x10: {  	[smem:$0x3FB2] =	sst s8  }
0x11: {  	[smem:$0x3FB3] =	sst s9;
	s0 =	simm.s32 @!p0 $0x0  }
0x12: {  	s1 =	sld [smem:$0x3F99];
	s0 =	simm.s32 @p0 $0x1  }
0x13: {  	[smem:$0x3FB4] =	sst s0;
	s0 =	simm.s32 @!p1 $0x0  }
0x14: {  	s2 =	sld [smem:$0x3F98];
	s0 =	simm.s32 @p1 $0x1  }
0x15: {  	[smem:$0x3FB5] =	sst s0;
	s0 =	simm.s32 @!p2 $0x0  }
0x16: {  	s3 =	sld [smem:$0x3FDB];
	s0 =	simm.s32 @p2 $0x1  }
0x17: {  	s4 =	simm.s32 $0x1BF5;
	[smem:$0x3FB7] =	sst s0  }
0x18: {  	s0 =	sld [smem:$0x3F9A];
	_ =	swait.ge [sflag:s4], $0x0  }
0x19: {  	s7 =	sld [smem:$0x3F9B]  }
0x1a: {  	s8 =	sadd.s32 $0xFFFFE003, lr  }
0x1b: {  	s9 =	sadd.s32 $0xFFFFFEF7, lr;
	s5 =	simm.s32 $0xFFFFFFFF;
	p2 =	slt.u32 s8, $0xFFFFF086  }
0x1c: {  	p1 =	slt.u32 s9, $0xF7A;
	s5 =	simm.s32 @!p2 $0x0  }
0x1d: {  	s5 =	simm.s32 @p1 $0x1;
	p0 =	seq.s32 s7, s2  }
0x1e: {  	s7 =	smul.u32 @!p0 $0xF7A, s2;
	p2 =	seq.s32 @!p0 s5, $0x0  }
0x1f: {  	s9 =	smul.u32 $0xF7A, s1;
	s8 =	simm.s32 @!p0 $0x1BF5;
	p2 =	por !p2, p0  }
0x20: {  	[sflag:s8] =	ssyncset.s32 @!p0 $0xFFFFF086;
	s6 =	sadd.s32 @!p0 s3, s7;
	s7 =	simm.s32 @!p0 $0x108  }
0x21: {  	s3 =	sadd.s32 s3, s9;
	s6 =	sadd.s32 @!p0 $0x88, s6;
	s7 =	simm.s32 @p2 $0x1082  }
0x22: {  	[simem:s7], [sflag:s8] =	dma.local @!p0 [hbm:s6], $0xF7A  }
0x23: {  	s9 =	sor.u32 $0xD0000000, s2;
	s6 =	simm.s32 $0x108;
	_ =	swait.ge @!p0 [sflag:s8], $0x0  }
0x24: {  	s3 =	sadd.s32 $0x88, s3;
	s6 =	simm.s32 @!p1 $0x1082;
	[sflag:s4] =	ssyncset.s32 $0xFFFFF086  }
0x25: {  	[simem:s6], [sflag:s4] =	dma.local [hbm:s3], $0xF7A  }
0x26: {  	[smem:$0x3F9B] =	sst s1;
	(tag) =	ssettag s2;
	_ =	strace s9  }
0x27: {  	s1 =	sld [smem:$0x3FAB]  }
0x28: {  	s2 =	sld [smem:$0x3FAC]  }
0x29: {  	s4 =	sld [smem:$0x3FAE]  }
0x2a: {  	p0 =	seq.s32 s5, $0x0;
	s5 =	sld [smem:$0x3FAF]  }
0x2b: {  	s6 =	sld [smem:$0x3FB0]  }
0x2c: {  	s7 =	sld [smem:$0x3FB1]  }
0x2d: {  	s3 =	simm.s32 $0x108;
	s8 =	sld [smem:$0x3FB2]  }
0x2e: {  	s3 =	simm.s32 @!p0 $0x1082;
	s9 =	sld [smem:$0x3FB3]  }
0x2f: {  	lr =	sadd.s32 s0, s3;
	s0 =	sld [smem:$0x3FAA]  }
0x30: {  	s3 =	sld [smem:$0x3FAD]  }
0x31: {  	[smem:$0x3FB6] =	sst s10  }
0x32: {  	s10 =	sld [smem:$0x3FB4];
	_ =	sdelay $0x3  }
0x33: {  	p0 =	seq.s32 s10, $0x1;
	s10 =	sld [smem:$0x3FB6];
	_ =	sdelay $0x3  }
0x34: {  	[smem:$0x3FB6] =	sst s10  }
0x35: {  	s10 =	sld [smem:$0x3FB5];
	_ =	sdelay $0x3  }
0x36: {  	p1 =	seq.s32 s10, $0x1;
	s10 =	sld [smem:$0x3FB6];
	_ =	sdelay $0x3  }
0x37: {  	[smem:$0x3FB6] =	sst s10  }
0x38: {  	s10 =	sld [smem:$0x3FB7]  }
0x39: {  	_ = 	snop;
	(pc) =	sbr.ind lr, $3  }
0x3a: {  	_ = 	snop  }
0x3b: {  	_ = 	snop  }
0x3c: {  	p2 =	seq.s32 s10, $0x1;
	s10 =	sld [smem:$0x3FB6]  }
0x3d: {  	_ =	shalt  }
0x3e: {  	_ =	shalt  }
0x3f: {  	_ =	shalt  }
0x40: {  	_ =	shalt  }
0x41: {  	_ =	shalt  }
0x42: {  	_ =	shalt  }
0x43: {  	_ =	shalt  }
0x44: {  	_ =	shalt  }
0x45: {  	_ =	shalt  }
0x46: {  	_ =	shalt  }
0x47: {  	_ =	shalt  }
0x48: {  	_ =	shalt  }
0x49: {  	_ =	shalt  }
0x4a: {  	_ =	shalt  }
0x4b: {  	_ =	shalt  }
0x4c: {  	_ =	shalt  }
0x4d: {  	_ =	shalt  }
0x4e: {  	_ =	shalt  }
0x4f: {  	_ =	shalt  }
0x50: {  	_ =	shalt  }
0x51: {  	_ =	shalt  }
0x52: {  	_ =	shalt  }
0x53: {  	_ =	shalt  }
0x54: {  	_ =	shalt  }
0x55: {  	_ =	shalt  }
0x56: {  	_ =	shalt  }
0x57: {  	_ =	shalt  }
0x58: {  	_ =	shalt  }
0x59: {  	_ =	shalt  }
0x5a: {  	_ =	shalt  }
0x5b: {  	_ =	shalt  }
0x5c: {  	_ =	shalt  }
0x5d: {  	_ =	shalt  }
0x5e: {  	_ =	shalt  }
0x5f: {  	_ =	shalt  }
0x60: {  	_ =	shalt  }
0x61: {  	_ =	shalt  }
0x62: {  	_ =	shalt  }
0x63: {  	_ =	shalt  }
0x64: {  	_ =	shalt  }
0x65: {  	_ =	shalt  }
0x66: {  	_ =	shalt  }
0x67: {  	_ =	shalt  }
0x68: {  	_ =	shalt  }
0x69: {  	_ =	shalt  }
0x6a: {  	_ =	shalt  }
0x6b: {  	_ =	shalt  }
0x6c: {  	_ =	shalt  }
0x6d: {  	_ =	shalt  }
0x6e: {  	_ =	shalt  }
0x6f: {  	_ =	shalt  }
0x70: {  	_ =	shalt  }
0x71: {  	_ =	shalt  }
0x72: {  	_ =	shalt  }
0x73: {  	_ =	shalt  }
0x74: {  	_ =	shalt  }
0x75: {  	_ =	shalt  }
0x76: {  	_ =	shalt  }
0x77: {  	_ =	shalt  }
0x78: {  	_ =	shalt  }
0x79: {  	_ =	shalt  }
0x7a: {  	_ =	shalt  }
0x7b: {  	_ =	shalt  }
0x7c: {  	_ =	shalt  }
0x7d: {  	_ =	shalt  }
0x7e: {  	_ =	shalt  }
0x7f: {  	_ =	shalt  }
0x80: {  	_ =	shalt  }
0x81: {  	_ =	shalt  }
0x82: {  	_ =	shalt  }
0x83: {  	_ =	shalt  }
0x84: {  	_ =	shalt  }
0x85: {  	_ =	shalt  }
0x86: {  	_ =	shalt  }
0x87: {  	_ =	shalt  }
.Lfunc_end0:
.L_simem_size_0:
called_computation_lowered:
.L_overlay_start_0:
0x88: {  	s2 =	sld [smem:$0x3FD9]  }
0x89: {  	s3 =	sld [smem:$0x3FFE];
	_ =	sdelay $0x1  }
0x8a: {  	s1 =	srdreg.scid  }
0x8b: {  	s0 =	sand.u32 $0x1, s1  }
0x8c: {  	s17 =	sshll.u32 s0, $0xA;
	s2 =	sadd.s32 s3, s2  }
0x8d: {  	s2 =	sadd.s32 s2, s17  }
0x8e: {  	[smem:$0x3FC2] =	sst s2  }
0x8f: {  	_ = 	snop  }
0x90: {  	s2 =	sld [smem:$0x3FD0];
	(tm) =	ssettm $0x1  }
0x91: {  	s18 =	sld [smem:$0x3FFB];
	_ =	sdelay $0x3  }
0x92: {  	_ =	strace s18  }
0x93: {  	s3 =	sld [smem:$0x3FFC];
	_ =	sdelay $0x3  }
0x94: {  	_ =	strace s3  }
0x95: {  	s3 =	sld [smem:$0x3FFD];
	_ =	sdelay $0x3  }
0x96: {  	_ =	strace s3  }
0x97: {  	_ =	strace $0x8FFFFFFF  }
0x98: {  	s19 =	sld [smem:$0x3FDB];
	_ =	sdelay $0x1  }
0x99: {  	s4 =	simm.s32 $_scs_section_size  }
0x9a: {  	s5 =	simm.s32 $_size__tile_overlayer_lowered;
	s6 =	simm.s32 $_tile_overlayer_lowered  }
0x9b: {  	s22 =	simm.s32 $0x1BFF;
	s21 =	sshll.u32 s6, $0x1;
	s3 =	sadd.s32 s4, s19  }
0x9c: {  	s7 =	simm.s32 $0x0;
	s20 =	sshll.u32 s5, $0x1;
	s5 =	sadd.s32 s21, s3  }
0x9d: {  	[timem:s7], [sflag:s22] =	dma.local [hbm:s5], s20  }
0x9e: {  	_ =	swait.ge [sflag:s22], s20  }
0x9f: {  	s4 =	ssub.s32 $0x0, s20;
	[sflag:s22] =	ssyncset.done $0x0  }
0xa0: {  	[sflag:s22] =	ssyncadd.s32 s4;
	_ =	sdelay $0x1  }
0xa1: {  	s23 =	simm.s32 $0x1B8B  }
0xa2: {  	_ =	swait.ge [sflag:s23], $0x1  }
0xa3: {  	[sflag:s23] =	ssyncset.done $0x0  }
0xa4: {  	s25 =	simm.s32 $0x1B8E;
	s24 =	sld [smem:$0x3FFE];
	[sflag:s23] =	ssyncadd.s32 $0xFFFFFFFF  }
0xa5: {  	s26 =	simm.s32 $execute0_lowered;
	[smem:$0x3FD2] =	sst s25  }
0xa6: {  	s5 =	sshll.u32 s26, $0x1;
	_ =	strace $0x80000046;
	[dreg:$0x1] =	wrdreg $0xFFFFFFFF  }
0xa7: {  	s28 =	simm.s32 $_size_execute0_lowered;
	s3 =	sadd.s32 s3, s5;
	[dreg:$0x0] =	wrdreg $0x0  }
0xa8: {  	s5 =	sshll.u32 s28, $0x1;
	[dreg:$0x2] =	wrdreg s3  }
0xa9: {  	[dreg:$0x3] =	wrdreg s5  }
0xaa: {  	[dreg:$0x4] =	wrdreg $0xC0  }
0xab: {  	_ =	task [dreg:s7], $0x5FFFF  }
0xac: {  	[dreg:$0x1] =	wrdreg $0xFFFFFFFF  }
0xad: {  	[dreg:$0x0] =	wrdreg $0x60  }
0xae: {  	[dreg:$0x2] =	wrdreg s2  }
0xaf: {  	[dreg:$0x3] =	wrdreg s24  }
0xb0: {  	[dreg:$0x4] =	wrdreg $0x9  }
0xb1: {  	_ =	task.clear_ibuf [dreg:s7], $0x5FFFF;
	_ =	strace $0x90000046  }
0xb2: {  	s29 =	simm.s32 $0x9;
	_ =	strace $0x80000048  }
0xb3: {  	_ =	swait.ge [sflag:s29], $0x1  }
0xb4: {  	[sflag:s29] =	ssyncadd.s32 $0xFFFFFFFF  }
0xb5: {  	_ =	strace $0x90000048  }
0xb6: {  	_ =	sfence  }
0xb7: {  	s30 =	sld [smem:$0x0];
	_ =	sdelay $0x2  }
0xb8: {  	s31 =	sshll.u32 s1, $0xD;
	s1 =	sshrl.u32 s1, $0x2  }
0xb9: {  	s3 =	sand.u32 $0x4000, s31;
	s1 =	sadd.s32 s1, s30  }
0xba: {  	s0 =	sor.u32 s3, s0;
	s1 =	sshll.u32 s1, $0x11  }
0xbb: {  	s0 =	sor.u32 s1, s0  }
0xbc: {  	s0 =	sadd.s32 $0x8F2B, s0  }
0xbd: {  	[sflag:s0] =	ssyncadd.remote.s32 $0x1  }
0xbe: {  	_ =	sfence.sel $0xFFFF  }
0xbf: {  	[dreg:$0x0] =	wrdreg $0xFFFFFFFF;
	(pc) =	sbr.abs _section_cstart, $3  }
0xc0: {  	[dreg:$0x1] =	wrdreg $0xFFFFFFFF  }
0xc1: {  	_ =	task.clear_ibuf [dreg:s7], $0x2FFFF;
	_ =	strace $0x9FFFFFFF  }
0xc2: {  	(tm) =	ssettm $0x7FFFFFFF  }
0xc3: {  	_ =	shalt  }
tec
execute0_lowered:
.L_overlay_start_1:
0x0: {  	(tag) =	ssettag $0x1  }
0x1: {  	s3 =	rddreg [dreg:$0x0]  }
0x2: {  	s0 =	srdreg.scid;
	s6 =	rddreg [dreg:$0x1]  }
0x3: {  	s1 =	rddreg [dreg:$0x2];
	s4 =	sand.u32 $0x1, s0  }
0x4: {  	s2 =	simm.s32 $0x0;
	s0 =	stileid.u32;
	s5 =	smul.u32 $0x28000, s4  }
0x5: {  	s9 =	simm.s32 $0x5000;
	s7 =	sshll.u32 s4, $0x4;
	s8 =	smul.u32 $0x2800, s0  }
0x6: {  	s10 =	simm.s32 $0x0;
	[smem:$0x7FF] =	sst s2;
	s7 =	sor.u32 s0, s7  }
0x7: {  	s4 =	ssub.s32 $0x2, s4;
	s7 =	smul.u32 $0x500, s7;
	s5 =	sadd.s32 s8, s5  }
0x8: {  	_ =	strace $0x80000047;
	s31 =	sshrl.u32 s4, $0x1;
	s5 =	sshrl.u32 s5, $0x3  }
0x9: {  	s8 =	simm.s32 $0x2800;
	s30 =	sadd.s32 s7, s6;
	s5 =	sadd.s32 s5, s6  }
0xa: {  	s6 =	ssub.s32 s4, s31;
	s3 =	sadd.s32 s3, s7;
	s7 =	simm.s32 $0x1  }
0xb: {  	v0 =	vimm.f32 $0.0e+00;
	s4 =	sadd.s32 $0x1A00, s30;
	s5 =	sadd.s32 $0xBA00, s5;
	s6 =	smax.u32 s6, $0x1  }
.LBB2_1:
0xc: {  	s11 =	simm.s32 $0x0;
	s12 =	simm.s32 $0x200  }
.LBB2_2:
0xd: {  	p0 =	sne.s32 s12, $0x9E00;
	[tilespmem:s11+$0x5070] =	vst v0  }
0xe: {  	[tilespmem:s11+$0x5000] =	vst v0  }
0xf: {  	[tilespmem:s11+$0x5010] =	vst v0  }
.Ltmp0:
0x10: {  	[tilespmem:s11+$0x5020] =	vst v0;
	(pc) =	sbr.rel @p0 .LBB2_2-.Ltmp0, $4  }
0x11: {  	[tilespmem:s11+$0x5030] =	vst v0  }
0x12: {  	[tilespmem:s11+$0x5040] =	vst v0  }
0x13: {  	[tilespmem:s11+$0x5050] =	vst v0  }
0x14: {  	[tilespmem:s11+$0x5060] =	vst v0;
	s11 =	sshra.s32 s12, $0x2;
	s12 =	sadd.s32 $0x200, s12  }
0x15: {  	[tilespmem:s11+$0x5070] =	vst v0  }
0x16: {  	[tilespmem:s11+$0x5000] =	vst v0  }
0x17: {  	[tilespmem:s11+$0x5010] =	vst v0  }
0x18: {  	[tilespmem:s11+$0x5020] =	vst v0  }
0x19: {  	[tilespmem:s11+$0x5030] =	vst v0  }
0x1a: {  	[tilespmem:s11+$0x5040] =	vst v0  }
0x1b: {  	[tilespmem:s11+$0x5050] =	vst v0  }
0x1c: {  	[tilespmem:s11+$0x5060] =	vst v0;
	s11 =	simm.s32 $0x0  }
0x1d: {  	[tilespmem:s11], [sflag:$0x1] =	stream.linear.gather [hbm4b:s3+s11], $0x2800, $0x38;
	[tilespmem:$0x7800] =	vst v63  }
0x1e: {  	_ =	swait.ge [sflag:s7], $0x2800  }
0x1f: {  	[sflag:s7] =	ssyncset.done $0x0  }
0x20: {  	[sflag:s7] =	ssyncadd.s32 $0xFFFFD800  }
0x21: {  	[tilespmem:s8], [sflag:$0x1] =	stream.linear.gather [hbm4b:s4+s11], $0x2800, $0x38;
	[tilespmem:$0x7800] =	vst v63  }
0x22: {  	_ =	swait.ge [sflag:s7], $0x2800  }
0x23: {  	[sflag:s7] =	ssyncset.done $0x0  }
0x24: {  	[sflag:s7] =	ssyncadd.s32 $0xFFFFD800  }
.LBB2_4:
0x25: {  	s12 =	sshra.s32 s11, $0x2  }
0x26: {  	v1 =	vld [tilespmem:s12+$0x0];
	_ =	sdelay $0x2  }
0x27: {  	v2 =	vld [tilespmem:s12+$0x2800];
	_ =	sdelay $0x4  }
0x28: {  	[tilespmem:v1+s9+$0x0] =	vst.idx.add.f32.msk $0xffff, v2  }
0x29: {  	v1 =	vld [tilespmem:s12+$0x10];
	_ =	sdelay $0x2  }
0x2a: {  	v2 =	vld [tilespmem:s12+$0x2810];
	_ =	sdelay $0x4  }
0x2b: {  	[tilespmem:v1+s9+$0x0] =	vst.idx.add.f32.msk $0xffff, v2  }
0x2c: {  	v1 =	vld [tilespmem:s12+$0x20];
	_ =	sdelay $0x2  }
0x2d: {  	v2 =	vld [tilespmem:s12+$0x2820];
	_ =	sdelay $0x4  }
0x2e: {  	[tilespmem:v1+s9+$0x0] =	vst.idx.add.f32.msk $0xffff, v2  }
0x2f: {  	v1 =	vld [tilespmem:s12+$0x30];
	_ =	sdelay $0x2  }
0x30: {  	v2 =	vld [tilespmem:s12+$0x2830];
	_ =	sdelay $0x4  }
0x31: {  	[tilespmem:v1+s9+$0x0] =	vst.idx.add.f32.msk $0xffff, v2  }
0x32: {  	v1 =	vld [tilespmem:s12+$0x40];
	_ =	sdelay $0x2  }
0x33: {  	v2 =	vld [tilespmem:s12+$0x2840];
	_ =	sdelay $0x4  }
0x34: {  	[tilespmem:v1+s9+$0x0] =	vst.idx.add.f32.msk $0xffff, v2  }
0x35: {  	v1 =	vld [tilespmem:s12+$0x50];
	_ =	sdelay $0x2  }
0x36: {  	v2 =	vld [tilespmem:s12+$0x2850];
	_ =	sdelay $0x4  }
0x37: {  	[tilespmem:v1+s9+$0x0] =	vst.idx.add.f32.msk $0xffff, v2  }
0x38: {  	v1 =	vld [tilespmem:s12+$0x60];
	_ =	sdelay $0x2  }
0x39: {  	v2 =	vld [tilespmem:s12+$0x2860];
	_ =	sdelay $0x4  }
0x3a: {  	[tilespmem:v1+s9+$0x0] =	vst.idx.add.f32.msk $0xffff, v2  }
0x3b: {  	v1 =	vld [tilespmem:s12+$0x70];
	_ =	sdelay $0x2  }
0x3c: {  	p0 =	sne.s32 s11, $0x9E00;
	v2 =	vld [tilespmem:s12+$0x2870]  }
.Ltmp1:
0x3d: {  	_ = 	snop;
	(pc) =	sbr.rel @p0 .LBB2_4-.Ltmp1, $2  }
0x3e: {  	_ =	sdelay $0x2  }
0x3f: {  	s11 =	sadd.s32 $0x200, s11;
	[tilespmem:v1+s9+$0x0] =	vst.idx.add.f32.msk $0xffff, v2  }
0x40: {  	s10 =	sadd.s32 $0x1, s10  }
0x41: {  	p0 =	sne.s32 s10, s6  }
.Ltmp2:
0x42: {  	_ = 	snop;
	(pc) =	sbr.rel @p0 .LBB2_1-.Ltmp2, $4  }
0x43: {  	[hbm4b:s5+s2] =	stream.linear.scatter [tilespmem:s9], [sflag:$0x1], $0x2800, $0x38;
	[tilespmem:$0x7800] =	vst v63  }
0x44: {  	_ =	swait.ge [sflag:s7], $0x2800  }
0x45: {  	[sflag:s7] =	ssyncset.done $0x0  }
0x46: {  	[sflag:s7] =	ssyncadd.s32 $0xFFFFD800  }
0x47: {  	_ =	sfence.sel $0x180000  }
0x48: {  	[bflag:$0x0] =	sbarrier.arrive $0xFFFF  }
0x49: {  	p0 =	sne.s32 s0, $0x0;
	_ =	strace $0x90000047  }
0x4a: {  	s0 =	sadd.s32 @!p0 $0x100000, s1;
	[bflag:$0x2] =	sbarrier.arrive $0xFFFF  }
0x4b: {  	[sflag:s0] =	ssyncadd.tile.s32 @!p0 $0x1;
	_ =	shalt  }
.Lfunc_end2:
_tile_overlayer_lowered:
.L_overlay_start_2:
0x4c: {  	(tag) =	ssettag $0x2  }
0x4d: {  	s0 =	rddreg [dreg:$0x0];
	s2 =	stileid.u32  }
0x4e: {  	s1 =	rddreg [dreg:$0x1];
	p0 =	sne.s32 s2, $0x0  }
0x4f: {  	s3 =	rddreg [dreg:$0x2];
	[bflag:$0x3] =	sbarrier.arrive $0xFFFF;
	s2 =	simm.s32 @!p0 $0x1C01  }
0x50: {  	[timem:s3], [sflag:s2] =	dma.local @!p0 [hbm:s0], s1  }
0x51: {  	s0 =	simm.s32 @!p0 $0x1  }
0x52: {  	_ =	swait.ge @!p0 [sflag:s0], s1  }
0x53: {  	s1 =	ssub.s32 @!p0 $0x0, s1;
	[sflag:s0] =	ssyncset.done @!p0 $0x0  }
0x54: {  	[sflag:s0] =	ssyncadd.s32 @!p0 s1  }
0x55: {  	[bflag:$0x3] =	sbarrier.arrive $0xFFFF  }
0x56: {  	_ =	shalt  }

</sc_bundles>
